<compile_context>
chip_gen: v7x
topology: tpu7x:2x2x1
jax: 0.10.2.dev20260603
libtpu: 0.0.44.dev20260713+nightly
codegen_flags: <defaults>
</compile_context>

<pallas_src>
import jax
import jax.numpy as jnp
from jax import lax
from jax.experimental import pallas as pl
from jax.experimental.pallas import tpu as pltpu
from jax.experimental.pallas import tpu_sc as plsc

NC = 2
NS = 16
NW = NC * NS
L = 16
C = 128

D = 128
N_FULL = 10000
N_POOL = 5000
NPAD_FULL = 10240
NPAD_POOL = 5120
UP_PAD = NPAD_POOL
DUMMY_ROW = NPAD_FULL
TBL_FULL = NPAD_FULL + L

_MESH = plsc.VectorSubcoreMesh(core_axis_name="c", subcore_axis_name="s")


def _pad_edges(a, ni, fill):
    tot = NW * ni * C
    return jnp.concatenate(
        [a, jnp.full((tot - a.shape[0],), fill, jnp.int32)]).reshape(NW, ni, C)


def _seg_sum_sc(table, src3, dst3, npad, ni):
    rows_per_sub = npad // NS
    zrows = jnp.zeros((rows_per_sub, D), jnp.float32)
    SUP = 8
    nsup = ni // SUP

    def body(table_h, src_h, dst_h, zr_h, agg_o,
             agg_sh, srcb, dstb, rows0, rows1, gs0, gs1, ss0, ss1):
        cid = lax.axis_index("c")
        sid = lax.axis_index("s")
        wid = sid * NC + cid
        base = sid * rows_per_sub
        rows = (rows0, rows1)
        gs = (gs0, gs1)
        ss = (ss0, ss1)

        pltpu.sync_copy(zr_h, agg_sh.at[pl.ds(base, rows_per_sub)])
        plsc.subcore_barrier()

        def sup_body(s, c):
            pltpu.sync_copy(src_h.at[wid, pl.ds(s * SUP, SUP)], srcb)
            pltpu.sync_copy(dst_h.at[wid, pl.ds(s * SUP, SUP)], dstb)
            for k in range(SUP):
                pltpu.async_copy(table_h.at[srcb.at[k]], rows0, gs0).wait()
                pltpu.sync_copy(rows0, agg_sh.at[dstb.at[k]], add=True)
            return c
        lax.fori_loop(0, nsup, sup_body, 0)

        plsc.subcore_barrier()
        row0 = cid * npad + base
        pltpu.sync_copy(agg_sh.at[pl.ds(base, rows_per_sub)],
                        agg_o.at[pl.ds(row0, rows_per_sub)])

    fn = pl.kernel(
        body,
        out_type=jax.ShapeDtypeStruct((NC * npad, D), jnp.float32),
        mesh=_MESH,
        scratch_types=(
            pltpu.VMEM_SHARED((npad, D), jnp.float32),
            pltpu.VMEM((SUP, C), jnp.int32),
            pltpu.VMEM((SUP, C), jnp.int32),
            pltpu.VMEM((C, D), jnp.float32),
            pltpu.VMEM((C, D), jnp.float32),
            pltpu.SemaphoreType.DMA,
            pltpu.SemaphoreType.DMA,
            pltpu.SemaphoreType.DMA,
            pltpu.SemaphoreType.DMA,
        ),
    )
    return fn(table, src3, dst3, zrows)


def _deg_sc(dst3, npad, ni):
    rows_per_sub = npad // NS
    zrows = jnp.zeros((rows_per_sub, D), jnp.float32)
    ones = jnp.ones((C, D), jnp.float32)
    SUP = 8
    nsup = ni // SUP

    def body(dst_h, zr_h, on_h, deg_o, deg_sh, dstb, ones_v, s0, s1):
        cid = lax.axis_index("c")
        sid = lax.axis_index("s")
        wid = sid * NC + cid
        base = sid * rows_per_sub
        pltpu.sync_copy(zr_h, deg_sh.at[pl.ds(base, rows_per_sub)])
        pltpu.sync_copy(on_h, ones_v)
        plsc.subcore_barrier()

        def sup_body(s, c):
            pltpu.sync_copy(dst_h.at[wid, pl.ds(s * SUP, SUP)], dstb)
            for k in range(SUP):
                pltpu.sync_copy(ones_v, deg_sh.at[dstb.at[k]], add=True)
            return c
        lax.fori_loop(0, nsup, sup_body, 0)

        plsc.subcore_barrier()
        row0 = cid * npad + base
        pltpu.sync_copy(deg_sh.at[pl.ds(base, rows_per_sub)],
                        deg_o.at[pl.ds(row0, rows_per_sub)])

    fn = pl.kernel(
        body,
        out_type=jax.ShapeDtypeStruct((NC * npad, D), jnp.float32),
        mesh=_MESH,
        scratch_types=(
            pltpu.VMEM_SHARED((npad, D), jnp.float32),
            pltpu.VMEM((SUP, C), jnp.int32),
            pltpu.VMEM((C, D), jnp.float32),
            pltpu.SemaphoreType.DMA,
            pltpu.SemaphoreType.DMA,
        ),
    )
    return fn(dst3, zrows, ones)


def _unpool_sc(h1, up_pad):
    zrows = jnp.zeros((NPAD_FULL // NS, D), jnp.float32)
    nchunks = UP_PAD // C

    def body(h1_h, up_h, zr_h, out_h, up_v, rows_v, sem):
        cid = lax.axis_index("c")
        sid = lax.axis_index("s")

        @pl.when(cid == 0)
        def _zero():
            pltpu.sync_copy(
                zr_h, out_h.at[pl.ds(sid * (NPAD_FULL // NS), NPAD_FULL // NS)])

        plsc.subcore_barrier()

        def chunk(j, c):
            cix = sid + j * NS

            @pl.when(jnp.logical_and(cid == 0, cix < nchunks))
            def _go():
                e0 = cix * C
                pltpu.sync_copy(up_h.at[pl.ds(e0, C)], up_v)
                pltpu.async_copy(h1_h.at[pl.ds(e0, C)], rows_v, sem).wait()
                pltpu.sync_copy(rows_v, out_h.at[up_v])
            return c
        lax.fori_loop(0, (nchunks + NS - 1) // NS, chunk, 0)

    fn = pl.kernel(
        body,
        out_type=jax.ShapeDtypeStruct((TBL_FULL, D), jnp.float32),
        mesh=_MESH,
        scratch_types=(
            pltpu.VMEM((C,), jnp.int32),
            pltpu.VMEM((C, D), jnp.float32),
            pltpu.SemaphoreType.DMA,
        ),
    )
    return fn(h1, up_pad, zrows)


def _mm_body(x_ref, w_ref, o_ref):
    o_ref[...] = jnp.dot(x_ref[...], w_ref[...],
                         preferred_element_type=jnp.float32)


def _mm(x, w, br):
    n = x.shape[0]
    return pl.pallas_call(
        _mm_body,
        grid=(n // br,),
        in_specs=[pl.BlockSpec((br, D), lambda i: (i, 0)),
                  pl.BlockSpec((D, D), lambda i: (0, 0))],
        out_specs=pl.BlockSpec((br, D), lambda i: (i, 0)),
        out_shape=jax.ShapeDtypeStruct((n, D), jnp.float32),
    )(x, w)


def _finish(aggp, degp, b, w, nvalid, br, out_rows):

    def body(*refs):
        if w is not None:
            agg_ref, deg_ref, b_ref, w_ref, o_ref = refs
        else:
            agg_ref, deg_ref, b_ref, o_ref = refs
        a = agg_ref[0] + agg_ref[1]
        dg = jnp.maximum(deg_ref[0, :, :1] + deg_ref[1, :, :1], 1.0)
        z = jnp.maximum(a / dg + b_ref[...], 0.0)
        if nvalid is not None:
            i = pl.program_id(0)
            row = lax.broadcasted_iota(jnp.int32, (br, D), 0) + i * br
            z = jnp.where(row < nvalid, z, 0.0)
        if w is not None:
            o_ref[...] = jnp.dot(z, w_ref[...],
                                 preferred_element_type=jnp.float32)
        else:
            o_ref[...] = z

    in_specs = [pl.BlockSpec((NC, br, D), lambda i: (0, i, 0)),
                pl.BlockSpec((NC, br, D), lambda i: (0, i, 0)),
                pl.BlockSpec((1, D), lambda i: (0, 0))]
    args = [aggp, degp, b]
    if w is not None:
        in_specs.append(pl.BlockSpec((D, D), lambda i: (0, 0)))
        args.append(w)
    return pl.pallas_call(
        body,
        grid=(out_rows // br,),
        in_specs=in_specs,
        out_specs=pl.BlockSpec((br, D), lambda i: (i, 0)),
        out_shape=jax.ShapeDtypeStruct((out_rows, D), jnp.float32),
    )(*args)


def kernel(x, edge_index, pooled_x, pooled_edge_index, unpool_info,
           W0, b0, W1, b1, W2, b2):
    ni_p, ni_f = 40, 80
    src3_p = _pad_edges(pooled_edge_index[0], ni_p, 0)
    dst3_p = _pad_edges(pooled_edge_index[1], ni_p, NPAD_POOL - 1)
    src3_f = _pad_edges(edge_index[0], ni_f, 0)
    dst3_f = _pad_edges(edge_index[1], ni_f, NPAD_FULL - 1)
    up_pad = jnp.concatenate(
        [unpool_info,
         jnp.full((UP_PAD - N_POOL,), DUMMY_ROW, jnp.int32)])

    deg0 = _deg_sc(dst3_p, NPAD_POOL, ni_p).reshape(NC, NPAD_POOL, D)
    deg1 = _deg_sc(dst3_f, NPAD_FULL, ni_f).reshape(NC, NPAD_FULL, D)

    h0 = _mm(pooled_x, W0, 1000)
    agg0 = _seg_sum_sc(h0, src3_p, dst3_p,
                       NPAD_POOL, ni_p).reshape(NC, NPAD_POOL, D)
    h1 = _finish(agg0, deg0, b0.reshape(1, D), W1, N_POOL, 640, NPAD_POOL)

    h1f = _unpool_sc(h1, up_pad)

    agg1 = _seg_sum_sc(h1f, src3_f, dst3_f,
                       NPAD_FULL, ni_f).reshape(NC, NPAD_FULL, D)
    h2 = _finish(agg1, deg1, b1.reshape(1, D), W2, None, 1280, NPAD_FULL)

    agg2 = _seg_sum_sc(h2, src3_f, dst3_f,
                       NPAD_FULL, ni_f).reshape(NC, NPAD_FULL, D)
    return _finish(agg2, deg1, b2.reshape(1, D), None, None, 1000, N_FULL)

# --- scband reference (transcript-rebuilt; emitter-appended) ---
"""Pipeline reference for scband-decoder-26869315404111 (READ-ONLY COPY).

The authoritative reference and input builder live on the scoring server;
editing this copy changes nothing except your own understanding.
"""

import jax, jax.numpy as jnp
import numpy as np

D = 128
N = 10000
P = 5000
E = 320000
EP = 160000


def gcn_conv(x, edge_index, W, b):
    # transform-then-gather (GCN-style with mean aggregation)
    h = x @ W
    src = edge_index[0]
    dst = edge_index[1]
    msgs = jnp.take(h, src, axis=0)
    n = x.shape[0]
    agg = jax.ops.segment_sum(msgs, dst, num_segments=n)
    deg = jax.ops.segment_sum(jnp.ones((edge_index.shape[1],), x.dtype), dst, num_segments=n)
    deg = jnp.clip(deg, 1.0, None)
    return agg / deg[:, None] + b


def setup_inputs(seed: int = 0) -> dict:
    key = jax.random.key(seed)
    ks = jax.random.split(key, 12)
    x = jax.random.normal(ks[0], (N, D), dtype=jnp.float32)
    pooled_x = jax.random.normal(ks[1], (P, D), dtype=jnp.float32)
    edge_index = jax.random.randint(ks[2], (2, E), 0, N, dtype=jnp.int32)
    pooled_edge_index = jax.random.randint(ks[3], (2, EP), 0, P, dtype=jnp.int32)
    # TopKPool unpool_info: unique, sorted node indices of the kept (pooled) nodes
    unpool_info = jnp.sort(jax.random.permutation(ks[4], N)[:P]).astype(jnp.int32)
    scale = 1.0 / np.sqrt(D)
    W0 = jax.random.normal(ks[5], (D, D), dtype=jnp.float32) * scale
    b0 = jnp.zeros((D,), dtype=jnp.float32)
    W1 = jax.random.normal(ks[6], (D, D), dtype=jnp.float32) * scale
    b1 = jnp.zeros((D,), dtype=jnp.float32)
    W2 = jax.random.normal(ks[7], (D, D), dtype=jnp.float32) * scale
    b2 = jnp.zeros((D,), dtype=jnp.float32)
    return {"x": x, "edge_index": edge_index, "pooled_x": pooled_x,
            "pooled_edge_index": pooled_edge_index, "unpool_info": unpool_info,
            "W0": W0, "b0": b0, "W1": W1, "b1": b1, "W2": W2, "b2": b2}


def reference(x, edge_index, pooled_x, pooled_edge_index, unpool_info,
              W0, b0, W1, b1, W2, b2):
    # conv[0] on the pooled graph
    h = jax.nn.relu(gcn_conv(pooled_x, pooled_edge_index, W0, b0))
    # TopKPool unpool: scatter pooled features back into a zeroed full-size tensor
    xf = jnp.zeros_like(x).at[unpool_info].set(h)
    # remaining convs on the full graph (dropout p=0.0 -> identity)
    xf = jax.nn.relu(gcn_conv(xf, edge_index, W1, b1))
    xf = jax.nn.relu(gcn_conv(xf, edge_index, W2, b2))
    return xf

if __name__ == "__main__":
    import jax
    _d = setup_inputs()
    print(jax.jit(kernel)(*tuple(_d.values())))

</pallas_src>

<mosaic_0001>
#map = affine_map<(d0, d1) -> (0, 0)>
#map1 = affine_map<(d0, d1) -> (0)>
module attributes {stable_mosaic.version = 14 : i64} {
  func.func @body(%arg0: i32, %arg1: i32, %arg2: memref<5120x128xf32, #tpu.memory_space<hbm>>, %arg3: memref<5120xi32, #tpu.memory_space<hbm>>, %arg4: memref<640x128xf32, #tpu.memory_space<hbm>>, %arg5: memref<10256x128xf32, #tpu.memory_space<hbm>>, %arg6: memref<128xi32, #tpu.memory_space<vmem>>, %arg7: memref<128x128xf32, #tpu.memory_space<vmem>>, %arg8: memref<!tpu.dma_semaphore, #tpu.memory_space<semaphore_mem>>) attributes {dimension_semantics = [#tpu.dimension_semantics<core_parallel>, #tpu.dimension_semantics<subcore_parallel>], iteration_bounds = array<i64: 2, 16>, scalar_prefetch = 0 : i64, scratch_operands = 3 : i64, tpu.core_type = #tpu.core_type<sc_vector_subcore>, window_params = [{transform_indices = #map}, {transform_indices = #map1}, {transform_indices = #map}, {transform_indices = #map}]} {
    %eq3A = arith.constant 0 : i32
    %eq3A_0 = arith.cmpi eq, %arg0, %eq3A : i32
    %convert_element_type3A = arith.extui %eq3A_0 : i1 to i32
    %cond3A = arith.constant 0 : i32
    %cond3A_1 = arith.cmpi ne, %convert_element_type3A, %cond3A : i32
    scf.if %cond3A_1 {
      %mul3A = arith.constant 640 : i32
      %mul3A_7 = arith.muli %arg1, %mul3A : i32
      "tpu.region"() ({
        %run_scoped3A = tpu.sem_alloc : memref<!tpu.dma_semaphore, #tpu.memory_space<semaphore_mem>>
        %dma_start3A = arith.constant 0 : i32
        %dma_start3A_8 = tpu.memref_slice %arg5[%mul3A_7, %dma_start3A] : memref<10256x128xf32, #tpu.memory_space<hbm>> -> memref<640x128xf32, #tpu.memory_space<hbm>>
        tpu.enqueue_dma source(%arg4 : memref<640x128xf32, #tpu.memory_space<hbm>>) target(%dma_start3A_8 : memref<640x128xf32, #tpu.memory_space<hbm>>) target_semaphore(%run_scoped3A : memref<!tpu.dma_semaphore, #tpu.memory_space<semaphore_mem>>)
        %dma_wait3A = arith.constant 0 : i32
        %dma_wait3A_9 = tpu.memref_slice %arg5[%mul3A_7, %dma_wait3A] : memref<10256x128xf32, #tpu.memory_space<hbm>> -> memref<640x128xf32, #tpu.memory_space<hbm>>
        tpu.wait_dma2 semaphore(%run_scoped3A : memref<!tpu.dma_semaphore, #tpu.memory_space<semaphore_mem>>) src(%arg4 : memref<640x128xf32, #tpu.memory_space<hbm>>) dst(%dma_wait3A_9 : memref<640x128xf32, #tpu.memory_space<hbm>>)
        tpu.yield
      }) : () -> ()
    } else {
    }
    %barrier3A = arith.constant 0 : index
    tpu.barrier barrier_id(%barrier3A)
    %scan3A = arith.constant 0 : i32
    %scan3A_2 = arith.constant 0 : i32
    %scan3A_3 = arith.constant 3 : i32
    %scan3A_4 = arith.addi %scan3A_2, %scan3A_3 : i32
    %scan3A_5 = arith.constant 1 : i32
    scf.for %scan3A_7 = %scan3A_2 to %scan3A_4 step %scan3A_5  : i32 {
      %mul3A = arith.constant 16 : i32
      %mul3A_8 = arith.muli %scan3A_7, %mul3A : i32
      %add3A = arith.addi %arg1, %mul3A_8 : i32
      %eq3A_9 = arith.constant 0 : i32
      %eq3A_10 = arith.cmpi eq, %arg0, %eq3A_9 : i32
      %lt3A = arith.constant 40 : i32
      %lt3A_11 = arith.cmpi slt, %add3A, %lt3A : i32
      %and3A = arith.andi %eq3A_10, %lt3A_11 : i1
      %convert_element_type3A_12 = arith.extui %and3A : i1 to i32
      %cond3A_13 = arith.constant 0 : i32
      %cond3A_14 = arith.cmpi ne, %convert_element_type3A_12, %cond3A_13 : i32
      scf.if %cond3A_14 {
        %mul3A_15 = arith.constant 128 : i32
        %mul3A_16 = arith.muli %add3A, %mul3A_15 : i32
        "tpu.region"() ({
          %run_scoped3A = tpu.sem_alloc : memref<!tpu.dma_semaphore, #tpu.memory_space<semaphore_mem>>
          %dma_start3A_23 = tpu.memref_slice %arg3[%mul3A_16] : memref<5120xi32, #tpu.memory_space<hbm>> -> memref<128xi32, #tpu.memory_space<hbm>>
          %dma_start3A_24 = tpu.memref_slice %arg3[%mul3A_16] : memref<5120xi32, #tpu.memory_space<hbm>> -> memref<128xi32, #tpu.memory_space<hbm>>
          tpu.enqueue_dma source(%dma_start3A_24 : memref<128xi32, #tpu.memory_space<hbm>>) target(%arg6 : memref<128xi32, #tpu.memory_space<vmem>>) target_semaphore(%run_scoped3A : memref<!tpu.dma_semaphore, #tpu.memory_space<semaphore_mem>>)
          %dma_wait3A_25 = tpu.memref_slice %arg3[%mul3A_16] : memref<5120xi32, #tpu.memory_space<hbm>> -> memref<128xi32, #tpu.memory_space<hbm>>
          %dma_wait3A_26 = tpu.memref_slice %arg3[%mul3A_16] : memref<5120xi32, #tpu.memory_space<hbm>> -> memref<128xi32, #tpu.memory_space<hbm>>
          tpu.wait_dma2 semaphore(%run_scoped3A : memref<!tpu.dma_semaphore, #tpu.memory_space<semaphore_mem>>) src(%dma_wait3A_26 : memref<128xi32, #tpu.memory_space<hbm>>) dst(%arg6 : memref<128xi32, #tpu.memory_space<vmem>>)
          tpu.yield
        }) : () -> ()
        %dma_start3A = arith.constant 0 : i32
        %dma_start3A_17 = tpu.memref_slice %arg2[%mul3A_16, %dma_start3A] : memref<5120x128xf32, #tpu.memory_space<hbm>> -> memref<128x128xf32, #tpu.memory_space<hbm>>
        %dma_start3A_18 = arith.constant 0 : i32
        %dma_start3A_19 = tpu.memref_slice %arg2[%mul3A_16, %dma_start3A_18] : memref<5120x128xf32, #tpu.memory_space<hbm>> -> memref<128x128xf32, #tpu.memory_space<hbm>>
        tpu.enqueue_dma source(%dma_start3A_19 : memref<128x128xf32, #tpu.memory_space<hbm>>) target(%arg7 : memref<128x128xf32, #tpu.memory_space<vmem>>) target_semaphore(%arg8 : memref<!tpu.dma_semaphore, #tpu.memory_space<semaphore_mem>>)
        %dma_wait3A = arith.constant 0 : i32
        %dma_wait3A_20 = tpu.memref_slice %arg2[%mul3A_16, %dma_wait3A] : memref<5120x128xf32, #tpu.memory_space<hbm>> -> memref<128x128xf32, #tpu.memory_space<hbm>>
        %dma_wait3A_21 = arith.constant 0 : i32
        %dma_wait3A_22 = tpu.memref_slice %arg2[%mul3A_16, %dma_wait3A_21] : memref<5120x128xf32, #tpu.memory_space<hbm>> -> memref<128x128xf32, #tpu.memory_space<hbm>>
        tpu.wait_dma2 semaphore(%arg8 : memref<!tpu.dma_semaphore, #tpu.memory_space<semaphore_mem>>) src(%dma_wait3A_22 : memref<128x128xf32, #tpu.memory_space<hbm>>) dst(%arg7 : memref<128x128xf32, #tpu.memory_space<vmem>>)
        "tpu.region"() ({
          %run_scoped3A = tpu.sem_alloc : memref<!tpu.dma_semaphore, #tpu.memory_space<semaphore_mem>>
          %dma_start3A_23 = arith.constant 0 : i32
          %dma_start3A_24 = arith.constant 0 : i32
          %dma_start3A_25 = tpu.memref_slice %arg5[%dma_start3A_23, %dma_start3A_24] : memref<10256x128xf32, #tpu.memory_space<hbm>> -> memref<10256x128xf32, #tpu.memory_space<hbm>>
          tpu.enqueue_indirect_dma source(%arg7 : memref<128x128xf32, #tpu.memory_space<vmem>>) target(%dma_start3A_25 : memref<10256x128xf32, #tpu.memory_space<hbm>>) offsets(%arg6 : memref<128xi32, #tpu.memory_space<vmem>>) semaphore(%run_scoped3A : memref<!tpu.dma_semaphore, #tpu.memory_space<semaphore_mem>>)
          %dma_wait3A_26 = arith.constant 0 : i32
          %dma_wait3A_27 = arith.constant 0 : i32
          %dma_wait3A_28 = tpu.memref_slice %arg5[%dma_wait3A_26, %dma_wait3A_27] : memref<10256x128xf32, #tpu.memory_space<hbm>> -> memref<10256x128xf32, #tpu.memory_space<hbm>>
          tpu.wait_indirect_dma semaphore(%run_scoped3A : memref<!tpu.dma_semaphore, #tpu.memory_space<semaphore_mem>>) src(%arg7 : memref<128x128xf32, #tpu.memory_space<vmem>>) dst(%dma_wait3A_28 : memref<10256x128xf32, #tpu.memory_space<hbm>>)
          tpu.yield
        }) : () -> ()
      } else {
      }
    }
    %scan3A_6 = arith.constant 3 : i32
    return
  }
}

#map = affine_map<(d0, d1) -> (0, 0)>
#map1 = affine_map<(d0, d1) -> (0, 0, 0)>
module attributes {stable_mosaic.version = 14 : i64} {
  func.func @body(%arg0: i32, %arg1: i32, %arg2: memref<5000x128xf32, #tpu.memory_space<hbm>>, %arg3: memref<32x40x128xi32, #tpu.memory_space<hbm>>, %arg4: memref<32x40x128xi32, #tpu.memory_space<hbm>>, %arg5: memref<320x128xf32, #tpu.memory_space<hbm>>, %arg6: memref<10240x128xf32, #tpu.memory_space<hbm>>, %arg7: memref<5120x128xf32, #tpu.memory_space<vmem_shared>>, %arg8: memref<8x128xi32, #tpu.memory_space<vmem>>, %arg9: memref<8x128xi32, #tpu.memory_space<vmem>>, %arg10: memref<128x128xf32, #tpu.memory_space<vmem>>, %arg11: memref<128x128xf32, #tpu.memory_space<vmem>>, %arg12: memref<!tpu.dma_semaphore, #tpu.memory_space<semaphore_mem>>, %arg13: memref<!tpu.dma_semaphore, #tpu.memory_space<semaphore_mem>>, %arg14: memref<!tpu.dma_semaphore, #tpu.memory_space<semaphore_mem>>, %arg15: memref<!tpu.dma_semaphore, #tpu.memory_space<semaphore_mem>>) attributes {dimension_semantics = [#tpu.dimension_semantics<core_parallel>, #tpu.dimension_semantics<subcore_parallel>], iteration_bounds = array<i64: 2, 16>, scalar_prefetch = 0 : i64, scratch_operands = 9 : i64, tpu.core_type = #tpu.core_type<sc_vector_subcore>, window_params = [{transform_indices = #map}, {transform_indices = #map1}, {transform_indices = #map1}, {transform_indices = #map}, {transform_indices = #map}]} {
    %mul3A = arith.constant 2 : i32
    %mul3A_0 = arith.muli %arg1, %mul3A : i32
    %add3A = arith.addi %mul3A_0, %arg0 : i32
    %mul3A_1 = arith.constant 320 : i32
    %mul3A_2 = arith.muli %arg1, %mul3A_1 : i32
    "tpu.region"() ({
      %run_scoped3A = tpu.sem_alloc : memref<!tpu.dma_semaphore, #tpu.memory_space<semaphore_mem>>
      %dma_start3A = arith.constant 0 : i32
      %dma_start3A_12 = tpu.memref_slice %arg7[%mul3A_2, %dma_start3A] : memref<5120x128xf32, #tpu.memory_space<vmem_shared>> -> memref<320x128xf32, #tpu.memory_space<vmem_shared>>
      tpu.enqueue_dma source(%arg5 : memref<320x128xf32, #tpu.memory_space<hbm>>) target(%dma_start3A_12 : memref<320x128xf32, #tpu.memory_space<vmem_shared>>) target_semaphore(%run_scoped3A : memref<!tpu.dma_semaphore, #tpu.memory_space<semaphore_mem>>)
      %dma_wait3A = arith.constant 0 : i32
      %dma_wait3A_13 = tpu.memref_slice %arg7[%mul3A_2, %dma_wait3A] : memref<5120x128xf32, #tpu.memory_space<vmem_shared>> -> memref<320x128xf32, #tpu.memory_space<vmem_shared>>
      tpu.wait_dma2 semaphore(%run_scoped3A : memref<!tpu.dma_semaphore, #tpu.memory_space<semaphore_mem>>) src(%arg5 : memref<320x128xf32, #tpu.memory_space<hbm>>) dst(%dma_wait3A_13 : memref<320x128xf32, #tpu.memory_space<vmem_shared>>)
      tpu.yield
    }) : () -> ()
    %barrier3A = arith.constant 0 : index
    tpu.barrier barrier_id(%barrier3A)
    %scan3A = arith.constant 0 : i32
    %scan3A_3 = arith.constant 0 : i32
    %scan3A_4 = arith.constant 5 : i32
    %scan3A_5 = arith.addi %scan3A_3, %scan3A_4 : i32
    %scan3A_6 = arith.constant 1 : i32
    scf.for %scan3A_12 = %scan3A_3 to %scan3A_5 step %scan3A_6  : i32 {
      %mul3A_13 = arith.constant 8 : i32
      %mul3A_14 = arith.muli %scan3A_12, %mul3A_13 : i32
      "tpu.region"() ({
        %run_scoped3A_134 = tpu.sem_alloc : memref<!tpu.dma_semaphore, #tpu.memory_space<semaphore_mem>>
        %dma_start3A_135 = arith.constant 0 : i32
        %dma_start3A_136 = tpu.memref_slice %arg3[%add3A, %mul3A_14, %dma_start3A_135] : memref<32x40x128xi32, #tpu.memory_space<hbm>> -> memref<1x8x128xi32, #tpu.memory_space<hbm>>
        %dma_start3A_137 = tpu.memref_squeeze %dma_start3A_136 : memref<1x8x128xi32, #tpu.memory_space<hbm>> -> memref<8x128xi32, #tpu.memory_space<hbm>>
        %dma_start3A_138 = arith.constant 0 : i32
        %dma_start3A_139 = tpu.memref_slice %arg3[%add3A, %mul3A_14, %dma_start3A_138] : memref<32x40x128xi32, #tpu.memory_space<hbm>> -> memref<1x8x128xi32, #tpu.memory_space<hbm>>
        %dma_start3A_140 = tpu.memref_squeeze %dma_start3A_139 : memref<1x8x128xi32, #tpu.memory_space<hbm>> -> memref<8x128xi32, #tpu.memory_space<hbm>>
        tpu.enqueue_dma source(%dma_start3A_140 : memref<8x128xi32, #tpu.memory_space<hbm>>) target(%arg8 : memref<8x128xi32, #tpu.memory_space<vmem>>) target_semaphore(%run_scoped3A_134 : memref<!tpu.dma_semaphore, #tpu.memory_space<semaphore_mem>>)
        %dma_wait3A_141 = arith.constant 0 : i32
        %dma_wait3A_142 = tpu.memref_slice %arg3[%add3A, %mul3A_14, %dma_wait3A_141] : memref<32x40x128xi32, #tpu.memory_space<hbm>> -> memref<1x8x128xi32, #tpu.memory_space<hbm>>
        %dma_wait3A_143 = tpu.memref_squeeze %dma_wait3A_142 : memref<1x8x128xi32, #tpu.memory_space<hbm>> -> memref<8x128xi32, #tpu.memory_space<hbm>>
        %dma_wait3A_144 = arith.constant 0 : i32
        %dma_wait3A_145 = tpu.memref_slice %arg3[%add3A, %mul3A_14, %dma_wait3A_144] : memref<32x40x128xi32, #tpu.memory_space<hbm>> -> memref<1x8x128xi32, #tpu.memory_space<hbm>>
        %dma_wait3A_146 = tpu.memref_squeeze %dma_wait3A_145 : memref<1x8x128xi32, #tpu.memory_space<hbm>> -> memref<8x128xi32, #tpu.memory_space<hbm>>
        tpu.wait_dma2 semaphore(%run_scoped3A_134 : memref<!tpu.dma_semaphore, #tpu.memory_space<semaphore_mem>>) src(%dma_wait3A_146 : memref<8x128xi32, #tpu.memory_space<hbm>>) dst(%arg8 : memref<8x128xi32, #tpu.memory_space<vmem>>)
        tpu.yield
      }) : () -> ()
      %mul3A_15 = arith.constant 8 : i32
      %mul3A_16 = arith.muli %scan3A_12, %mul3A_15 : i32
      "tpu.region"() ({
        %run_scoped3A_134 = tpu.sem_alloc : memref<!tpu.dma_semaphore, #tpu.memory_space<semaphore_mem>>
        %dma_start3A_135 = arith.constant 0 : i32
        %dma_start3A_136 = tpu.memref_slice %arg4[%add3A, %mul3A_16, %dma_start3A_135] : memref<32x40x128xi32, #tpu.memory_space<hbm>> -> memref<1x8x128xi32, #tpu.memory_space<hbm>>
        %dma_start3A_137 = tpu.memref_squeeze %dma_start3A_136 : memref<1x8x128xi32, #tpu.memory_space<hbm>> -> memref<8x128xi32, #tpu.memory_space<hbm>>
        %dma_start3A_138 = arith.constant 0 : i32
        %dma_start3A_139 = tpu.memref_slice %arg4[%add3A, %mul3A_16, %dma_start3A_138] : memref<32x40x128xi32, #tpu.memory_space<hbm>> -> memref<1x8x128xi32, #tpu.memory_space<hbm>>
        %dma_start3A_140 = tpu.memref_squeeze %dma_start3A_139 : memref<1x8x128xi32, #tpu.memory_space<hbm>> -> memref<8x128xi32, #tpu.memory_space<hbm>>
        tpu.enqueue_dma source(%dma_start3A_140 : memref<8x128xi32, #tpu.memory_space<hbm>>) target(%arg9 : memref<8x128xi32, #tpu.memory_space<vmem>>) target_semaphore(%run_scoped3A_134 : memref<!tpu.dma_semaphore, #tpu.memory_space<semaphore_mem>>)
        %dma_wait3A_141 = arith.constant 0 : i32
        %dma_wait3A_142 = tpu.memref_slice %arg4[%add3A, %mul3A_16, %dma_wait3A_141] : memref<32x40x128xi32, #tpu.memory_space<hbm>> -> memref<1x8x128xi32, #tpu.memory_space<hbm>>
        %dma_wait3A_143 = tpu.memref_squeeze %dma_wait3A_142 : memref<1x8x128xi32, #tpu.memory_space<hbm>> -> memref<8x128xi32, #tpu.memory_space<hbm>>
        %dma_wait3A_144 = arith.constant 0 : i32
        %dma_wait3A_145 = tpu.memref_slice %arg4[%add3A, %mul3A_16, %dma_wait3A_144] : memref<32x40x128xi32, #tpu.memory_space<hbm>> -> memref<1x8x128xi32, #tpu.memory_space<hbm>>
        %dma_wait3A_146 = tpu.memref_squeeze %dma_wait3A_145 : memref<1x8x128xi32, #tpu.memory_space<hbm>> -> memref<8x128xi32, #tpu.memory_space<hbm>>
        tpu.wait_dma2 semaphore(%run_scoped3A_134 : memref<!tpu.dma_semaphore, #tpu.memory_space<semaphore_mem>>) src(%dma_wait3A_146 : memref<8x128xi32, #tpu.memory_space<hbm>>) dst(%arg9 : memref<8x128xi32, #tpu.memory_space<vmem>>)
        tpu.yield
      }) : () -> ()
      %dma_start3A = arith.constant 0 : i32
      %dma_start3A_17 = arith.constant 0 : i32
      %dma_start3A_18 = tpu.memref_slice %arg8[%dma_start3A, %dma_start3A_17] : memref<8x128xi32, #tpu.memory_space<vmem>> -> memref<1x128xi32, #tpu.memory_space<vmem>>
      %dma_start3A_19 = tpu.memref_squeeze %dma_start3A_18 : memref<1x128xi32, #tpu.memory_space<vmem>> -> memref<128xi32, #tpu.memory_space<vmem>>
      %dma_start3A_20 = arith.constant 0 : i32
      %dma_start3A_21 = arith.constant 0 : i32
      %dma_start3A_22 = tpu.memref_slice %arg2[%dma_start3A_20, %dma_start3A_21] : memref<5000x128xf32, #tpu.memory_space<hbm>> -> memref<5000x128xf32, #tpu.memory_space<hbm>>
      tpu.enqueue_indirect_dma source(%dma_start3A_22 : memref<5000x128xf32, #tpu.memory_space<hbm>>) target(%arg10 : memref<128x128xf32, #tpu.memory_space<vmem>>) offsets(%dma_start3A_19 : memref<128xi32, #tpu.memory_space<vmem>>) semaphore(%arg12 : memref<!tpu.dma_semaphore, #tpu.memory_space<semaphore_mem>>)
      %dma_wait3A = arith.constant 0 : i32
      %dma_wait3A_23 = arith.constant 0 : i32
      %dma_wait3A_24 = tpu.memref_slice %arg8[%dma_wait3A, %dma_wait3A_23] : memref<8x128xi32, #tpu.memory_space<vmem>> -> memref<1x128xi32, #tpu.memory_space<vmem>>
      %dma_wait3A_25 = tpu.memref_squeeze %dma_wait3A_24 : memref<1x128xi32, #tpu.memory_space<vmem>> -> memref<128xi32, #tpu.memory_space<vmem>>
      %dma_wait3A_26 = arith.constant 0 : i32
      %dma_wait3A_27 = arith.constant 0 : i32
      %dma_wait3A_28 = tpu.memref_slice %arg2[%dma_wait3A_26, %dma_wait3A_27] : memref<5000x128xf32, #tpu.memory_space<hbm>> -> memref<5000x128xf32, #tpu.memory_space<hbm>>
      tpu.wait_indirect_dma semaphore(%arg12 : memref<!tpu.dma_semaphore, #tpu.memory_space<semaphore_mem>>) src(%dma_wait3A_28 : memref<5000x128xf32, #tpu.memory_space<hbm>>) dst(%arg10 : memref<128x128xf32, #tpu.memory_space<vmem>>)
      %run_scoped3A = arith.constant 0 : i32
      "tpu.region"() ({
        %run_scoped3A_134 = tpu.sem_alloc : memref<!tpu.dma_semaphore, #tpu.memory_space<semaphore_mem>>
        %dma_start3A_135 = arith.constant 0 : i32
        %dma_start3A_136 = tpu.memref_slice %arg9[%run_scoped3A, %dma_start3A_135] : memref<8x128xi32, #tpu.memory_space<vmem>> -> memref<1x128xi32, #tpu.memory_space<vmem>>
        %dma_start3A_137 = tpu.memref_squeeze %dma_start3A_136 : memref<1x128xi32, #tpu.memory_space<vmem>> -> memref<128xi32, #tpu.memory_space<vmem>>
        %dma_start3A_138 = arith.constant 0 : i32
        %dma_start3A_139 = arith.constant 0 : i32
        %dma_start3A_140 = tpu.memref_slice %arg7[%dma_start3A_138, %dma_start3A_139] : memref<5120x128xf32, #tpu.memory_space<vmem_shared>> -> memref<5120x128xf32, #tpu.memory_space<vmem_shared>>
        tpu.enqueue_indirect_dma source(%arg10 : memref<128x128xf32, #tpu.memory_space<vmem>>) target(%dma_start3A_140 : memref<5120x128xf32, #tpu.memory_space<vmem_shared>>) offsets(%dma_start3A_137 : memref<128xi32, #tpu.memory_space<vmem>>) semaphore(%run_scoped3A_134 : memref<!tpu.dma_semaphore, #tpu.memory_space<semaphore_mem>>) {add = true}
        %dma_wait3A_141 = arith.constant 0 : i32
        %dma_wait3A_142 = tpu.memref_slice %arg9[%run_scoped3A, %dma_wait3A_141] : memref<8x128xi32, #tpu.memory_space<vmem>> -> memref<1x128xi32, #tpu.memory_space<vmem>>
        %dma_wait3A_143 = tpu.memref_squeeze %dma_wait3A_142 : memref<1x128xi32, #tpu.memory_space<vmem>> -> memref<128xi32, #tpu.memory_space<vmem>>
        %dma_wait3A_144 = arith.constant 0 : i32
        %dma_wait3A_145 = arith.constant 0 : i32
        %dma_wait3A_146 = tpu.memref_slice %arg7[%dma_wait3A_144, %dma_wait3A_145] : memref<5120x128xf32, #tpu.memory_space<vmem_shared>> -> memref<5120x128xf32, #tpu.memory_space<vmem_shared>>
        tpu.wait_indirect_dma semaphore(%run_scoped3A_134 : memref<!tpu.dma_semaphore, #tpu.memory_space<semaphore_mem>>) src(%arg10 : memref<128x128xf32, #tpu.memory_space<vmem>>) dst(%dma_wait3A_146 : memref<5120x128xf32, #tpu.memory_space<vmem_shared>>)
        tpu.yield
      }) : () -> ()
      %dma_start3A_29 = arith.constant 1 : i32
      %dma_start3A_30 = arith.constant 0 : i32
      %dma_start3A_31 = tpu.memref_slice %arg8[%dma_start3A_29, %dma_start3A_30] : memref<8x128xi32, #tpu.memory_space<vmem>> -> memref<1x128xi32, #tpu.memory_space<vmem>>
      %dma_start3A_32 = tpu.memref_squeeze %dma_start3A_31 : memref<1x128xi32, #tpu.memory_space<vmem>> -> memref<128xi32, #tpu.memory_space<vmem>>
      %dma_start3A_33 = arith.constant 0 : i32
      %dma_start3A_34 = arith.constant 0 : i32
      %dma_start3A_35 = tpu.memref_slice %arg2[%dma_start3A_33, %dma_start3A_34] : memref<5000x128xf32, #tpu.memory_space<hbm>> -> memref<5000x128xf32, #tpu.memory_space<hbm>>
      tpu.enqueue_indirect_dma source(%dma_start3A_35 : memref<5000x128xf32, #tpu.memory_space<hbm>>) target(%arg10 : memref<128x128xf32, #tpu.memory_space<vmem>>) offsets(%dma_start3A_32 : memref<128xi32, #tpu.memory_space<vmem>>) semaphore(%arg12 : memref<!tpu.dma_semaphore, #tpu.memory_space<semaphore_mem>>)
      %dma_wait3A_36 = arith.constant 1 : i32
      %dma_wait3A_37 = arith.constant 0 : i32
      %dma_wait3A_38 = tpu.memref_slice %arg8[%dma_wait3A_36, %dma_wait3A_37] : memref<8x128xi32, #tpu.memory_space<vmem>> -> memref<1x128xi32, #tpu.memory_space<vmem>>
      %dma_wait3A_39 = tpu.memref_squeeze %dma_wait3A_38 : memref<1x128xi32, #tpu.memory_space<vmem>> -> memref<128xi32, #tpu.memory_space<vmem>>
      %dma_wait3A_40 = arith.constant 0 : i32
      %dma_wait3A_41 = arith.constant 0 : i32
      %dma_wait3A_42 = tpu.memref_slice %arg2[%dma_wait3A_40, %dma_wait3A_41] : memref<5000x128xf32, #tpu.memory_space<hbm>> -> memref<5000x128xf32, #tpu.memory_space<hbm>>
      tpu.wait_indirect_dma semaphore(%arg12 : memref<!tpu.dma_semaphore, #tpu.memory_space<semaphore_mem>>) src(%dma_wait3A_42 : memref<5000x128xf32, #tpu.memory_space<hbm>>) dst(%arg10 : memref<128x128xf32, #tpu.memory_space<vmem>>)
      %run_scoped3A_43 = arith.constant 1 : i32
      "tpu.region"() ({
        %run_scoped3A_134 = tpu.sem_alloc : memref<!tpu.dma_semaphore, #tpu.memory_space<semaphore_mem>>
        %dma_start3A_135 = arith.constant 0 : i32
        %dma_start3A_136 = tpu.memref_slice %arg9[%run_scoped3A_43, %dma_start3A_135] : memref<8x128xi32, #tpu.memory_space<vmem>> -> memref<1x128xi32, #tpu.memory_space<vmem>>
        %dma_start3A_137 = tpu.memref_squeeze %dma_start3A_136 : memref<1x128xi32, #tpu.memory_space<vmem>> -> memref<128xi32, #tpu.memory_space<vmem>>
        %dma_start3A_138 = arith.constant 0 : i32
        %dma_start3A_139 = arith.constant 0 : i32
        %dma_start3A_140 = tpu.memref_slice %arg7[%dma_start3A_138, %dma_start3A_139] : memref<5120x128xf32, #tpu.memory_space<vmem_shared>> -> memref<5120x128xf32, #tpu.memory_space<vmem_shared>>
        tpu.enqueue_indirect_dma source(%arg10 : memref<128x128xf32, #tpu.memory_space<vmem>>) target(%dma_start3A_140 : memref<5120x128xf32, #tpu.memory_space<vmem_shared>>) offsets(%dma_start3A_137 : memref<128xi32, #tpu.memory_space<vmem>>) semaphore(%run_scoped3A_134 : memref<!tpu.dma_semaphore, #tpu.memory_space<semaphore_mem>>) {add = true}
        %dma_wait3A_141 = arith.constant 0 : i32
        %dma_wait3A_142 = tpu.memref_slice %arg9[%run_scoped3A_43, %dma_wait3A_141] : memref<8x128xi32, #tpu.memory_space<vmem>> -> memref<1x128xi32, #tpu.memory_space<vmem>>
        %dma_wait3A_143 = tpu.memref_squeeze %dma_wait3A_142 : memref<1x128xi32, #tpu.memory_space<vmem>> -> memref<128xi32, #tpu.memory_space<vmem>>
        %dma_wait3A_144 = arith.constant 0 : i32
        %dma_wait3A_145 = arith.constant 0 : i32
        %dma_wait3A_146 = tpu.memref_slice %arg7[%dma_wait3A_144, %dma_wait3A_145] : memref<5120x128xf32, #tpu.memory_space<vmem_shared>> -> memref<5120x128xf32, #tpu.memory_space<vmem_shared>>
        tpu.wait_indirect_dma semaphore(%run_scoped3A_134 : memref<!tpu.dma_semaphore, #tpu.memory_space<semaphore_mem>>) src(%arg10 : memref<128x128xf32, #tpu.memory_space<vmem>>) dst(%dma_wait3A_146 : memref<5120x128xf32, #tpu.memory_space<vmem_shared>>)
        tpu.yield
      }) : () -> ()
      %dma_start3A_44 = arith.constant 2 : i32
      %dma_start3A_45 = arith.constant 0 : i32
      %dma_start3A_46 = tpu.memref_slice %arg8[%dma_start3A_44, %dma_start3A_45] : memref<8x128xi32, #tpu.memory_space<vmem>> -> memref<1x128xi32, #tpu.memory_space<vmem>>
      %dma_start3A_47 = tpu.memref_squeeze %dma_start3A_46 : memref<1x128xi32, #tpu.memory_space<vmem>> -> memref<128xi32, #tpu.memory_space<vmem>>
      %dma_start3A_48 = arith.constant 0 : i32
      %dma_start3A_49 = arith.constant 0 : i32
      %dma_start3A_50 = tpu.memref_slice %arg2[%dma_start3A_48, %dma_start3A_49] : memref<5000x128xf32, #tpu.memory_space<hbm>> -> memref<5000x128xf32, #tpu.memory_space<hbm>>
      tpu.enqueue_indirect_dma source(%dma_start3A_50 : memref<5000x128xf32, #tpu.memory_space<hbm>>) target(%arg10 : memref<128x128xf32, #tpu.memory_space<vmem>>) offsets(%dma_start3A_47 : memref<128xi32, #tpu.memory_space<vmem>>) semaphore(%arg12 : memref<!tpu.dma_semaphore, #tpu.memory_space<semaphore_mem>>)
      %dma_wait3A_51 = arith.constant 2 : i32
      %dma_wait3A_52 = arith.constant 0 : i32
      %dma_wait3A_53 = tpu.memref_slice %arg8[%dma_wait3A_51, %dma_wait3A_52] : memref<8x128xi32, #tpu.memory_space<vmem>> -> memref<1x128xi32, #tpu.memory_space<vmem>>
      %dma_wait3A_54 = tpu.memref_squeeze %dma_wait3A_53 : memref<1x128xi32, #tpu.memory_space<vmem>> -> memref<128xi32, #tpu.memory_space<vmem>>
      %dma_wait3A_55 = arith.constant 0 : i32
      %dma_wait3A_56 = arith.constant 0 : i32
      %dma_wait3A_57 = tpu.memref_slice %arg2[%dma_wait3A_55, %dma_wait3A_56] : memref<5000x128xf32, #tpu.memory_space<hbm>> -> memref<5000x128xf32, #tpu.memory_space<hbm>>
      tpu.wait_indirect_dma semaphore(%arg12 : memref<!tpu.dma_semaphore, #tpu.memory_space<semaphore_mem>>) src(%dma_wait3A_57 : memref<5000x128xf32, #tpu.memory_space<hbm>>) dst(%arg10 : memref<128x128xf32, #tpu.memory_space<vmem>>)
      %run_scoped3A_58 = arith.constant 2 : i32
      "tpu.region"() ({
        %run_scoped3A_134 = tpu.sem_alloc : memref<!tpu.dma_semaphore, #tpu.memory_space<semaphore_mem>>
        %dma_start3A_135 = arith.constant 0 : i32
        %dma_start3A_136 = tpu.memref_slice %arg9[%run_scoped3A_58, %dma_start3A_135] : memref<8x128xi32, #tpu.memory_space<vmem>> -> memref<1x128xi32, #tpu.memory_space<vmem>>
        %dma_start3A_137 = tpu.memref_squeeze %dma_start3A_136 : memref<1x128xi32, #tpu.memory_space<vmem>> -> memref<128xi32, #tpu.memory_space<vmem>>
        %dma_start3A_138 = arith.constant 0 : i32
        %dma_start3A_139 = arith.constant 0 : i32
        %dma_start3A_140 = tpu.memref_slice %arg7[%dma_start3A_138, %dma_start3A_139] : memref<5120x128xf32, #tpu.memory_space<vmem_shared>> -> memref<5120x128xf32, #tpu.memory_space<vmem_shared>>
        tpu.enqueue_indirect_dma source(%arg10 : memref<128x128xf32, #tpu.memory_space<vmem>>) target(%dma_start3A_140 : memref<5120x128xf32, #tpu.memory_space<vmem_shared>>) offsets(%dma_start3A_137 : memref<128xi32, #tpu.memory_space<vmem>>) semaphore(%run_scoped3A_134 : memref<!tpu.dma_semaphore, #tpu.memory_space<semaphore_mem>>) {add = true}
        %dma_wait3A_141 = arith.constant 0 : i32
        %dma_wait3A_142 = tpu.memref_slice %arg9[%run_scoped3A_58, %dma_wait3A_141] : memref<8x128xi32, #tpu.memory_space<vmem>> -> memref<1x128xi32, #tpu.memory_space<vmem>>
        %dma_wait3A_143 = tpu.memref_squeeze %dma_wait3A_142 : memref<1x128xi32, #tpu.memory_space<vmem>> -> memref<128xi32, #tpu.memory_space<vmem>>
        %dma_wait3A_144 = arith.constant 0 : i32
        %dma_wait3A_145 = arith.constant 0 : i32
        %dma_wait3A_146 = tpu.memref_slice %arg7[%dma_wait3A_144, %dma_wait3A_145] : memref<5120x128xf32, #tpu.memory_space<vmem_shared>> -> memref<5120x128xf32, #tpu.memory_space<vmem_shared>>
        tpu.wait_indirect_dma semaphore(%run_scoped3A_134 : memref<!tpu.dma_semaphore, #tpu.memory_space<semaphore_mem>>) src(%arg10 : memref<128x128xf32, #tpu.memory_space<vmem>>) dst(%dma_wait3A_146 : memref<5120x128xf32, #tpu.memory_space<vmem_shared>>)
        tpu.yield
      }) : () -> ()
      %dma_start3A_59 = arith.constant 3 : i32
      %dma_start3A_60 = arith.constant 0 : i32
      %dma_start3A_61 = tpu.memref_slice %arg8[%dma_start3A_59, %dma_start3A_60] : memref<8x128xi32, #tpu.memory_space<vmem>> -> memref<1x128xi32, #tpu.memory_space<vmem>>
      %dma_start3A_62 = tpu.memref_squeeze %dma_start3A_61 : memref<1x128xi32, #tpu.memory_space<vmem>> -> memref<128xi32, #tpu.memory_space<vmem>>
      %dma_start3A_63 = arith.constant 0 : i32
      %dma_start3A_64 = arith.constant 0 : i32
      %dma_start3A_65 = tpu.memref_slice %arg2[%dma_start3A_63, %dma_start3A_64] : memref<5000x128xf32, #tpu.memory_space<hbm>> -> memref<5000x128xf32, #tpu.memory_space<hbm>>
      tpu.enqueue_indirect_dma source(%dma_start3A_65 : memref<5000x128xf32, #tpu.memory_space<hbm>>) target(%arg10 : memref<128x128xf32, #tpu.memory_space<vmem>>) offsets(%dma_start3A_62 : memref<128xi32, #tpu.memory_space<vmem>>) semaphore(%arg12 : memref<!tpu.dma_semaphore, #tpu.memory_space<semaphore_mem>>)
      %dma_wait3A_66 = arith.constant 3 : i32
      %dma_wait3A_67 = arith.constant 0 : i32
      %dma_wait3A_68 = tpu.memref_slice %arg8[%dma_wait3A_66, %dma_wait3A_67] : memref<8x128xi32, #tpu.memory_space<vmem>> -> memref<1x128xi32, #tpu.memory_space<vmem>>
      %dma_wait3A_69 = tpu.memref_squeeze %dma_wait3A_68 : memref<1x128xi32, #tpu.memory_space<vmem>> -> memref<128xi32, #tpu.memory_space<vmem>>
      %dma_wait3A_70 = arith.constant 0 : i32
      %dma_wait3A_71 = arith.constant 0 : i32
      %dma_wait3A_72 = tpu.memref_slice %arg2[%dma_wait3A_70, %dma_wait3A_71] : memref<5000x128xf32, #tpu.memory_space<hbm>> -> memref<5000x128xf32, #tpu.memory_space<hbm>>
      tpu.wait_indirect_dma semaphore(%arg12 : memref<!tpu.dma_semaphore, #tpu.memory_space<semaphore_mem>>) src(%dma_wait3A_72 : memref<5000x128xf32, #tpu.memory_space<hbm>>) dst(%arg10 : memref<128x128xf32, #tpu.memory_space<vmem>>)
      %run_scoped3A_73 = arith.constant 3 : i32
      "tpu.region"() ({
        %run_scoped3A_134 = tpu.sem_alloc : memref<!tpu.dma_semaphore, #tpu.memory_space<semaphore_mem>>
        %dma_start3A_135 = arith.constant 0 : i32
        %dma_start3A_136 = tpu.memref_slice %arg9[%run_scoped3A_73, %dma_start3A_135] : memref<8x128xi32, #tpu.memory_space<vmem>> -> memref<1x128xi32, #tpu.memory_space<vmem>>
        %dma_start3A_137 = tpu.memref_squeeze %dma_start3A_136 : memref<1x128xi32, #tpu.memory_space<vmem>> -> memref<128xi32, #tpu.memory_space<vmem>>
        %dma_start3A_138 = arith.constant 0 : i32
        %dma_start3A_139 = arith.constant 0 : i32
        %dma_start3A_140 = tpu.memref_slice %arg7[%dma_start3A_138, %dma_start3A_139] : memref<5120x128xf32, #tpu.memory_space<vmem_shared>> -> memref<5120x128xf32, #tpu.memory_space<vmem_shared>>
        tpu.enqueue_indirect_dma source(%arg10 : memref<128x128xf32, #tpu.memory_space<vmem>>) target(%dma_start3A_140 : memref<5120x128xf32, #tpu.memory_space<vmem_shared>>) offsets(%dma_start3A_137 : memref<128xi32, #tpu.memory_space<vmem>>) semaphore(%run_scoped3A_134 : memref<!tpu.dma_semaphore, #tpu.memory_space<semaphore_mem>>) {add = true}
        %dma_wait3A_141 = arith.constant 0 : i32
        %dma_wait3A_142 = tpu.memref_slice %arg9[%run_scoped3A_73, %dma_wait3A_141] : memref<8x128xi32, #tpu.memory_space<vmem>> -> memref<1x128xi32, #tpu.memory_space<vmem>>
        %dma_wait3A_143 = tpu.memref_squeeze %dma_wait3A_142 : memref<1x128xi32, #tpu.memory_space<vmem>> -> memref<128xi32, #tpu.memory_space<vmem>>
        %dma_wait3A_144 = arith.constant 0 : i32
        %dma_wait3A_145 = arith.constant 0 : i32
        %dma_wait3A_146 = tpu.memref_slice %arg7[%dma_wait3A_144, %dma_wait3A_145] : memref<5120x128xf32, #tpu.memory_space<vmem_shared>> -> memref<5120x128xf32, #tpu.memory_space<vmem_shared>>
        tpu.wait_indirect_dma semaphore(%run_scoped3A_134 : memref<!tpu.dma_semaphore, #tpu.memory_space<semaphore_mem>>) src(%arg10 : memref<128x128xf32, #tpu.memory_space<vmem>>) dst(%dma_wait3A_146 : memref<5120x128xf32, #tpu.memory_space<vmem_shared>>)
        tpu.yield
      }) : () -> ()
      %dma_start3A_74 = arith.constant 4 : i32
      %dma_start3A_75 = arith.constant 0 : i32
      %dma_start3A_76 = tpu.memref_slice %arg8[%dma_start3A_74, %dma_start3A_75] : memref<8x128xi32, #tpu.memory_space<vmem>> -> memref<1x128xi32, #tpu.memory_space<vmem>>
      %dma_start3A_77 = tpu.memref_squeeze %dma_start3A_76 : memref<1x128xi32, #tpu.memory_space<vmem>> -> memref<128xi32, #tpu.memory_space<vmem>>
      %dma_start3A_78 = arith.constant 0 : i32
      %dma_start3A_79 = arith.constant 0 : i32
      %dma_start3A_80 = tpu.memref_slice %arg2[%dma_start3A_78, %dma_start3A_79] : memref<5000x128xf32, #tpu.memory_space<hbm>> -> memref<5000x128xf32, #tpu.memory_space<hbm>>
      tpu.enqueue_indirect_dma source(%dma_start3A_80 : memref<5000x128xf32, #tpu.memory_space<hbm>>) target(%arg10 : memref<128x128xf32, #tpu.memory_space<vmem>>) offsets(%dma_start3A_77 : memref<128xi32, #tpu.memory_space<vmem>>) semaphore(%arg12 : memref<!tpu.dma_semaphore, #tpu.memory_space<semaphore_mem>>)
      %dma_wait3A_81 = arith.constant 4 : i32
      %dma_wait3A_82 = arith.constant 0 : i32
      %dma_wait3A_83 = tpu.memref_slice %arg8[%dma_wait3A_81, %dma_wait3A_82] : memref<8x128xi32, #tpu.memory_space<vmem>> -> memref<1x128xi32, #tpu.memory_space<vmem>>
      %dma_wait3A_84 = tpu.memref_squeeze %dma_wait3A_83 : memref<1x128xi32, #tpu.memory_space<vmem>> -> memref<128xi32, #tpu.memory_space<vmem>>
      %dma_wait3A_85 = arith.constant 0 : i32
      %dma_wait3A_86 = arith.constant 0 : i32
      %dma_wait3A_87 = tpu.memref_slice %arg2[%dma_wait3A_85, %dma_wait3A_86] : memref<5000x128xf32, #tpu.memory_space<hbm>> -> memref<5000x128xf32, #tpu.memory_space<hbm>>
      tpu.wait_indirect_dma semaphore(%arg12 : memref<!tpu.dma_semaphore, #tpu.memory_space<semaphore_mem>>) src(%dma_wait3A_87 : memref<5000x128xf32, #tpu.memory_space<hbm>>) dst(%arg10 : memref<128x128xf32, #tpu.memory_space<vmem>>)
      %run_scoped3A_88 = arith.constant 4 : i32
      "tpu.region"() ({
        %run_scoped3A_134 = tpu.sem_alloc : memref<!tpu.dma_semaphore, #tpu.memory_space<semaphore_mem>>
        %dma_start3A_135 = arith.constant 0 : i32
        %dma_start3A_136 = tpu.memref_slice %arg9[%run_scoped3A_88, %dma_start3A_135] : memref<8x128xi32, #tpu.memory_space<vmem>> -> memref<1x128xi32, #tpu.memory_space<vmem>>
        %dma_start3A_137 = tpu.memref_squeeze %dma_start3A_136 : memref<1x128xi32, #tpu.memory_space<vmem>> -> memref<128xi32, #tpu.memory_space<vmem>>
        %dma_start3A_138 = arith.constant 0 : i32
        %dma_start3A_139 = arith.constant 0 : i32
        %dma_start3A_140 = tpu.memref_slice %arg7[%dma_start3A_138, %dma_start3A_139] : memref<5120x128xf32, #tpu.memory_space<vmem_shared>> -> memref<5120x128xf32, #tpu.memory_space<vmem_shared>>
        tpu.enqueue_indirect_dma source(%arg10 : memref<128x128xf32, #tpu.memory_space<vmem>>) target(%dma_start3A_140 : memref<5120x128xf32, #tpu.memory_space<vmem_shared>>) offsets(%dma_start3A_137 : memref<128xi32, #tpu.memory_space<vmem>>) semaphore(%run_scoped3A_134 : memref<!tpu.dma_semaphore, #tpu.memory_space<semaphore_mem>>) {add = true}
        %dma_wait3A_141 = arith.constant 0 : i32
        %dma_wait3A_142 = tpu.memref_slice %arg9[%run_scoped3A_88, %dma_wait3A_141] : memref<8x128xi32, #tpu.memory_space<vmem>> -> memref<1x128xi32, #tpu.memory_space<vmem>>
        %dma_wait3A_143 = tpu.memref_squeeze %dma_wait3A_142 : memref<1x128xi32, #tpu.memory_space<vmem>> -> memref<128xi32, #tpu.memory_space<vmem>>
        %dma_wait3A_144 = arith.constant 0 : i32
        %dma_wait3A_145 = arith.constant 0 : i32
        %dma_wait3A_146 = tpu.memref_slice %arg7[%dma_wait3A_144, %dma_wait3A_145] : memref<5120x128xf32, #tpu.memory_space<vmem_shared>> -> memref<5120x128xf32, #tpu.memory_space<vmem_shared>>
        tpu.wait_indirect_dma semaphore(%run_scoped3A_134 : memref<!tpu.dma_semaphore, #tpu.memory_space<semaphore_mem>>) src(%arg10 : memref<128x128xf32, #tpu.memory_space<vmem>>) dst(%dma_wait3A_146 : memref<5120x128xf32, #tpu.memory_space<vmem_shared>>)
        tpu.yield
      }) : () -> ()
      %dma_start3A_89 = arith.constant 5 : i32
      %dma_start3A_90 = arith.constant 0 : i32
      %dma_start3A_91 = tpu.memref_slice %arg8[%dma_start3A_89, %dma_start3A_90] : memref<8x128xi32, #tpu.memory_space<vmem>> -> memref<1x128xi32, #tpu.memory_space<vmem>>
      %dma_start3A_92 = tpu.memref_squeeze %dma_start3A_91 : memref<1x128xi32, #tpu.memory_space<vmem>> -> memref<128xi32, #tpu.memory_space<vmem>>
      %dma_start3A_93 = arith.constant 0 : i32
      %dma_start3A_94 = arith.constant 0 : i32
      %dma_start3A_95 = tpu.memref_slice %arg2[%dma_start3A_93, %dma_start3A_94] : memref<5000x128xf32, #tpu.memory_space<hbm>> -> memref<5000x128xf32, #tpu.memory_space<hbm>>
      tpu.enqueue_indirect_dma source(%dma_start3A_95 : memref<5000x128xf32, #tpu.memory_space<hbm>>) target(%arg10 : memref<128x128xf32, #tpu.memory_space<vmem>>) offsets(%dma_start3A_92 : memref<128xi32, #tpu.memory_space<vmem>>) semaphore(%arg12 : memref<!tpu.dma_semaphore, #tpu.memory_space<semaphore_mem>>)
      %dma_wait3A_96 = arith.constant 5 : i32
      %dma_wait3A_97 = arith.constant 0 : i32
      %dma_wait3A_98 = tpu.memref_slice %arg8[%dma_wait3A_96, %dma_wait3A_97] : memref<8x128xi32, #tpu.memory_space<vmem>> -> memref<1x128xi32, #tpu.memory_space<vmem>>
      %dma_wait3A_99 = tpu.memref_squeeze %dma_wait3A_98 : memref<1x128xi32, #tpu.memory_space<vmem>> -> memref<128xi32, #tpu.memory_space<vmem>>
      %dma_wait3A_100 = arith.constant 0 : i32
      %dma_wait3A_101 = arith.constant 0 : i32
      %dma_wait3A_102 = tpu.memref_slice %arg2[%dma_wait3A_100, %dma_wait3A_101] : memref<5000x128xf32, #tpu.memory_space<hbm>> -> memref<5000x128xf32, #tpu.memory_space<hbm>>
      tpu.wait_indirect_dma semaphore(%arg12 : memref<!tpu.dma_semaphore, #tpu.memory_space<semaphore_mem>>) src(%dma_wait3A_102 : memref<5000x128xf32, #tpu.memory_space<hbm>>) dst(%arg10 : memref<128x128xf32, #tpu.memory_space<vmem>>)
      %run_scoped3A_103 = arith.constant 5 : i32
      "tpu.region"() ({
        %run_scoped3A_134 = tpu.sem_alloc : memref<!tpu.dma_semaphore, #tpu.memory_space<semaphore_mem>>
        %dma_start3A_135 = arith.constant 0 : i32
        %dma_start3A_136 = tpu.memref_slice %arg9[%run_scoped3A_103, %dma_start3A_135] : memref<8x128xi32, #tpu.memory_space<vmem>> -> memref<1x128xi32, #tpu.memory_space<vmem>>
        %dma_start3A_137 = tpu.memref_squeeze %dma_start3A_136 : memref<1x128xi32, #tpu.memory_space<vmem>> -> memref<128xi32, #tpu.memory_space<vmem>>
        %dma_start3A_138 = arith.constant 0 : i32
        %dma_start3A_139 = arith.constant 0 : i32
        %dma_start3A_140 = tpu.memref_slice %arg7[%dma_start3A_138, %dma_start3A_139] : memref<5120x128xf32, #tpu.memory_space<vmem_shared>> -> memref<5120x128xf32, #tpu.memory_space<vmem_shared>>
        tpu.enqueue_indirect_dma source(%arg10 : memref<128x128xf32, #tpu.memory_space<vmem>>) target(%dma_start3A_140 : memref<5120x128xf32, #tpu.memory_space<vmem_shared>>) offsets(%dma_start3A_137 : memref<128xi32, #tpu.memory_space<vmem>>) semaphore(%run_scoped3A_134 : memref<!tpu.dma_semaphore, #tpu.memory_space<semaphore_mem>>) {add = true}
        %dma_wait3A_141 = arith.constant 0 : i32
        %dma_wait3A_142 = tpu.memref_slice %arg9[%run_scoped3A_103, %dma_wait3A_141] : memref<8x128xi32, #tpu.memory_space<vmem>> -> memref<1x128xi32, #tpu.memory_space<vmem>>
        %dma_wait3A_143 = tpu.memref_squeeze %dma_wait3A_142 : memref<1x128xi32, #tpu.memory_space<vmem>> -> memref<128xi32, #tpu.memory_space<vmem>>
        %dma_wait3A_144 = arith.constant 0 : i32
        %dma_wait3A_145 = arith.constant 0 : i32
        %dma_wait3A_146 = tpu.memref_slice %arg7[%dma_wait3A_144, %dma_wait3A_145] : memref<5120x128xf32, #tpu.memory_space<vmem_shared>> -> memref<5120x128xf32, #tpu.memory_space<vmem_shared>>
        tpu.wait_indirect_dma semaphore(%run_scoped3A_134 : memref<!tpu.dma_semaphore, #tpu.memory_space<semaphore_mem>>) src(%arg10 : memref<128x128xf32, #tpu.memory_space<vmem>>) dst(%dma_wait3A_146 : memref<5120x128xf32, #tpu.memory_space<vmem_shared>>)
        tpu.yield
      }) : () -> ()
      %dma_start3A_104 = arith.constant 6 : i32
      %dma_start3A_105 = arith.constant 0 : i32
      %dma_start3A_106 = tpu.memref_slice %arg8[%dma_start3A_104, %dma_start3A_105] : memref<8x128xi32, #tpu.memory_space<vmem>> -> memref<1x128xi32, #tpu.memory_space<vmem>>
      %dma_start3A_107 = tpu.memref_squeeze %dma_start3A_106 : memref<1x128xi32, #tpu.memory_space<vmem>> -> memref<128xi32, #tpu.memory_space<vmem>>
      %dma_start3A_108 = arith.constant 0 : i32
      %dma_start3A_109 = arith.constant 0 : i32
      %dma_start3A_110 = tpu.memref_slice %arg2[%dma_start3A_108, %dma_start3A_109] : memref<5000x128xf32, #tpu.memory_space<hbm>> -> memref<5000x128xf32, #tpu.memory_space<hbm>>
      tpu.enqueue_indirect_dma source(%dma_start3A_110 : memref<5000x128xf32, #tpu.memory_space<hbm>>) target(%arg10 : memref<128x128xf32, #tpu.memory_space<vmem>>) offsets(%dma_start3A_107 : memref<128xi32, #tpu.memory_space<vmem>>) semaphore(%arg12 : memref<!tpu.dma_semaphore, #tpu.memory_space<semaphore_mem>>)
      %dma_wait3A_111 = arith.constant 6 : i32
      %dma_wait3A_112 = arith.constant 0 : i32
      %dma_wait3A_113 = tpu.memref_slice %arg8[%dma_wait3A_111, %dma_wait3A_112] : memref<8x128xi32, #tpu.memory_space<vmem>> -> memref<1x128xi32, #tpu.memory_space<vmem>>
      %dma_wait3A_114 = tpu.memref_squeeze %dma_wait3A_113 : memref<1x128xi32, #tpu.memory_space<vmem>> -> memref<128xi32, #tpu.memory_space<vmem>>
      %dma_wait3A_115 = arith.constant 0 : i32
      %dma_wait3A_116 = arith.constant 0 : i32
      %dma_wait3A_117 = tpu.memref_slice %arg2[%dma_wait3A_115, %dma_wait3A_116] : memref<5000x128xf32, #tpu.memory_space<hbm>> -> memref<5000x128xf32, #tpu.memory_space<hbm>>
      tpu.wait_indirect_dma semaphore(%arg12 : memref<!tpu.dma_semaphore, #tpu.memory_space<semaphore_mem>>) src(%dma_wait3A_117 : memref<5000x128xf32, #tpu.memory_space<hbm>>) dst(%arg10 : memref<128x128xf32, #tpu.memory_space<vmem>>)
      %run_scoped3A_118 = arith.constant 6 : i32
      "tpu.region"() ({
        %run_scoped3A_134 = tpu.sem_alloc : memref<!tpu.dma_semaphore, #tpu.memory_space<semaphore_mem>>
        %dma_start3A_135 = arith.constant 0 : i32
        %dma_start3A_136 = tpu.memref_slice %arg9[%run_scoped3A_118, %dma_start3A_135] : memref<8x128xi32, #tpu.memory_space<vmem>> -> memref<1x128xi32, #tpu.memory_space<vmem>>
        %dma_start3A_137 = tpu.memref_squeeze %dma_start3A_136 : memref<1x128xi32, #tpu.memory_space<vmem>> -> memref<128xi32, #tpu.memory_space<vmem>>
        %dma_start3A_138 = arith.constant 0 : i32
        %dma_start3A_139 = arith.constant 0 : i32
        %dma_start3A_140 = tpu.memref_slice %arg7[%dma_start3A_138, %dma_start3A_139] : memref<5120x128xf32, #tpu.memory_space<vmem_shared>> -> memref<5120x128xf32, #tpu.memory_space<vmem_shared>>
        tpu.enqueue_indirect_dma source(%arg10 : memref<128x128xf32, #tpu.memory_space<vmem>>) target(%dma_start3A_140 : memref<5120x128xf32, #tpu.memory_space<vmem_shared>>) offsets(%dma_start3A_137 : memref<128xi32, #tpu.memory_space<vmem>>) semaphore(%run_scoped3A_134 : memref<!tpu.dma_semaphore, #tpu.memory_space<semaphore_mem>>) {add = true}
        %dma_wait3A_141 = arith.constant 0 : i32
        %dma_wait3A_142 = tpu.memref_slice %arg9[%run_scoped3A_118, %dma_wait3A_141] : memref<8x128xi32, #tpu.memory_space<vmem>> -> memref<1x128xi32, #tpu.memory_space<vmem>>
        %dma_wait3A_143 = tpu.memref_squeeze %dma_wait3A_142 : memref<1x128xi32, #tpu.memory_space<vmem>> -> memref<128xi32, #tpu.memory_space<vmem>>
        %dma_wait3A_144 = arith.constant 0 : i32
        %dma_wait3A_145 = arith.constant 0 : i32
        %dma_wait3A_146 = tpu.memref_slice %arg7[%dma_wait3A_144, %dma_wait3A_145] : memref<5120x128xf32, #tpu.memory_space<vmem_shared>> -> memref<5120x128xf32, #tpu.memory_space<vmem_shared>>
        tpu.wait_indirect_dma semaphore(%run_scoped3A_134 : memref<!tpu.dma_semaphore, #tpu.memory_space<semaphore_mem>>) src(%arg10 : memref<128x128xf32, #tpu.memory_space<vmem>>) dst(%dma_wait3A_146 : memref<5120x128xf32, #tpu.memory_space<vmem_shared>>)
        tpu.yield
      }) : () -> ()
      %dma_start3A_119 = arith.constant 7 : i32
      %dma_start3A_120 = arith.constant 0 : i32
      %dma_start3A_121 = tpu.memref_slice %arg8[%dma_start3A_119, %dma_start3A_120] : memref<8x128xi32, #tpu.memory_space<vmem>> -> memref<1x128xi32, #tpu.memory_space<vmem>>
      %dma_start3A_122 = tpu.memref_squeeze %dma_start3A_121 : memref<1x128xi32, #tpu.memory_space<vmem>> -> memref<128xi32, #tpu.memory_space<vmem>>
      %dma_start3A_123 = arith.constant 0 : i32
      %dma_start3A_124 = arith.constant 0 : i32
      %dma_start3A_125 = tpu.memref_slice %arg2[%dma_start3A_123, %dma_start3A_124] : memref<5000x128xf32, #tpu.memory_space<hbm>> -> memref<5000x128xf32, #tpu.memory_space<hbm>>
      tpu.enqueue_indirect_dma source(%dma_start3A_125 : memref<5000x128xf32, #tpu.memory_space<hbm>>) target(%arg10 : memref<128x128xf32, #tpu.memory_space<vmem>>) offsets(%dma_start3A_122 : memref<128xi32, #tpu.memory_space<vmem>>) semaphore(%arg12 : memref<!tpu.dma_semaphore, #tpu.memory_space<semaphore_mem>>)
      %dma_wait3A_126 = arith.constant 7 : i32
      %dma_wait3A_127 = arith.constant 0 : i32
      %dma_wait3A_128 = tpu.memref_slice %arg8[%dma_wait3A_126, %dma_wait3A_127] : memref<8x128xi32, #tpu.memory_space<vmem>> -> memref<1x128xi32, #tpu.memory_space<vmem>>
      %dma_wait3A_129 = tpu.memref_squeeze %dma_wait3A_128 : memref<1x128xi32, #tpu.memory_space<vmem>> -> memref<128xi32, #tpu.memory_space<vmem>>
      %dma_wait3A_130 = arith.constant 0 : i32
      %dma_wait3A_131 = arith.constant 0 : i32
      %dma_wait3A_132 = tpu.memref_slice %arg2[%dma_wait3A_130, %dma_wait3A_131] : memref<5000x128xf32, #tpu.memory_space<hbm>> -> memref<5000x128xf32, #tpu.memory_space<hbm>>
      tpu.wait_indirect_dma semaphore(%arg12 : memref<!tpu.dma_semaphore, #tpu.memory_space<semaphore_mem>>) src(%dma_wait3A_132 : memref<5000x128xf32, #tpu.memory_space<hbm>>) dst(%arg10 : memref<128x128xf32, #tpu.memory_space<vmem>>)
      %run_scoped3A_133 = arith.constant 7 : i32
      "tpu.region"() ({
        %run_scoped3A_134 = tpu.sem_alloc : memref<!tpu.dma_semaphore, #tpu.memory_space<semaphore_mem>>
        %dma_start3A_135 = arith.constant 0 : i32
        %dma_start3A_136 = tpu.memref_slice %arg9[%run_scoped3A_133, %dma_start3A_135] : memref<8x128xi32, #tpu.memory_space<vmem>> -> memref<1x128xi32, #tpu.memory_space<vmem>>
        %dma_start3A_137 = tpu.memref_squeeze %dma_start3A_136 : memref<1x128xi32, #tpu.memory_space<vmem>> -> memref<128xi32, #tpu.memory_space<vmem>>
        %dma_start3A_138 = arith.constant 0 : i32
        %dma_start3A_139 = arith.constant 0 : i32
        %dma_start3A_140 = tpu.memref_slice %arg7[%dma_start3A_138, %dma_start3A_139] : memref<5120x128xf32, #tpu.memory_space<vmem_shared>> -> memref<5120x128xf32, #tpu.memory_space<vmem_shared>>
        tpu.enqueue_indirect_dma source(%arg10 : memref<128x128xf32, #tpu.memory_space<vmem>>) target(%dma_start3A_140 : memref<5120x128xf32, #tpu.memory_space<vmem_shared>>) offsets(%dma_start3A_137 : memref<128xi32, #tpu.memory_space<vmem>>) semaphore(%run_scoped3A_134 : memref<!tpu.dma_semaphore, #tpu.memory_space<semaphore_mem>>) {add = true}
        %dma_wait3A_141 = arith.constant 0 : i32
        %dma_wait3A_142 = tpu.memref_slice %arg9[%run_scoped3A_133, %dma_wait3A_141] : memref<8x128xi32, #tpu.memory_space<vmem>> -> memref<1x128xi32, #tpu.memory_space<vmem>>
        %dma_wait3A_143 = tpu.memref_squeeze %dma_wait3A_142 : memref<1x128xi32, #tpu.memory_space<vmem>> -> memref<128xi32, #tpu.memory_space<vmem>>
        %dma_wait3A_144 = arith.constant 0 : i32
        %dma_wait3A_145 = arith.constant 0 : i32
        %dma_wait3A_146 = tpu.memref_slice %arg7[%dma_wait3A_144, %dma_wait3A_145] : memref<5120x128xf32, #tpu.memory_space<vmem_shared>> -> memref<5120x128xf32, #tpu.memory_space<vmem_shared>>
        tpu.wait_indirect_dma semaphore(%run_scoped3A_134 : memref<!tpu.dma_semaphore, #tpu.memory_space<semaphore_mem>>) src(%arg10 : memref<128x128xf32, #tpu.memory_space<vmem>>) dst(%dma_wait3A_146 : memref<5120x128xf32, #tpu.memory_space<vmem_shared>>)
        tpu.yield
      }) : () -> ()
    }
    %scan3A_7 = arith.constant 5 : i32
    %barrier3A_8 = arith.constant 0 : index
    tpu.barrier barrier_id(%barrier3A_8)
    %mul3A_9 = arith.constant 5120 : i32
    %mul3A_10 = arith.muli %arg0, %mul3A_9 : i32
    %add3A_11 = arith.addi %mul3A_10, %mul3A_2 : i32
    "tpu.region"() ({
      %run_scoped3A = tpu.sem_alloc : memref<!tpu.dma_semaphore, #tpu.memory_space<semaphore_mem>>
      %dma_start3A = arith.constant 0 : i32
      %dma_start3A_12 = tpu.memref_slice %arg6[%add3A_11, %dma_start3A] : memref<10240x128xf32, #tpu.memory_space<hbm>> -> memref<320x128xf32, #tpu.memory_space<hbm>>
      %dma_start3A_13 = arith.constant 0 : i32
      %dma_start3A_14 = tpu.memref_slice %arg7[%mul3A_2, %dma_start3A_13] : memref<5120x128xf32, #tpu.memory_space<vmem_shared>> -> memref<320x128xf32, #tpu.memory_space<vmem_shared>>
      tpu.enqueue_dma source(%dma_start3A_14 : memref<320x128xf32, #tpu.memory_space<vmem_shared>>) target(%dma_start3A_12 : memref<320x128xf32, #tpu.memory_space<hbm>>) target_semaphore(%run_scoped3A : memref<!tpu.dma_semaphore, #tpu.memory_space<semaphore_mem>>)
      %dma_wait3A = arith.constant 0 : i32
      %dma_wait3A_15 = tpu.memref_slice %arg6[%add3A_11, %dma_wait3A] : memref<10240x128xf32, #tpu.memory_space<hbm>> -> memref<320x128xf32, #tpu.memory_space<hbm>>
      %dma_wait3A_16 = arith.constant 0 : i32
      %dma_wait3A_17 = tpu.memref_slice %arg7[%mul3A_2, %dma_wait3A_16] : memref<5120x128xf32, #tpu.memory_space<vmem_shared>> -> memref<320x128xf32, #tpu.memory_space<vmem_shared>>
      tpu.wait_dma2 semaphore(%run_scoped3A : memref<!tpu.dma_semaphore, #tpu.memory_space<semaphore_mem>>) src(%dma_wait3A_17 : memref<320x128xf32, #tpu.memory_space<vmem_shared>>) dst(%dma_wait3A_15 : memref<320x128xf32, #tpu.memory_space<hbm>>)
      tpu.yield
    }) : () -> ()
    return
  }
}

#map = affine_map<(d0, d1) -> (0, 0, 0)>
#map1 = affine_map<(d0, d1) -> (0, 0)>
module attributes {stable_mosaic.version = 14 : i64} {
  func.func @body(%arg0: i32, %arg1: i32, %arg2: memref<32x40x128xi32, #tpu.memory_space<hbm>>, %arg3: memref<320x128xf32, #tpu.memory_space<hbm>>, %arg4: memref<128x128xf32, #tpu.memory_space<hbm>>, %arg5: memref<10240x128xf32, #tpu.memory_space<hbm>>, %arg6: memref<5120x128xf32, #tpu.memory_space<vmem_shared>>, %arg7: memref<8x128xi32, #tpu.memory_space<vmem>>, %arg8: memref<128x128xf32, #tpu.memory_space<vmem>>, %arg9: memref<!tpu.dma_semaphore, #tpu.memory_space<semaphore_mem>>, %arg10: memref<!tpu.dma_semaphore, #tpu.memory_space<semaphore_mem>>) attributes {dimension_semantics = [#tpu.dimension_semantics<core_parallel>, #tpu.dimension_semantics<subcore_parallel>], iteration_bounds = array<i64: 2, 16>, scalar_prefetch = 0 : i64, scratch_operands = 5 : i64, tpu.core_type = #tpu.core_type<sc_vector_subcore>, window_params = [{transform_indices = #map}, {transform_indices = #map1}, {transform_indices = #map1}, {transform_indices = #map1}]} {
    %mul3A = arith.constant 2 : i32
    %mul3A_0 = arith.muli %arg1, %mul3A : i32
    %add3A = arith.addi %mul3A_0, %arg0 : i32
    %mul3A_1 = arith.constant 320 : i32
    %mul3A_2 = arith.muli %arg1, %mul3A_1 : i32
    "tpu.region"() ({
      %run_scoped3A = tpu.sem_alloc : memref<!tpu.dma_semaphore, #tpu.memory_space<semaphore_mem>>
      %dma_start3A = arith.constant 0 : i32
      %dma_start3A_12 = tpu.memref_slice %arg6[%mul3A_2, %dma_start3A] : memref<5120x128xf32, #tpu.memory_space<vmem_shared>> -> memref<320x128xf32, #tpu.memory_space<vmem_shared>>
      tpu.enqueue_dma source(%arg3 : memref<320x128xf32, #tpu.memory_space<hbm>>) target(%dma_start3A_12 : memref<320x128xf32, #tpu.memory_space<vmem_shared>>) target_semaphore(%run_scoped3A : memref<!tpu.dma_semaphore, #tpu.memory_space<semaphore_mem>>)
      %dma_wait3A = arith.constant 0 : i32
      %dma_wait3A_13 = tpu.memref_slice %arg6[%mul3A_2, %dma_wait3A] : memref<5120x128xf32, #tpu.memory_space<vmem_shared>> -> memref<320x128xf32, #tpu.memory_space<vmem_shared>>
      tpu.wait_dma2 semaphore(%run_scoped3A : memref<!tpu.dma_semaphore, #tpu.memory_space<semaphore_mem>>) src(%arg3 : memref<320x128xf32, #tpu.memory_space<hbm>>) dst(%dma_wait3A_13 : memref<320x128xf32, #tpu.memory_space<vmem_shared>>)
      tpu.yield
    }) : () -> ()
    "tpu.region"() ({
      %run_scoped3A = tpu.sem_alloc : memref<!tpu.dma_semaphore, #tpu.memory_space<semaphore_mem>>
      tpu.enqueue_dma source(%arg4 : memref<128x128xf32, #tpu.memory_space<hbm>>) target(%arg8 : memref<128x128xf32, #tpu.memory_space<vmem>>) target_semaphore(%run_scoped3A : memref<!tpu.dma_semaphore, #tpu.memory_space<semaphore_mem>>)
      tpu.wait_dma2 semaphore(%run_scoped3A : memref<!tpu.dma_semaphore, #tpu.memory_space<semaphore_mem>>) src(%arg4 : memref<128x128xf32, #tpu.memory_space<hbm>>) dst(%arg8 : memref<128x128xf32, #tpu.memory_space<vmem>>)
      tpu.yield
    }) : () -> ()
    %barrier3A = arith.constant 0 : index
    tpu.barrier barrier_id(%barrier3A)
    %scan3A = arith.constant 0 : i32
    %scan3A_3 = arith.constant 0 : i32
    %scan3A_4 = arith.constant 5 : i32
    %scan3A_5 = arith.addi %scan3A_3, %scan3A_4 : i32
    %scan3A_6 = arith.constant 1 : i32
    scf.for %scan3A_12 = %scan3A_3 to %scan3A_5 step %scan3A_6  : i32 {
      %mul3A_13 = arith.constant 8 : i32
      %mul3A_14 = arith.muli %scan3A_12, %mul3A_13 : i32
      "tpu.region"() ({
        %run_scoped3A_22 = tpu.sem_alloc : memref<!tpu.dma_semaphore, #tpu.memory_space<semaphore_mem>>
        %dma_start3A = arith.constant 0 : i32
        %dma_start3A_23 = tpu.memref_slice %arg2[%add3A, %mul3A_14, %dma_start3A] : memref<32x40x128xi32, #tpu.memory_space<hbm>> -> memref<1x8x128xi32, #tpu.memory_space<hbm>>
        %dma_start3A_24 = tpu.memref_squeeze %dma_start3A_23 : memref<1x8x128xi32, #tpu.memory_space<hbm>> -> memref<8x128xi32, #tpu.memory_space<hbm>>
        %dma_start3A_25 = arith.constant 0 : i32
        %dma_start3A_26 = tpu.memref_slice %arg2[%add3A, %mul3A_14, %dma_start3A_25] : memref<32x40x128xi32, #tpu.memory_space<hbm>> -> memref<1x8x128xi32, #tpu.memory_space<hbm>>
        %dma_start3A_27 = tpu.memref_squeeze %dma_start3A_26 : memref<1x8x128xi32, #tpu.memory_space<hbm>> -> memref<8x128xi32, #tpu.memory_space<hbm>>
        tpu.enqueue_dma source(%dma_start3A_27 : memref<8x128xi32, #tpu.memory_space<hbm>>) target(%arg7 : memref<8x128xi32, #tpu.memory_space<vmem>>) target_semaphore(%run_scoped3A_22 : memref<!tpu.dma_semaphore, #tpu.memory_space<semaphore_mem>>)
        %dma_wait3A = arith.constant 0 : i32
        %dma_wait3A_28 = tpu.memref_slice %arg2[%add3A, %mul3A_14, %dma_wait3A] : memref<32x40x128xi32, #tpu.memory_space<hbm>> -> memref<1x8x128xi32, #tpu.memory_space<hbm>>
        %dma_wait3A_29 = tpu.memref_squeeze %dma_wait3A_28 : memref<1x8x128xi32, #tpu.memory_space<hbm>> -> memref<8x128xi32, #tpu.memory_space<hbm>>
        %dma_wait3A_30 = arith.constant 0 : i32
        %dma_wait3A_31 = tpu.memref_slice %arg2[%add3A, %mul3A_14, %dma_wait3A_30] : memref<32x40x128xi32, #tpu.memory_space<hbm>> -> memref<1x8x128xi32, #tpu.memory_space<hbm>>
        %dma_wait3A_32 = tpu.memref_squeeze %dma_wait3A_31 : memref<1x8x128xi32, #tpu.memory_space<hbm>> -> memref<8x128xi32, #tpu.memory_space<hbm>>
        tpu.wait_dma2 semaphore(%run_scoped3A_22 : memref<!tpu.dma_semaphore, #tpu.memory_space<semaphore_mem>>) src(%dma_wait3A_32 : memref<8x128xi32, #tpu.memory_space<hbm>>) dst(%arg7 : memref<8x128xi32, #tpu.memory_space<vmem>>)
        tpu.yield
      }) : () -> ()
      %run_scoped3A = arith.constant 0 : i32
      "tpu.region"() ({
        %run_scoped3A_22 = tpu.sem_alloc : memref<!tpu.dma_semaphore, #tpu.memory_space<semaphore_mem>>
        %dma_start3A = arith.constant 0 : i32
        %dma_start3A_23 = tpu.memref_slice %arg7[%run_scoped3A, %dma_start3A] : memref<8x128xi32, #tpu.memory_space<vmem>> -> memref<1x128xi32, #tpu.memory_space<vmem>>
        %dma_start3A_24 = tpu.memref_squeeze %dma_start3A_23 : memref<1x128xi32, #tpu.memory_space<vmem>> -> memref<128xi32, #tpu.memory_space<vmem>>
        %dma_start3A_25 = arith.constant 0 : i32
        %dma_start3A_26 = arith.constant 0 : i32
        %dma_start3A_27 = tpu.memref_slice %arg6[%dma_start3A_25, %dma_start3A_26] : memref<5120x128xf32, #tpu.memory_space<vmem_shared>> -> memref<5120x128xf32, #tpu.memory_space<vmem_shared>>
        tpu.enqueue_indirect_dma source(%arg8 : memref<128x128xf32, #tpu.memory_space<vmem>>) target(%dma_start3A_27 : memref<5120x128xf32, #tpu.memory_space<vmem_shared>>) offsets(%dma_start3A_24 : memref<128xi32, #tpu.memory_space<vmem>>) semaphore(%run_scoped3A_22 : memref<!tpu.dma_semaphore, #tpu.memory_space<semaphore_mem>>) {add = true}
        %dma_wait3A = arith.constant 0 : i32
        %dma_wait3A_28 = tpu.memref_slice %arg7[%run_scoped3A, %dma_wait3A] : memref<8x128xi32, #tpu.memory_space<vmem>> -> memref<1x128xi32, #tpu.memory_space<vmem>>
        %dma_wait3A_29 = tpu.memref_squeeze %dma_wait3A_28 : memref<1x128xi32, #tpu.memory_space<vmem>> -> memref<128xi32, #tpu.memory_space<vmem>>
        %dma_wait3A_30 = arith.constant 0 : i32
        %dma_wait3A_31 = arith.constant 0 : i32
        %dma_wait3A_32 = tpu.memref_slice %arg6[%dma_wait3A_30, %dma_wait3A_31] : memref<5120x128xf32, #tpu.memory_space<vmem_shared>> -> memref<5120x128xf32, #tpu.memory_space<vmem_shared>>
        tpu.wait_indirect_dma semaphore(%run_scoped3A_22 : memref<!tpu.dma_semaphore, #tpu.memory_space<semaphore_mem>>) src(%arg8 : memref<128x128xf32, #tpu.memory_space<vmem>>) dst(%dma_wait3A_32 : memref<5120x128xf32, #tpu.memory_space<vmem_shared>>)
        tpu.yield
      }) : () -> ()
      %run_scoped3A_15 = arith.constant 1 : i32
      "tpu.region"() ({
        %run_scoped3A_22 = tpu.sem_alloc : memref<!tpu.dma_semaphore, #tpu.memory_space<semaphore_mem>>
        %dma_start3A = arith.constant 0 : i32
        %dma_start3A_23 = tpu.memref_slice %arg7[%run_scoped3A_15, %dma_start3A] : memref<8x128xi32, #tpu.memory_space<vmem>> -> memref<1x128xi32, #tpu.memory_space<vmem>>
        %dma_start3A_24 = tpu.memref_squeeze %dma_start3A_23 : memref<1x128xi32, #tpu.memory_space<vmem>> -> memref<128xi32, #tpu.memory_space<vmem>>
        %dma_start3A_25 = arith.constant 0 : i32
        %dma_start3A_26 = arith.constant 0 : i32
        %dma_start3A_27 = tpu.memref_slice %arg6[%dma_start3A_25, %dma_start3A_26] : memref<5120x128xf32, #tpu.memory_space<vmem_shared>> -> memref<5120x128xf32, #tpu.memory_space<vmem_shared>>
        tpu.enqueue_indirect_dma source(%arg8 : memref<128x128xf32, #tpu.memory_space<vmem>>) target(%dma_start3A_27 : memref<5120x128xf32, #tpu.memory_space<vmem_shared>>) offsets(%dma_start3A_24 : memref<128xi32, #tpu.memory_space<vmem>>) semaphore(%run_scoped3A_22 : memref<!tpu.dma_semaphore, #tpu.memory_space<semaphore_mem>>) {add = true}
        %dma_wait3A = arith.constant 0 : i32
        %dma_wait3A_28 = tpu.memref_slice %arg7[%run_scoped3A_15, %dma_wait3A] : memref<8x128xi32, #tpu.memory_space<vmem>> -> memref<1x128xi32, #tpu.memory_space<vmem>>
        %dma_wait3A_29 = tpu.memref_squeeze %dma_wait3A_28 : memref<1x128xi32, #tpu.memory_space<vmem>> -> memref<128xi32, #tpu.memory_space<vmem>>
        %dma_wait3A_30 = arith.constant 0 : i32
        %dma_wait3A_31 = arith.constant 0 : i32
        %dma_wait3A_32 = tpu.memref_slice %arg6[%dma_wait3A_30, %dma_wait3A_31] : memref<5120x128xf32, #tpu.memory_space<vmem_shared>> -> memref<5120x128xf32, #tpu.memory_space<vmem_shared>>
        tpu.wait_indirect_dma semaphore(%run_scoped3A_22 : memref<!tpu.dma_semaphore, #tpu.memory_space<semaphore_mem>>) src(%arg8 : memref<128x128xf32, #tpu.memory_space<vmem>>) dst(%dma_wait3A_32 : memref<5120x128xf32, #tpu.memory_space<vmem_shared>>)
        tpu.yield
      }) : () -> ()
      %run_scoped3A_16 = arith.constant 2 : i32
      "tpu.region"() ({
        %run_scoped3A_22 = tpu.sem_alloc : memref<!tpu.dma_semaphore, #tpu.memory_space<semaphore_mem>>
        %dma_start3A = arith.constant 0 : i32
        %dma_start3A_23 = tpu.memref_slice %arg7[%run_scoped3A_16, %dma_start3A] : memref<8x128xi32, #tpu.memory_space<vmem>> -> memref<1x128xi32, #tpu.memory_space<vmem>>
        %dma_start3A_24 = tpu.memref_squeeze %dma_start3A_23 : memref<1x128xi32, #tpu.memory_space<vmem>> -> memref<128xi32, #tpu.memory_space<vmem>>
        %dma_start3A_25 = arith.constant 0 : i32
        %dma_start3A_26 = arith.constant 0 : i32
        %dma_start3A_27 = tpu.memref_slice %arg6[%dma_start3A_25, %dma_start3A_26] : memref<5120x128xf32, #tpu.memory_space<vmem_shared>> -> memref<5120x128xf32, #tpu.memory_space<vmem_shared>>
        tpu.enqueue_indirect_dma source(%arg8 : memref<128x128xf32, #tpu.memory_space<vmem>>) target(%dma_start3A_27 : memref<5120x128xf32, #tpu.memory_space<vmem_shared>>) offsets(%dma_start3A_24 : memref<128xi32, #tpu.memory_space<vmem>>) semaphore(%run_scoped3A_22 : memref<!tpu.dma_semaphore, #tpu.memory_space<semaphore_mem>>) {add = true}
        %dma_wait3A = arith.constant 0 : i32
        %dma_wait3A_28 = tpu.memref_slice %arg7[%run_scoped3A_16, %dma_wait3A] : memref<8x128xi32, #tpu.memory_space<vmem>> -> memref<1x128xi32, #tpu.memory_space<vmem>>
        %dma_wait3A_29 = tpu.memref_squeeze %dma_wait3A_28 : memref<1x128xi32, #tpu.memory_space<vmem>> -> memref<128xi32, #tpu.memory_space<vmem>>
        %dma_wait3A_30 = arith.constant 0 : i32
        %dma_wait3A_31 = arith.constant 0 : i32
        %dma_wait3A_32 = tpu.memref_slice %arg6[%dma_wait3A_30, %dma_wait3A_31] : memref<5120x128xf32, #tpu.memory_space<vmem_shared>> -> memref<5120x128xf32, #tpu.memory_space<vmem_shared>>
        tpu.wait_indirect_dma semaphore(%run_scoped3A_22 : memref<!tpu.dma_semaphore, #tpu.memory_space<semaphore_mem>>) src(%arg8 : memref<128x128xf32, #tpu.memory_space<vmem>>) dst(%dma_wait3A_32 : memref<5120x128xf32, #tpu.memory_space<vmem_shared>>)
        tpu.yield
      }) : () -> ()
      %run_scoped3A_17 = arith.constant 3 : i32
      "tpu.region"() ({
        %run_scoped3A_22 = tpu.sem_alloc : memref<!tpu.dma_semaphore, #tpu.memory_space<semaphore_mem>>
        %dma_start3A = arith.constant 0 : i32
        %dma_start3A_23 = tpu.memref_slice %arg7[%run_scoped3A_17, %dma_start3A] : memref<8x128xi32, #tpu.memory_space<vmem>> -> memref<1x128xi32, #tpu.memory_space<vmem>>
        %dma_start3A_24 = tpu.memref_squeeze %dma_start3A_23 : memref<1x128xi32, #tpu.memory_space<vmem>> -> memref<128xi32, #tpu.memory_space<vmem>>
        %dma_start3A_25 = arith.constant 0 : i32
        %dma_start3A_26 = arith.constant 0 : i32
        %dma_start3A_27 = tpu.memref_slice %arg6[%dma_start3A_25, %dma_start3A_26] : memref<5120x128xf32, #tpu.memory_space<vmem_shared>> -> memref<5120x128xf32, #tpu.memory_space<vmem_shared>>
        tpu.enqueue_indirect_dma source(%arg8 : memref<128x128xf32, #tpu.memory_space<vmem>>) target(%dma_start3A_27 : memref<5120x128xf32, #tpu.memory_space<vmem_shared>>) offsets(%dma_start3A_24 : memref<128xi32, #tpu.memory_space<vmem>>) semaphore(%run_scoped3A_22 : memref<!tpu.dma_semaphore, #tpu.memory_space<semaphore_mem>>) {add = true}
        %dma_wait3A = arith.constant 0 : i32
        %dma_wait3A_28 = tpu.memref_slice %arg7[%run_scoped3A_17, %dma_wait3A] : memref<8x128xi32, #tpu.memory_space<vmem>> -> memref<1x128xi32, #tpu.memory_space<vmem>>
        %dma_wait3A_29 = tpu.memref_squeeze %dma_wait3A_28 : memref<1x128xi32, #tpu.memory_space<vmem>> -> memref<128xi32, #tpu.memory_space<vmem>>
        %dma_wait3A_30 = arith.constant 0 : i32
        %dma_wait3A_31 = arith.constant 0 : i32
        %dma_wait3A_32 = tpu.memref_slice %arg6[%dma_wait3A_30, %dma_wait3A_31] : memref<5120x128xf32, #tpu.memory_space<vmem_shared>> -> memref<5120x128xf32, #tpu.memory_space<vmem_shared>>
        tpu.wait_indirect_dma semaphore(%run_scoped3A_22 : memref<!tpu.dma_semaphore, #tpu.memory_space<semaphore_mem>>) src(%arg8 : memref<128x128xf32, #tpu.memory_space<vmem>>) dst(%dma_wait3A_32 : memref<5120x128xf32, #tpu.memory_space<vmem_shared>>)
        tpu.yield
      }) : () -> ()
      %run_scoped3A_18 = arith.constant 4 : i32
      "tpu.region"() ({
        %run_scoped3A_22 = tpu.sem_alloc : memref<!tpu.dma_semaphore, #tpu.memory_space<semaphore_mem>>
        %dma_start3A = arith.constant 0 : i32
        %dma_start3A_23 = tpu.memref_slice %arg7[%run_scoped3A_18, %dma_start3A] : memref<8x128xi32, #tpu.memory_space<vmem>> -> memref<1x128xi32, #tpu.memory_space<vmem>>
        %dma_start3A_24 = tpu.memref_squeeze %dma_start3A_23 : memref<1x128xi32, #tpu.memory_space<vmem>> -> memref<128xi32, #tpu.memory_space<vmem>>
        %dma_start3A_25 = arith.constant 0 : i32
        %dma_start3A_26 = arith.constant 0 : i32
        %dma_start3A_27 = tpu.memref_slice %arg6[%dma_start3A_25, %dma_start3A_26] : memref<5120x128xf32, #tpu.memory_space<vmem_shared>> -> memref<5120x128xf32, #tpu.memory_space<vmem_shared>>
        tpu.enqueue_indirect_dma source(%arg8 : memref<128x128xf32, #tpu.memory_space<vmem>>) target(%dma_start3A_27 : memref<5120x128xf32, #tpu.memory_space<vmem_shared>>) offsets(%dma_start3A_24 : memref<128xi32, #tpu.memory_space<vmem>>) semaphore(%run_scoped3A_22 : memref<!tpu.dma_semaphore, #tpu.memory_space<semaphore_mem>>) {add = true}
        %dma_wait3A = arith.constant 0 : i32
        %dma_wait3A_28 = tpu.memref_slice %arg7[%run_scoped3A_18, %dma_wait3A] : memref<8x128xi32, #tpu.memory_space<vmem>> -> memref<1x128xi32, #tpu.memory_space<vmem>>
        %dma_wait3A_29 = tpu.memref_squeeze %dma_wait3A_28 : memref<1x128xi32, #tpu.memory_space<vmem>> -> memref<128xi32, #tpu.memory_space<vmem>>
        %dma_wait3A_30 = arith.constant 0 : i32
        %dma_wait3A_31 = arith.constant 0 : i32
        %dma_wait3A_32 = tpu.memref_slice %arg6[%dma_wait3A_30, %dma_wait3A_31] : memref<5120x128xf32, #tpu.memory_space<vmem_shared>> -> memref<5120x128xf32, #tpu.memory_space<vmem_shared>>
        tpu.wait_indirect_dma semaphore(%run_scoped3A_22 : memref<!tpu.dma_semaphore, #tpu.memory_space<semaphore_mem>>) src(%arg8 : memref<128x128xf32, #tpu.memory_space<vmem>>) dst(%dma_wait3A_32 : memref<5120x128xf32, #tpu.memory_space<vmem_shared>>)
        tpu.yield
      }) : () -> ()
      %run_scoped3A_19 = arith.constant 5 : i32
      "tpu.region"() ({
        %run_scoped3A_22 = tpu.sem_alloc : memref<!tpu.dma_semaphore, #tpu.memory_space<semaphore_mem>>
        %dma_start3A = arith.constant 0 : i32
        %dma_start3A_23 = tpu.memref_slice %arg7[%run_scoped3A_19, %dma_start3A] : memref<8x128xi32, #tpu.memory_space<vmem>> -> memref<1x128xi32, #tpu.memory_space<vmem>>
        %dma_start3A_24 = tpu.memref_squeeze %dma_start3A_23 : memref<1x128xi32, #tpu.memory_space<vmem>> -> memref<128xi32, #tpu.memory_space<vmem>>
        %dma_start3A_25 = arith.constant 0 : i32
        %dma_start3A_26 = arith.constant 0 : i32
        %dma_start3A_27 = tpu.memref_slice %arg6[%dma_start3A_25, %dma_start3A_26] : memref<5120x128xf32, #tpu.memory_space<vmem_shared>> -> memref<5120x128xf32, #tpu.memory_space<vmem_shared>>
        tpu.enqueue_indirect_dma source(%arg8 : memref<128x128xf32, #tpu.memory_space<vmem>>) target(%dma_start3A_27 : memref<5120x128xf32, #tpu.memory_space<vmem_shared>>) offsets(%dma_start3A_24 : memref<128xi32, #tpu.memory_space<vmem>>) semaphore(%run_scoped3A_22 : memref<!tpu.dma_semaphore, #tpu.memory_space<semaphore_mem>>) {add = true}
        %dma_wait3A = arith.constant 0 : i32
        %dma_wait3A_28 = tpu.memref_slice %arg7[%run_scoped3A_19, %dma_wait3A] : memref<8x128xi32, #tpu.memory_space<vmem>> -> memref<1x128xi32, #tpu.memory_space<vmem>>
        %dma_wait3A_29 = tpu.memref_squeeze %dma_wait3A_28 : memref<1x128xi32, #tpu.memory_space<vmem>> -> memref<128xi32, #tpu.memory_space<vmem>>
        %dma_wait3A_30 = arith.constant 0 : i32
        %dma_wait3A_31 = arith.constant 0 : i32
        %dma_wait3A_32 = tpu.memref_slice %arg6[%dma_wait3A_30, %dma_wait3A_31] : memref<5120x128xf32, #tpu.memory_space<vmem_shared>> -> memref<5120x128xf32, #tpu.memory_space<vmem_shared>>
        tpu.wait_indirect_dma semaphore(%run_scoped3A_22 : memref<!tpu.dma_semaphore, #tpu.memory_space<semaphore_mem>>) src(%arg8 : memref<128x128xf32, #tpu.memory_space<vmem>>) dst(%dma_wait3A_32 : memref<5120x128xf32, #tpu.memory_space<vmem_shared>>)
        tpu.yield
      }) : () -> ()
      %run_scoped3A_20 = arith.constant 6 : i32
      "tpu.region"() ({
        %run_scoped3A_22 = tpu.sem_alloc : memref<!tpu.dma_semaphore, #tpu.memory_space<semaphore_mem>>
        %dma_start3A = arith.constant 0 : i32
        %dma_start3A_23 = tpu.memref_slice %arg7[%run_scoped3A_20, %dma_start3A] : memref<8x128xi32, #tpu.memory_space<vmem>> -> memref<1x128xi32, #tpu.memory_space<vmem>>
        %dma_start3A_24 = tpu.memref_squeeze %dma_start3A_23 : memref<1x128xi32, #tpu.memory_space<vmem>> -> memref<128xi32, #tpu.memory_space<vmem>>
        %dma_start3A_25 = arith.constant 0 : i32
        %dma_start3A_26 = arith.constant 0 : i32
        %dma_start3A_27 = tpu.memref_slice %arg6[%dma_start3A_25, %dma_start3A_26] : memref<5120x128xf32, #tpu.memory_space<vmem_shared>> -> memref<5120x128xf32, #tpu.memory_space<vmem_shared>>
        tpu.enqueue_indirect_dma source(%arg8 : memref<128x128xf32, #tpu.memory_space<vmem>>) target(%dma_start3A_27 : memref<5120x128xf32, #tpu.memory_space<vmem_shared>>) offsets(%dma_start3A_24 : memref<128xi32, #tpu.memory_space<vmem>>) semaphore(%run_scoped3A_22 : memref<!tpu.dma_semaphore, #tpu.memory_space<semaphore_mem>>) {add = true}
        %dma_wait3A = arith.constant 0 : i32
        %dma_wait3A_28 = tpu.memref_slice %arg7[%run_scoped3A_20, %dma_wait3A] : memref<8x128xi32, #tpu.memory_space<vmem>> -> memref<1x128xi32, #tpu.memory_space<vmem>>
        %dma_wait3A_29 = tpu.memref_squeeze %dma_wait3A_28 : memref<1x128xi32, #tpu.memory_space<vmem>> -> memref<128xi32, #tpu.memory_space<vmem>>
        %dma_wait3A_30 = arith.constant 0 : i32
        %dma_wait3A_31 = arith.constant 0 : i32
        %dma_wait3A_32 = tpu.memref_slice %arg6[%dma_wait3A_30, %dma_wait3A_31] : memref<5120x128xf32, #tpu.memory_space<vmem_shared>> -> memref<5120x128xf32, #tpu.memory_space<vmem_shared>>
        tpu.wait_indirect_dma semaphore(%run_scoped3A_22 : memref<!tpu.dma_semaphore, #tpu.memory_space<semaphore_mem>>) src(%arg8 : memref<128x128xf32, #tpu.memory_space<vmem>>) dst(%dma_wait3A_32 : memref<5120x128xf32, #tpu.memory_space<vmem_shared>>)
        tpu.yield
      }) : () -> ()
      %run_scoped3A_21 = arith.constant 7 : i32
      "tpu.region"() ({
        %run_scoped3A_22 = tpu.sem_alloc : memref<!tpu.dma_semaphore, #tpu.memory_space<semaphore_mem>>
        %dma_start3A = arith.constant 0 : i32
        %dma_start3A_23 = tpu.memref_slice %arg7[%run_scoped3A_21, %dma_start3A] : memref<8x128xi32, #tpu.memory_space<vmem>> -> memref<1x128xi32, #tpu.memory_space<vmem>>
        %dma_start3A_24 = tpu.memref_squeeze %dma_start3A_23 : memref<1x128xi32, #tpu.memory_space<vmem>> -> memref<128xi32, #tpu.memory_space<vmem>>
        %dma_start3A_25 = arith.constant 0 : i32
        %dma_start3A_26 = arith.constant 0 : i32
        %dma_start3A_27 = tpu.memref_slice %arg6[%dma_start3A_25, %dma_start3A_26] : memref<5120x128xf32, #tpu.memory_space<vmem_shared>> -> memref<5120x128xf32, #tpu.memory_space<vmem_shared>>
        tpu.enqueue_indirect_dma source(%arg8 : memref<128x128xf32, #tpu.memory_space<vmem>>) target(%dma_start3A_27 : memref<5120x128xf32, #tpu.memory_space<vmem_shared>>) offsets(%dma_start3A_24 : memref<128xi32, #tpu.memory_space<vmem>>) semaphore(%run_scoped3A_22 : memref<!tpu.dma_semaphore, #tpu.memory_space<semaphore_mem>>) {add = true}
        %dma_wait3A = arith.constant 0 : i32
        %dma_wait3A_28 = tpu.memref_slice %arg7[%run_scoped3A_21, %dma_wait3A] : memref<8x128xi32, #tpu.memory_space<vmem>> -> memref<1x128xi32, #tpu.memory_space<vmem>>
        %dma_wait3A_29 = tpu.memref_squeeze %dma_wait3A_28 : memref<1x128xi32, #tpu.memory_space<vmem>> -> memref<128xi32, #tpu.memory_space<vmem>>
        %dma_wait3A_30 = arith.constant 0 : i32
        %dma_wait3A_31 = arith.constant 0 : i32
        %dma_wait3A_32 = tpu.memref_slice %arg6[%dma_wait3A_30, %dma_wait3A_31] : memref<5120x128xf32, #tpu.memory_space<vmem_shared>> -> memref<5120x128xf32, #tpu.memory_space<vmem_shared>>
        tpu.wait_indirect_dma semaphore(%run_scoped3A_22 : memref<!tpu.dma_semaphore, #tpu.memory_space<semaphore_mem>>) src(%arg8 : memref<128x128xf32, #tpu.memory_space<vmem>>) dst(%dma_wait3A_32 : memref<5120x128xf32, #tpu.memory_space<vmem_shared>>)
        tpu.yield
      }) : () -> ()
    }
    %scan3A_7 = arith.constant 5 : i32
    %barrier3A_8 = arith.constant 0 : index
    tpu.barrier barrier_id(%barrier3A_8)
    %mul3A_9 = arith.constant 5120 : i32
    %mul3A_10 = arith.muli %arg0, %mul3A_9 : i32
    %add3A_11 = arith.addi %mul3A_10, %mul3A_2 : i32
    "tpu.region"() ({
      %run_scoped3A = tpu.sem_alloc : memref<!tpu.dma_semaphore, #tpu.memory_space<semaphore_mem>>
      %dma_start3A = arith.constant 0 : i32
      %dma_start3A_12 = tpu.memref_slice %arg5[%add3A_11, %dma_start3A] : memref<10240x128xf32, #tpu.memory_space<hbm>> -> memref<320x128xf32, #tpu.memory_space<hbm>>
      %dma_start3A_13 = arith.constant 0 : i32
      %dma_start3A_14 = tpu.memref_slice %arg6[%mul3A_2, %dma_start3A_13] : memref<5120x128xf32, #tpu.memory_space<vmem_shared>> -> memref<320x128xf32, #tpu.memory_space<vmem_shared>>
      tpu.enqueue_dma source(%dma_start3A_14 : memref<320x128xf32, #tpu.memory_space<vmem_shared>>) target(%dma_start3A_12 : memref<320x128xf32, #tpu.memory_space<hbm>>) target_semaphore(%run_scoped3A : memref<!tpu.dma_semaphore, #tpu.memory_space<semaphore_mem>>)
      %dma_wait3A = arith.constant 0 : i32
      %dma_wait3A_15 = tpu.memref_slice %arg5[%add3A_11, %dma_wait3A] : memref<10240x128xf32, #tpu.memory_space<hbm>> -> memref<320x128xf32, #tpu.memory_space<hbm>>
      %dma_wait3A_16 = arith.constant 0 : i32
      %dma_wait3A_17 = tpu.memref_slice %arg6[%mul3A_2, %dma_wait3A_16] : memref<5120x128xf32, #tpu.memory_space<vmem_shared>> -> memref<320x128xf32, #tpu.memory_space<vmem_shared>>
      tpu.wait_dma2 semaphore(%run_scoped3A : memref<!tpu.dma_semaphore, #tpu.memory_space<semaphore_mem>>) src(%dma_wait3A_17 : memref<320x128xf32, #tpu.memory_space<vmem_shared>>) dst(%dma_wait3A_15 : memref<320x128xf32, #tpu.memory_space<hbm>>)
      tpu.yield
    }) : () -> ()
    return
  }
}

#map = affine_map<(d0, d1) -> (0, 0, 0)>
#map1 = affine_map<(d0, d1) -> (0, 0)>
module attributes {stable_mosaic.version = 14 : i64} {
  func.func @body(%arg0: i32, %arg1: i32, %arg2: memref<32x80x128xi32, #tpu.memory_space<hbm>>, %arg3: memref<640x128xf32, #tpu.memory_space<hbm>>, %arg4: memref<128x128xf32, #tpu.memory_space<hbm>>, %arg5: memref<20480x128xf32, #tpu.memory_space<hbm>>, %arg6: memref<10240x128xf32, #tpu.memory_space<vmem_shared>>, %arg7: memref<8x128xi32, #tpu.memory_space<vmem>>, %arg8: memref<128x128xf32, #tpu.memory_space<vmem>>, %arg9: memref<!tpu.dma_semaphore, #tpu.memory_space<semaphore_mem>>, %arg10: memref<!tpu.dma_semaphore, #tpu.memory_space<semaphore_mem>>) attributes {dimension_semantics = [#tpu.dimension_semantics<core_parallel>, #tpu.dimension_semantics<subcore_parallel>], iteration_bounds = array<i64: 2, 16>, scalar_prefetch = 0 : i64, scratch_operands = 5 : i64, tpu.core_type = #tpu.core_type<sc_vector_subcore>, window_params = [{transform_indices = #map}, {transform_indices = #map1}, {transform_indices = #map1}, {transform_indices = #map1}]} {
    %mul3A = arith.constant 2 : i32
    %mul3A_0 = arith.muli %arg1, %mul3A : i32
    %add3A = arith.addi %mul3A_0, %arg0 : i32
    %mul3A_1 = arith.constant 640 : i32
    %mul3A_2 = arith.muli %arg1, %mul3A_1 : i32
    "tpu.region"() ({
      %run_scoped3A = tpu.sem_alloc : memref<!tpu.dma_semaphore, #tpu.memory_space<semaphore_mem>>
      %dma_start3A = arith.constant 0 : i32
      %dma_start3A_12 = tpu.memref_slice %arg6[%mul3A_2, %dma_start3A] : memref<10240x128xf32, #tpu.memory_space<vmem_shared>> -> memref<640x128xf32, #tpu.memory_space<vmem_shared>>
      tpu.enqueue_dma source(%arg3 : memref<640x128xf32, #tpu.memory_space<hbm>>) target(%dma_start3A_12 : memref<640x128xf32, #tpu.memory_space<vmem_shared>>) target_semaphore(%run_scoped3A : memref<!tpu.dma_semaphore, #tpu.memory_space<semaphore_mem>>)
      %dma_wait3A = arith.constant 0 : i32
      %dma_wait3A_13 = tpu.memref_slice %arg6[%mul3A_2, %dma_wait3A] : memref<10240x128xf32, #tpu.memory_space<vmem_shared>> -> memref<640x128xf32, #tpu.memory_space<vmem_shared>>
      tpu.wait_dma2 semaphore(%run_scoped3A : memref<!tpu.dma_semaphore, #tpu.memory_space<semaphore_mem>>) src(%arg3 : memref<640x128xf32, #tpu.memory_space<hbm>>) dst(%dma_wait3A_13 : memref<640x128xf32, #tpu.memory_space<vmem_shared>>)
      tpu.yield
    }) : () -> ()
    "tpu.region"() ({
      %run_scoped3A = tpu.sem_alloc : memref<!tpu.dma_semaphore, #tpu.memory_space<semaphore_mem>>
      tpu.enqueue_dma source(%arg4 : memref<128x128xf32, #tpu.memory_space<hbm>>) target(%arg8 : memref<128x128xf32, #tpu.memory_space<vmem>>) target_semaphore(%run_scoped3A : memref<!tpu.dma_semaphore, #tpu.memory_space<semaphore_mem>>)
      tpu.wait_dma2 semaphore(%run_scoped3A : memref<!tpu.dma_semaphore, #tpu.memory_space<semaphore_mem>>) src(%arg4 : memref<128x128xf32, #tpu.memory_space<hbm>>) dst(%arg8 : memref<128x128xf32, #tpu.memory_space<vmem>>)
      tpu.yield
    }) : () -> ()
    %barrier3A = arith.constant 0 : index
    tpu.barrier barrier_id(%barrier3A)
    %scan3A = arith.constant 0 : i32
    %scan3A_3 = arith.constant 0 : i32
    %scan3A_4 = arith.constant 10 : i32
    %scan3A_5 = arith.addi %scan3A_3, %scan3A_4 : i32
    %scan3A_6 = arith.constant 1 : i32
    scf.for %scan3A_12 = %scan3A_3 to %scan3A_5 step %scan3A_6  : i32 {
      %mul3A_13 = arith.constant 8 : i32
      %mul3A_14 = arith.muli %scan3A_12, %mul3A_13 : i32
      "tpu.region"() ({
        %run_scoped3A_22 = tpu.sem_alloc : memref<!tpu.dma_semaphore, #tpu.memory_space<semaphore_mem>>
        %dma_start3A = arith.constant 0 : i32
        %dma_start3A_23 = tpu.memref_slice %arg2[%add3A, %mul3A_14, %dma_start3A] : memref<32x80x128xi32, #tpu.memory_space<hbm>> -> memref<1x8x128xi32, #tpu.memory_space<hbm>>
        %dma_start3A_24 = tpu.memref_squeeze %dma_start3A_23 : memref<1x8x128xi32, #tpu.memory_space<hbm>> -> memref<8x128xi32, #tpu.memory_space<hbm>>
        %dma_start3A_25 = arith.constant 0 : i32
        %dma_start3A_26 = tpu.memref_slice %arg2[%add3A, %mul3A_14, %dma_start3A_25] : memref<32x80x128xi32, #tpu.memory_space<hbm>> -> memref<1x8x128xi32, #tpu.memory_space<hbm>>
        %dma_start3A_27 = tpu.memref_squeeze %dma_start3A_26 : memref<1x8x128xi32, #tpu.memory_space<hbm>> -> memref<8x128xi32, #tpu.memory_space<hbm>>
        tpu.enqueue_dma source(%dma_start3A_27 : memref<8x128xi32, #tpu.memory_space<hbm>>) target(%arg7 : memref<8x128xi32, #tpu.memory_space<vmem>>) target_semaphore(%run_scoped3A_22 : memref<!tpu.dma_semaphore, #tpu.memory_space<semaphore_mem>>)
        %dma_wait3A = arith.constant 0 : i32
        %dma_wait3A_28 = tpu.memref_slice %arg2[%add3A, %mul3A_14, %dma_wait3A] : memref<32x80x128xi32, #tpu.memory_space<hbm>> -> memref<1x8x128xi32, #tpu.memory_space<hbm>>
        %dma_wait3A_29 = tpu.memref_squeeze %dma_wait3A_28 : memref<1x8x128xi32, #tpu.memory_space<hbm>> -> memref<8x128xi32, #tpu.memory_space<hbm>>
        %dma_wait3A_30 = arith.constant 0 : i32
        %dma_wait3A_31 = tpu.memref_slice %arg2[%add3A, %mul3A_14, %dma_wait3A_30] : memref<32x80x128xi32, #tpu.memory_space<hbm>> -> memref<1x8x128xi32, #tpu.memory_space<hbm>>
        %dma_wait3A_32 = tpu.memref_squeeze %dma_wait3A_31 : memref<1x8x128xi32, #tpu.memory_space<hbm>> -> memref<8x128xi32, #tpu.memory_space<hbm>>
        tpu.wait_dma2 semaphore(%run_scoped3A_22 : memref<!tpu.dma_semaphore, #tpu.memory_space<semaphore_mem>>) src(%dma_wait3A_32 : memref<8x128xi32, #tpu.memory_space<hbm>>) dst(%arg7 : memref<8x128xi32, #tpu.memory_space<vmem>>)
        tpu.yield
      }) : () -> ()
      %run_scoped3A = arith.constant 0 : i32
      "tpu.region"() ({
        %run_scoped3A_22 = tpu.sem_alloc : memref<!tpu.dma_semaphore, #tpu.memory_space<semaphore_mem>>
        %dma_start3A = arith.constant 0 : i32
        %dma_start3A_23 = tpu.memref_slice %arg7[%run_scoped3A, %dma_start3A] : memref<8x128xi32, #tpu.memory_space<vmem>> -> memref<1x128xi32, #tpu.memory_space<vmem>>
        %dma_start3A_24 = tpu.memref_squeeze %dma_start3A_23 : memref<1x128xi32, #tpu.memory_space<vmem>> -> memref<128xi32, #tpu.memory_space<vmem>>
        %dma_start3A_25 = arith.constant 0 : i32
        %dma_start3A_26 = arith.constant 0 : i32
        %dma_start3A_27 = tpu.memref_slice %arg6[%dma_start3A_25, %dma_start3A_26] : memref<10240x128xf32, #tpu.memory_space<vmem_shared>> -> memref<10240x128xf32, #tpu.memory_space<vmem_shared>>
        tpu.enqueue_indirect_dma source(%arg8 : memref<128x128xf32, #tpu.memory_space<vmem>>) target(%dma_start3A_27 : memref<10240x128xf32, #tpu.memory_space<vmem_shared>>) offsets(%dma_start3A_24 : memref<128xi32, #tpu.memory_space<vmem>>) semaphore(%run_scoped3A_22 : memref<!tpu.dma_semaphore, #tpu.memory_space<semaphore_mem>>) {add = true}
        %dma_wait3A = arith.constant 0 : i32
        %dma_wait3A_28 = tpu.memref_slice %arg7[%run_scoped3A, %dma_wait3A] : memref<8x128xi32, #tpu.memory_space<vmem>> -> memref<1x128xi32, #tpu.memory_space<vmem>>
        %dma_wait3A_29 = tpu.memref_squeeze %dma_wait3A_28 : memref<1x128xi32, #tpu.memory_space<vmem>> -> memref<128xi32, #tpu.memory_space<vmem>>
        %dma_wait3A_30 = arith.constant 0 : i32
        %dma_wait3A_31 = arith.constant 0 : i32
        %dma_wait3A_32 = tpu.memref_slice %arg6[%dma_wait3A_30, %dma_wait3A_31] : memref<10240x128xf32, #tpu.memory_space<vmem_shared>> -> memref<10240x128xf32, #tpu.memory_space<vmem_shared>>
        tpu.wait_indirect_dma semaphore(%run_scoped3A_22 : memref<!tpu.dma_semaphore, #tpu.memory_space<semaphore_mem>>) src(%arg8 : memref<128x128xf32, #tpu.memory_space<vmem>>) dst(%dma_wait3A_32 : memref<10240x128xf32, #tpu.memory_space<vmem_shared>>)
        tpu.yield
      }) : () -> ()
      %run_scoped3A_15 = arith.constant 1 : i32
      "tpu.region"() ({
        %run_scoped3A_22 = tpu.sem_alloc : memref<!tpu.dma_semaphore, #tpu.memory_space<semaphore_mem>>
        %dma_start3A = arith.constant 0 : i32
        %dma_start3A_23 = tpu.memref_slice %arg7[%run_scoped3A_15, %dma_start3A] : memref<8x128xi32, #tpu.memory_space<vmem>> -> memref<1x128xi32, #tpu.memory_space<vmem>>
        %dma_start3A_24 = tpu.memref_squeeze %dma_start3A_23 : memref<1x128xi32, #tpu.memory_space<vmem>> -> memref<128xi32, #tpu.memory_space<vmem>>
        %dma_start3A_25 = arith.constant 0 : i32
        %dma_start3A_26 = arith.constant 0 : i32
        %dma_start3A_27 = tpu.memref_slice %arg6[%dma_start3A_25, %dma_start3A_26] : memref<10240x128xf32, #tpu.memory_space<vmem_shared>> -> memref<10240x128xf32, #tpu.memory_space<vmem_shared>>
        tpu.enqueue_indirect_dma source(%arg8 : memref<128x128xf32, #tpu.memory_space<vmem>>) target(%dma_start3A_27 : memref<10240x128xf32, #tpu.memory_space<vmem_shared>>) offsets(%dma_start3A_24 : memref<128xi32, #tpu.memory_space<vmem>>) semaphore(%run_scoped3A_22 : memref<!tpu.dma_semaphore, #tpu.memory_space<semaphore_mem>>) {add = true}
        %dma_wait3A = arith.constant 0 : i32
        %dma_wait3A_28 = tpu.memref_slice %arg7[%run_scoped3A_15, %dma_wait3A] : memref<8x128xi32, #tpu.memory_space<vmem>> -> memref<1x128xi32, #tpu.memory_space<vmem>>
        %dma_wait3A_29 = tpu.memref_squeeze %dma_wait3A_28 : memref<1x128xi32, #tpu.memory_space<vmem>> -> memref<128xi32, #tpu.memory_space<vmem>>
        %dma_wait3A_30 = arith.constant 0 : i32
        %dma_wait3A_31 = arith.constant 0 : i32
        %dma_wait3A_32 = tpu.memref_slice %arg6[%dma_wait3A_30, %dma_wait3A_31] : memref<10240x128xf32, #tpu.memory_space<vmem_shared>> -> memref<10240x128xf32, #tpu.memory_space<vmem_shared>>
        tpu.wait_indirect_dma semaphore(%run_scoped3A_22 : memref<!tpu.dma_semaphore, #tpu.memory_space<semaphore_mem>>) src(%arg8 : memref<128x128xf32, #tpu.memory_space<vmem>>) dst(%dma_wait3A_32 : memref<10240x128xf32, #tpu.memory_space<vmem_shared>>)
        tpu.yield
      }) : () -> ()
      %run_scoped3A_16 = arith.constant 2 : i32
      "tpu.region"() ({
        %run_scoped3A_22 = tpu.sem_alloc : memref<!tpu.dma_semaphore, #tpu.memory_space<semaphore_mem>>
        %dma_start3A = arith.constant 0 : i32
        %dma_start3A_23 = tpu.memref_slice %arg7[%run_scoped3A_16, %dma_start3A] : memref<8x128xi32, #tpu.memory_space<vmem>> -> memref<1x128xi32, #tpu.memory_space<vmem>>
        %dma_start3A_24 = tpu.memref_squeeze %dma_start3A_23 : memref<1x128xi32, #tpu.memory_space<vmem>> -> memref<128xi32, #tpu.memory_space<vmem>>
        %dma_start3A_25 = arith.constant 0 : i32
        %dma_start3A_26 = arith.constant 0 : i32
        %dma_start3A_27 = tpu.memref_slice %arg6[%dma_start3A_25, %dma_start3A_26] : memref<10240x128xf32, #tpu.memory_space<vmem_shared>> -> memref<10240x128xf32, #tpu.memory_space<vmem_shared>>
        tpu.enqueue_indirect_dma source(%arg8 : memref<128x128xf32, #tpu.memory_space<vmem>>) target(%dma_start3A_27 : memref<10240x128xf32, #tpu.memory_space<vmem_shared>>) offsets(%dma_start3A_24 : memref<128xi32, #tpu.memory_space<vmem>>) semaphore(%run_scoped3A_22 : memref<!tpu.dma_semaphore, #tpu.memory_space<semaphore_mem>>) {add = true}
        %dma_wait3A = arith.constant 0 : i32
        %dma_wait3A_28 = tpu.memref_slice %arg7[%run_scoped3A_16, %dma_wait3A] : memref<8x128xi32, #tpu.memory_space<vmem>> -> memref<1x128xi32, #tpu.memory_space<vmem>>
        %dma_wait3A_29 = tpu.memref_squeeze %dma_wait3A_28 : memref<1x128xi32, #tpu.memory_space<vmem>> -> memref<128xi32, #tpu.memory_space<vmem>>
        %dma_wait3A_30 = arith.constant 0 : i32
        %dma_wait3A_31 = arith.constant 0 : i32
        %dma_wait3A_32 = tpu.memref_slice %arg6[%dma_wait3A_30, %dma_wait3A_31] : memref<10240x128xf32, #tpu.memory_space<vmem_shared>> -> memref<10240x128xf32, #tpu.memory_space<vmem_shared>>
        tpu.wait_indirect_dma semaphore(%run_scoped3A_22 : memref<!tpu.dma_semaphore, #tpu.memory_space<semaphore_mem>>) src(%arg8 : memref<128x128xf32, #tpu.memory_space<vmem>>) dst(%dma_wait3A_32 : memref<10240x128xf32, #tpu.memory_space<vmem_shared>>)
        tpu.yield
      }) : () -> ()
      %run_scoped3A_17 = arith.constant 3 : i32
      "tpu.region"() ({
        %run_scoped3A_22 = tpu.sem_alloc : memref<!tpu.dma_semaphore, #tpu.memory_space<semaphore_mem>>
        %dma_start3A = arith.constant 0 : i32
        %dma_start3A_23 = tpu.memref_slice %arg7[%run_scoped3A_17, %dma_start3A] : memref<8x128xi32, #tpu.memory_space<vmem>> -> memref<1x128xi32, #tpu.memory_space<vmem>>
        %dma_start3A_24 = tpu.memref_squeeze %dma_start3A_23 : memref<1x128xi32, #tpu.memory_space<vmem>> -> memref<128xi32, #tpu.memory_space<vmem>>
        %dma_start3A_25 = arith.constant 0 : i32
        %dma_start3A_26 = arith.constant 0 : i32
        %dma_start3A_27 = tpu.memref_slice %arg6[%dma_start3A_25, %dma_start3A_26] : memref<10240x128xf32, #tpu.memory_space<vmem_shared>> -> memref<10240x128xf32, #tpu.memory_space<vmem_shared>>
        tpu.enqueue_indirect_dma source(%arg8 : memref<128x128xf32, #tpu.memory_space<vmem>>) target(%dma_start3A_27 : memref<10240x128xf32, #tpu.memory_space<vmem_shared>>) offsets(%dma_start3A_24 : memref<128xi32, #tpu.memory_space<vmem>>) semaphore(%run_scoped3A_22 : memref<!tpu.dma_semaphore, #tpu.memory_space<semaphore_mem>>) {add = true}
        %dma_wait3A = arith.constant 0 : i32
        %dma_wait3A_28 = tpu.memref_slice %arg7[%run_scoped3A_17, %dma_wait3A] : memref<8x128xi32, #tpu.memory_space<vmem>> -> memref<1x128xi32, #tpu.memory_space<vmem>>
        %dma_wait3A_29 = tpu.memref_squeeze %dma_wait3A_28 : memref<1x128xi32, #tpu.memory_space<vmem>> -> memref<128xi32, #tpu.memory_space<vmem>>
        %dma_wait3A_30 = arith.constant 0 : i32
        %dma_wait3A_31 = arith.constant 0 : i32
        %dma_wait3A_32 = tpu.memref_slice %arg6[%dma_wait3A_30, %dma_wait3A_31] : memref<10240x128xf32, #tpu.memory_space<vmem_shared>> -> memref<10240x128xf32, #tpu.memory_space<vmem_shared>>
        tpu.wait_indirect_dma semaphore(%run_scoped3A_22 : memref<!tpu.dma_semaphore, #tpu.memory_space<semaphore_mem>>) src(%arg8 : memref<128x128xf32, #tpu.memory_space<vmem>>) dst(%dma_wait3A_32 : memref<10240x128xf32, #tpu.memory_space<vmem_shared>>)
        tpu.yield
      }) : () -> ()
      %run_scoped3A_18 = arith.constant 4 : i32
      "tpu.region"() ({
        %run_scoped3A_22 = tpu.sem_alloc : memref<!tpu.dma_semaphore, #tpu.memory_space<semaphore_mem>>
        %dma_start3A = arith.constant 0 : i32
        %dma_start3A_23 = tpu.memref_slice %arg7[%run_scoped3A_18, %dma_start3A] : memref<8x128xi32, #tpu.memory_space<vmem>> -> memref<1x128xi32, #tpu.memory_space<vmem>>
        %dma_start3A_24 = tpu.memref_squeeze %dma_start3A_23 : memref<1x128xi32, #tpu.memory_space<vmem>> -> memref<128xi32, #tpu.memory_space<vmem>>
        %dma_start3A_25 = arith.constant 0 : i32
        %dma_start3A_26 = arith.constant 0 : i32
        %dma_start3A_27 = tpu.memref_slice %arg6[%dma_start3A_25, %dma_start3A_26] : memref<10240x128xf32, #tpu.memory_space<vmem_shared>> -> memref<10240x128xf32, #tpu.memory_space<vmem_shared>>
        tpu.enqueue_indirect_dma source(%arg8 : memref<128x128xf32, #tpu.memory_space<vmem>>) target(%dma_start3A_27 : memref<10240x128xf32, #tpu.memory_space<vmem_shared>>) offsets(%dma_start3A_24 : memref<128xi32, #tpu.memory_space<vmem>>) semaphore(%run_scoped3A_22 : memref<!tpu.dma_semaphore, #tpu.memory_space<semaphore_mem>>) {add = true}
        %dma_wait3A = arith.constant 0 : i32
        %dma_wait3A_28 = tpu.memref_slice %arg7[%run_scoped3A_18, %dma_wait3A] : memref<8x128xi32, #tpu.memory_space<vmem>> -> memref<1x128xi32, #tpu.memory_space<vmem>>
        %dma_wait3A_29 = tpu.memref_squeeze %dma_wait3A_28 : memref<1x128xi32, #tpu.memory_space<vmem>> -> memref<128xi32, #tpu.memory_space<vmem>>
        %dma_wait3A_30 = arith.constant 0 : i32
        %dma_wait3A_31 = arith.constant 0 : i32
        %dma_wait3A_32 = tpu.memref_slice %arg6[%dma_wait3A_30, %dma_wait3A_31] : memref<10240x128xf32, #tpu.memory_space<vmem_shared>> -> memref<10240x128xf32, #tpu.memory_space<vmem_shared>>
        tpu.wait_indirect_dma semaphore(%run_scoped3A_22 : memref<!tpu.dma_semaphore, #tpu.memory_space<semaphore_mem>>) src(%arg8 : memref<128x128xf32, #tpu.memory_space<vmem>>) dst(%dma_wait3A_32 : memref<10240x128xf32, #tpu.memory_space<vmem_shared>>)
        tpu.yield
      }) : () -> ()
      %run_scoped3A_19 = arith.constant 5 : i32
      "tpu.region"() ({
        %run_scoped3A_22 = tpu.sem_alloc : memref<!tpu.dma_semaphore, #tpu.memory_space<semaphore_mem>>
        %dma_start3A = arith.constant 0 : i32
        %dma_start3A_23 = tpu.memref_slice %arg7[%run_scoped3A_19, %dma_start3A] : memref<8x128xi32, #tpu.memory_space<vmem>> -> memref<1x128xi32, #tpu.memory_space<vmem>>
        %dma_start3A_24 = tpu.memref_squeeze %dma_start3A_23 : memref<1x128xi32, #tpu.memory_space<vmem>> -> memref<128xi32, #tpu.memory_space<vmem>>
        %dma_start3A_25 = arith.constant 0 : i32
        %dma_start3A_26 = arith.constant 0 : i32
        %dma_start3A_27 = tpu.memref_slice %arg6[%dma_start3A_25, %dma_start3A_26] : memref<10240x128xf32, #tpu.memory_space<vmem_shared>> -> memref<10240x128xf32, #tpu.memory_space<vmem_shared>>
        tpu.enqueue_indirect_dma source(%arg8 : memref<128x128xf32, #tpu.memory_space<vmem>>) target(%dma_start3A_27 : memref<10240x128xf32, #tpu.memory_space<vmem_shared>>) offsets(%dma_start3A_24 : memref<128xi32, #tpu.memory_space<vmem>>) semaphore(%run_scoped3A_22 : memref<!tpu.dma_semaphore, #tpu.memory_space<semaphore_mem>>) {add = true}
        %dma_wait3A = arith.constant 0 : i32
        %dma_wait3A_28 = tpu.memref_slice %arg7[%run_scoped3A_19, %dma_wait3A] : memref<8x128xi32, #tpu.memory_space<vmem>> -> memref<1x128xi32, #tpu.memory_space<vmem>>
        %dma_wait3A_29 = tpu.memref_squeeze %dma_wait3A_28 : memref<1x128xi32, #tpu.memory_space<vmem>> -> memref<128xi32, #tpu.memory_space<vmem>>
        %dma_wait3A_30 = arith.constant 0 : i32
        %dma_wait3A_31 = arith.constant 0 : i32
        %dma_wait3A_32 = tpu.memref_slice %arg6[%dma_wait3A_30, %dma_wait3A_31] : memref<10240x128xf32, #tpu.memory_space<vmem_shared>> -> memref<10240x128xf32, #tpu.memory_space<vmem_shared>>
        tpu.wait_indirect_dma semaphore(%run_scoped3A_22 : memref<!tpu.dma_semaphore, #tpu.memory_space<semaphore_mem>>) src(%arg8 : memref<128x128xf32, #tpu.memory_space<vmem>>) dst(%dma_wait3A_32 : memref<10240x128xf32, #tpu.memory_space<vmem_shared>>)
        tpu.yield
      }) : () -> ()
      %run_scoped3A_20 = arith.constant 6 : i32
      "tpu.region"() ({
        %run_scoped3A_22 = tpu.sem_alloc : memref<!tpu.dma_semaphore, #tpu.memory_space<semaphore_mem>>
        %dma_start3A = arith.constant 0 : i32
        %dma_start3A_23 = tpu.memref_slice %arg7[%run_scoped3A_20, %dma_start3A] : memref<8x128xi32, #tpu.memory_space<vmem>> -> memref<1x128xi32, #tpu.memory_space<vmem>>
        %dma_start3A_24 = tpu.memref_squeeze %dma_start3A_23 : memref<1x128xi32, #tpu.memory_space<vmem>> -> memref<128xi32, #tpu.memory_space<vmem>>
        %dma_start3A_25 = arith.constant 0 : i32
        %dma_start3A_26 = arith.constant 0 : i32
        %dma_start3A_27 = tpu.memref_slice %arg6[%dma_start3A_25, %dma_start3A_26] : memref<10240x128xf32, #tpu.memory_space<vmem_shared>> -> memref<10240x128xf32, #tpu.memory_space<vmem_shared>>
        tpu.enqueue_indirect_dma source(%arg8 : memref<128x128xf32, #tpu.memory_space<vmem>>) target(%dma_start3A_27 : memref<10240x128xf32, #tpu.memory_space<vmem_shared>>) offsets(%dma_start3A_24 : memref<128xi32, #tpu.memory_space<vmem>>) semaphore(%run_scoped3A_22 : memref<!tpu.dma_semaphore, #tpu.memory_space<semaphore_mem>>) {add = true}
        %dma_wait3A = arith.constant 0 : i32
        %dma_wait3A_28 = tpu.memref_slice %arg7[%run_scoped3A_20, %dma_wait3A] : memref<8x128xi32, #tpu.memory_space<vmem>> -> memref<1x128xi32, #tpu.memory_space<vmem>>
        %dma_wait3A_29 = tpu.memref_squeeze %dma_wait3A_28 : memref<1x128xi32, #tpu.memory_space<vmem>> -> memref<128xi32, #tpu.memory_space<vmem>>
        %dma_wait3A_30 = arith.constant 0 : i32
        %dma_wait3A_31 = arith.constant 0 : i32
        %dma_wait3A_32 = tpu.memref_slice %arg6[%dma_wait3A_30, %dma_wait3A_31] : memref<10240x128xf32, #tpu.memory_space<vmem_shared>> -> memref<10240x128xf32, #tpu.memory_space<vmem_shared>>
        tpu.wait_indirect_dma semaphore(%run_scoped3A_22 : memref<!tpu.dma_semaphore, #tpu.memory_space<semaphore_mem>>) src(%arg8 : memref<128x128xf32, #tpu.memory_space<vmem>>) dst(%dma_wait3A_32 : memref<10240x128xf32, #tpu.memory_space<vmem_shared>>)
        tpu.yield
      }) : () -> ()
      %run_scoped3A_21 = arith.constant 7 : i32
      "tpu.region"() ({
        %run_scoped3A_22 = tpu.sem_alloc : memref<!tpu.dma_semaphore, #tpu.memory_space<semaphore_mem>>
        %dma_start3A = arith.constant 0 : i32
        %dma_start3A_23 = tpu.memref_slice %arg7[%run_scoped3A_21, %dma_start3A] : memref<8x128xi32, #tpu.memory_space<vmem>> -> memref<1x128xi32, #tpu.memory_space<vmem>>
        %dma_start3A_24 = tpu.memref_squeeze %dma_start3A_23 : memref<1x128xi32, #tpu.memory_space<vmem>> -> memref<128xi32, #tpu.memory_space<vmem>>
        %dma_start3A_25 = arith.constant 0 : i32
        %dma_start3A_26 = arith.constant 0 : i32
        %dma_start3A_27 = tpu.memref_slice %arg6[%dma_start3A_25, %dma_start3A_26] : memref<10240x128xf32, #tpu.memory_space<vmem_shared>> -> memref<10240x128xf32, #tpu.memory_space<vmem_shared>>
        tpu.enqueue_indirect_dma source(%arg8 : memref<128x128xf32, #tpu.memory_space<vmem>>) target(%dma_start3A_27 : memref<10240x128xf32, #tpu.memory_space<vmem_shared>>) offsets(%dma_start3A_24 : memref<128xi32, #tpu.memory_space<vmem>>) semaphore(%run_scoped3A_22 : memref<!tpu.dma_semaphore, #tpu.memory_space<semaphore_mem>>) {add = true}
        %dma_wait3A = arith.constant 0 : i32
        %dma_wait3A_28 = tpu.memref_slice %arg7[%run_scoped3A_21, %dma_wait3A] : memref<8x128xi32, #tpu.memory_space<vmem>> -> memref<1x128xi32, #tpu.memory_space<vmem>>
        %dma_wait3A_29 = tpu.memref_squeeze %dma_wait3A_28 : memref<1x128xi32, #tpu.memory_space<vmem>> -> memref<128xi32, #tpu.memory_space<vmem>>
        %dma_wait3A_30 = arith.constant 0 : i32
        %dma_wait3A_31 = arith.constant 0 : i32
        %dma_wait3A_32 = tpu.memref_slice %arg6[%dma_wait3A_30, %dma_wait3A_31] : memref<10240x128xf32, #tpu.memory_space<vmem_shared>> -> memref<10240x128xf32, #tpu.memory_space<vmem_shared>>
        tpu.wait_indirect_dma semaphore(%run_scoped3A_22 : memref<!tpu.dma_semaphore, #tpu.memory_space<semaphore_mem>>) src(%arg8 : memref<128x128xf32, #tpu.memory_space<vmem>>) dst(%dma_wait3A_32 : memref<10240x128xf32, #tpu.memory_space<vmem_shared>>)
        tpu.yield
      }) : () -> ()
    }
    %scan3A_7 = arith.constant 10 : i32
    %barrier3A_8 = arith.constant 0 : index
    tpu.barrier barrier_id(%barrier3A_8)
    %mul3A_9 = arith.constant 10240 : i32
    %mul3A_10 = arith.muli %arg0, %mul3A_9 : i32
    %add3A_11 = arith.addi %mul3A_10, %mul3A_2 : i32
    "tpu.region"() ({
      %run_scoped3A = tpu.sem_alloc : memref<!tpu.dma_semaphore, #tpu.memory_space<semaphore_mem>>
      %dma_start3A = arith.constant 0 : i32
      %dma_start3A_12 = tpu.memref_slice %arg5[%add3A_11, %dma_start3A] : memref<20480x128xf32, #tpu.memory_space<hbm>> -> memref<640x128xf32, #tpu.memory_space<hbm>>
      %dma_start3A_13 = arith.constant 0 : i32
      %dma_start3A_14 = tpu.memref_slice %arg6[%mul3A_2, %dma_start3A_13] : memref<10240x128xf32, #tpu.memory_space<vmem_shared>> -> memref<640x128xf32, #tpu.memory_space<vmem_shared>>
      tpu.enqueue_dma source(%dma_start3A_14 : memref<640x128xf32, #tpu.memory_space<vmem_shared>>) target(%dma_start3A_12 : memref<640x128xf32, #tpu.memory_space<hbm>>) target_semaphore(%run_scoped3A : memref<!tpu.dma_semaphore, #tpu.memory_space<semaphore_mem>>)
      %dma_wait3A = arith.constant 0 : i32
      %dma_wait3A_15 = tpu.memref_slice %arg5[%add3A_11, %dma_wait3A] : memref<20480x128xf32, #tpu.memory_space<hbm>> -> memref<640x128xf32, #tpu.memory_space<hbm>>
      %dma_wait3A_16 = arith.constant 0 : i32
      %dma_wait3A_17 = tpu.memref_slice %arg6[%mul3A_2, %dma_wait3A_16] : memref<10240x128xf32, #tpu.memory_space<vmem_shared>> -> memref<640x128xf32, #tpu.memory_space<vmem_shared>>
      tpu.wait_dma2 semaphore(%run_scoped3A : memref<!tpu.dma_semaphore, #tpu.memory_space<semaphore_mem>>) src(%dma_wait3A_17 : memref<640x128xf32, #tpu.memory_space<vmem_shared>>) dst(%dma_wait3A_15 : memref<640x128xf32, #tpu.memory_space<hbm>>)
      tpu.yield
    }) : () -> ()
    return
  }
}

#map = affine_map<(d0, d1) -> (0, 0)>
#map1 = affine_map<(d0, d1) -> (0, 0, 0)>
module attributes {stable_mosaic.version = 14 : i64} {
  func.func @body(%arg0: i32, %arg1: i32, %arg2: memref<10256x128xf32, #tpu.memory_space<hbm>>, %arg3: memref<32x80x128xi32, #tpu.memory_space<hbm>>, %arg4: memref<32x80x128xi32, #tpu.memory_space<hbm>>, %arg5: memref<640x128xf32, #tpu.memory_space<hbm>>, %arg6: memref<20480x128xf32, #tpu.memory_space<hbm>>, %arg7: memref<10240x128xf32, #tpu.memory_space<vmem_shared>>, %arg8: memref<8x128xi32, #tpu.memory_space<vmem>>, %arg9: memref<8x128xi32, #tpu.memory_space<vmem>>, %arg10: memref<128x128xf32, #tpu.memory_space<vmem>>, %arg11: memref<128x128xf32, #tpu.memory_space<vmem>>, %arg12: memref<!tpu.dma_semaphore, #tpu.memory_space<semaphore_mem>>, %arg13: memref<!tpu.dma_semaphore, #tpu.memory_space<semaphore_mem>>, %arg14: memref<!tpu.dma_semaphore, #tpu.memory_space<semaphore_mem>>, %arg15: memref<!tpu.dma_semaphore, #tpu.memory_space<semaphore_mem>>) attributes {dimension_semantics = [#tpu.dimension_semantics<core_parallel>, #tpu.dimension_semantics<subcore_parallel>], iteration_bounds = array<i64: 2, 16>, scalar_prefetch = 0 : i64, scratch_operands = 9 : i64, tpu.core_type = #tpu.core_type<sc_vector_subcore>, window_params = [{transform_indices = #map}, {transform_indices = #map1}, {transform_indices = #map1}, {transform_indices = #map}, {transform_indices = #map}]} {
    %mul3A = arith.constant 2 : i32
    %mul3A_0 = arith.muli %arg1, %mul3A : i32
    %add3A = arith.addi %mul3A_0, %arg0 : i32
    %mul3A_1 = arith.constant 640 : i32
    %mul3A_2 = arith.muli %arg1, %mul3A_1 : i32
    "tpu.region"() ({
      %run_scoped3A = tpu.sem_alloc : memref<!tpu.dma_semaphore, #tpu.memory_space<semaphore_mem>>
      %dma_start3A = arith.constant 0 : i32
      %dma_start3A_12 = tpu.memref_slice %arg7[%mul3A_2, %dma_start3A] : memref<10240x128xf32, #tpu.memory_space<vmem_shared>> -> memref<640x128xf32, #tpu.memory_space<vmem_shared>>
      tpu.enqueue_dma source(%arg5 : memref<640x128xf32, #tpu.memory_space<hbm>>) target(%dma_start3A_12 : memref<640x128xf32, #tpu.memory_space<vmem_shared>>) target_semaphore(%run_scoped3A : memref<!tpu.dma_semaphore, #tpu.memory_space<semaphore_mem>>)
      %dma_wait3A = arith.constant 0 : i32
      %dma_wait3A_13 = tpu.memref_slice %arg7[%mul3A_2, %dma_wait3A] : memref<10240x128xf32, #tpu.memory_space<vmem_shared>> -> memref<640x128xf32, #tpu.memory_space<vmem_shared>>
      tpu.wait_dma2 semaphore(%run_scoped3A : memref<!tpu.dma_semaphore, #tpu.memory_space<semaphore_mem>>) src(%arg5 : memref<640x128xf32, #tpu.memory_space<hbm>>) dst(%dma_wait3A_13 : memref<640x128xf32, #tpu.memory_space<vmem_shared>>)
      tpu.yield
    }) : () -> ()
    %barrier3A = arith.constant 0 : index
    tpu.barrier barrier_id(%barrier3A)
    %scan3A = arith.constant 0 : i32
    %scan3A_3 = arith.constant 0 : i32
    %scan3A_4 = arith.constant 10 : i32
    %scan3A_5 = arith.addi %scan3A_3, %scan3A_4 : i32
    %scan3A_6 = arith.constant 1 : i32
    scf.for %scan3A_12 = %scan3A_3 to %scan3A_5 step %scan3A_6  : i32 {
      %mul3A_13 = arith.constant 8 : i32
      %mul3A_14 = arith.muli %scan3A_12, %mul3A_13 : i32
      "tpu.region"() ({
        %run_scoped3A_134 = tpu.sem_alloc : memref<!tpu.dma_semaphore, #tpu.memory_space<semaphore_mem>>
        %dma_start3A_135 = arith.constant 0 : i32
        %dma_start3A_136 = tpu.memref_slice %arg3[%add3A, %mul3A_14, %dma_start3A_135] : memref<32x80x128xi32, #tpu.memory_space<hbm>> -> memref<1x8x128xi32, #tpu.memory_space<hbm>>
        %dma_start3A_137 = tpu.memref_squeeze %dma_start3A_136 : memref<1x8x128xi32, #tpu.memory_space<hbm>> -> memref<8x128xi32, #tpu.memory_space<hbm>>
        %dma_start3A_138 = arith.constant 0 : i32
        %dma_start3A_139 = tpu.memref_slice %arg3[%add3A, %mul3A_14, %dma_start3A_138] : memref<32x80x128xi32, #tpu.memory_space<hbm>> -> memref<1x8x128xi32, #tpu.memory_space<hbm>>
        %dma_start3A_140 = tpu.memref_squeeze %dma_start3A_139 : memref<1x8x128xi32, #tpu.memory_space<hbm>> -> memref<8x128xi32, #tpu.memory_space<hbm>>
        tpu.enqueue_dma source(%dma_start3A_140 : memref<8x128xi32, #tpu.memory_space<hbm>>) target(%arg8 : memref<8x128xi32, #tpu.memory_space<vmem>>) target_semaphore(%run_scoped3A_134 : memref<!tpu.dma_semaphore, #tpu.memory_space<semaphore_mem>>)
        %dma_wait3A_141 = arith.constant 0 : i32
        %dma_wait3A_142 = tpu.memref_slice %arg3[%add3A, %mul3A_14, %dma_wait3A_141] : memref<32x80x128xi32, #tpu.memory_space<hbm>> -> memref<1x8x128xi32, #tpu.memory_space<hbm>>
        %dma_wait3A_143 = tpu.memref_squeeze %dma_wait3A_142 : memref<1x8x128xi32, #tpu.memory_space<hbm>> -> memref<8x128xi32, #tpu.memory_space<hbm>>
        %dma_wait3A_144 = arith.constant 0 : i32
        %dma_wait3A_145 = tpu.memref_slice %arg3[%add3A, %mul3A_14, %dma_wait3A_144] : memref<32x80x128xi32, #tpu.memory_space<hbm>> -> memref<1x8x128xi32, #tpu.memory_space<hbm>>
        %dma_wait3A_146 = tpu.memref_squeeze %dma_wait3A_145 : memref<1x8x128xi32, #tpu.memory_space<hbm>> -> memref<8x128xi32, #tpu.memory_space<hbm>>
        tpu.wait_dma2 semaphore(%run_scoped3A_134 : memref<!tpu.dma_semaphore, #tpu.memory_space<semaphore_mem>>) src(%dma_wait3A_146 : memref<8x128xi32, #tpu.memory_space<hbm>>) dst(%arg8 : memref<8x128xi32, #tpu.memory_space<vmem>>)
        tpu.yield
      }) : () -> ()
      %mul3A_15 = arith.constant 8 : i32
      %mul3A_16 = arith.muli %scan3A_12, %mul3A_15 : i32
      "tpu.region"() ({
        %run_scoped3A_134 = tpu.sem_alloc : memref<!tpu.dma_semaphore, #tpu.memory_space<semaphore_mem>>
        %dma_start3A_135 = arith.constant 0 : i32
        %dma_start3A_136 = tpu.memref_slice %arg4[%add3A, %mul3A_16, %dma_start3A_135] : memref<32x80x128xi32, #tpu.memory_space<hbm>> -> memref<1x8x128xi32, #tpu.memory_space<hbm>>
        %dma_start3A_137 = tpu.memref_squeeze %dma_start3A_136 : memref<1x8x128xi32, #tpu.memory_space<hbm>> -> memref<8x128xi32, #tpu.memory_space<hbm>>
        %dma_start3A_138 = arith.constant 0 : i32
        %dma_start3A_139 = tpu.memref_slice %arg4[%add3A, %mul3A_16, %dma_start3A_138] : memref<32x80x128xi32, #tpu.memory_space<hbm>> -> memref<1x8x128xi32, #tpu.memory_space<hbm>>
        %dma_start3A_140 = tpu.memref_squeeze %dma_start3A_139 : memref<1x8x128xi32, #tpu.memory_space<hbm>> -> memref<8x128xi32, #tpu.memory_space<hbm>>
        tpu.enqueue_dma source(%dma_start3A_140 : memref<8x128xi32, #tpu.memory_space<hbm>>) target(%arg9 : memref<8x128xi32, #tpu.memory_space<vmem>>) target_semaphore(%run_scoped3A_134 : memref<!tpu.dma_semaphore, #tpu.memory_space<semaphore_mem>>)
        %dma_wait3A_141 = arith.constant 0 : i32
        %dma_wait3A_142 = tpu.memref_slice %arg4[%add3A, %mul3A_16, %dma_wait3A_141] : memref<32x80x128xi32, #tpu.memory_space<hbm>> -> memref<1x8x128xi32, #tpu.memory_space<hbm>>
        %dma_wait3A_143 = tpu.memref_squeeze %dma_wait3A_142 : memref<1x8x128xi32, #tpu.memory_space<hbm>> -> memref<8x128xi32, #tpu.memory_space<hbm>>
        %dma_wait3A_144 = arith.constant 0 : i32
        %dma_wait3A_145 = tpu.memref_slice %arg4[%add3A, %mul3A_16, %dma_wait3A_144] : memref<32x80x128xi32, #tpu.memory_space<hbm>> -> memref<1x8x128xi32, #tpu.memory_space<hbm>>
        %dma_wait3A_146 = tpu.memref_squeeze %dma_wait3A_145 : memref<1x8x128xi32, #tpu.memory_space<hbm>> -> memref<8x128xi32, #tpu.memory_space<hbm>>
        tpu.wait_dma2 semaphore(%run_scoped3A_134 : memref<!tpu.dma_semaphore, #tpu.memory_space<semaphore_mem>>) src(%dma_wait3A_146 : memref<8x128xi32, #tpu.memory_space<hbm>>) dst(%arg9 : memref<8x128xi32, #tpu.memory_space<vmem>>)
        tpu.yield
      }) : () -> ()
      %dma_start3A = arith.constant 0 : i32
      %dma_start3A_17 = arith.constant 0 : i32
      %dma_start3A_18 = tpu.memref_slice %arg8[%dma_start3A, %dma_start3A_17] : memref<8x128xi32, #tpu.memory_space<vmem>> -> memref<1x128xi32, #tpu.memory_space<vmem>>
      %dma_start3A_19 = tpu.memref_squeeze %dma_start3A_18 : memref<1x128xi32, #tpu.memory_space<vmem>> -> memref<128xi32, #tpu.memory_space<vmem>>
      %dma_start3A_20 = arith.constant 0 : i32
      %dma_start3A_21 = arith.constant 0 : i32
      %dma_start3A_22 = tpu.memref_slice %arg2[%dma_start3A_20, %dma_start3A_21] : memref<10256x128xf32, #tpu.memory_space<hbm>> -> memref<10256x128xf32, #tpu.memory_space<hbm>>
      tpu.enqueue_indirect_dma source(%dma_start3A_22 : memref<10256x128xf32, #tpu.memory_space<hbm>>) target(%arg10 : memref<128x128xf32, #tpu.memory_space<vmem>>) offsets(%dma_start3A_19 : memref<128xi32, #tpu.memory_space<vmem>>) semaphore(%arg12 : memref<!tpu.dma_semaphore, #tpu.memory_space<semaphore_mem>>)
      %dma_wait3A = arith.constant 0 : i32
      %dma_wait3A_23 = arith.constant 0 : i32
      %dma_wait3A_24 = tpu.memref_slice %arg8[%dma_wait3A, %dma_wait3A_23] : memref<8x128xi32, #tpu.memory_space<vmem>> -> memref<1x128xi32, #tpu.memory_space<vmem>>
      %dma_wait3A_25 = tpu.memref_squeeze %dma_wait3A_24 : memref<1x128xi32, #tpu.memory_space<vmem>> -> memref<128xi32, #tpu.memory_space<vmem>>
      %dma_wait3A_26 = arith.constant 0 : i32
      %dma_wait3A_27 = arith.constant 0 : i32
      %dma_wait3A_28 = tpu.memref_slice %arg2[%dma_wait3A_26, %dma_wait3A_27] : memref<10256x128xf32, #tpu.memory_space<hbm>> -> memref<10256x128xf32, #tpu.memory_space<hbm>>
      tpu.wait_indirect_dma semaphore(%arg12 : memref<!tpu.dma_semaphore, #tpu.memory_space<semaphore_mem>>) src(%dma_wait3A_28 : memref<10256x128xf32, #tpu.memory_space<hbm>>) dst(%arg10 : memref<128x128xf32, #tpu.memory_space<vmem>>)
      %run_scoped3A = arith.constant 0 : i32
      "tpu.region"() ({
        %run_scoped3A_134 = tpu.sem_alloc : memref<!tpu.dma_semaphore, #tpu.memory_space<semaphore_mem>>
        %dma_start3A_135 = arith.constant 0 : i32
        %dma_start3A_136 = tpu.memref_slice %arg9[%run_scoped3A, %dma_start3A_135] : memref<8x128xi32, #tpu.memory_space<vmem>> -> memref<1x128xi32, #tpu.memory_space<vmem>>
        %dma_start3A_137 = tpu.memref_squeeze %dma_start3A_136 : memref<1x128xi32, #tpu.memory_space<vmem>> -> memref<128xi32, #tpu.memory_space<vmem>>
        %dma_start3A_138 = arith.constant 0 : i32
        %dma_start3A_139 = arith.constant 0 : i32
        %dma_start3A_140 = tpu.memref_slice %arg7[%dma_start3A_138, %dma_start3A_139] : memref<10240x128xf32, #tpu.memory_space<vmem_shared>> -> memref<10240x128xf32, #tpu.memory_space<vmem_shared>>
        tpu.enqueue_indirect_dma source(%arg10 : memref<128x128xf32, #tpu.memory_space<vmem>>) target(%dma_start3A_140 : memref<10240x128xf32, #tpu.memory_space<vmem_shared>>) offsets(%dma_start3A_137 : memref<128xi32, #tpu.memory_space<vmem>>) semaphore(%run_scoped3A_134 : memref<!tpu.dma_semaphore, #tpu.memory_space<semaphore_mem>>) {add = true}
        %dma_wait3A_141 = arith.constant 0 : i32
        %dma_wait3A_142 = tpu.memref_slice %arg9[%run_scoped3A, %dma_wait3A_141] : memref<8x128xi32, #tpu.memory_space<vmem>> -> memref<1x128xi32, #tpu.memory_space<vmem>>
        %dma_wait3A_143 = tpu.memref_squeeze %dma_wait3A_142 : memref<1x128xi32, #tpu.memory_space<vmem>> -> memref<128xi32, #tpu.memory_space<vmem>>
        %dma_wait3A_144 = arith.constant 0 : i32
        %dma_wait3A_145 = arith.constant 0 : i32
        %dma_wait3A_146 = tpu.memref_slice %arg7[%dma_wait3A_144, %dma_wait3A_145] : memref<10240x128xf32, #tpu.memory_space<vmem_shared>> -> memref<10240x128xf32, #tpu.memory_space<vmem_shared>>
        tpu.wait_indirect_dma semaphore(%run_scoped3A_134 : memref<!tpu.dma_semaphore, #tpu.memory_space<semaphore_mem>>) src(%arg10 : memref<128x128xf32, #tpu.memory_space<vmem>>) dst(%dma_wait3A_146 : memref<10240x128xf32, #tpu.memory_space<vmem_shared>>)
        tpu.yield
      }) : () -> ()
      %dma_start3A_29 = arith.constant 1 : i32
      %dma_start3A_30 = arith.constant 0 : i32
      %dma_start3A_31 = tpu.memref_slice %arg8[%dma_start3A_29, %dma_start3A_30] : memref<8x128xi32, #tpu.memory_space<vmem>> -> memref<1x128xi32, #tpu.memory_space<vmem>>
      %dma_start3A_32 = tpu.memref_squeeze %dma_start3A_31 : memref<1x128xi32, #tpu.memory_space<vmem>> -> memref<128xi32, #tpu.memory_space<vmem>>
      %dma_start3A_33 = arith.constant 0 : i32
      %dma_start3A_34 = arith.constant 0 : i32
      %dma_start3A_35 = tpu.memref_slice %arg2[%dma_start3A_33, %dma_start3A_34] : memref<10256x128xf32, #tpu.memory_space<hbm>> -> memref<10256x128xf32, #tpu.memory_space<hbm>>
      tpu.enqueue_indirect_dma source(%dma_start3A_35 : memref<10256x128xf32, #tpu.memory_space<hbm>>) target(%arg10 : memref<128x128xf32, #tpu.memory_space<vmem>>) offsets(%dma_start3A_32 : memref<128xi32, #tpu.memory_space<vmem>>) semaphore(%arg12 : memref<!tpu.dma_semaphore, #tpu.memory_space<semaphore_mem>>)
      %dma_wait3A_36 = arith.constant 1 : i32
      %dma_wait3A_37 = arith.constant 0 : i32
      %dma_wait3A_38 = tpu.memref_slice %arg8[%dma_wait3A_36, %dma_wait3A_37] : memref<8x128xi32, #tpu.memory_space<vmem>> -> memref<1x128xi32, #tpu.memory_space<vmem>>
      %dma_wait3A_39 = tpu.memref_squeeze %dma_wait3A_38 : memref<1x128xi32, #tpu.memory_space<vmem>> -> memref<128xi32, #tpu.memory_space<vmem>>
      %dma_wait3A_40 = arith.constant 0 : i32
      %dma_wait3A_41 = arith.constant 0 : i32
      %dma_wait3A_42 = tpu.memref_slice %arg2[%dma_wait3A_40, %dma_wait3A_41] : memref<10256x128xf32, #tpu.memory_space<hbm>> -> memref<10256x128xf32, #tpu.memory_space<hbm>>
      tpu.wait_indirect_dma semaphore(%arg12 : memref<!tpu.dma_semaphore, #tpu.memory_space<semaphore_mem>>) src(%dma_wait3A_42 : memref<10256x128xf32, #tpu.memory_space<hbm>>) dst(%arg10 : memref<128x128xf32, #tpu.memory_space<vmem>>)
      %run_scoped3A_43 = arith.constant 1 : i32
      "tpu.region"() ({
        %run_scoped3A_134 = tpu.sem_alloc : memref<!tpu.dma_semaphore, #tpu.memory_space<semaphore_mem>>
        %dma_start3A_135 = arith.constant 0 : i32
        %dma_start3A_136 = tpu.memref_slice %arg9[%run_scoped3A_43, %dma_start3A_135] : memref<8x128xi32, #tpu.memory_space<vmem>> -> memref<1x128xi32, #tpu.memory_space<vmem>>
        %dma_start3A_137 = tpu.memref_squeeze %dma_start3A_136 : memref<1x128xi32, #tpu.memory_space<vmem>> -> memref<128xi32, #tpu.memory_space<vmem>>
        %dma_start3A_138 = arith.constant 0 : i32
        %dma_start3A_139 = arith.constant 0 : i32
        %dma_start3A_140 = tpu.memref_slice %arg7[%dma_start3A_138, %dma_start3A_139] : memref<10240x128xf32, #tpu.memory_space<vmem_shared>> -> memref<10240x128xf32, #tpu.memory_space<vmem_shared>>
        tpu.enqueue_indirect_dma source(%arg10 : memref<128x128xf32, #tpu.memory_space<vmem>>) target(%dma_start3A_140 : memref<10240x128xf32, #tpu.memory_space<vmem_shared>>) offsets(%dma_start3A_137 : memref<128xi32, #tpu.memory_space<vmem>>) semaphore(%run_scoped3A_134 : memref<!tpu.dma_semaphore, #tpu.memory_space<semaphore_mem>>) {add = true}
        %dma_wait3A_141 = arith.constant 0 : i32
        %dma_wait3A_142 = tpu.memref_slice %arg9[%run_scoped3A_43, %dma_wait3A_141] : memref<8x128xi32, #tpu.memory_space<vmem>> -> memref<1x128xi32, #tpu.memory_space<vmem>>
        %dma_wait3A_143 = tpu.memref_squeeze %dma_wait3A_142 : memref<1x128xi32, #tpu.memory_space<vmem>> -> memref<128xi32, #tpu.memory_space<vmem>>
        %dma_wait3A_144 = arith.constant 0 : i32
        %dma_wait3A_145 = arith.constant 0 : i32
        %dma_wait3A_146 = tpu.memref_slice %arg7[%dma_wait3A_144, %dma_wait3A_145] : memref<10240x128xf32, #tpu.memory_space<vmem_shared>> -> memref<10240x128xf32, #tpu.memory_space<vmem_shared>>
        tpu.wait_indirect_dma semaphore(%run_scoped3A_134 : memref<!tpu.dma_semaphore, #tpu.memory_space<semaphore_mem>>) src(%arg10 : memref<128x128xf32, #tpu.memory_space<vmem>>) dst(%dma_wait3A_146 : memref<10240x128xf32, #tpu.memory_space<vmem_shared>>)
        tpu.yield
      }) : () -> ()
      %dma_start3A_44 = arith.constant 2 : i32
      %dma_start3A_45 = arith.constant 0 : i32
      %dma_start3A_46 = tpu.memref_slice %arg8[%dma_start3A_44, %dma_start3A_45] : memref<8x128xi32, #tpu.memory_space<vmem>> -> memref<1x128xi32, #tpu.memory_space<vmem>>
      %dma_start3A_47 = tpu.memref_squeeze %dma_start3A_46 : memref<1x128xi32, #tpu.memory_space<vmem>> -> memref<128xi32, #tpu.memory_space<vmem>>
      %dma_start3A_48 = arith.constant 0 : i32
      %dma_start3A_49 = arith.constant 0 : i32
      %dma_start3A_50 = tpu.memref_slice %arg2[%dma_start3A_48, %dma_start3A_49] : memref<10256x128xf32, #tpu.memory_space<hbm>> -> memref<10256x128xf32, #tpu.memory_space<hbm>>
      tpu.enqueue_indirect_dma source(%dma_start3A_50 : memref<10256x128xf32, #tpu.memory_space<hbm>>) target(%arg10 : memref<128x128xf32, #tpu.memory_space<vmem>>) offsets(%dma_start3A_47 : memref<128xi32, #tpu.memory_space<vmem>>) semaphore(%arg12 : memref<!tpu.dma_semaphore, #tpu.memory_space<semaphore_mem>>)
      %dma_wait3A_51 = arith.constant 2 : i32
      %dma_wait3A_52 = arith.constant 0 : i32
      %dma_wait3A_53 = tpu.memref_slice %arg8[%dma_wait3A_51, %dma_wait3A_52] : memref<8x128xi32, #tpu.memory_space<vmem>> -> memref<1x128xi32, #tpu.memory_space<vmem>>
      %dma_wait3A_54 = tpu.memref_squeeze %dma_wait3A_53 : memref<1x128xi32, #tpu.memory_space<vmem>> -> memref<128xi32, #tpu.memory_space<vmem>>
      %dma_wait3A_55 = arith.constant 0 : i32
      %dma_wait3A_56 = arith.constant 0 : i32
      %dma_wait3A_57 = tpu.memref_slice %arg2[%dma_wait3A_55, %dma_wait3A_56] : memref<10256x128xf32, #tpu.memory_space<hbm>> -> memref<10256x128xf32, #tpu.memory_space<hbm>>
      tpu.wait_indirect_dma semaphore(%arg12 : memref<!tpu.dma_semaphore, #tpu.memory_space<semaphore_mem>>) src(%dma_wait3A_57 : memref<10256x128xf32, #tpu.memory_space<hbm>>) dst(%arg10 : memref<128x128xf32, #tpu.memory_space<vmem>>)
      %run_scoped3A_58 = arith.constant 2 : i32
      "tpu.region"() ({
        %run_scoped3A_134 = tpu.sem_alloc : memref<!tpu.dma_semaphore, #tpu.memory_space<semaphore_mem>>
        %dma_start3A_135 = arith.constant 0 : i32
        %dma_start3A_136 = tpu.memref_slice %arg9[%run_scoped3A_58, %dma_start3A_135] : memref<8x128xi32, #tpu.memory_space<vmem>> -> memref<1x128xi32, #tpu.memory_space<vmem>>
        %dma_start3A_137 = tpu.memref_squeeze %dma_start3A_136 : memref<1x128xi32, #tpu.memory_space<vmem>> -> memref<128xi32, #tpu.memory_space<vmem>>
        %dma_start3A_138 = arith.constant 0 : i32
        %dma_start3A_139 = arith.constant 0 : i32
        %dma_start3A_140 = tpu.memref_slice %arg7[%dma_start3A_138, %dma_start3A_139] : memref<10240x128xf32, #tpu.memory_space<vmem_shared>> -> memref<10240x128xf32, #tpu.memory_space<vmem_shared>>
        tpu.enqueue_indirect_dma source(%arg10 : memref<128x128xf32, #tpu.memory_space<vmem>>) target(%dma_start3A_140 : memref<10240x128xf32, #tpu.memory_space<vmem_shared>>) offsets(%dma_start3A_137 : memref<128xi32, #tpu.memory_space<vmem>>) semaphore(%run_scoped3A_134 : memref<!tpu.dma_semaphore, #tpu.memory_space<semaphore_mem>>) {add = true}
        %dma_wait3A_141 = arith.constant 0 : i32
        %dma_wait3A_142 = tpu.memref_slice %arg9[%run_scoped3A_58, %dma_wait3A_141] : memref<8x128xi32, #tpu.memory_space<vmem>> -> memref<1x128xi32, #tpu.memory_space<vmem>>
        %dma_wait3A_143 = tpu.memref_squeeze %dma_wait3A_142 : memref<1x128xi32, #tpu.memory_space<vmem>> -> memref<128xi32, #tpu.memory_space<vmem>>
        %dma_wait3A_144 = arith.constant 0 : i32
        %dma_wait3A_145 = arith.constant 0 : i32
        %dma_wait3A_146 = tpu.memref_slice %arg7[%dma_wait3A_144, %dma_wait3A_145] : memref<10240x128xf32, #tpu.memory_space<vmem_shared>> -> memref<10240x128xf32, #tpu.memory_space<vmem_shared>>
        tpu.wait_indirect_dma semaphore(%run_scoped3A_134 : memref<!tpu.dma_semaphore, #tpu.memory_space<semaphore_mem>>) src(%arg10 : memref<128x128xf32, #tpu.memory_space<vmem>>) dst(%dma_wait3A_146 : memref<10240x128xf32, #tpu.memory_space<vmem_shared>>)
        tpu.yield
      }) : () -> ()
      %dma_start3A_59 = arith.constant 3 : i32
      %dma_start3A_60 = arith.constant 0 : i32
      %dma_start3A_61 = tpu.memref_slice %arg8[%dma_start3A_59, %dma_start3A_60] : memref<8x128xi32, #tpu.memory_space<vmem>> -> memref<1x128xi32, #tpu.memory_space<vmem>>
      %dma_start3A_62 = tpu.memref_squeeze %dma_start3A_61 : memref<1x128xi32, #tpu.memory_space<vmem>> -> memref<128xi32, #tpu.memory_space<vmem>>
      %dma_start3A_63 = arith.constant 0 : i32
      %dma_start3A_64 = arith.constant 0 : i32
      %dma_start3A_65 = tpu.memref_slice %arg2[%dma_start3A_63, %dma_start3A_64] : memref<10256x128xf32, #tpu.memory_space<hbm>> -> memref<10256x128xf32, #tpu.memory_space<hbm>>
      tpu.enqueue_indirect_dma source(%dma_start3A_65 : memref<10256x128xf32, #tpu.memory_space<hbm>>) target(%arg10 : memref<128x128xf32, #tpu.memory_space<vmem>>) offsets(%dma_start3A_62 : memref<128xi32, #tpu.memory_space<vmem>>) semaphore(%arg12 : memref<!tpu.dma_semaphore, #tpu.memory_space<semaphore_mem>>)
      %dma_wait3A_66 = arith.constant 3 : i32
      %dma_wait3A_67 = arith.constant 0 : i32
      %dma_wait3A_68 = tpu.memref_slice %arg8[%dma_wait3A_66, %dma_wait3A_67] : memref<8x128xi32, #tpu.memory_space<vmem>> -> memref<1x128xi32, #tpu.memory_space<vmem>>
      %dma_wait3A_69 = tpu.memref_squeeze %dma_wait3A_68 : memref<1x128xi32, #tpu.memory_space<vmem>> -> memref<128xi32, #tpu.memory_space<vmem>>
      %dma_wait3A_70 = arith.constant 0 : i32
      %dma_wait3A_71 = arith.constant 0 : i32
      %dma_wait3A_72 = tpu.memref_slice %arg2[%dma_wait3A_70, %dma_wait3A_71] : memref<10256x128xf32, #tpu.memory_space<hbm>> -> memref<10256x128xf32, #tpu.memory_space<hbm>>
      tpu.wait_indirect_dma semaphore(%arg12 : memref<!tpu.dma_semaphore, #tpu.memory_space<semaphore_mem>>) src(%dma_wait3A_72 : memref<10256x128xf32, #tpu.memory_space<hbm>>) dst(%arg10 : memref<128x128xf32, #tpu.memory_space<vmem>>)
      %run_scoped3A_73 = arith.constant 3 : i32
      "tpu.region"() ({
        %run_scoped3A_134 = tpu.sem_alloc : memref<!tpu.dma_semaphore, #tpu.memory_space<semaphore_mem>>
        %dma_start3A_135 = arith.constant 0 : i32
        %dma_start3A_136 = tpu.memref_slice %arg9[%run_scoped3A_73, %dma_start3A_135] : memref<8x128xi32, #tpu.memory_space<vmem>> -> memref<1x128xi32, #tpu.memory_space<vmem>>
        %dma_start3A_137 = tpu.memref_squeeze %dma_start3A_136 : memref<1x128xi32, #tpu.memory_space<vmem>> -> memref<128xi32, #tpu.memory_space<vmem>>
        %dma_start3A_138 = arith.constant 0 : i32
        %dma_start3A_139 = arith.constant 0 : i32
        %dma_start3A_140 = tpu.memref_slice %arg7[%dma_start3A_138, %dma_start3A_139] : memref<10240x128xf32, #tpu.memory_space<vmem_shared>> -> memref<10240x128xf32, #tpu.memory_space<vmem_shared>>
        tpu.enqueue_indirect_dma source(%arg10 : memref<128x128xf32, #tpu.memory_space<vmem>>) target(%dma_start3A_140 : memref<10240x128xf32, #tpu.memory_space<vmem_shared>>) offsets(%dma_start3A_137 : memref<128xi32, #tpu.memory_space<vmem>>) semaphore(%run_scoped3A_134 : memref<!tpu.dma_semaphore, #tpu.memory_space<semaphore_mem>>) {add = true}
        %dma_wait3A_141 = arith.constant 0 : i32
        %dma_wait3A_142 = tpu.memref_slice %arg9[%run_scoped3A_73, %dma_wait3A_141] : memref<8x128xi32, #tpu.memory_space<vmem>> -> memref<1x128xi32, #tpu.memory_space<vmem>>
        %dma_wait3A_143 = tpu.memref_squeeze %dma_wait3A_142 : memref<1x128xi32, #tpu.memory_space<vmem>> -> memref<128xi32, #tpu.memory_space<vmem>>
        %dma_wait3A_144 = arith.constant 0 : i32
        %dma_wait3A_145 = arith.constant 0 : i32
        %dma_wait3A_146 = tpu.memref_slice %arg7[%dma_wait3A_144, %dma_wait3A_145] : memref<10240x128xf32, #tpu.memory_space<vmem_shared>> -> memref<10240x128xf32, #tpu.memory_space<vmem_shared>>
        tpu.wait_indirect_dma semaphore(%run_scoped3A_134 : memref<!tpu.dma_semaphore, #tpu.memory_space<semaphore_mem>>) src(%arg10 : memref<128x128xf32, #tpu.memory_space<vmem>>) dst(%dma_wait3A_146 : memref<10240x128xf32, #tpu.memory_space<vmem_shared>>)
        tpu.yield
      }) : () -> ()
      %dma_start3A_74 = arith.constant 4 : i32
      %dma_start3A_75 = arith.constant 0 : i32
      %dma_start3A_76 = tpu.memref_slice %arg8[%dma_start3A_74, %dma_start3A_75] : memref<8x128xi32, #tpu.memory_space<vmem>> -> memref<1x128xi32, #tpu.memory_space<vmem>>
      %dma_start3A_77 = tpu.memref_squeeze %dma_start3A_76 : memref<1x128xi32, #tpu.memory_space<vmem>> -> memref<128xi32, #tpu.memory_space<vmem>>
      %dma_start3A_78 = arith.constant 0 : i32
      %dma_start3A_79 = arith.constant 0 : i32
      %dma_start3A_80 = tpu.memref_slice %arg2[%dma_start3A_78, %dma_start3A_79] : memref<10256x128xf32, #tpu.memory_space<hbm>> -> memref<10256x128xf32, #tpu.memory_space<hbm>>
      tpu.enqueue_indirect_dma source(%dma_start3A_80 : memref<10256x128xf32, #tpu.memory_space<hbm>>) target(%arg10 : memref<128x128xf32, #tpu.memory_space<vmem>>) offsets(%dma_start3A_77 : memref<128xi32, #tpu.memory_space<vmem>>) semaphore(%arg12 : memref<!tpu.dma_semaphore, #tpu.memory_space<semaphore_mem>>)
      %dma_wait3A_81 = arith.constant 4 : i32
      %dma_wait3A_82 = arith.constant 0 : i32
      %dma_wait3A_83 = tpu.memref_slice %arg8[%dma_wait3A_81, %dma_wait3A_82] : memref<8x128xi32, #tpu.memory_space<vmem>> -> memref<1x128xi32, #tpu.memory_space<vmem>>
      %dma_wait3A_84 = tpu.memref_squeeze %dma_wait3A_83 : memref<1x128xi32, #tpu.memory_space<vmem>> -> memref<128xi32, #tpu.memory_space<vmem>>
      %dma_wait3A_85 = arith.constant 0 : i32
      %dma_wait3A_86 = arith.constant 0 : i32
      %dma_wait3A_87 = tpu.memref_slice %arg2[%dma_wait3A_85, %dma_wait3A_86] : memref<10256x128xf32, #tpu.memory_space<hbm>> -> memref<10256x128xf32, #tpu.memory_space<hbm>>
      tpu.wait_indirect_dma semaphore(%arg12 : memref<!tpu.dma_semaphore, #tpu.memory_space<semaphore_mem>>) src(%dma_wait3A_87 : memref<10256x128xf32, #tpu.memory_space<hbm>>) dst(%arg10 : memref<128x128xf32, #tpu.memory_space<vmem>>)
      %run_scoped3A_88 = arith.constant 4 : i32
      "tpu.region"() ({
        %run_scoped3A_134 = tpu.sem_alloc : memref<!tpu.dma_semaphore, #tpu.memory_space<semaphore_mem>>
        %dma_start3A_135 = arith.constant 0 : i32
        %dma_start3A_136 = tpu.memref_slice %arg9[%run_scoped3A_88, %dma_start3A_135] : memref<8x128xi32, #tpu.memory_space<vmem>> -> memref<1x128xi32, #tpu.memory_space<vmem>>
        %dma_start3A_137 = tpu.memref_squeeze %dma_start3A_136 : memref<1x128xi32, #tpu.memory_space<vmem>> -> memref<128xi32, #tpu.memory_space<vmem>>
        %dma_start3A_138 = arith.constant 0 : i32
        %dma_start3A_139 = arith.constant 0 : i32
        %dma_start3A_140 = tpu.memref_slice %arg7[%dma_start3A_138, %dma_start3A_139] : memref<10240x128xf32, #tpu.memory_space<vmem_shared>> -> memref<10240x128xf32, #tpu.memory_space<vmem_shared>>
        tpu.enqueue_indirect_dma source(%arg10 : memref<128x128xf32, #tpu.memory_space<vmem>>) target(%dma_start3A_140 : memref<10240x128xf32, #tpu.memory_space<vmem_shared>>) offsets(%dma_start3A_137 : memref<128xi32, #tpu.memory_space<vmem>>) semaphore(%run_scoped3A_134 : memref<!tpu.dma_semaphore, #tpu.memory_space<semaphore_mem>>) {add = true}
        %dma_wait3A_141 = arith.constant 0 : i32
        %dma_wait3A_142 = tpu.memref_slice %arg9[%run_scoped3A_88, %dma_wait3A_141] : memref<8x128xi32, #tpu.memory_space<vmem>> -> memref<1x128xi32, #tpu.memory_space<vmem>>
        %dma_wait3A_143 = tpu.memref_squeeze %dma_wait3A_142 : memref<1x128xi32, #tpu.memory_space<vmem>> -> memref<128xi32, #tpu.memory_space<vmem>>
        %dma_wait3A_144 = arith.constant 0 : i32
        %dma_wait3A_145 = arith.constant 0 : i32
        %dma_wait3A_146 = tpu.memref_slice %arg7[%dma_wait3A_144, %dma_wait3A_145] : memref<10240x128xf32, #tpu.memory_space<vmem_shared>> -> memref<10240x128xf32, #tpu.memory_space<vmem_shared>>
        tpu.wait_indirect_dma semaphore(%run_scoped3A_134 : memref<!tpu.dma_semaphore, #tpu.memory_space<semaphore_mem>>) src(%arg10 : memref<128x128xf32, #tpu.memory_space<vmem>>) dst(%dma_wait3A_146 : memref<10240x128xf32, #tpu.memory_space<vmem_shared>>)
        tpu.yield
      }) : () -> ()
      %dma_start3A_89 = arith.constant 5 : i32
      %dma_start3A_90 = arith.constant 0 : i32
      %dma_start3A_91 = tpu.memref_slice %arg8[%dma_start3A_89, %dma_start3A_90] : memref<8x128xi32, #tpu.memory_space<vmem>> -> memref<1x128xi32, #tpu.memory_space<vmem>>
      %dma_start3A_92 = tpu.memref_squeeze %dma_start3A_91 : memref<1x128xi32, #tpu.memory_space<vmem>> -> memref<128xi32, #tpu.memory_space<vmem>>
      %dma_start3A_93 = arith.constant 0 : i32
      %dma_start3A_94 = arith.constant 0 : i32
      %dma_start3A_95 = tpu.memref_slice %arg2[%dma_start3A_93, %dma_start3A_94] : memref<10256x128xf32, #tpu.memory_space<hbm>> -> memref<10256x128xf32, #tpu.memory_space<hbm>>
      tpu.enqueue_indirect_dma source(%dma_start3A_95 : memref<10256x128xf32, #tpu.memory_space<hbm>>) target(%arg10 : memref<128x128xf32, #tpu.memory_space<vmem>>) offsets(%dma_start3A_92 : memref<128xi32, #tpu.memory_space<vmem>>) semaphore(%arg12 : memref<!tpu.dma_semaphore, #tpu.memory_space<semaphore_mem>>)
      %dma_wait3A_96 = arith.constant 5 : i32
      %dma_wait3A_97 = arith.constant 0 : i32
      %dma_wait3A_98 = tpu.memref_slice %arg8[%dma_wait3A_96, %dma_wait3A_97] : memref<8x128xi32, #tpu.memory_space<vmem>> -> memref<1x128xi32, #tpu.memory_space<vmem>>
      %dma_wait3A_99 = tpu.memref_squeeze %dma_wait3A_98 : memref<1x128xi32, #tpu.memory_space<vmem>> -> memref<128xi32, #tpu.memory_space<vmem>>
      %dma_wait3A_100 = arith.constant 0 : i32
      %dma_wait3A_101 = arith.constant 0 : i32
      %dma_wait3A_102 = tpu.memref_slice %arg2[%dma_wait3A_100, %dma_wait3A_101] : memref<10256x128xf32, #tpu.memory_space<hbm>> -> memref<10256x128xf32, #tpu.memory_space<hbm>>
      tpu.wait_indirect_dma semaphore(%arg12 : memref<!tpu.dma_semaphore, #tpu.memory_space<semaphore_mem>>) src(%dma_wait3A_102 : memref<10256x128xf32, #tpu.memory_space<hbm>>) dst(%arg10 : memref<128x128xf32, #tpu.memory_space<vmem>>)
      %run_scoped3A_103 = arith.constant 5 : i32
      "tpu.region"() ({
        %run_scoped3A_134 = tpu.sem_alloc : memref<!tpu.dma_semaphore, #tpu.memory_space<semaphore_mem>>
        %dma_start3A_135 = arith.constant 0 : i32
        %dma_start3A_136 = tpu.memref_slice %arg9[%run_scoped3A_103, %dma_start3A_135] : memref<8x128xi32, #tpu.memory_space<vmem>> -> memref<1x128xi32, #tpu.memory_space<vmem>>
        %dma_start3A_137 = tpu.memref_squeeze %dma_start3A_136 : memref<1x128xi32, #tpu.memory_space<vmem>> -> memref<128xi32, #tpu.memory_space<vmem>>
        %dma_start3A_138 = arith.constant 0 : i32
        %dma_start3A_139 = arith.constant 0 : i32
        %dma_start3A_140 = tpu.memref_slice %arg7[%dma_start3A_138, %dma_start3A_139] : memref<10240x128xf32, #tpu.memory_space<vmem_shared>> -> memref<10240x128xf32, #tpu.memory_space<vmem_shared>>
        tpu.enqueue_indirect_dma source(%arg10 : memref<128x128xf32, #tpu.memory_space<vmem>>) target(%dma_start3A_140 : memref<10240x128xf32, #tpu.memory_space<vmem_shared>>) offsets(%dma_start3A_137 : memref<128xi32, #tpu.memory_space<vmem>>) semaphore(%run_scoped3A_134 : memref<!tpu.dma_semaphore, #tpu.memory_space<semaphore_mem>>) {add = true}
        %dma_wait3A_141 = arith.constant 0 : i32
        %dma_wait3A_142 = tpu.memref_slice %arg9[%run_scoped3A_103, %dma_wait3A_141] : memref<8x128xi32, #tpu.memory_space<vmem>> -> memref<1x128xi32, #tpu.memory_space<vmem>>
        %dma_wait3A_143 = tpu.memref_squeeze %dma_wait3A_142 : memref<1x128xi32, #tpu.memory_space<vmem>> -> memref<128xi32, #tpu.memory_space<vmem>>
        %dma_wait3A_144 = arith.constant 0 : i32
        %dma_wait3A_145 = arith.constant 0 : i32
        %dma_wait3A_146 = tpu.memref_slice %arg7[%dma_wait3A_144, %dma_wait3A_145] : memref<10240x128xf32, #tpu.memory_space<vmem_shared>> -> memref<10240x128xf32, #tpu.memory_space<vmem_shared>>
        tpu.wait_indirect_dma semaphore(%run_scoped3A_134 : memref<!tpu.dma_semaphore, #tpu.memory_space<semaphore_mem>>) src(%arg10 : memref<128x128xf32, #tpu.memory_space<vmem>>) dst(%dma_wait3A_146 : memref<10240x128xf32, #tpu.memory_space<vmem_shared>>)
        tpu.yield
      }) : () -> ()
      %dma_start3A_104 = arith.constant 6 : i32
      %dma_start3A_105 = arith.constant 0 : i32
      %dma_start3A_106 = tpu.memref_slice %arg8[%dma_start3A_104, %dma_start3A_105] : memref<8x128xi32, #tpu.memory_space<vmem>> -> memref<1x128xi32, #tpu.memory_space<vmem>>
      %dma_start3A_107 = tpu.memref_squeeze %dma_start3A_106 : memref<1x128xi32, #tpu.memory_space<vmem>> -> memref<128xi32, #tpu.memory_space<vmem>>
      %dma_start3A_108 = arith.constant 0 : i32
      %dma_start3A_109 = arith.constant 0 : i32
      %dma_start3A_110 = tpu.memref_slice %arg2[%dma_start3A_108, %dma_start3A_109] : memref<10256x128xf32, #tpu.memory_space<hbm>> -> memref<10256x128xf32, #tpu.memory_space<hbm>>
      tpu.enqueue_indirect_dma source(%dma_start3A_110 : memref<10256x128xf32, #tpu.memory_space<hbm>>) target(%arg10 : memref<128x128xf32, #tpu.memory_space<vmem>>) offsets(%dma_start3A_107 : memref<128xi32, #tpu.memory_space<vmem>>) semaphore(%arg12 : memref<!tpu.dma_semaphore, #tpu.memory_space<semaphore_mem>>)
      %dma_wait3A_111 = arith.constant 6 : i32
      %dma_wait3A_112 = arith.constant 0 : i32
      %dma_wait3A_113 = tpu.memref_slice %arg8[%dma_wait3A_111, %dma_wait3A_112] : memref<8x128xi32, #tpu.memory_space<vmem>> -> memref<1x128xi32, #tpu.memory_space<vmem>>
      %dma_wait3A_114 = tpu.memref_squeeze %dma_wait3A_113 : memref<1x128xi32, #tpu.memory_space<vmem>> -> memref<128xi32, #tpu.memory_space<vmem>>
      %dma_wait3A_115 = arith.constant 0 : i32
      %dma_wait3A_116 = arith.constant 0 : i32
      %dma_wait3A_117 = tpu.memref_slice %arg2[%dma_wait3A_115, %dma_wait3A_116] : memref<10256x128xf32, #tpu.memory_space<hbm>> -> memref<10256x128xf32, #tpu.memory_space<hbm>>
      tpu.wait_indirect_dma semaphore(%arg12 : memref<!tpu.dma_semaphore, #tpu.memory_space<semaphore_mem>>) src(%dma_wait3A_117 : memref<10256x128xf32, #tpu.memory_space<hbm>>) dst(%arg10 : memref<128x128xf32, #tpu.memory_space<vmem>>)
      %run_scoped3A_118 = arith.constant 6 : i32
      "tpu.region"() ({
        %run_scoped3A_134 = tpu.sem_alloc : memref<!tpu.dma_semaphore, #tpu.memory_space<semaphore_mem>>
        %dma_start3A_135 = arith.constant 0 : i32
        %dma_start3A_136 = tpu.memref_slice %arg9[%run_scoped3A_118, %dma_start3A_135] : memref<8x128xi32, #tpu.memory_space<vmem>> -> memref<1x128xi32, #tpu.memory_space<vmem>>
        %dma_start3A_137 = tpu.memref_squeeze %dma_start3A_136 : memref<1x128xi32, #tpu.memory_space<vmem>> -> memref<128xi32, #tpu.memory_space<vmem>>
        %dma_start3A_138 = arith.constant 0 : i32
        %dma_start3A_139 = arith.constant 0 : i32
        %dma_start3A_140 = tpu.memref_slice %arg7[%dma_start3A_138, %dma_start3A_139] : memref<10240x128xf32, #tpu.memory_space<vmem_shared>> -> memref<10240x128xf32, #tpu.memory_space<vmem_shared>>
        tpu.enqueue_indirect_dma source(%arg10 : memref<128x128xf32, #tpu.memory_space<vmem>>) target(%dma_start3A_140 : memref<10240x128xf32, #tpu.memory_space<vmem_shared>>) offsets(%dma_start3A_137 : memref<128xi32, #tpu.memory_space<vmem>>) semaphore(%run_scoped3A_134 : memref<!tpu.dma_semaphore, #tpu.memory_space<semaphore_mem>>) {add = true}
        %dma_wait3A_141 = arith.constant 0 : i32
        %dma_wait3A_142 = tpu.memref_slice %arg9[%run_scoped3A_118, %dma_wait3A_141] : memref<8x128xi32, #tpu.memory_space<vmem>> -> memref<1x128xi32, #tpu.memory_space<vmem>>
        %dma_wait3A_143 = tpu.memref_squeeze %dma_wait3A_142 : memref<1x128xi32, #tpu.memory_space<vmem>> -> memref<128xi32, #tpu.memory_space<vmem>>
        %dma_wait3A_144 = arith.constant 0 : i32
        %dma_wait3A_145 = arith.constant 0 : i32
        %dma_wait3A_146 = tpu.memref_slice %arg7[%dma_wait3A_144, %dma_wait3A_145] : memref<10240x128xf32, #tpu.memory_space<vmem_shared>> -> memref<10240x128xf32, #tpu.memory_space<vmem_shared>>
        tpu.wait_indirect_dma semaphore(%run_scoped3A_134 : memref<!tpu.dma_semaphore, #tpu.memory_space<semaphore_mem>>) src(%arg10 : memref<128x128xf32, #tpu.memory_space<vmem>>) dst(%dma_wait3A_146 : memref<10240x128xf32, #tpu.memory_space<vmem_shared>>)
        tpu.yield
      }) : () -> ()
      %dma_start3A_119 = arith.constant 7 : i32
      %dma_start3A_120 = arith.constant 0 : i32
      %dma_start3A_121 = tpu.memref_slice %arg8[%dma_start3A_119, %dma_start3A_120] : memref<8x128xi32, #tpu.memory_space<vmem>> -> memref<1x128xi32, #tpu.memory_space<vmem>>
      %dma_start3A_122 = tpu.memref_squeeze %dma_start3A_121 : memref<1x128xi32, #tpu.memory_space<vmem>> -> memref<128xi32, #tpu.memory_space<vmem>>
      %dma_start3A_123 = arith.constant 0 : i32
      %dma_start3A_124 = arith.constant 0 : i32
      %dma_start3A_125 = tpu.memref_slice %arg2[%dma_start3A_123, %dma_start3A_124] : memref<10256x128xf32, #tpu.memory_space<hbm>> -> memref<10256x128xf32, #tpu.memory_space<hbm>>
      tpu.enqueue_indirect_dma source(%dma_start3A_125 : memref<10256x128xf32, #tpu.memory_space<hbm>>) target(%arg10 : memref<128x128xf32, #tpu.memory_space<vmem>>) offsets(%dma_start3A_122 : memref<128xi32, #tpu.memory_space<vmem>>) semaphore(%arg12 : memref<!tpu.dma_semaphore, #tpu.memory_space<semaphore_mem>>)
      %dma_wait3A_126 = arith.constant 7 : i32
      %dma_wait3A_127 = arith.constant 0 : i32
      %dma_wait3A_128 = tpu.memref_slice %arg8[%dma_wait3A_126, %dma_wait3A_127] : memref<8x128xi32, #tpu.memory_space<vmem>> -> memref<1x128xi32, #tpu.memory_space<vmem>>
      %dma_wait3A_129 = tpu.memref_squeeze %dma_wait3A_128 : memref<1x128xi32, #tpu.memory_space<vmem>> -> memref<128xi32, #tpu.memory_space<vmem>>
      %dma_wait3A_130 = arith.constant 0 : i32
      %dma_wait3A_131 = arith.constant 0 : i32
      %dma_wait3A_132 = tpu.memref_slice %arg2[%dma_wait3A_130, %dma_wait3A_131] : memref<10256x128xf32, #tpu.memory_space<hbm>> -> memref<10256x128xf32, #tpu.memory_space<hbm>>
      tpu.wait_indirect_dma semaphore(%arg12 : memref<!tpu.dma_semaphore, #tpu.memory_space<semaphore_mem>>) src(%dma_wait3A_132 : memref<10256x128xf32, #tpu.memory_space<hbm>>) dst(%arg10 : memref<128x128xf32, #tpu.memory_space<vmem>>)
      %run_scoped3A_133 = arith.constant 7 : i32
      "tpu.region"() ({
        %run_scoped3A_134 = tpu.sem_alloc : memref<!tpu.dma_semaphore, #tpu.memory_space<semaphore_mem>>
        %dma_start3A_135 = arith.constant 0 : i32
        %dma_start3A_136 = tpu.memref_slice %arg9[%run_scoped3A_133, %dma_start3A_135] : memref<8x128xi32, #tpu.memory_space<vmem>> -> memref<1x128xi32, #tpu.memory_space<vmem>>
        %dma_start3A_137 = tpu.memref_squeeze %dma_start3A_136 : memref<1x128xi32, #tpu.memory_space<vmem>> -> memref<128xi32, #tpu.memory_space<vmem>>
        %dma_start3A_138 = arith.constant 0 : i32
        %dma_start3A_139 = arith.constant 0 : i32
        %dma_start3A_140 = tpu.memref_slice %arg7[%dma_start3A_138, %dma_start3A_139] : memref<10240x128xf32, #tpu.memory_space<vmem_shared>> -> memref<10240x128xf32, #tpu.memory_space<vmem_shared>>
        tpu.enqueue_indirect_dma source(%arg10 : memref<128x128xf32, #tpu.memory_space<vmem>>) target(%dma_start3A_140 : memref<10240x128xf32, #tpu.memory_space<vmem_shared>>) offsets(%dma_start3A_137 : memref<128xi32, #tpu.memory_space<vmem>>) semaphore(%run_scoped3A_134 : memref<!tpu.dma_semaphore, #tpu.memory_space<semaphore_mem>>) {add = true}
        %dma_wait3A_141 = arith.constant 0 : i32
        %dma_wait3A_142 = tpu.memref_slice %arg9[%run_scoped3A_133, %dma_wait3A_141] : memref<8x128xi32, #tpu.memory_space<vmem>> -> memref<1x128xi32, #tpu.memory_space<vmem>>
        %dma_wait3A_143 = tpu.memref_squeeze %dma_wait3A_142 : memref<1x128xi32, #tpu.memory_space<vmem>> -> memref<128xi32, #tpu.memory_space<vmem>>
        %dma_wait3A_144 = arith.constant 0 : i32
        %dma_wait3A_145 = arith.constant 0 : i32
        %dma_wait3A_146 = tpu.memref_slice %arg7[%dma_wait3A_144, %dma_wait3A_145] : memref<10240x128xf32, #tpu.memory_space<vmem_shared>> -> memref<10240x128xf32, #tpu.memory_space<vmem_shared>>
        tpu.wait_indirect_dma semaphore(%run_scoped3A_134 : memref<!tpu.dma_semaphore, #tpu.memory_space<semaphore_mem>>) src(%arg10 : memref<128x128xf32, #tpu.memory_space<vmem>>) dst(%dma_wait3A_146 : memref<10240x128xf32, #tpu.memory_space<vmem_shared>>)
        tpu.yield
      }) : () -> ()
    }
    %scan3A_7 = arith.constant 10 : i32
    %barrier3A_8 = arith.constant 0 : index
    tpu.barrier barrier_id(%barrier3A_8)
    %mul3A_9 = arith.constant 10240 : i32
    %mul3A_10 = arith.muli %arg0, %mul3A_9 : i32
    %add3A_11 = arith.addi %mul3A_10, %mul3A_2 : i32
    "tpu.region"() ({
      %run_scoped3A = tpu.sem_alloc : memref<!tpu.dma_semaphore, #tpu.memory_space<semaphore_mem>>
      %dma_start3A = arith.constant 0 : i32
      %dma_start3A_12 = tpu.memref_slice %arg6[%add3A_11, %dma_start3A] : memref<20480x128xf32, #tpu.memory_space<hbm>> -> memref<640x128xf32, #tpu.memory_space<hbm>>
      %dma_start3A_13 = arith.constant 0 : i32
      %dma_start3A_14 = tpu.memref_slice %arg7[%mul3A_2, %dma_start3A_13] : memref<10240x128xf32, #tpu.memory_space<vmem_shared>> -> memref<640x128xf32, #tpu.memory_space<vmem_shared>>
      tpu.enqueue_dma source(%dma_start3A_14 : memref<640x128xf32, #tpu.memory_space<vmem_shared>>) target(%dma_start3A_12 : memref<640x128xf32, #tpu.memory_space<hbm>>) target_semaphore(%run_scoped3A : memref<!tpu.dma_semaphore, #tpu.memory_space<semaphore_mem>>)
      %dma_wait3A = arith.constant 0 : i32
      %dma_wait3A_15 = tpu.memref_slice %arg6[%add3A_11, %dma_wait3A] : memref<20480x128xf32, #tpu.memory_space<hbm>> -> memref<640x128xf32, #tpu.memory_space<hbm>>
      %dma_wait3A_16 = arith.constant 0 : i32
      %dma_wait3A_17 = tpu.memref_slice %arg7[%mul3A_2, %dma_wait3A_16] : memref<10240x128xf32, #tpu.memory_space<vmem_shared>> -> memref<640x128xf32, #tpu.memory_space<vmem_shared>>
      tpu.wait_dma2 semaphore(%run_scoped3A : memref<!tpu.dma_semaphore, #tpu.memory_space<semaphore_mem>>) src(%dma_wait3A_17 : memref<640x128xf32, #tpu.memory_space<vmem_shared>>) dst(%dma_wait3A_15 : memref<640x128xf32, #tpu.memory_space<hbm>>)
      tpu.yield
    }) : () -> ()
    return
  }
}

#map = affine_map<(d0, d1) -> (0, 0)>
#map1 = affine_map<(d0, d1) -> (0, 0, 0)>
module attributes {stable_mosaic.version = 14 : i64} {
  func.func @body(%arg0: i32, %arg1: i32, %arg2: memref<10240x128xf32, #tpu.memory_space<hbm>>, %arg3: memref<32x80x128xi32, #tpu.memory_space<hbm>>, %arg4: memref<32x80x128xi32, #tpu.memory_space<hbm>>, %arg5: memref<640x128xf32, #tpu.memory_space<hbm>>, %arg6: memref<20480x128xf32, #tpu.memory_space<hbm>>, %arg7: memref<10240x128xf32, #tpu.memory_space<vmem_shared>>, %arg8: memref<8x128xi32, #tpu.memory_space<vmem>>, %arg9: memref<8x128xi32, #tpu.memory_space<vmem>>, %arg10: memref<128x128xf32, #tpu.memory_space<vmem>>, %arg11: memref<128x128xf32, #tpu.memory_space<vmem>>, %arg12: memref<!tpu.dma_semaphore, #tpu.memory_space<semaphore_mem>>, %arg13: memref<!tpu.dma_semaphore, #tpu.memory_space<semaphore_mem>>, %arg14: memref<!tpu.dma_semaphore, #tpu.memory_space<semaphore_mem>>, %arg15: memref<!tpu.dma_semaphore, #tpu.memory_space<semaphore_mem>>) attributes {dimension_semantics = [#tpu.dimension_semantics<core_parallel>, #tpu.dimension_semantics<subcore_parallel>], iteration_bounds = array<i64: 2, 16>, scalar_prefetch = 0 : i64, scratch_operands = 9 : i64, tpu.core_type = #tpu.core_type<sc_vector_subcore>, window_params = [{transform_indices = #map}, {transform_indices = #map1}, {transform_indices = #map1}, {transform_indices = #map}, {transform_indices = #map}]} {
    %mul3A = arith.constant 2 : i32
    %mul3A_0 = arith.muli %arg1, %mul3A : i32
    %add3A = arith.addi %mul3A_0, %arg0 : i32
    %mul3A_1 = arith.constant 640 : i32
    %mul3A_2 = arith.muli %arg1, %mul3A_1 : i32
    "tpu.region"() ({
      %run_scoped3A = tpu.sem_alloc : memref<!tpu.dma_semaphore, #tpu.memory_space<semaphore_mem>>
      %dma_start3A = arith.constant 0 : i32
      %dma_start3A_12 = tpu.memref_slice %arg7[%mul3A_2, %dma_start3A] : memref<10240x128xf32, #tpu.memory_space<vmem_shared>> -> memref<640x128xf32, #tpu.memory_space<vmem_shared>>
      tpu.enqueue_dma source(%arg5 : memref<640x128xf32, #tpu.memory_space<hbm>>) target(%dma_start3A_12 : memref<640x128xf32, #tpu.memory_space<vmem_shared>>) target_semaphore(%run_scoped3A : memref<!tpu.dma_semaphore, #tpu.memory_space<semaphore_mem>>)
      %dma_wait3A = arith.constant 0 : i32
      %dma_wait3A_13 = tpu.memref_slice %arg7[%mul3A_2, %dma_wait3A] : memref<10240x128xf32, #tpu.memory_space<vmem_shared>> -> memref<640x128xf32, #tpu.memory_space<vmem_shared>>
      tpu.wait_dma2 semaphore(%run_scoped3A : memref<!tpu.dma_semaphore, #tpu.memory_space<semaphore_mem>>) src(%arg5 : memref<640x128xf32, #tpu.memory_space<hbm>>) dst(%dma_wait3A_13 : memref<640x128xf32, #tpu.memory_space<vmem_shared>>)
      tpu.yield
    }) : () -> ()
    %barrier3A = arith.constant 0 : index
    tpu.barrier barrier_id(%barrier3A)
    %scan3A = arith.constant 0 : i32
    %scan3A_3 = arith.constant 0 : i32
    %scan3A_4 = arith.constant 10 : i32
    %scan3A_5 = arith.addi %scan3A_3, %scan3A_4 : i32
    %scan3A_6 = arith.constant 1 : i32
    scf.for %scan3A_12 = %scan3A_3 to %scan3A_5 step %scan3A_6  : i32 {
      %mul3A_13 = arith.constant 8 : i32
      %mul3A_14 = arith.muli %scan3A_12, %mul3A_13 : i32
      "tpu.region"() ({
        %run_scoped3A_134 = tpu.sem_alloc : memref<!tpu.dma_semaphore, #tpu.memory_space<semaphore_mem>>
        %dma_start3A_135 = arith.constant 0 : i32
        %dma_start3A_136 = tpu.memref_slice %arg3[%add3A, %mul3A_14, %dma_start3A_135] : memref<32x80x128xi32, #tpu.memory_space<hbm>> -> memref<1x8x128xi32, #tpu.memory_space<hbm>>
        %dma_start3A_137 = tpu.memref_squeeze %dma_start3A_136 : memref<1x8x128xi32, #tpu.memory_space<hbm>> -> memref<8x128xi32, #tpu.memory_space<hbm>>
        %dma_start3A_138 = arith.constant 0 : i32
        %dma_start3A_139 = tpu.memref_slice %arg3[%add3A, %mul3A_14, %dma_start3A_138] : memref<32x80x128xi32, #tpu.memory_space<hbm>> -> memref<1x8x128xi32, #tpu.memory_space<hbm>>
        %dma_start3A_140 = tpu.memref_squeeze %dma_start3A_139 : memref<1x8x128xi32, #tpu.memory_space<hbm>> -> memref<8x128xi32, #tpu.memory_space<hbm>>
        tpu.enqueue_dma source(%dma_start3A_140 : memref<8x128xi32, #tpu.memory_space<hbm>>) target(%arg8 : memref<8x128xi32, #tpu.memory_space<vmem>>) target_semaphore(%run_scoped3A_134 : memref<!tpu.dma_semaphore, #tpu.memory_space<semaphore_mem>>)
        %dma_wait3A_141 = arith.constant 0 : i32
        %dma_wait3A_142 = tpu.memref_slice %arg3[%add3A, %mul3A_14, %dma_wait3A_141] : memref<32x80x128xi32, #tpu.memory_space<hbm>> -> memref<1x8x128xi32, #tpu.memory_space<hbm>>
        %dma_wait3A_143 = tpu.memref_squeeze %dma_wait3A_142 : memref<1x8x128xi32, #tpu.memory_space<hbm>> -> memref<8x128xi32, #tpu.memory_space<hbm>>
        %dma_wait3A_144 = arith.constant 0 : i32
        %dma_wait3A_145 = tpu.memref_slice %arg3[%add3A, %mul3A_14, %dma_wait3A_144] : memref<32x80x128xi32, #tpu.memory_space<hbm>> -> memref<1x8x128xi32, #tpu.memory_space<hbm>>
        %dma_wait3A_146 = tpu.memref_squeeze %dma_wait3A_145 : memref<1x8x128xi32, #tpu.memory_space<hbm>> -> memref<8x128xi32, #tpu.memory_space<hbm>>
        tpu.wait_dma2 semaphore(%run_scoped3A_134 : memref<!tpu.dma_semaphore, #tpu.memory_space<semaphore_mem>>) src(%dma_wait3A_146 : memref<8x128xi32, #tpu.memory_space<hbm>>) dst(%arg8 : memref<8x128xi32, #tpu.memory_space<vmem>>)
        tpu.yield
      }) : () -> ()
      %mul3A_15 = arith.constant 8 : i32
      %mul3A_16 = arith.muli %scan3A_12, %mul3A_15 : i32
      "tpu.region"() ({
        %run_scoped3A_134 = tpu.sem_alloc : memref<!tpu.dma_semaphore, #tpu.memory_space<semaphore_mem>>
        %dma_start3A_135 = arith.constant 0 : i32
        %dma_start3A_136 = tpu.memref_slice %arg4[%add3A, %mul3A_16, %dma_start3A_135] : memref<32x80x128xi32, #tpu.memory_space<hbm>> -> memref<1x8x128xi32, #tpu.memory_space<hbm>>
        %dma_start3A_137 = tpu.memref_squeeze %dma_start3A_136 : memref<1x8x128xi32, #tpu.memory_space<hbm>> -> memref<8x128xi32, #tpu.memory_space<hbm>>
        %dma_start3A_138 = arith.constant 0 : i32
        %dma_start3A_139 = tpu.memref_slice %arg4[%add3A, %mul3A_16, %dma_start3A_138] : memref<32x80x128xi32, #tpu.memory_space<hbm>> -> memref<1x8x128xi32, #tpu.memory_space<hbm>>
        %dma_start3A_140 = tpu.memref_squeeze %dma_start3A_139 : memref<1x8x128xi32, #tpu.memory_space<hbm>> -> memref<8x128xi32, #tpu.memory_space<hbm>>
        tpu.enqueue_dma source(%dma_start3A_140 : memref<8x128xi32, #tpu.memory_space<hbm>>) target(%arg9 : memref<8x128xi32, #tpu.memory_space<vmem>>) target_semaphore(%run_scoped3A_134 : memref<!tpu.dma_semaphore, #tpu.memory_space<semaphore_mem>>)
        %dma_wait3A_141 = arith.constant 0 : i32
        %dma_wait3A_142 = tpu.memref_slice %arg4[%add3A, %mul3A_16, %dma_wait3A_141] : memref<32x80x128xi32, #tpu.memory_space<hbm>> -> memref<1x8x128xi32, #tpu.memory_space<hbm>>
        %dma_wait3A_143 = tpu.memref_squeeze %dma_wait3A_142 : memref<1x8x128xi32, #tpu.memory_space<hbm>> -> memref<8x128xi32, #tpu.memory_space<hbm>>
        %dma_wait3A_144 = arith.constant 0 : i32
        %dma_wait3A_145 = tpu.memref_slice %arg4[%add3A, %mul3A_16, %dma_wait3A_144] : memref<32x80x128xi32, #tpu.memory_space<hbm>> -> memref<1x8x128xi32, #tpu.memory_space<hbm>>
        %dma_wait3A_146 = tpu.memref_squeeze %dma_wait3A_145 : memref<1x8x128xi32, #tpu.memory_space<hbm>> -> memref<8x128xi32, #tpu.memory_space<hbm>>
        tpu.wait_dma2 semaphore(%run_scoped3A_134 : memref<!tpu.dma_semaphore, #tpu.memory_space<semaphore_mem>>) src(%dma_wait3A_146 : memref<8x128xi32, #tpu.memory_space<hbm>>) dst(%arg9 : memref<8x128xi32, #tpu.memory_space<vmem>>)
        tpu.yield
      }) : () -> ()
      %dma_start3A = arith.constant 0 : i32
      %dma_start3A_17 = arith.constant 0 : i32
      %dma_start3A_18 = tpu.memref_slice %arg8[%dma_start3A, %dma_start3A_17] : memref<8x128xi32, #tpu.memory_space<vmem>> -> memref<1x128xi32, #tpu.memory_space<vmem>>
      %dma_start3A_19 = tpu.memref_squeeze %dma_start3A_18 : memref<1x128xi32, #tpu.memory_space<vmem>> -> memref<128xi32, #tpu.memory_space<vmem>>
      %dma_start3A_20 = arith.constant 0 : i32
      %dma_start3A_21 = arith.constant 0 : i32
      %dma_start3A_22 = tpu.memref_slice %arg2[%dma_start3A_20, %dma_start3A_21] : memref<10240x128xf32, #tpu.memory_space<hbm>> -> memref<10240x128xf32, #tpu.memory_space<hbm>>
      tpu.enqueue_indirect_dma source(%dma_start3A_22 : memref<10240x128xf32, #tpu.memory_space<hbm>>) target(%arg10 : memref<128x128xf32, #tpu.memory_space<vmem>>) offsets(%dma_start3A_19 : memref<128xi32, #tpu.memory_space<vmem>>) semaphore(%arg12 : memref<!tpu.dma_semaphore, #tpu.memory_space<semaphore_mem>>)
      %dma_wait3A = arith.constant 0 : i32
      %dma_wait3A_23 = arith.constant 0 : i32
      %dma_wait3A_24 = tpu.memref_slice %arg8[%dma_wait3A, %dma_wait3A_23] : memref<8x128xi32, #tpu.memory_space<vmem>> -> memref<1x128xi32, #tpu.memory_space<vmem>>
      %dma_wait3A_25 = tpu.memref_squeeze %dma_wait3A_24 : memref<1x128xi32, #tpu.memory_space<vmem>> -> memref<128xi32, #tpu.memory_space<vmem>>
      %dma_wait3A_26 = arith.constant 0 : i32
      %dma_wait3A_27 = arith.constant 0 : i32
      %dma_wait3A_28 = tpu.memref_slice %arg2[%dma_wait3A_26, %dma_wait3A_27] : memref<10240x128xf32, #tpu.memory_space<hbm>> -> memref<10240x128xf32, #tpu.memory_space<hbm>>
      tpu.wait_indirect_dma semaphore(%arg12 : memref<!tpu.dma_semaphore, #tpu.memory_space<semaphore_mem>>) src(%dma_wait3A_28 : memref<10240x128xf32, #tpu.memory_space<hbm>>) dst(%arg10 : memref<128x128xf32, #tpu.memory_space<vmem>>)
      %run_scoped3A = arith.constant 0 : i32
      "tpu.region"() ({
        %run_scoped3A_134 = tpu.sem_alloc : memref<!tpu.dma_semaphore, #tpu.memory_space<semaphore_mem>>
        %dma_start3A_135 = arith.constant 0 : i32
        %dma_start3A_136 = tpu.memref_slice %arg9[%run_scoped3A, %dma_start3A_135] : memref<8x128xi32, #tpu.memory_space<vmem>> -> memref<1x128xi32, #tpu.memory_space<vmem>>
        %dma_start3A_137 = tpu.memref_squeeze %dma_start3A_136 : memref<1x128xi32, #tpu.memory_space<vmem>> -> memref<128xi32, #tpu.memory_space<vmem>>
        %dma_start3A_138 = arith.constant 0 : i32
        %dma_start3A_139 = arith.constant 0 : i32
        %dma_start3A_140 = tpu.memref_slice %arg7[%dma_start3A_138, %dma_start3A_139] : memref<10240x128xf32, #tpu.memory_space<vmem_shared>> -> memref<10240x128xf32, #tpu.memory_space<vmem_shared>>
        tpu.enqueue_indirect_dma source(%arg10 : memref<128x128xf32, #tpu.memory_space<vmem>>) target(%dma_start3A_140 : memref<10240x128xf32, #tpu.memory_space<vmem_shared>>) offsets(%dma_start3A_137 : memref<128xi32, #tpu.memory_space<vmem>>) semaphore(%run_scoped3A_134 : memref<!tpu.dma_semaphore, #tpu.memory_space<semaphore_mem>>) {add = true}
        %dma_wait3A_141 = arith.constant 0 : i32
        %dma_wait3A_142 = tpu.memref_slice %arg9[%run_scoped3A, %dma_wait3A_141] : memref<8x128xi32, #tpu.memory_space<vmem>> -> memref<1x128xi32, #tpu.memory_space<vmem>>
        %dma_wait3A_143 = tpu.memref_squeeze %dma_wait3A_142 : memref<1x128xi32, #tpu.memory_space<vmem>> -> memref<128xi32, #tpu.memory_space<vmem>>
        %dma_wait3A_144 = arith.constant 0 : i32
        %dma_wait3A_145 = arith.constant 0 : i32
        %dma_wait3A_146 = tpu.memref_slice %arg7[%dma_wait3A_144, %dma_wait3A_145] : memref<10240x128xf32, #tpu.memory_space<vmem_shared>> -> memref<10240x128xf32, #tpu.memory_space<vmem_shared>>
        tpu.wait_indirect_dma semaphore(%run_scoped3A_134 : memref<!tpu.dma_semaphore, #tpu.memory_space<semaphore_mem>>) src(%arg10 : memref<128x128xf32, #tpu.memory_space<vmem>>) dst(%dma_wait3A_146 : memref<10240x128xf32, #tpu.memory_space<vmem_shared>>)
        tpu.yield
      }) : () -> ()
      %dma_start3A_29 = arith.constant 1 : i32
      %dma_start3A_30 = arith.constant 0 : i32
      %dma_start3A_31 = tpu.memref_slice %arg8[%dma_start3A_29, %dma_start3A_30] : memref<8x128xi32, #tpu.memory_space<vmem>> -> memref<1x128xi32, #tpu.memory_space<vmem>>
      %dma_start3A_32 = tpu.memref_squeeze %dma_start3A_31 : memref<1x128xi32, #tpu.memory_space<vmem>> -> memref<128xi32, #tpu.memory_space<vmem>>
      %dma_start3A_33 = arith.constant 0 : i32
      %dma_start3A_34 = arith.constant 0 : i32
      %dma_start3A_35 = tpu.memref_slice %arg2[%dma_start3A_33, %dma_start3A_34] : memref<10240x128xf32, #tpu.memory_space<hbm>> -> memref<10240x128xf32, #tpu.memory_space<hbm>>
      tpu.enqueue_indirect_dma source(%dma_start3A_35 : memref<10240x128xf32, #tpu.memory_space<hbm>>) target(%arg10 : memref<128x128xf32, #tpu.memory_space<vmem>>) offsets(%dma_start3A_32 : memref<128xi32, #tpu.memory_space<vmem>>) semaphore(%arg12 : memref<!tpu.dma_semaphore, #tpu.memory_space<semaphore_mem>>)
      %dma_wait3A_36 = arith.constant 1 : i32
      %dma_wait3A_37 = arith.constant 0 : i32
      %dma_wait3A_38 = tpu.memref_slice %arg8[%dma_wait3A_36, %dma_wait3A_37] : memref<8x128xi32, #tpu.memory_space<vmem>> -> memref<1x128xi32, #tpu.memory_space<vmem>>
      %dma_wait3A_39 = tpu.memref_squeeze %dma_wait3A_38 : memref<1x128xi32, #tpu.memory_space<vmem>> -> memref<128xi32, #tpu.memory_space<vmem>>
      %dma_wait3A_40 = arith.constant 0 : i32
      %dma_wait3A_41 = arith.constant 0 : i32
      %dma_wait3A_42 = tpu.memref_slice %arg2[%dma_wait3A_40, %dma_wait3A_41] : memref<10240x128xf32, #tpu.memory_space<hbm>> -> memref<10240x128xf32, #tpu.memory_space<hbm>>
      tpu.wait_indirect_dma semaphore(%arg12 : memref<!tpu.dma_semaphore, #tpu.memory_space<semaphore_mem>>) src(%dma_wait3A_42 : memref<10240x128xf32, #tpu.memory_space<hbm>>) dst(%arg10 : memref<128x128xf32, #tpu.memory_space<vmem>>)
      %run_scoped3A_43 = arith.constant 1 : i32
      "tpu.region"() ({
        %run_scoped3A_134 = tpu.sem_alloc : memref<!tpu.dma_semaphore, #tpu.memory_space<semaphore_mem>>
        %dma_start3A_135 = arith.constant 0 : i32
        %dma_start3A_136 = tpu.memref_slice %arg9[%run_scoped3A_43, %dma_start3A_135] : memref<8x128xi32, #tpu.memory_space<vmem>> -> memref<1x128xi32, #tpu.memory_space<vmem>>
        %dma_start3A_137 = tpu.memref_squeeze %dma_start3A_136 : memref<1x128xi32, #tpu.memory_space<vmem>> -> memref<128xi32, #tpu.memory_space<vmem>>
        %dma_start3A_138 = arith.constant 0 : i32
        %dma_start3A_139 = arith.constant 0 : i32
        %dma_start3A_140 = tpu.memref_slice %arg7[%dma_start3A_138, %dma_start3A_139] : memref<10240x128xf32, #tpu.memory_space<vmem_shared>> -> memref<10240x128xf32, #tpu.memory_space<vmem_shared>>
        tpu.enqueue_indirect_dma source(%arg10 : memref<128x128xf32, #tpu.memory_space<vmem>>) target(%dma_start3A_140 : memref<10240x128xf32, #tpu.memory_space<vmem_shared>>) offsets(%dma_start3A_137 : memref<128xi32, #tpu.memory_space<vmem>>) semaphore(%run_scoped3A_134 : memref<!tpu.dma_semaphore, #tpu.memory_space<semaphore_mem>>) {add = true}
        %dma_wait3A_141 = arith.constant 0 : i32
        %dma_wait3A_142 = tpu.memref_slice %arg9[%run_scoped3A_43, %dma_wait3A_141] : memref<8x128xi32, #tpu.memory_space<vmem>> -> memref<1x128xi32, #tpu.memory_space<vmem>>
        %dma_wait3A_143 = tpu.memref_squeeze %dma_wait3A_142 : memref<1x128xi32, #tpu.memory_space<vmem>> -> memref<128xi32, #tpu.memory_space<vmem>>
        %dma_wait3A_144 = arith.constant 0 : i32
        %dma_wait3A_145 = arith.constant 0 : i32
        %dma_wait3A_146 = tpu.memref_slice %arg7[%dma_wait3A_144, %dma_wait3A_145] : memref<10240x128xf32, #tpu.memory_space<vmem_shared>> -> memref<10240x128xf32, #tpu.memory_space<vmem_shared>>
        tpu.wait_indirect_dma semaphore(%run_scoped3A_134 : memref<!tpu.dma_semaphore, #tpu.memory_space<semaphore_mem>>) src(%arg10 : memref<128x128xf32, #tpu.memory_space<vmem>>) dst(%dma_wait3A_146 : memref<10240x128xf32, #tpu.memory_space<vmem_shared>>)
        tpu.yield
      }) : () -> ()
      %dma_start3A_44 = arith.constant 2 : i32
      %dma_start3A_45 = arith.constant 0 : i32
      %dma_start3A_46 = tpu.memref_slice %arg8[%dma_start3A_44, %dma_start3A_45] : memref<8x128xi32, #tpu.memory_space<vmem>> -> memref<1x128xi32, #tpu.memory_space<vmem>>
      %dma_start3A_47 = tpu.memref_squeeze %dma_start3A_46 : memref<1x128xi32, #tpu.memory_space<vmem>> -> memref<128xi32, #tpu.memory_space<vmem>>
      %dma_start3A_48 = arith.constant 0 : i32
      %dma_start3A_49 = arith.constant 0 : i32
      %dma_start3A_50 = tpu.memref_slice %arg2[%dma_start3A_48, %dma_start3A_49] : memref<10240x128xf32, #tpu.memory_space<hbm>> -> memref<10240x128xf32, #tpu.memory_space<hbm>>
      tpu.enqueue_indirect_dma source(%dma_start3A_50 : memref<10240x128xf32, #tpu.memory_space<hbm>>) target(%arg10 : memref<128x128xf32, #tpu.memory_space<vmem>>) offsets(%dma_start3A_47 : memref<128xi32, #tpu.memory_space<vmem>>) semaphore(%arg12 : memref<!tpu.dma_semaphore, #tpu.memory_space<semaphore_mem>>)
      %dma_wait3A_51 = arith.constant 2 : i32
      %dma_wait3A_52 = arith.constant 0 : i32
      %dma_wait3A_53 = tpu.memref_slice %arg8[%dma_wait3A_51, %dma_wait3A_52] : memref<8x128xi32, #tpu.memory_space<vmem>> -> memref<1x128xi32, #tpu.memory_space<vmem>>
      %dma_wait3A_54 = tpu.memref_squeeze %dma_wait3A_53 : memref<1x128xi32, #tpu.memory_space<vmem>> -> memref<128xi32, #tpu.memory_space<vmem>>
      %dma_wait3A_55 = arith.constant 0 : i32
      %dma_wait3A_56 = arith.constant 0 : i32
      %dma_wait3A_57 = tpu.memref_slice %arg2[%dma_wait3A_55, %dma_wait3A_56] : memref<10240x128xf32, #tpu.memory_space<hbm>> -> memref<10240x128xf32, #tpu.memory_space<hbm>>
      tpu.wait_indirect_dma semaphore(%arg12 : memref<!tpu.dma_semaphore, #tpu.memory_space<semaphore_mem>>) src(%dma_wait3A_57 : memref<10240x128xf32, #tpu.memory_space<hbm>>) dst(%arg10 : memref<128x128xf32, #tpu.memory_space<vmem>>)
      %run_scoped3A_58 = arith.constant 2 : i32
      "tpu.region"() ({
        %run_scoped3A_134 = tpu.sem_alloc : memref<!tpu.dma_semaphore, #tpu.memory_space<semaphore_mem>>
        %dma_start3A_135 = arith.constant 0 : i32
        %dma_start3A_136 = tpu.memref_slice %arg9[%run_scoped3A_58, %dma_start3A_135] : memref<8x128xi32, #tpu.memory_space<vmem>> -> memref<1x128xi32, #tpu.memory_space<vmem>>
        %dma_start3A_137 = tpu.memref_squeeze %dma_start3A_136 : memref<1x128xi32, #tpu.memory_space<vmem>> -> memref<128xi32, #tpu.memory_space<vmem>>
        %dma_start3A_138 = arith.constant 0 : i32
        %dma_start3A_139 = arith.constant 0 : i32
        %dma_start3A_140 = tpu.memref_slice %arg7[%dma_start3A_138, %dma_start3A_139] : memref<10240x128xf32, #tpu.memory_space<vmem_shared>> -> memref<10240x128xf32, #tpu.memory_space<vmem_shared>>
        tpu.enqueue_indirect_dma source(%arg10 : memref<128x128xf32, #tpu.memory_space<vmem>>) target(%dma_start3A_140 : memref<10240x128xf32, #tpu.memory_space<vmem_shared>>) offsets(%dma_start3A_137 : memref<128xi32, #tpu.memory_space<vmem>>) semaphore(%run_scoped3A_134 : memref<!tpu.dma_semaphore, #tpu.memory_space<semaphore_mem>>) {add = true}
        %dma_wait3A_141 = arith.constant 0 : i32
        %dma_wait3A_142 = tpu.memref_slice %arg9[%run_scoped3A_58, %dma_wait3A_141] : memref<8x128xi32, #tpu.memory_space<vmem>> -> memref<1x128xi32, #tpu.memory_space<vmem>>
        %dma_wait3A_143 = tpu.memref_squeeze %dma_wait3A_142 : memref<1x128xi32, #tpu.memory_space<vmem>> -> memref<128xi32, #tpu.memory_space<vmem>>
        %dma_wait3A_144 = arith.constant 0 : i32
        %dma_wait3A_145 = arith.constant 0 : i32
        %dma_wait3A_146 = tpu.memref_slice %arg7[%dma_wait3A_144, %dma_wait3A_145] : memref<10240x128xf32, #tpu.memory_space<vmem_shared>> -> memref<10240x128xf32, #tpu.memory_space<vmem_shared>>
        tpu.wait_indirect_dma semaphore(%run_scoped3A_134 : memref<!tpu.dma_semaphore, #tpu.memory_space<semaphore_mem>>) src(%arg10 : memref<128x128xf32, #tpu.memory_space<vmem>>) dst(%dma_wait3A_146 : memref<10240x128xf32, #tpu.memory_space<vmem_shared>>)
        tpu.yield
      }) : () -> ()
      %dma_start3A_59 = arith.constant 3 : i32
      %dma_start3A_60 = arith.constant 0 : i32
      %dma_start3A_61 = tpu.memref_slice %arg8[%dma_start3A_59, %dma_start3A_60] : memref<8x128xi32, #tpu.memory_space<vmem>> -> memref<1x128xi32, #tpu.memory_space<vmem>>
      %dma_start3A_62 = tpu.memref_squeeze %dma_start3A_61 : memref<1x128xi32, #tpu.memory_space<vmem>> -> memref<128xi32, #tpu.memory_space<vmem>>
      %dma_start3A_63 = arith.constant 0 : i32
      %dma_start3A_64 = arith.constant 0 : i32
      %dma_start3A_65 = tpu.memref_slice %arg2[%dma_start3A_63, %dma_start3A_64] : memref<10240x128xf32, #tpu.memory_space<hbm>> -> memref<10240x128xf32, #tpu.memory_space<hbm>>
      tpu.enqueue_indirect_dma source(%dma_start3A_65 : memref<10240x128xf32, #tpu.memory_space<hbm>>) target(%arg10 : memref<128x128xf32, #tpu.memory_space<vmem>>) offsets(%dma_start3A_62 : memref<128xi32, #tpu.memory_space<vmem>>) semaphore(%arg12 : memref<!tpu.dma_semaphore, #tpu.memory_space<semaphore_mem>>)
      %dma_wait3A_66 = arith.constant 3 : i32
      %dma_wait3A_67 = arith.constant 0 : i32
      %dma_wait3A_68 = tpu.memref_slice %arg8[%dma_wait3A_66, %dma_wait3A_67] : memref<8x128xi32, #tpu.memory_space<vmem>> -> memref<1x128xi32, #tpu.memory_space<vmem>>
      %dma_wait3A_69 = tpu.memref_squeeze %dma_wait3A_68 : memref<1x128xi32, #tpu.memory_space<vmem>> -> memref<128xi32, #tpu.memory_space<vmem>>
      %dma_wait3A_70 = arith.constant 0 : i32
      %dma_wait3A_71 = arith.constant 0 : i32
      %dma_wait3A_72 = tpu.memref_slice %arg2[%dma_wait3A_70, %dma_wait3A_71] : memref<10240x128xf32, #tpu.memory_space<hbm>> -> memref<10240x128xf32, #tpu.memory_space<hbm>>
      tpu.wait_indirect_dma semaphore(%arg12 : memref<!tpu.dma_semaphore, #tpu.memory_space<semaphore_mem>>) src(%dma_wait3A_72 : memref<10240x128xf32, #tpu.memory_space<hbm>>) dst(%arg10 : memref<128x128xf32, #tpu.memory_space<vmem>>)
      %run_scoped3A_73 = arith.constant 3 : i32
      "tpu.region"() ({
        %run_scoped3A_134 = tpu.sem_alloc : memref<!tpu.dma_semaphore, #tpu.memory_space<semaphore_mem>>
        %dma_start3A_135 = arith.constant 0 : i32
        %dma_start3A_136 = tpu.memref_slice %arg9[%run_scoped3A_73, %dma_start3A_135] : memref<8x128xi32, #tpu.memory_space<vmem>> -> memref<1x128xi32, #tpu.memory_space<vmem>>
        %dma_start3A_137 = tpu.memref_squeeze %dma_start3A_136 : memref<1x128xi32, #tpu.memory_space<vmem>> -> memref<128xi32, #tpu.memory_space<vmem>>
        %dma_start3A_138 = arith.constant 0 : i32
        %dma_start3A_139 = arith.constant 0 : i32
        %dma_start3A_140 = tpu.memref_slice %arg7[%dma_start3A_138, %dma_start3A_139] : memref<10240x128xf32, #tpu.memory_space<vmem_shared>> -> memref<10240x128xf32, #tpu.memory_space<vmem_shared>>
        tpu.enqueue_indirect_dma source(%arg10 : memref<128x128xf32, #tpu.memory_space<vmem>>) target(%dma_start3A_140 : memref<10240x128xf32, #tpu.memory_space<vmem_shared>>) offsets(%dma_start3A_137 : memref<128xi32, #tpu.memory_space<vmem>>) semaphore(%run_scoped3A_134 : memref<!tpu.dma_semaphore, #tpu.memory_space<semaphore_mem>>) {add = true}
        %dma_wait3A_141 = arith.constant 0 : i32
        %dma_wait3A_142 = tpu.memref_slice %arg9[%run_scoped3A_73, %dma_wait3A_141] : memref<8x128xi32, #tpu.memory_space<vmem>> -> memref<1x128xi32, #tpu.memory_space<vmem>>
        %dma_wait3A_143 = tpu.memref_squeeze %dma_wait3A_142 : memref<1x128xi32, #tpu.memory_space<vmem>> -> memref<128xi32, #tpu.memory_space<vmem>>
        %dma_wait3A_144 = arith.constant 0 : i32
        %dma_wait3A_145 = arith.constant 0 : i32
        %dma_wait3A_146 = tpu.memref_slice %arg7[%dma_wait3A_144, %dma_wait3A_145] : memref<10240x128xf32, #tpu.memory_space<vmem_shared>> -> memref<10240x128xf32, #tpu.memory_space<vmem_shared>>
        tpu.wait_indirect_dma semaphore(%run_scoped3A_134 : memref<!tpu.dma_semaphore, #tpu.memory_space<semaphore_mem>>) src(%arg10 : memref<128x128xf32, #tpu.memory_space<vmem>>) dst(%dma_wait3A_146 : memref<10240x128xf32, #tpu.memory_space<vmem_shared>>)
        tpu.yield
      }) : () -> ()
      %dma_start3A_74 = arith.constant 4 : i32
      %dma_start3A_75 = arith.constant 0 : i32
      %dma_start3A_76 = tpu.memref_slice %arg8[%dma_start3A_74, %dma_start3A_75] : memref<8x128xi32, #tpu.memory_space<vmem>> -> memref<1x128xi32, #tpu.memory_space<vmem>>
      %dma_start3A_77 = tpu.memref_squeeze %dma_start3A_76 : memref<1x128xi32, #tpu.memory_space<vmem>> -> memref<128xi32, #tpu.memory_space<vmem>>
      %dma_start3A_78 = arith.constant 0 : i32
      %dma_start3A_79 = arith.constant 0 : i32
      %dma_start3A_80 = tpu.memref_slice %arg2[%dma_start3A_78, %dma_start3A_79] : memref<10240x128xf32, #tpu.memory_space<hbm>> -> memref<10240x128xf32, #tpu.memory_space<hbm>>
      tpu.enqueue_indirect_dma source(%dma_start3A_80 : memref<10240x128xf32, #tpu.memory_space<hbm>>) target(%arg10 : memref<128x128xf32, #tpu.memory_space<vmem>>) offsets(%dma_start3A_77 : memref<128xi32, #tpu.memory_space<vmem>>) semaphore(%arg12 : memref<!tpu.dma_semaphore, #tpu.memory_space<semaphore_mem>>)
      %dma_wait3A_81 = arith.constant 4 : i32
      %dma_wait3A_82 = arith.constant 0 : i32
      %dma_wait3A_83 = tpu.memref_slice %arg8[%dma_wait3A_81, %dma_wait3A_82] : memref<8x128xi32, #tpu.memory_space<vmem>> -> memref<1x128xi32, #tpu.memory_space<vmem>>
      %dma_wait3A_84 = tpu.memref_squeeze %dma_wait3A_83 : memref<1x128xi32, #tpu.memory_space<vmem>> -> memref<128xi32, #tpu.memory_space<vmem>>
      %dma_wait3A_85 = arith.constant 0 : i32
      %dma_wait3A_86 = arith.constant 0 : i32
      %dma_wait3A_87 = tpu.memref_slice %arg2[%dma_wait3A_85, %dma_wait3A_86] : memref<10240x128xf32, #tpu.memory_space<hbm>> -> memref<10240x128xf32, #tpu.memory_space<hbm>>
      tpu.wait_indirect_dma semaphore(%arg12 : memref<!tpu.dma_semaphore, #tpu.memory_space<semaphore_mem>>) src(%dma_wait3A_87 : memref<10240x128xf32, #tpu.memory_space<hbm>>) dst(%arg10 : memref<128x128xf32, #tpu.memory_space<vmem>>)
      %run_scoped3A_88 = arith.constant 4 : i32
      "tpu.region"() ({
        %run_scoped3A_134 = tpu.sem_alloc : memref<!tpu.dma_semaphore, #tpu.memory_space<semaphore_mem>>
        %dma_start3A_135 = arith.constant 0 : i32
        %dma_start3A_136 = tpu.memref_slice %arg9[%run_scoped3A_88, %dma_start3A_135] : memref<8x128xi32, #tpu.memory_space<vmem>> -> memref<1x128xi32, #tpu.memory_space<vmem>>
        %dma_start3A_137 = tpu.memref_squeeze %dma_start3A_136 : memref<1x128xi32, #tpu.memory_space<vmem>> -> memref<128xi32, #tpu.memory_space<vmem>>
        %dma_start3A_138 = arith.constant 0 : i32
        %dma_start3A_139 = arith.constant 0 : i32
        %dma_start3A_140 = tpu.memref_slice %arg7[%dma_start3A_138, %dma_start3A_139] : memref<10240x128xf32, #tpu.memory_space<vmem_shared>> -> memref<10240x128xf32, #tpu.memory_space<vmem_shared>>
        tpu.enqueue_indirect_dma source(%arg10 : memref<128x128xf32, #tpu.memory_space<vmem>>) target(%dma_start3A_140 : memref<10240x128xf32, #tpu.memory_space<vmem_shared>>) offsets(%dma_start3A_137 : memref<128xi32, #tpu.memory_space<vmem>>) semaphore(%run_scoped3A_134 : memref<!tpu.dma_semaphore, #tpu.memory_space<semaphore_mem>>) {add = true}
        %dma_wait3A_141 = arith.constant 0 : i32
        %dma_wait3A_142 = tpu.memref_slice %arg9[%run_scoped3A_88, %dma_wait3A_141] : memref<8x128xi32, #tpu.memory_space<vmem>> -> memref<1x128xi32, #tpu.memory_space<vmem>>
        %dma_wait3A_143 = tpu.memref_squeeze %dma_wait3A_142 : memref<1x128xi32, #tpu.memory_space<vmem>> -> memref<128xi32, #tpu.memory_space<vmem>>
        %dma_wait3A_144 = arith.constant 0 : i32
        %dma_wait3A_145 = arith.constant 0 : i32
        %dma_wait3A_146 = tpu.memref_slice %arg7[%dma_wait3A_144, %dma_wait3A_145] : memref<10240x128xf32, #tpu.memory_space<vmem_shared>> -> memref<10240x128xf32, #tpu.memory_space<vmem_shared>>
        tpu.wait_indirect_dma semaphore(%run_scoped3A_134 : memref<!tpu.dma_semaphore, #tpu.memory_space<semaphore_mem>>) src(%arg10 : memref<128x128xf32, #tpu.memory_space<vmem>>) dst(%dma_wait3A_146 : memref<10240x128xf32, #tpu.memory_space<vmem_shared>>)
        tpu.yield
      }) : () -> ()
      %dma_start3A_89 = arith.constant 5 : i32
      %dma_start3A_90 = arith.constant 0 : i32
      %dma_start3A_91 = tpu.memref_slice %arg8[%dma_start3A_89, %dma_start3A_90] : memref<8x128xi32, #tpu.memory_space<vmem>> -> memref<1x128xi32, #tpu.memory_space<vmem>>
      %dma_start3A_92 = tpu.memref_squeeze %dma_start3A_91 : memref<1x128xi32, #tpu.memory_space<vmem>> -> memref<128xi32, #tpu.memory_space<vmem>>
      %dma_start3A_93 = arith.constant 0 : i32
      %dma_start3A_94 = arith.constant 0 : i32
      %dma_start3A_95 = tpu.memref_slice %arg2[%dma_start3A_93, %dma_start3A_94] : memref<10240x128xf32, #tpu.memory_space<hbm>> -> memref<10240x128xf32, #tpu.memory_space<hbm>>
      tpu.enqueue_indirect_dma source(%dma_start3A_95 : memref<10240x128xf32, #tpu.memory_space<hbm>>) target(%arg10 : memref<128x128xf32, #tpu.memory_space<vmem>>) offsets(%dma_start3A_92 : memref<128xi32, #tpu.memory_space<vmem>>) semaphore(%arg12 : memref<!tpu.dma_semaphore, #tpu.memory_space<semaphore_mem>>)
      %dma_wait3A_96 = arith.constant 5 : i32
      %dma_wait3A_97 = arith.constant 0 : i32
      %dma_wait3A_98 = tpu.memref_slice %arg8[%dma_wait3A_96, %dma_wait3A_97] : memref<8x128xi32, #tpu.memory_space<vmem>> -> memref<1x128xi32, #tpu.memory_space<vmem>>
      %dma_wait3A_99 = tpu.memref_squeeze %dma_wait3A_98 : memref<1x128xi32, #tpu.memory_space<vmem>> -> memref<128xi32, #tpu.memory_space<vmem>>
      %dma_wait3A_100 = arith.constant 0 : i32
      %dma_wait3A_101 = arith.constant 0 : i32
      %dma_wait3A_102 = tpu.memref_slice %arg2[%dma_wait3A_100, %dma_wait3A_101] : memref<10240x128xf32, #tpu.memory_space<hbm>> -> memref<10240x128xf32, #tpu.memory_space<hbm>>
      tpu.wait_indirect_dma semaphore(%arg12 : memref<!tpu.dma_semaphore, #tpu.memory_space<semaphore_mem>>) src(%dma_wait3A_102 : memref<10240x128xf32, #tpu.memory_space<hbm>>) dst(%arg10 : memref<128x128xf32, #tpu.memory_space<vmem>>)
      %run_scoped3A_103 = arith.constant 5 : i32
      "tpu.region"() ({
        %run_scoped3A_134 = tpu.sem_alloc : memref<!tpu.dma_semaphore, #tpu.memory_space<semaphore_mem>>
        %dma_start3A_135 = arith.constant 0 : i32
        %dma_start3A_136 = tpu.memref_slice %arg9[%run_scoped3A_103, %dma_start3A_135] : memref<8x128xi32, #tpu.memory_space<vmem>> -> memref<1x128xi32, #tpu.memory_space<vmem>>
        %dma_start3A_137 = tpu.memref_squeeze %dma_start3A_136 : memref<1x128xi32, #tpu.memory_space<vmem>> -> memref<128xi32, #tpu.memory_space<vmem>>
        %dma_start3A_138 = arith.constant 0 : i32
        %dma_start3A_139 = arith.constant 0 : i32
        %dma_start3A_140 = tpu.memref_slice %arg7[%dma_start3A_138, %dma_start3A_139] : memref<10240x128xf32, #tpu.memory_space<vmem_shared>> -> memref<10240x128xf32, #tpu.memory_space<vmem_shared>>
        tpu.enqueue_indirect_dma source(%arg10 : memref<128x128xf32, #tpu.memory_space<vmem>>) target(%dma_start3A_140 : memref<10240x128xf32, #tpu.memory_space<vmem_shared>>) offsets(%dma_start3A_137 : memref<128xi32, #tpu.memory_space<vmem>>) semaphore(%run_scoped3A_134 : memref<!tpu.dma_semaphore, #tpu.memory_space<semaphore_mem>>) {add = true}
        %dma_wait3A_141 = arith.constant 0 : i32
        %dma_wait3A_142 = tpu.memref_slice %arg9[%run_scoped3A_103, %dma_wait3A_141] : memref<8x128xi32, #tpu.memory_space<vmem>> -> memref<1x128xi32, #tpu.memory_space<vmem>>
        %dma_wait3A_143 = tpu.memref_squeeze %dma_wait3A_142 : memref<1x128xi32, #tpu.memory_space<vmem>> -> memref<128xi32, #tpu.memory_space<vmem>>
        %dma_wait3A_144 = arith.constant 0 : i32
        %dma_wait3A_145 = arith.constant 0 : i32
        %dma_wait3A_146 = tpu.memref_slice %arg7[%dma_wait3A_144, %dma_wait3A_145] : memref<10240x128xf32, #tpu.memory_space<vmem_shared>> -> memref<10240x128xf32, #tpu.memory_space<vmem_shared>>
        tpu.wait_indirect_dma semaphore(%run_scoped3A_134 : memref<!tpu.dma_semaphore, #tpu.memory_space<semaphore_mem>>) src(%arg10 : memref<128x128xf32, #tpu.memory_space<vmem>>) dst(%dma_wait3A_146 : memref<10240x128xf32, #tpu.memory_space<vmem_shared>>)
        tpu.yield
      }) : () -> ()
      %dma_start3A_104 = arith.constant 6 : i32
      %dma_start3A_105 = arith.constant 0 : i32
      %dma_start3A_106 = tpu.memref_slice %arg8[%dma_start3A_104, %dma_start3A_105] : memref<8x128xi32, #tpu.memory_space<vmem>> -> memref<1x128xi32, #tpu.memory_space<vmem>>
      %dma_start3A_107 = tpu.memref_squeeze %dma_start3A_106 : memref<1x128xi32, #tpu.memory_space<vmem>> -> memref<128xi32, #tpu.memory_space<vmem>>
      %dma_start3A_108 = arith.constant 0 : i32
      %dma_start3A_109 = arith.constant 0 : i32
      %dma_start3A_110 = tpu.memref_slice %arg2[%dma_start3A_108, %dma_start3A_109] : memref<10240x128xf32, #tpu.memory_space<hbm>> -> memref<10240x128xf32, #tpu.memory_space<hbm>>
      tpu.enqueue_indirect_dma source(%dma_start3A_110 : memref<10240x128xf32, #tpu.memory_space<hbm>>) target(%arg10 : memref<128x128xf32, #tpu.memory_space<vmem>>) offsets(%dma_start3A_107 : memref<128xi32, #tpu.memory_space<vmem>>) semaphore(%arg12 : memref<!tpu.dma_semaphore, #tpu.memory_space<semaphore_mem>>)
      %dma_wait3A_111 = arith.constant 6 : i32
      %dma_wait3A_112 = arith.constant 0 : i32
      %dma_wait3A_113 = tpu.memref_slice %arg8[%dma_wait3A_111, %dma_wait3A_112] : memref<8x128xi32, #tpu.memory_space<vmem>> -> memref<1x128xi32, #tpu.memory_space<vmem>>
      %dma_wait3A_114 = tpu.memref_squeeze %dma_wait3A_113 : memref<1x128xi32, #tpu.memory_space<vmem>> -> memref<128xi32, #tpu.memory_space<vmem>>
      %dma_wait3A_115 = arith.constant 0 : i32
      %dma_wait3A_116 = arith.constant 0 : i32
      %dma_wait3A_117 = tpu.memref_slice %arg2[%dma_wait3A_115, %dma_wait3A_116] : memref<10240x128xf32, #tpu.memory_space<hbm>> -> memref<10240x128xf32, #tpu.memory_space<hbm>>
      tpu.wait_indirect_dma semaphore(%arg12 : memref<!tpu.dma_semaphore, #tpu.memory_space<semaphore_mem>>) src(%dma_wait3A_117 : memref<10240x128xf32, #tpu.memory_space<hbm>>) dst(%arg10 : memref<128x128xf32, #tpu.memory_space<vmem>>)
      %run_scoped3A_118 = arith.constant 6 : i32
      "tpu.region"() ({
        %run_scoped3A_134 = tpu.sem_alloc : memref<!tpu.dma_semaphore, #tpu.memory_space<semaphore_mem>>
        %dma_start3A_135 = arith.constant 0 : i32
        %dma_start3A_136 = tpu.memref_slice %arg9[%run_scoped3A_118, %dma_start3A_135] : memref<8x128xi32, #tpu.memory_space<vmem>> -> memref<1x128xi32, #tpu.memory_space<vmem>>
        %dma_start3A_137 = tpu.memref_squeeze %dma_start3A_136 : memref<1x128xi32, #tpu.memory_space<vmem>> -> memref<128xi32, #tpu.memory_space<vmem>>
        %dma_start3A_138 = arith.constant 0 : i32
        %dma_start3A_139 = arith.constant 0 : i32
        %dma_start3A_140 = tpu.memref_slice %arg7[%dma_start3A_138, %dma_start3A_139] : memref<10240x128xf32, #tpu.memory_space<vmem_shared>> -> memref<10240x128xf32, #tpu.memory_space<vmem_shared>>
        tpu.enqueue_indirect_dma source(%arg10 : memref<128x128xf32, #tpu.memory_space<vmem>>) target(%dma_start3A_140 : memref<10240x128xf32, #tpu.memory_space<vmem_shared>>) offsets(%dma_start3A_137 : memref<128xi32, #tpu.memory_space<vmem>>) semaphore(%run_scoped3A_134 : memref<!tpu.dma_semaphore, #tpu.memory_space<semaphore_mem>>) {add = true}
        %dma_wait3A_141 = arith.constant 0 : i32
        %dma_wait3A_142 = tpu.memref_slice %arg9[%run_scoped3A_118, %dma_wait3A_141] : memref<8x128xi32, #tpu.memory_space<vmem>> -> memref<1x128xi32, #tpu.memory_space<vmem>>
        %dma_wait3A_143 = tpu.memref_squeeze %dma_wait3A_142 : memref<1x128xi32, #tpu.memory_space<vmem>> -> memref<128xi32, #tpu.memory_space<vmem>>
        %dma_wait3A_144 = arith.constant 0 : i32
        %dma_wait3A_145 = arith.constant 0 : i32
        %dma_wait3A_146 = tpu.memref_slice %arg7[%dma_wait3A_144, %dma_wait3A_145] : memref<10240x128xf32, #tpu.memory_space<vmem_shared>> -> memref<10240x128xf32, #tpu.memory_space<vmem_shared>>
        tpu.wait_indirect_dma semaphore(%run_scoped3A_134 : memref<!tpu.dma_semaphore, #tpu.memory_space<semaphore_mem>>) src(%arg10 : memref<128x128xf32, #tpu.memory_space<vmem>>) dst(%dma_wait3A_146 : memref<10240x128xf32, #tpu.memory_space<vmem_shared>>)
        tpu.yield
      }) : () -> ()
      %dma_start3A_119 = arith.constant 7 : i32
      %dma_start3A_120 = arith.constant 0 : i32
      %dma_start3A_121 = tpu.memref_slice %arg8[%dma_start3A_119, %dma_start3A_120] : memref<8x128xi32, #tpu.memory_space<vmem>> -> memref<1x128xi32, #tpu.memory_space<vmem>>
      %dma_start3A_122 = tpu.memref_squeeze %dma_start3A_121 : memref<1x128xi32, #tpu.memory_space<vmem>> -> memref<128xi32, #tpu.memory_space<vmem>>
      %dma_start3A_123 = arith.constant 0 : i32
      %dma_start3A_124 = arith.constant 0 : i32
      %dma_start3A_125 = tpu.memref_slice %arg2[%dma_start3A_123, %dma_start3A_124] : memref<10240x128xf32, #tpu.memory_space<hbm>> -> memref<10240x128xf32, #tpu.memory_space<hbm>>
      tpu.enqueue_indirect_dma source(%dma_start3A_125 : memref<10240x128xf32, #tpu.memory_space<hbm>>) target(%arg10 : memref<128x128xf32, #tpu.memory_space<vmem>>) offsets(%dma_start3A_122 : memref<128xi32, #tpu.memory_space<vmem>>) semaphore(%arg12 : memref<!tpu.dma_semaphore, #tpu.memory_space<semaphore_mem>>)
      %dma_wait3A_126 = arith.constant 7 : i32
      %dma_wait3A_127 = arith.constant 0 : i32
      %dma_wait3A_128 = tpu.memref_slice %arg8[%dma_wait3A_126, %dma_wait3A_127] : memref<8x128xi32, #tpu.memory_space<vmem>> -> memref<1x128xi32, #tpu.memory_space<vmem>>
      %dma_wait3A_129 = tpu.memref_squeeze %dma_wait3A_128 : memref<1x128xi32, #tpu.memory_space<vmem>> -> memref<128xi32, #tpu.memory_space<vmem>>
      %dma_wait3A_130 = arith.constant 0 : i32
      %dma_wait3A_131 = arith.constant 0 : i32
      %dma_wait3A_132 = tpu.memref_slice %arg2[%dma_wait3A_130, %dma_wait3A_131] : memref<10240x128xf32, #tpu.memory_space<hbm>> -> memref<10240x128xf32, #tpu.memory_space<hbm>>
      tpu.wait_indirect_dma semaphore(%arg12 : memref<!tpu.dma_semaphore, #tpu.memory_space<semaphore_mem>>) src(%dma_wait3A_132 : memref<10240x128xf32, #tpu.memory_space<hbm>>) dst(%arg10 : memref<128x128xf32, #tpu.memory_space<vmem>>)
      %run_scoped3A_133 = arith.constant 7 : i32
      "tpu.region"() ({
        %run_scoped3A_134 = tpu.sem_alloc : memref<!tpu.dma_semaphore, #tpu.memory_space<semaphore_mem>>
        %dma_start3A_135 = arith.constant 0 : i32
        %dma_start3A_136 = tpu.memref_slice %arg9[%run_scoped3A_133, %dma_start3A_135] : memref<8x128xi32, #tpu.memory_space<vmem>> -> memref<1x128xi32, #tpu.memory_space<vmem>>
        %dma_start3A_137 = tpu.memref_squeeze %dma_start3A_136 : memref<1x128xi32, #tpu.memory_space<vmem>> -> memref<128xi32, #tpu.memory_space<vmem>>
        %dma_start3A_138 = arith.constant 0 : i32
        %dma_start3A_139 = arith.constant 0 : i32
        %dma_start3A_140 = tpu.memref_slice %arg7[%dma_start3A_138, %dma_start3A_139] : memref<10240x128xf32, #tpu.memory_space<vmem_shared>> -> memref<10240x128xf32, #tpu.memory_space<vmem_shared>>
        tpu.enqueue_indirect_dma source(%arg10 : memref<128x128xf32, #tpu.memory_space<vmem>>) target(%dma_start3A_140 : memref<10240x128xf32, #tpu.memory_space<vmem_shared>>) offsets(%dma_start3A_137 : memref<128xi32, #tpu.memory_space<vmem>>) semaphore(%run_scoped3A_134 : memref<!tpu.dma_semaphore, #tpu.memory_space<semaphore_mem>>) {add = true}
        %dma_wait3A_141 = arith.constant 0 : i32
        %dma_wait3A_142 = tpu.memref_slice %arg9[%run_scoped3A_133, %dma_wait3A_141] : memref<8x128xi32, #tpu.memory_space<vmem>> -> memref<1x128xi32, #tpu.memory_space<vmem>>
        %dma_wait3A_143 = tpu.memref_squeeze %dma_wait3A_142 : memref<1x128xi32, #tpu.memory_space<vmem>> -> memref<128xi32, #tpu.memory_space<vmem>>
        %dma_wait3A_144 = arith.constant 0 : i32
        %dma_wait3A_145 = arith.constant 0 : i32
        %dma_wait3A_146 = tpu.memref_slice %arg7[%dma_wait3A_144, %dma_wait3A_145] : memref<10240x128xf32, #tpu.memory_space<vmem_shared>> -> memref<10240x128xf32, #tpu.memory_space<vmem_shared>>
        tpu.wait_indirect_dma semaphore(%run_scoped3A_134 : memref<!tpu.dma_semaphore, #tpu.memory_space<semaphore_mem>>) src(%arg10 : memref<128x128xf32, #tpu.memory_space<vmem>>) dst(%dma_wait3A_146 : memref<10240x128xf32, #tpu.memory_space<vmem_shared>>)
        tpu.yield
      }) : () -> ()
    }
    %scan3A_7 = arith.constant 10 : i32
    %barrier3A_8 = arith.constant 0 : index
    tpu.barrier barrier_id(%barrier3A_8)
    %mul3A_9 = arith.constant 10240 : i32
    %mul3A_10 = arith.muli %arg0, %mul3A_9 : i32
    %add3A_11 = arith.addi %mul3A_10, %mul3A_2 : i32
    "tpu.region"() ({
      %run_scoped3A = tpu.sem_alloc : memref<!tpu.dma_semaphore, #tpu.memory_space<semaphore_mem>>
      %dma_start3A = arith.constant 0 : i32
      %dma_start3A_12 = tpu.memref_slice %arg6[%add3A_11, %dma_start3A] : memref<20480x128xf32, #tpu.memory_space<hbm>> -> memref<640x128xf32, #tpu.memory_space<hbm>>
      %dma_start3A_13 = arith.constant 0 : i32
      %dma_start3A_14 = tpu.memref_slice %arg7[%mul3A_2, %dma_start3A_13] : memref<10240x128xf32, #tpu.memory_space<vmem_shared>> -> memref<640x128xf32, #tpu.memory_space<vmem_shared>>
      tpu.enqueue_dma source(%dma_start3A_14 : memref<640x128xf32, #tpu.memory_space<vmem_shared>>) target(%dma_start3A_12 : memref<640x128xf32, #tpu.memory_space<hbm>>) target_semaphore(%run_scoped3A : memref<!tpu.dma_semaphore, #tpu.memory_space<semaphore_mem>>)
      %dma_wait3A = arith.constant 0 : i32
      %dma_wait3A_15 = tpu.memref_slice %arg6[%add3A_11, %dma_wait3A] : memref<20480x128xf32, #tpu.memory_space<hbm>> -> memref<640x128xf32, #tpu.memory_space<hbm>>
      %dma_wait3A_16 = arith.constant 0 : i32
      %dma_wait3A_17 = tpu.memref_slice %arg7[%mul3A_2, %dma_wait3A_16] : memref<10240x128xf32, #tpu.memory_space<vmem_shared>> -> memref<640x128xf32, #tpu.memory_space<vmem_shared>>
      tpu.wait_dma2 semaphore(%run_scoped3A : memref<!tpu.dma_semaphore, #tpu.memory_space<semaphore_mem>>) src(%dma_wait3A_17 : memref<640x128xf32, #tpu.memory_space<vmem_shared>>) dst(%dma_wait3A_15 : memref<640x128xf32, #tpu.memory_space<hbm>>)
      tpu.yield
    }) : () -> ()
    return
  }
}

module attributes {stable_mosaic.version = 14 : i64} {
  func.func @_mm_body(%arg0: i32, %arg1: memref<1000x128xf32, #tpu.memory_space<vmem>>, %arg2: memref<128x128xf32, #tpu.memory_space<vmem>>, %arg3: memref<1000x128xf32, #tpu.memory_space<vmem>>) attributes {dimension_semantics = [#tpu.dimension_semantics<arbitrary>], iteration_bounds = array<i64: 5>, scalar_prefetch = 0 : i64, scratch_operands = 0 : i64, tpu.core_type = #tpu.core_type<tc>, window_params = [{transform_indices = @transform_0, window_bounds = array<i64: 1000, 128>}, {pipeline_mode = #tpu.pipeline_mode<synchronous>, transform_indices = @transform_1, window_bounds = array<i64: 128, 128>}, {transform_indices = @transform_2, window_bounds = array<i64: 1000, 128>}]} {
    %get3A = arith.constant 0 : index
    %get3A_0 = arith.constant 0 : index
    %get3A_1 = vector.load %arg1[%get3A, %get3A_0] : memref<1000x128xf32, #tpu.memory_space<vmem>>, vector<1000x128xf32>
    %get3A_2 = arith.constant 0 : index
    %get3A_3 = arith.constant 0 : index
    %get3A_4 = vector.load %arg2[%get3A_2, %get3A_3] : memref<128x128xf32, #tpu.memory_space<vmem>>, vector<128x128xf32>
    %dot_general3A = arith.constant dense<0.000000e+00> : vector<1000x128xf32>
    %dot_general3A_5 = tpu.matmul %get3A_1, %get3A_4, %dot_general3A {dimension_numbers = #tpu.dot_dimension_numbers<[1], [0], [0], [1], [0, 0, 1, 1], [], []>, transpose_lhs_hint = false} : vector<1000x128xf32>, vector<128x128xf32>, vector<1000x128xf32> -> vector<1000x128xf32>
    %swap3A = arith.constant 0 : index
    %swap3A_6 = arith.constant 0 : index
    %swap3A_7 = vector.load %arg3[%swap3A, %swap3A_6] : memref<1000x128xf32, #tpu.memory_space<vmem>>, vector<1000x128xf32>
    tpu.vector_store %arg3[%swap3A, %swap3A_6], %dot_general3A_5 {strides = array<i32>} : memref<1000x128xf32, #tpu.memory_space<vmem>>, vector<1000x128xf32>,
    return
  }
  func.func @transform_0(%arg0: i32) -> (i32, i32) {
    %c0_i32 = arith.constant 0 : i32
    %c0_i32_0 = arith.constant 0 : i32
    return %arg0, %c0_i32 : i32, i32
  }
  func.func @transform_1(%arg0: i32) -> (i32, i32) {
    %c0_i32 = arith.constant 0 : i32
    %c0_i32_0 = arith.constant 0 : i32
    %c0_i32_1 = arith.constant 0 : i32
    return %c0_i32, %c0_i32_0 : i32, i32
  }
  func.func @transform_2(%arg0: i32) -> (i32, i32) {
    %c0_i32 = arith.constant 0 : i32
    %c0_i32_0 = arith.constant 0 : i32
    return %arg0, %c0_i32 : i32, i32
  }
}

module attributes {stable_mosaic.version = 14 : i64} {
  func.func @body(%arg0: i32, %arg1: memref<2x640x128xf32, #tpu.memory_space<vmem>>, %arg2: memref<2x640x128xf32, #tpu.memory_space<vmem>>, %arg3: memref<1x128xf32, #tpu.memory_space<vmem>>, %arg4: memref<128x128xf32, #tpu.memory_space<vmem>>, %arg5: memref<640x128xf32, #tpu.memory_space<vmem>>) attributes {dimension_semantics = [#tpu.dimension_semantics<arbitrary>], iteration_bounds = array<i64: 8>, scalar_prefetch = 0 : i64, scratch_operands = 0 : i64, tpu.core_type = #tpu.core_type<tc>, window_params = [{transform_indices = @transform_0, window_bounds = array<i64: 2, 640, 128>}, {transform_indices = @transform_1, window_bounds = array<i64: 2, 640, 128>}, {pipeline_mode = #tpu.pipeline_mode<synchronous>, transform_indices = @transform_2, window_bounds = array<i64: 1, 128>}, {pipeline_mode = #tpu.pipeline_mode<synchronous>, transform_indices = @transform_3, window_bounds = array<i64: 128, 128>}, {transform_indices = @transform_4, window_bounds = array<i64: 640, 128>}]} {
    %get3A = arith.constant 0 : index
    %get3A_0 = arith.constant 0 : index
    %get3A_1 = arith.constant 0 : index
    %get3A_2 = vector.load %arg1[%get3A, %get3A_0, %get3A_1] : memref<2x640x128xf32, #tpu.memory_space<vmem>>, vector<1x640x128xf32>
    %get3A_3 = vector.shape_cast %get3A_2 : vector<1x640x128xf32> to vector<640x128xf32>
    %get3A_4 = arith.constant 1 : index
    %get3A_5 = arith.constant 0 : index
    %get3A_6 = arith.constant 0 : index
    %get3A_7 = vector.load %arg1[%get3A_4, %get3A_5, %get3A_6] : memref<2x640x128xf32, #tpu.memory_space<vmem>>, vector<1x640x128xf32>
    %get3A_8 = vector.shape_cast %get3A_7 : vector<1x640x128xf32> to vector<640x128xf32>
    %add3A = arith.addf %get3A_3, %get3A_8 : vector<640x128xf32>
    %get3A_9 = arith.constant 0 : index
    %get3A_10 = arith.constant 0 : index
    %get3A_11 = arith.constant 0 : index
    %get3A_12 = vector.load %arg2[%get3A_9, %get3A_10, %get3A_11] : memref<2x640x128xf32, #tpu.memory_space<vmem>>, vector<1x640x1xf32>
    %get3A_13 = vector.shape_cast %get3A_12 : vector<1x640x1xf32> to vector<640x1xf32>
    %get3A_14 = arith.constant 1 : index
    %get3A_15 = arith.constant 0 : index
    %get3A_16 = arith.constant 0 : index
    %get3A_17 = vector.load %arg2[%get3A_14, %get3A_15, %get3A_16] : memref<2x640x128xf32, #tpu.memory_space<vmem>>, vector<1x640x1xf32>
    %get3A_18 = vector.shape_cast %get3A_17 : vector<1x640x1xf32> to vector<640x1xf32>
    %add3A_19 = arith.addf %get3A_13, %get3A_18 : vector<640x1xf32>
    %max3A = arith.constant 1.000000e+00 : f32
    %max3A_20 = vector.broadcast %max3A : f32 to vector<640x1xf32>
    %max3A_21 = arith.maximumf %add3A_19, %max3A_20 : vector<640x1xf32>
    %div3A = vector.broadcast %max3A_21 : vector<640x1xf32> to vector<640x128xf32>
    %div3A_22 = arith.divf %add3A, %div3A : vector<640x128xf32>
    %get3A_23 = arith.constant 0 : index
    %get3A_24 = arith.constant 0 : index
    %get3A_25 = vector.load %arg3[%get3A_23, %get3A_24] : memref<1x128xf32, #tpu.memory_space<vmem>>, vector<1x128xf32>
    %add3A_26 = vector.broadcast %get3A_25 : vector<1x128xf32> to vector<640x128xf32>
    %add3A_27 = arith.addf %div3A_22, %add3A_26 : vector<640x128xf32>
    %max3A_28 = arith.constant 0.000000e+00 : f32
    %max3A_29 = vector.broadcast %max3A_28 : f32 to vector<640x128xf32>
    %max3A_30 = arith.maximumf %add3A_27, %max3A_29 : vector<640x128xf32>
    %iota3A = tpu.iota {dimensions = array<i32: 0>} : vector<640x128xi32>
    %mul3A = arith.constant 640 : i32
    %mul3A_31 = arith.muli %arg0, %mul3A : i32
    %add3A_32 = vector.broadcast %mul3A_31 : i32 to vector<640x128xi32>
    %add3A_33 = arith.addi %iota3A, %add3A_32 : vector<640x128xi32>
    %lt3A = arith.constant 5000 : i32
    %lt3A_34 = vector.broadcast %lt3A : i32 to vector<640x128xi32>
    %lt3A_35 = arith.cmpi slt, %add3A_33, %lt3A_34 : vector<640x128xi32>
    %jit3A = arith.constant 0.000000e+00 : f32
    %broadcast_in_dim3A = vector.broadcast %jit3A : f32 to vector<640x128xf32>
    %select_n3A = arith.select %lt3A_35, %max3A_30, %broadcast_in_dim3A : vector<640x128xi1>, vector<640x128xf32>
    %get3A_36 = arith.constant 0 : index
    %get3A_37 = arith.constant 0 : index
    %get3A_38 = vector.load %arg4[%get3A_36, %get3A_37] : memref<128x128xf32, #tpu.memory_space<vmem>>, vector<128x128xf32>
    %dot_general3A = arith.constant dense<0.000000e+00> : vector<640x128xf32>
    %dot_general3A_39 = tpu.matmul %select_n3A, %get3A_38, %dot_general3A {dimension_numbers = #tpu.dot_dimension_numbers<[1], [0], [0], [1], [0, 0, 1, 1], [], []>, transpose_lhs_hint = false} : vector<640x128xf32>, vector<128x128xf32>, vector<640x128xf32> -> vector<640x128xf32>
    %swap3A = arith.constant 0 : index
    %swap3A_40 = arith.constant 0 : index
    %swap3A_41 = vector.load %arg5[%swap3A, %swap3A_40] : memref<640x128xf32, #tpu.memory_space<vmem>>, vector<640x128xf32>
    tpu.vector_store %arg5[%swap3A, %swap3A_40], %dot_general3A_39 {strides = array<i32>} : memref<640x128xf32, #tpu.memory_space<vmem>>, vector<640x128xf32>,
    return
  }
  func.func @transform_0(%arg0: i32) -> (i32, i32, i32) {
    %c0_i32 = arith.constant 0 : i32
    %c0_i32_0 = arith.constant 0 : i32
    %c0_i32_1 = arith.constant 0 : i32
    return %c0_i32, %arg0, %c0_i32_0 : i32, i32, i32
  }
  func.func @transform_1(%arg0: i32) -> (i32, i32, i32) {
    %c0_i32 = arith.constant 0 : i32
    %c0_i32_0 = arith.constant 0 : i32
    %c0_i32_1 = arith.constant 0 : i32
    return %c0_i32, %arg0, %c0_i32_0 : i32, i32, i32
  }
  func.func @transform_2(%arg0: i32) -> (i32, i32) {
    %c0_i32 = arith.constant 0 : i32
    %c0_i32_0 = arith.constant 0 : i32
    %c0_i32_1 = arith.constant 0 : i32
    return %c0_i32, %c0_i32_0 : i32, i32
  }
  func.func @transform_3(%arg0: i32) -> (i32, i32) {
    %c0_i32 = arith.constant 0 : i32
    %c0_i32_0 = arith.constant 0 : i32
    %c0_i32_1 = arith.constant 0 : i32
    return %c0_i32, %c0_i32_0 : i32, i32
  }
  func.func @transform_4(%arg0: i32) -> (i32, i32) {
    %c0_i32 = arith.constant 0 : i32
    %c0_i32_0 = arith.constant 0 : i32
    return %arg0, %c0_i32 : i32, i32
  }
}

module attributes {stable_mosaic.version = 14 : i64} {
  func.func @body(%arg0: i32, %arg1: memref<2x1280x128xf32, #tpu.memory_space<vmem>>, %arg2: memref<2x1280x128xf32, #tpu.memory_space<vmem>>, %arg3: memref<1x128xf32, #tpu.memory_space<vmem>>, %arg4: memref<128x128xf32, #tpu.memory_space<vmem>>, %arg5: memref<1280x128xf32, #tpu.memory_space<vmem>>) attributes {dimension_semantics = [#tpu.dimension_semantics<arbitrary>], iteration_bounds = array<i64: 8>, scalar_prefetch = 0 : i64, scratch_operands = 0 : i64, tpu.core_type = #tpu.core_type<tc>, window_params = [{transform_indices = @transform_0, window_bounds = array<i64: 2, 1280, 128>}, {transform_indices = @transform_1, window_bounds = array<i64: 2, 1280, 128>}, {pipeline_mode = #tpu.pipeline_mode<synchronous>, transform_indices = @transform_2, window_bounds = array<i64: 1, 128>}, {pipeline_mode = #tpu.pipeline_mode<synchronous>, transform_indices = @transform_3, window_bounds = array<i64: 128, 128>}, {transform_indices = @transform_4, window_bounds = array<i64: 1280, 128>}]} {
    %get3A = arith.constant 0 : index
    %get3A_0 = arith.constant 0 : index
    %get3A_1 = arith.constant 0 : index
    %get3A_2 = vector.load %arg1[%get3A, %get3A_0, %get3A_1] : memref<2x1280x128xf32, #tpu.memory_space<vmem>>, vector<1x1280x128xf32>
    %get3A_3 = vector.shape_cast %get3A_2 : vector<1x1280x128xf32> to vector<1280x128xf32>
    %get3A_4 = arith.constant 1 : index
    %get3A_5 = arith.constant 0 : index
    %get3A_6 = arith.constant 0 : index
    %get3A_7 = vector.load %arg1[%get3A_4, %get3A_5, %get3A_6] : memref<2x1280x128xf32, #tpu.memory_space<vmem>>, vector<1x1280x128xf32>
    %get3A_8 = vector.shape_cast %get3A_7 : vector<1x1280x128xf32> to vector<1280x128xf32>
    %add3A = arith.addf %get3A_3, %get3A_8 : vector<1280x128xf32>
    %get3A_9 = arith.constant 0 : index
    %get3A_10 = arith.constant 0 : index
    %get3A_11 = arith.constant 0 : index
    %get3A_12 = vector.load %arg2[%get3A_9, %get3A_10, %get3A_11] : memref<2x1280x128xf32, #tpu.memory_space<vmem>>, vector<1x1280x1xf32>
    %get3A_13 = vector.shape_cast %get3A_12 : vector<1x1280x1xf32> to vector<1280x1xf32>
    %get3A_14 = arith.constant 1 : index
    %get3A_15 = arith.constant 0 : index
    %get3A_16 = arith.constant 0 : index
    %get3A_17 = vector.load %arg2[%get3A_14, %get3A_15, %get3A_16] : memref<2x1280x128xf32, #tpu.memory_space<vmem>>, vector<1x1280x1xf32>
    %get3A_18 = vector.shape_cast %get3A_17 : vector<1x1280x1xf32> to vector<1280x1xf32>
    %add3A_19 = arith.addf %get3A_13, %get3A_18 : vector<1280x1xf32>
    %max3A = arith.constant 1.000000e+00 : f32
    %max3A_20 = vector.broadcast %max3A : f32 to vector<1280x1xf32>
    %max3A_21 = arith.maximumf %add3A_19, %max3A_20 : vector<1280x1xf32>
    %div3A = vector.broadcast %max3A_21 : vector<1280x1xf32> to vector<1280x128xf32>
    %div3A_22 = arith.divf %add3A, %div3A : vector<1280x128xf32>
    %get3A_23 = arith.constant 0 : index
    %get3A_24 = arith.constant 0 : index
    %get3A_25 = vector.load %arg3[%get3A_23, %get3A_24] : memref<1x128xf32, #tpu.memory_space<vmem>>, vector<1x128xf32>
    %add3A_26 = vector.broadcast %get3A_25 : vector<1x128xf32> to vector<1280x128xf32>
    %add3A_27 = arith.addf %div3A_22, %add3A_26 : vector<1280x128xf32>
    %max3A_28 = arith.constant 0.000000e+00 : f32
    %max3A_29 = vector.broadcast %max3A_28 : f32 to vector<1280x128xf32>
    %max3A_30 = arith.maximumf %add3A_27, %max3A_29 : vector<1280x128xf32>
    %get3A_31 = arith.constant 0 : index
    %get3A_32 = arith.constant 0 : index
    %get3A_33 = vector.load %arg4[%get3A_31, %get3A_32] : memref<128x128xf32, #tpu.memory_space<vmem>>, vector<128x128xf32>
    %dot_general3A = arith.constant dense<0.000000e+00> : vector<1280x128xf32>
    %dot_general3A_34 = tpu.matmul %max3A_30, %get3A_33, %dot_general3A {dimension_numbers = #tpu.dot_dimension_numbers<[1], [0], [0], [1], [0, 0, 1, 1], [], []>, transpose_lhs_hint = false} : vector<1280x128xf32>, vector<128x128xf32>, vector<1280x128xf32> -> vector<1280x128xf32>
    %swap3A = arith.constant 0 : index
    %swap3A_35 = arith.constant 0 : index
    %swap3A_36 = vector.load %arg5[%swap3A, %swap3A_35] : memref<1280x128xf32, #tpu.memory_space<vmem>>, vector<1280x128xf32>
    tpu.vector_store %arg5[%swap3A, %swap3A_35], %dot_general3A_34 {strides = array<i32>} : memref<1280x128xf32, #tpu.memory_space<vmem>>, vector<1280x128xf32>,
    return
  }
  func.func @transform_0(%arg0: i32) -> (i32, i32, i32) {
    %c0_i32 = arith.constant 0 : i32
    %c0_i32_0 = arith.constant 0 : i32
    %c0_i32_1 = arith.constant 0 : i32
    return %c0_i32, %arg0, %c0_i32_0 : i32, i32, i32
  }
  func.func @transform_1(%arg0: i32) -> (i32, i32, i32) {
    %c0_i32 = arith.constant 0 : i32
    %c0_i32_0 = arith.constant 0 : i32
    %c0_i32_1 = arith.constant 0 : i32
    return %c0_i32, %arg0, %c0_i32_0 : i32, i32, i32
  }
  func.func @transform_2(%arg0: i32) -> (i32, i32) {
    %c0_i32 = arith.constant 0 : i32
    %c0_i32_0 = arith.constant 0 : i32
    %c0_i32_1 = arith.constant 0 : i32
    return %c0_i32, %c0_i32_0 : i32, i32
  }
  func.func @transform_3(%arg0: i32) -> (i32, i32) {
    %c0_i32 = arith.constant 0 : i32
    %c0_i32_0 = arith.constant 0 : i32
    %c0_i32_1 = arith.constant 0 : i32
    return %c0_i32, %c0_i32_0 : i32, i32
  }
  func.func @transform_4(%arg0: i32) -> (i32, i32) {
    %c0_i32 = arith.constant 0 : i32
    %c0_i32_0 = arith.constant 0 : i32
    return %arg0, %c0_i32 : i32, i32
  }
}

module attributes {stable_mosaic.version = 14 : i64} {
  func.func @body(%arg0: i32, %arg1: memref<2x1000x128xf32, #tpu.memory_space<vmem>>, %arg2: memref<2x1000x128xf32, #tpu.memory_space<vmem>>, %arg3: memref<1x128xf32, #tpu.memory_space<vmem>>, %arg4: memref<1000x128xf32, #tpu.memory_space<vmem>>) attributes {dimension_semantics = [#tpu.dimension_semantics<arbitrary>], iteration_bounds = array<i64: 10>, scalar_prefetch = 0 : i64, scratch_operands = 0 : i64, tpu.core_type = #tpu.core_type<tc>, window_params = [{transform_indices = @transform_0, window_bounds = array<i64: 2, 1000, 128>}, {transform_indices = @transform_1, window_bounds = array<i64: 2, 1000, 128>}, {pipeline_mode = #tpu.pipeline_mode<synchronous>, transform_indices = @transform_2, window_bounds = array<i64: 1, 128>}, {transform_indices = @transform_3, window_bounds = array<i64: 1000, 128>}]} {
    %get3A = arith.constant 0 : index
    %get3A_0 = arith.constant 0 : index
    %get3A_1 = arith.constant 0 : index
    %get3A_2 = vector.load %arg1[%get3A, %get3A_0, %get3A_1] : memref<2x1000x128xf32, #tpu.memory_space<vmem>>, vector<1x1000x128xf32>
    %get3A_3 = vector.shape_cast %get3A_2 : vector<1x1000x128xf32> to vector<1000x128xf32>
    %get3A_4 = arith.constant 1 : index
    %get3A_5 = arith.constant 0 : index
    %get3A_6 = arith.constant 0 : index
    %get3A_7 = vector.load %arg1[%get3A_4, %get3A_5, %get3A_6] : memref<2x1000x128xf32, #tpu.memory_space<vmem>>, vector<1x1000x128xf32>
    %get3A_8 = vector.shape_cast %get3A_7 : vector<1x1000x128xf32> to vector<1000x128xf32>
    %add3A = arith.addf %get3A_3, %get3A_8 : vector<1000x128xf32>
    %get3A_9 = arith.constant 0 : index
    %get3A_10 = arith.constant 0 : index
    %get3A_11 = arith.constant 0 : index
    %get3A_12 = vector.load %arg2[%get3A_9, %get3A_10, %get3A_11] : memref<2x1000x128xf32, #tpu.memory_space<vmem>>, vector<1x1000x1xf32>
    %get3A_13 = vector.shape_cast %get3A_12 : vector<1x1000x1xf32> to vector<1000x1xf32>
    %get3A_14 = arith.constant 1 : index
    %get3A_15 = arith.constant 0 : index
    %get3A_16 = arith.constant 0 : index
    %get3A_17 = vector.load %arg2[%get3A_14, %get3A_15, %get3A_16] : memref<2x1000x128xf32, #tpu.memory_space<vmem>>, vector<1x1000x1xf32>
    %get3A_18 = vector.shape_cast %get3A_17 : vector<1x1000x1xf32> to vector<1000x1xf32>
    %add3A_19 = arith.addf %get3A_13, %get3A_18 : vector<1000x1xf32>
    %max3A = arith.constant 1.000000e+00 : f32
    %max3A_20 = vector.broadcast %max3A : f32 to vector<1000x1xf32>
    %max3A_21 = arith.maximumf %add3A_19, %max3A_20 : vector<1000x1xf32>
    %div3A = vector.broadcast %max3A_21 : vector<1000x1xf32> to vector<1000x128xf32>
    %div3A_22 = arith.divf %add3A, %div3A : vector<1000x128xf32>
    %get3A_23 = arith.constant 0 : index
    %get3A_24 = arith.constant 0 : index
    %get3A_25 = vector.load %arg3[%get3A_23, %get3A_24] : memref<1x128xf32, #tpu.memory_space<vmem>>, vector<1x128xf32>
    %add3A_26 = vector.broadcast %get3A_25 : vector<1x128xf32> to vector<1000x128xf32>
    %add3A_27 = arith.addf %div3A_22, %add3A_26 : vector<1000x128xf32>
    %max3A_28 = arith.constant 0.000000e+00 : f32
    %max3A_29 = vector.broadcast %max3A_28 : f32 to vector<1000x128xf32>
    %max3A_30 = arith.maximumf %add3A_27, %max3A_29 : vector<1000x128xf32>
    %swap3A = arith.constant 0 : index
    %swap3A_31 = arith.constant 0 : index
    %swap3A_32 = vector.load %arg4[%swap3A, %swap3A_31] : memref<1000x128xf32, #tpu.memory_space<vmem>>, vector<1000x128xf32>
    tpu.vector_store %arg4[%swap3A, %swap3A_31], %max3A_30 {strides = array<i32>} : memref<1000x128xf32, #tpu.memory_space<vmem>>, vector<1000x128xf32>,
    return
  }
  func.func @transform_0(%arg0: i32) -> (i32, i32, i32) {
    %c0_i32 = arith.constant 0 : i32
    %c0_i32_0 = arith.constant 0 : i32
    %c0_i32_1 = arith.constant 0 : i32
    return %c0_i32, %arg0, %c0_i32_0 : i32, i32, i32
  }
  func.func @transform_1(%arg0: i32) -> (i32, i32, i32) {
    %c0_i32 = arith.constant 0 : i32
    %c0_i32_0 = arith.constant 0 : i32
    %c0_i32_1 = arith.constant 0 : i32
    return %c0_i32, %arg0, %c0_i32_0 : i32, i32, i32
  }
  func.func @transform_2(%arg0: i32) -> (i32, i32) {
    %c0_i32 = arith.constant 0 : i32
    %c0_i32_0 = arith.constant 0 : i32
    %c0_i32_1 = arith.constant 0 : i32
    return %c0_i32, %c0_i32_0 : i32, i32
  }
  func.func @transform_3(%arg0: i32) -> (i32, i32) {
    %c0_i32 = arith.constant 0 : i32
    %c0_i32_0 = arith.constant 0 : i32
    return %arg0, %c0_i32 : i32, i32
  }
}

</mosaic_0001>

<sc_bundles>
// kernel: kernel.12.cloned.1.call-start
scs
__scs_entry_jumppad:
0x0: {  	(pc) =	sbr.rel $0x88, $3  }
0x1: {  	(tag) =	ssettag $0x0;
	lr =	simm.s32 $0x1  }
0x2: {  	[smem:$0x3F97] =	sst lr;
	_ =	strace $0xD0000000  }
0x3: {  	_ = 	snop  }
0x4: {  	_ = 	snop  }
0x5: {  	_ = 	snop  }
0x6: {  	_ = 	snop  }
0x7: {  	_ = 	snop  }
__scs_overlays_trampoline_lowered:
0x8: {  	[smem:$0x3FA6] =	sst s0  }
0x9: {  	[smem:$0x3FA7] =	sst s1  }
0xa: {  	[smem:$0x3FA8] =	sst s2  }
0xb: {  	[smem:$0x3FA9] =	sst s3  }
0xc: {  	[smem:$0x3FAA] =	sst s4  }
0xd: {  	[smem:$0x3FAB] =	sst s5  }
0xe: {  	[smem:$0x3FAC] =	sst s6  }
0xf: {  	[smem:$0x3FAD] =	sst s7  }
0x10: {  	[smem:$0x3FAE] =	sst s8  }
0x11: {  	[smem:$0x3FAF] =	sst s9;
	s0 =	simm.s32 @!p0 $0x0  }
0x12: {  	s1 =	sld [smem:$0x3F95];
	s0 =	simm.s32 @p0 $0x1  }
0x13: {  	[smem:$0x3FB0] =	sst s0;
	s0 =	simm.s32 @!p1 $0x0  }
0x14: {  	s2 =	sld [smem:$0x3F94];
	s0 =	simm.s32 @p1 $0x1  }
0x15: {  	[smem:$0x3FB1] =	sst s0;
	s0 =	simm.s32 @!p2 $0x0  }
0x16: {  	s3 =	sld [smem:$0x3FDB];
	s0 =	simm.s32 @p2 $0x1  }
0x17: {  	s4 =	simm.s32 $0x1BF5;
	[smem:$0x3FB3] =	sst s0  }
0x18: {  	s0 =	sld [smem:$0x3F96];
	_ =	swait.ge [sflag:s4], $0x0  }
0x19: {  	s7 =	sld [smem:$0x3F97]  }
0x1a: {  	s8 =	sadd.s32 $0xFFFFE003, lr  }
0x1b: {  	s9 =	sadd.s32 $0xFFFFFEF7, lr;
	s5 =	simm.s32 $0xFFFFFFFF;
	p2 =	slt.u32 s8, $0xFFFFF086  }
0x1c: {  	p1 =	slt.u32 s9, $0xF7A;
	s5 =	simm.s32 @!p2 $0x0  }
0x1d: {  	s5 =	simm.s32 @p1 $0x1;
	p0 =	seq.s32 s7, s2  }
0x1e: {  	s7 =	smul.u32 @!p0 $0xF7A, s2;
	p2 =	seq.s32 @!p0 s5, $0x0  }
0x1f: {  	s9 =	smul.u32 $0xF7A, s1;
	s8 =	simm.s32 @!p0 $0x1BF5;
	p2 =	por !p2, p0  }
0x20: {  	[sflag:s8] =	ssyncset.s32 @!p0 $0xFFFFF086;
	s6 =	sadd.s32 @!p0 s3, s7;
	s7 =	simm.s32 @!p0 $0x108  }
0x21: {  	s3 =	sadd.s32 s3, s9;
	s6 =	sadd.s32 @!p0 $0x88, s6;
	s7 =	simm.s32 @p2 $0x1082  }
0x22: {  	[simem:s7], [sflag:s8] =	dma.local @!p0 [hbm:s6], $0xF7A  }
0x23: {  	s9 =	sor.u32 $0xD0000000, s2;
	s6 =	simm.s32 $0x108;
	_ =	swait.ge @!p0 [sflag:s8], $0x0  }
0x24: {  	s3 =	sadd.s32 $0x88, s3;
	s6 =	simm.s32 @!p1 $0x1082;
	[sflag:s4] =	ssyncset.s32 $0xFFFFF086  }
0x25: {  	[simem:s6], [sflag:s4] =	dma.local [hbm:s3], $0xF7A  }
0x26: {  	[smem:$0x3F97] =	sst s1;
	(tag) =	ssettag s2;
	_ =	strace s9  }
0x27: {  	s1 =	sld [smem:$0x3FA7]  }
0x28: {  	s2 =	sld [smem:$0x3FA8]  }
0x29: {  	s4 =	sld [smem:$0x3FAA]  }
0x2a: {  	p0 =	seq.s32 s5, $0x0;
	s5 =	sld [smem:$0x3FAB]  }
0x2b: {  	s6 =	sld [smem:$0x3FAC]  }
0x2c: {  	s7 =	sld [smem:$0x3FAD]  }
0x2d: {  	s3 =	simm.s32 $0x108;
	s8 =	sld [smem:$0x3FAE]  }
0x2e: {  	s3 =	simm.s32 @!p0 $0x1082;
	s9 =	sld [smem:$0x3FAF]  }
0x2f: {  	lr =	sadd.s32 s0, s3;
	s0 =	sld [smem:$0x3FA6]  }
0x30: {  	s3 =	sld [smem:$0x3FA9]  }
0x31: {  	[smem:$0x3FB2] =	sst s10  }
0x32: {  	s10 =	sld [smem:$0x3FB0];
	_ =	sdelay $0x3  }
0x33: {  	p0 =	seq.s32 s10, $0x1;
	s10 =	sld [smem:$0x3FB2];
	_ =	sdelay $0x3  }
0x34: {  	[smem:$0x3FB2] =	sst s10  }
0x35: {  	s10 =	sld [smem:$0x3FB1];
	_ =	sdelay $0x3  }
0x36: {  	p1 =	seq.s32 s10, $0x1;
	s10 =	sld [smem:$0x3FB2];
	_ =	sdelay $0x3  }
0x37: {  	[smem:$0x3FB2] =	sst s10  }
0x38: {  	s10 =	sld [smem:$0x3FB3]  }
0x39: {  	_ = 	snop;
	(pc) =	sbr.ind lr, $3  }
0x3a: {  	_ = 	snop  }
0x3b: {  	_ = 	snop  }
0x3c: {  	p2 =	seq.s32 s10, $0x1;
	s10 =	sld [smem:$0x3FB2]  }
0x3d: {  	_ =	shalt  }
0x3e: {  	_ =	shalt  }
0x3f: {  	_ =	shalt  }
0x40: {  	_ =	shalt  }
0x41: {  	_ =	shalt  }
0x42: {  	_ =	shalt  }
0x43: {  	_ =	shalt  }
0x44: {  	_ =	shalt  }
0x45: {  	_ =	shalt  }
0x46: {  	_ =	shalt  }
0x47: {  	_ =	shalt  }
0x48: {  	_ =	shalt  }
0x49: {  	_ =	shalt  }
0x4a: {  	_ =	shalt  }
0x4b: {  	_ =	shalt  }
0x4c: {  	_ =	shalt  }
0x4d: {  	_ =	shalt  }
0x4e: {  	_ =	shalt  }
0x4f: {  	_ =	shalt  }
0x50: {  	_ =	shalt  }
0x51: {  	_ =	shalt  }
0x52: {  	_ =	shalt  }
0x53: {  	_ =	shalt  }
0x54: {  	_ =	shalt  }
0x55: {  	_ =	shalt  }
0x56: {  	_ =	shalt  }
0x57: {  	_ =	shalt  }
0x58: {  	_ =	shalt  }
0x59: {  	_ =	shalt  }
0x5a: {  	_ =	shalt  }
0x5b: {  	_ =	shalt  }
0x5c: {  	_ =	shalt  }
0x5d: {  	_ =	shalt  }
0x5e: {  	_ =	shalt  }
0x5f: {  	_ =	shalt  }
0x60: {  	_ =	shalt  }
0x61: {  	_ =	shalt  }
0x62: {  	_ =	shalt  }
0x63: {  	_ =	shalt  }
0x64: {  	_ =	shalt  }
0x65: {  	_ =	shalt  }
0x66: {  	_ =	shalt  }
0x67: {  	_ =	shalt  }
0x68: {  	_ =	shalt  }
0x69: {  	_ =	shalt  }
0x6a: {  	_ =	shalt  }
0x6b: {  	_ =	shalt  }
0x6c: {  	_ =	shalt  }
0x6d: {  	_ =	shalt  }
0x6e: {  	_ =	shalt  }
0x6f: {  	_ =	shalt  }
0x70: {  	_ =	shalt  }
0x71: {  	_ =	shalt  }
0x72: {  	_ =	shalt  }
0x73: {  	_ =	shalt  }
0x74: {  	_ =	shalt  }
0x75: {  	_ =	shalt  }
0x76: {  	_ =	shalt  }
0x77: {  	_ =	shalt  }
0x78: {  	_ =	shalt  }
0x79: {  	_ =	shalt  }
0x7a: {  	_ =	shalt  }
0x7b: {  	_ =	shalt  }
0x7c: {  	_ =	shalt  }
0x7d: {  	_ =	shalt  }
0x7e: {  	_ =	shalt  }
0x7f: {  	_ =	shalt  }
0x80: {  	_ =	shalt  }
0x81: {  	_ =	shalt  }
0x82: {  	_ =	shalt  }
0x83: {  	_ =	shalt  }
0x84: {  	_ =	shalt  }
0x85: {  	_ =	shalt  }
0x86: {  	_ =	shalt  }
0x87: {  	_ =	shalt  }
.Lfunc_end0:
.L_simem_size_0:
called_computation_lowered:
.L_overlay_start_0:
0x88: {  	s2 =	sld [smem:$0x3FD9]  }
0x89: {  	s3 =	sld [smem:$0x3FFE];
	_ =	sdelay $0x1  }
0x8a: {  	s1 =	srdreg.scid  }
0x8b: {  	s0 =	sand.u32 $0x1, s1  }
0x8c: {  	s17 =	sshll.u32 s0, $0xA;
	s2 =	sadd.s32 s3, s2  }
0x8d: {  	s2 =	sadd.s32 s2, s17  }
0x8e: {  	[smem:$0x3FBE] =	sst s2  }
0x8f: {  	_ = 	snop  }
0x90: {  	(tm) =	ssettm $0x1  }
0x91: {  	s18 =	sld [smem:$0x3FFB];
	_ =	sdelay $0x3  }
0x92: {  	_ =	strace s18  }
0x93: {  	s2 =	sld [smem:$0x3FFC];
	_ =	sdelay $0x3  }
0x94: {  	_ =	strace s2  }
0x95: {  	s2 =	sld [smem:$0x3FFD];
	_ =	sdelay $0x3  }
0x96: {  	_ =	strace s2  }
0x97: {  	_ =	strace $0x8FFFFFFF  }
0x98: {  	s19 =	sld [smem:$0x3FDB];
	_ =	sdelay $0x1  }
0x99: {  	s20 =	simm.s32 $_scs_section_size  }
0x9a: {  	s4 =	simm.s32 $_size__tile_overlayer_lowered;
	s5 =	simm.s32 $_tile_overlayer_lowered  }
0x9b: {  	s6 =	simm.s32 $0x1BFF;
	s21 =	sshll.u32 s5, $0x1;
	s3 =	sadd.s32 s20, s19  }
0x9c: {  	s22 =	simm.s32 $0x0;
	s4 =	sshll.u32 s4, $0x1;
	s5 =	sadd.s32 s21, s3  }
0x9d: {  	[timem:s22], [sflag:s6] =	dma.local [hbm:s5], s4  }
0x9e: {  	_ =	swait.ge [sflag:s6], s4  }
0x9f: {  	s4 =	ssub.s32 $0x0, s4;
	[sflag:s6] =	ssyncset.done $0x0  }
0xa0: {  	[sflag:s6] =	ssyncadd.s32 s4;
	_ =	sdelay $0x1  }
0xa1: {  	s23 =	simm.s32 $0x1B8B  }
0xa2: {  	_ =	swait.ge [sflag:s23], $0x1  }
0xa3: {  	[sflag:s23] =	ssyncset.done $0x0  }
0xa4: {  	[sflag:s23] =	ssyncadd.s32 $0xFFFFFFFF  }
0xa5: {  	s4 =	sld [smem:$0x0]  }
0xa6: {  	s5 =	sand.u32 $0xFFFFFFFE, s1  }
0xa7: {  	p0 =	sne.s32 s1, s5  }
0xa8: {  	s5 =	sshll.u32 @p0 s5, $0xE  }
0xa9: {  	s5 =	sadd.s32 @p0 $0x11B8D, s5;
	s6 =	sshll.u32 @p0 s4, $0x11  }
0xaa: {  	s5 =	sor.u32 @p0 s6, s5  }
0xab: {  	[sflag:s5] =	ssyncadd.remote.s32 @p0 $0x1;
	_ =	sdelay $0x1  }
0xac: {  	s5 =	simm.s32 @p0 $0x1B8D  }
0xad: {  	_ =	swait.eq @p0 [sflag:s5], $0x1  }
0xae: {  	[sflag:s5] =	ssyncadd.s32 @p0 $0xFFFFFFFF  }
0xaf: {  	s6 =	sshll.u32 @!p0 s1, $0xE  }
0xb0: {  	s6 =	sor.u32 @!p0 $0x4000, s6;
	s5 =	simm.s32 @!p0 $0x1B8D  }
0xb1: {  	s4 =	sshll.u32 @!p0 s4, $0x11;
	s6 =	sadd.s32 @!p0 $0x11B8D, s6;
	_ =	swait.eq @!p0 [sflag:s5], $0x1  }
0xb2: {  	s4 =	sor.u32 @!p0 s4, s6;
	[sflag:s5] =	ssyncadd.s32 @!p0 $0xFFFFFFFF  }
0xb3: {  	s25 =	simm.s32 $0x1B8E;
	s24 =	sld [smem:$0x3FFE];
	[sflag:s4] =	ssyncadd.remote.s32 @!p0 $0x1  }
0xb4: {  	s26 =	simm.s32 $execute0_lowered;
	[smem:$0x3FD2] =	sst s25  }
0xb5: {  	s5 =	sshll.u32 s26, $0x1;
	_ =	strace $0x80000049;
	[dreg:$0x1] =	wrdreg $0xFFFFFFFF  }
0xb6: {  	s28 =	simm.s32 $_size_execute0_lowered;
	s3 =	sadd.s32 s3, s5;
	[dreg:$0x0] =	wrdreg $0x0  }
0xb7: {  	s5 =	sshll.u32 s28, $0x1;
	[dreg:$0x2] =	wrdreg s3  }
0xb8: {  	[dreg:$0x3] =	wrdreg s5  }
0xb9: {  	[dreg:$0x4] =	wrdreg $0xC0  }
0xba: {  	_ =	task [dreg:s22], $0x5FFFF  }
0xbb: {  	[dreg:$0x1] =	wrdreg $0xFFFFFFFF  }
0xbc: {  	[dreg:$0x0] =	wrdreg $0x60  }
0xbd: {  	[dreg:$0x2] =	wrdreg s24  }
0xbe: {  	[dreg:$0x3] =	wrdreg $0x0  }
0xbf: {  	[dreg:$0x4] =	wrdreg $0x9  }
0xc0: {  	_ =	task.clear_ibuf [dreg:s22], $0x5FFFF;
	_ =	strace $0x90000049  }
0xc1: {  	s29 =	simm.s32 $0x9;
	_ =	strace $0x8000004B  }
0xc2: {  	_ =	swait.ge [sflag:s29], $0x1  }
0xc3: {  	[sflag:s29] =	ssyncadd.s32 $0xFFFFFFFF  }
0xc4: {  	_ =	strace $0x9000004B  }
0xc5: {  	_ =	sfence  }
0xc6: {  	s30 =	sld [smem:$0x0];
	_ =	sdelay $0x2  }
0xc7: {  	s31 =	sshll.u32 s1, $0xD;
	s1 =	sshrl.u32 s1, $0x2  }
0xc8: {  	s4 =	sand.u32 $0x4000, s31;
	s1 =	sadd.s32 s1, s30  }
0xc9: {  	s0 =	sor.u32 s4, s0;
	s1 =	sshll.u32 s1, $0x11  }
0xca: {  	s0 =	sor.u32 s1, s0  }
0xcb: {  	s0 =	sadd.s32 $0x8F2B, s0  }
0xcc: {  	[sflag:s0] =	ssyncadd.remote.s32 $0x1  }
0xcd: {  	_ =	sfence.sel $0xFFFF  }
0xce: {  	[dreg:$0x0] =	wrdreg $0xFFFFFFFF;
	(pc) =	sbr.abs _section_cstart, $3  }
0xcf: {  	[dreg:$0x1] =	wrdreg $0xFFFFFFFF  }
0xd0: {  	_ =	task.clear_ibuf [dreg:s22], $0x2FFFF;
	_ =	strace $0x9FFFFFFF  }
0xd1: {  	(tm) =	ssettm $0x7FFFFFFF  }
tec
execute0_lowered:
.L_overlay_start_1:
0x0: {  	(tag) =	ssettag $0x1  }
0x1: {  	s1 =	srdreg.scid;
	s6 =	rddreg [dreg:$0x0]  }
0x2: {  	s0 =	stileid.u32;
	s2 =	rddreg [dreg:$0x1];
	s3 =	simm.s32 $0x0  }
0x3: {  	s12 =	simm.s32 $0xA400;
	s13 =	simm.s32 $0xA000;
	s14 =	simm.s32 $0x80  }
0x4: {  	s15 =	simm.s32 $0xA080;
	s16 =	simm.s32 $0xA100;
	s17 =	simm.s32 $0xA180  }
0x5: {  	s18 =	simm.s32 $0xA200;
	s19 =	simm.s32 $0xA280;
	s4 =	smul.u32 $0x2800, s0  }
0x6: {  	s20 =	simm.s32 $0xA300;
	s21 =	simm.s32 $0xA380;
	s26 =	smul.u32 $0x1400, s0  }
0x7: {  	s5 =	sand.u32 $0x1, s1;
	s1 =	rddreg [dreg:$0x2];
	s10 =	smul.u32 $0x28000, s0  }
0x8: {  	s22 =	simm.s32 $0x0;
	[smem:$0x7FF] =	sst s3;
	s7 =	smul.u32 $0x1400, s5  }
0x9: {  	s31 =	sshll.u32 s0, $0x6;
	s8 =	smul.u32 $0x14000, s5;
	s28 =	ssub.s32 $0x2, s5  }
0xa: {  	_ =	strace $0x8000004A;
	s5 =	sadd.s32 $0x36600, s6;
	s29 =	sshrl.u32 s28, $0x1  }
0xb: {  	s30 =	sshrl.u32 s10, $0x2;
	s4 =	sadd.s32 s7, s4;
	s7 =	sadd.s32 s26, s8  }
0xc: {  	s8 =	ssub.s32 s28, s29;
	s11 =	sadd.s32 s30, s2;
	s4 =	sshrl.u32 s4, $0x3  }
0xd: {  	s7 =	sadd.s32 s7, s6;
	s8 =	smax.u32 s8, $0x1;
	s10 =	sshrl.u32 s11, $0x3  }
0xe: {  	s11 =	simm.s32 $0x1;
	s9 =	sadd.s32 s4, s6;
	s4 =	sadd.s32 $0xD200, s6  }
0xf: {  	s6 =	sor.u32 $0x1C01, s31;
	s7 =	sadd.s32 $0x36E00, s7;
	s9 =	sadd.s32 $0x3200, s9  }
.LBB2_1:
0x10: {  	[spmem:s10], [sflag:s6] =	dma.local [hbm:s4], $0x1400  }
0x11: {  	_ =	swait.ge [sflag:s11], $0x1400  }
0x12: {  	[sflag:s11] =	ssyncset.done $0x0  }
0x13: {  	[sflag:s11] =	ssyncadd.s32 $0xFFFFEC00  }
0x14: {  	[tilespmem:s12], [sflag:$0x1] =	stream.linear.gather [hbm4b:s5+s3], $0x4000, $0x38;
	[tilespmem:$0xE400] =	vst v63  }
0x15: {  	_ =	swait.ge [sflag:s11], $0x4000  }
0x16: {  	[sflag:s11] =	ssyncset.done $0x0  }
0x17: {  	[sflag:s11] =	ssyncadd.s32 $0xFFFFC000  }
0x18: {  	s23 =	sadd.s32 $0x0, s9;
	[bflag:$0x0] =	sbarrier.arrive $0xFFFF  }
0x19: {  	[tilespmem:s13], [sflag:$0x1] =	stream.linear.gather [hbm4b:s23+s3], $0x400, $0x38;
	[tilespmem:$0xE400] =	vst v63  }
0x1a: {  	_ =	swait.ge [sflag:s11], $0x400  }
0x1b: {  	[sflag:s11] =	ssyncset.done $0x0  }
0x1c: {  	[sflag:s11] =	ssyncadd.s32 $0xFFFFFC00  }
0x1d: {  	[spmem:s2] =	stream.indirect.scatter.add.f32 [tilespmem:s12], [sflag:$0x1], $0x80, s13, s14, $0xb8;
	[tilespmem:$0xE400] =	vst v63  }
0x1e: {  	_ =	swait.ge [sflag:s11], $0x4000  }
0x1f: {  	[sflag:s11] =	ssyncset.done $0x0  }
0x20: {  	[sflag:s11] =	ssyncadd.s32 $0xFFFFC000  }
0x21: {  	[spmem:s2] =	stream.indirect.scatter.add.f32 [tilespmem:s12], [sflag:$0x1], $0x80, s15, s14, $0xb8;
	[tilespmem:$0xE400] =	vst v63  }
0x22: {  	_ =	swait.ge [sflag:s11], $0x4000  }
0x23: {  	[sflag:s11] =	ssyncset.done $0x0  }
0x24: {  	[sflag:s11] =	ssyncadd.s32 $0xFFFFC000  }
0x25: {  	[spmem:s2] =	stream.indirect.scatter.add.f32 [tilespmem:s12], [sflag:$0x1], $0x80, s16, s14, $0xb8;
	[tilespmem:$0xE400] =	vst v63  }
0x26: {  	_ =	swait.ge [sflag:s11], $0x4000  }
0x27: {  	[sflag:s11] =	ssyncset.done $0x0  }
0x28: {  	[sflag:s11] =	ssyncadd.s32 $0xFFFFC000  }
0x29: {  	[spmem:s2] =	stream.indirect.scatter.add.f32 [tilespmem:s12], [sflag:$0x1], $0x80, s17, s14, $0xb8;
	[tilespmem:$0xE400] =	vst v63  }
0x2a: {  	_ =	swait.ge [sflag:s11], $0x4000  }
0x2b: {  	[sflag:s11] =	ssyncset.done $0x0  }
0x2c: {  	[sflag:s11] =	ssyncadd.s32 $0xFFFFC000  }
0x2d: {  	[spmem:s2] =	stream.indirect.scatter.add.f32 [tilespmem:s12], [sflag:$0x1], $0x80, s18, s14, $0xb8;
	[tilespmem:$0xE400] =	vst v63  }
0x2e: {  	_ =	swait.ge [sflag:s11], $0x4000  }
0x2f: {  	[sflag:s11] =	ssyncset.done $0x0  }
0x30: {  	[sflag:s11] =	ssyncadd.s32 $0xFFFFC000  }
0x31: {  	[spmem:s2] =	stream.indirect.scatter.add.f32 [tilespmem:s12], [sflag:$0x1], $0x80, s19, s14, $0xb8;
	[tilespmem:$0xE400] =	vst v63  }
0x32: {  	_ =	swait.ge [sflag:s11], $0x4000  }
0x33: {  	[sflag:s11] =	ssyncset.done $0x0  }
0x34: {  	[sflag:s11] =	ssyncadd.s32 $0xFFFFC000  }
0x35: {  	[spmem:s2] =	stream.indirect.scatter.add.f32 [tilespmem:s12], [sflag:$0x1], $0x80, s20, s14, $0xb8;
	[tilespmem:$0xE400] =	vst v63  }
0x36: {  	_ =	swait.ge [sflag:s11], $0x4000  }
0x37: {  	[sflag:s11] =	ssyncset.done $0x0  }
0x38: {  	[sflag:s11] =	ssyncadd.s32 $0xFFFFC000  }
0x39: {  	[spmem:s2] =	stream.indirect.scatter.add.f32 [tilespmem:s12], [sflag:$0x1], $0x80, s21, s14, $0xb8;
	[tilespmem:$0xE400] =	vst v63  }
0x3a: {  	_ =	swait.ge [sflag:s11], $0x4000  }
0x3b: {  	s25 =	simm.s32 $0x100;
	s23 =	simm.s32 $0x80;
	[sflag:s11] =	ssyncset.done $0x0  }
.LBB2_2:
0x3c: {  	s26 =	sadd.s32 s23, s9  }
0x3d: {  	[sflag:s11] =	ssyncadd.s32 $0xFFFFC000;
	s23 =	smov.u32 s25;
	s24 =	sadd.s32 $0x80, s25  }
0x3e: {  	[tilespmem:s13], [sflag:$0x1] =	stream.linear.gather [hbm4b:s26+s3], $0x400, $0x38;
	[tilespmem:$0xE400] =	vst v63  }
0x3f: {  	p0 =	sne.s32 s25, $0x200;
	_ =	swait.ge [sflag:s11], $0x400  }
0x40: {  	[sflag:s11] =	ssyncset.done $0x0  }
0x41: {  	[sflag:s11] =	ssyncadd.s32 $0xFFFFFC00  }
0x42: {  	[spmem:s2] =	stream.indirect.scatter.add.f32 [tilespmem:s12], [sflag:$0x1], $0x80, s13, s14, $0xb8;
	[tilespmem:$0xE400] =	vst v63  }
0x43: {  	_ =	swait.ge [sflag:s11], $0x4000  }
0x44: {  	[sflag:s11] =	ssyncset.done $0x0  }
0x45: {  	[sflag:s11] =	ssyncadd.s32 $0xFFFFC000  }
0x46: {  	[spmem:s2] =	stream.indirect.scatter.add.f32 [tilespmem:s12], [sflag:$0x1], $0x80, s15, s14, $0xb8;
	[tilespmem:$0xE400] =	vst v63  }
0x47: {  	_ =	swait.ge [sflag:s11], $0x4000  }
0x48: {  	[sflag:s11] =	ssyncset.done $0x0  }
0x49: {  	[sflag:s11] =	ssyncadd.s32 $0xFFFFC000  }
0x4a: {  	[spmem:s2] =	stream.indirect.scatter.add.f32 [tilespmem:s12], [sflag:$0x1], $0x80, s16, s14, $0xb8;
	[tilespmem:$0xE400] =	vst v63  }
0x4b: {  	_ =	swait.ge [sflag:s11], $0x4000  }
0x4c: {  	[sflag:s11] =	ssyncset.done $0x0  }
0x4d: {  	[sflag:s11] =	ssyncadd.s32 $0xFFFFC000  }
0x4e: {  	[spmem:s2] =	stream.indirect.scatter.add.f32 [tilespmem:s12], [sflag:$0x1], $0x80, s17, s14, $0xb8;
	[tilespmem:$0xE400] =	vst v63  }
0x4f: {  	_ =	swait.ge [sflag:s11], $0x4000  }
0x50: {  	[sflag:s11] =	ssyncset.done $0x0  }
0x51: {  	[sflag:s11] =	ssyncadd.s32 $0xFFFFC000  }
0x52: {  	[spmem:s2] =	stream.indirect.scatter.add.f32 [tilespmem:s12], [sflag:$0x1], $0x80, s18, s14, $0xb8;
	[tilespmem:$0xE400] =	vst v63  }
0x53: {  	_ =	swait.ge [sflag:s11], $0x4000  }
0x54: {  	[sflag:s11] =	ssyncset.done $0x0  }
0x55: {  	[sflag:s11] =	ssyncadd.s32 $0xFFFFC000  }
0x56: {  	[spmem:s2] =	stream.indirect.scatter.add.f32 [tilespmem:s12], [sflag:$0x1], $0x80, s19, s14, $0xb8;
	[tilespmem:$0xE400] =	vst v63  }
0x57: {  	_ =	swait.ge [sflag:s11], $0x4000  }
0x58: {  	[sflag:s11] =	ssyncset.done $0x0  }
0x59: {  	[sflag:s11] =	ssyncadd.s32 $0xFFFFC000  }
0x5a: {  	[spmem:s2] =	stream.indirect.scatter.add.f32 [tilespmem:s12], [sflag:$0x1], $0x80, s20, s14, $0xb8;
	[tilespmem:$0xE400] =	vst v63  }
0x5b: {  	_ =	swait.ge [sflag:s11], $0x4000  }
.Ltmp0:
0x5c: {  	[sflag:s11] =	ssyncset.done $0x0;
	(pc) =	sbr.rel @p0 .LBB2_2-.Ltmp0, $4  }
0x5d: {  	[sflag:s11] =	ssyncadd.s32 $0xFFFFC000  }
0x5e: {  	[spmem:s2] =	stream.indirect.scatter.add.f32 [tilespmem:s12], [sflag:$0x1], $0x80, s21, s14, $0xb8;
	[tilespmem:$0xE400] =	vst v63  }
0x5f: {  	_ =	swait.ge [sflag:s11], $0x4000  }
0x60: {  	s25 =	smov.u32 s24;
	[sflag:s11] =	ssyncset.done $0x0  }
0x61: {  	s23 =	sadd.s32 s23, s9;
	[sflag:s11] =	ssyncadd.s32 $0xFFFFC000  }
0x62: {  	[tilespmem:s13], [sflag:$0x1] =	stream.linear.gather [hbm4b:s23+s3], $0x400, $0x38;
	[tilespmem:$0xE400] =	vst v63  }
0x63: {  	_ =	swait.ge [sflag:s11], $0x400  }
0x64: {  	[sflag:s11] =	ssyncset.done $0x0  }
0x65: {  	[sflag:s11] =	ssyncadd.s32 $0xFFFFFC00  }
0x66: {  	[spmem:s2] =	stream.indirect.scatter.add.f32 [tilespmem:s12], [sflag:$0x1], $0x80, s13, s14, $0xb8;
	[tilespmem:$0xE400] =	vst v63  }
0x67: {  	_ =	swait.ge [sflag:s11], $0x4000  }
0x68: {  	[sflag:s11] =	ssyncset.done $0x0  }
0x69: {  	[sflag:s11] =	ssyncadd.s32 $0xFFFFC000  }
0x6a: {  	[spmem:s2] =	stream.indirect.scatter.add.f32 [tilespmem:s12], [sflag:$0x1], $0x80, s15, s14, $0xb8;
	[tilespmem:$0xE400] =	vst v63  }
0x6b: {  	_ =	swait.ge [sflag:s11], $0x4000  }
0x6c: {  	[sflag:s11] =	ssyncset.done $0x0  }
0x6d: {  	[sflag:s11] =	ssyncadd.s32 $0xFFFFC000  }
0x6e: {  	[spmem:s2] =	stream.indirect.scatter.add.f32 [tilespmem:s12], [sflag:$0x1], $0x80, s16, s14, $0xb8;
	[tilespmem:$0xE400] =	vst v63  }
0x6f: {  	_ =	swait.ge [sflag:s11], $0x4000  }
0x70: {  	[sflag:s11] =	ssyncset.done $0x0  }
0x71: {  	[sflag:s11] =	ssyncadd.s32 $0xFFFFC000  }
0x72: {  	[spmem:s2] =	stream.indirect.scatter.add.f32 [tilespmem:s12], [sflag:$0x1], $0x80, s17, s14, $0xb8;
	[tilespmem:$0xE400] =	vst v63  }
0x73: {  	_ =	swait.ge [sflag:s11], $0x4000  }
0x74: {  	[sflag:s11] =	ssyncset.done $0x0  }
0x75: {  	[sflag:s11] =	ssyncadd.s32 $0xFFFFC000  }
0x76: {  	[spmem:s2] =	stream.indirect.scatter.add.f32 [tilespmem:s12], [sflag:$0x1], $0x80, s18, s14, $0xb8;
	[tilespmem:$0xE400] =	vst v63  }
0x77: {  	_ =	swait.ge [sflag:s11], $0x4000  }
0x78: {  	[sflag:s11] =	ssyncset.done $0x0  }
0x79: {  	[sflag:s11] =	ssyncadd.s32 $0xFFFFC000  }
0x7a: {  	[spmem:s2] =	stream.indirect.scatter.add.f32 [tilespmem:s12], [sflag:$0x1], $0x80, s19, s14, $0xb8;
	[tilespmem:$0xE400] =	vst v63  }
0x7b: {  	_ =	swait.ge [sflag:s11], $0x4000  }
0x7c: {  	[sflag:s11] =	ssyncset.done $0x0  }
0x7d: {  	[sflag:s11] =	ssyncadd.s32 $0xFFFFC000  }
0x7e: {  	[spmem:s2] =	stream.indirect.scatter.add.f32 [tilespmem:s12], [sflag:$0x1], $0x80, s20, s14, $0xb8;
	[tilespmem:$0xE400] =	vst v63  }
0x7f: {  	_ =	swait.ge [sflag:s11], $0x4000  }
0x80: {  	[sflag:s11] =	ssyncset.done $0x0  }
0x81: {  	[sflag:s11] =	ssyncadd.s32 $0xFFFFC000  }
0x82: {  	[spmem:s2] =	stream.indirect.scatter.add.f32 [tilespmem:s12], [sflag:$0x1], $0x80, s21, s14, $0xb8;
	[tilespmem:$0xE400] =	vst v63  }
0x83: {  	_ =	swait.ge [sflag:s11], $0x4000  }
0x84: {  	s22 =	sadd.s32 $0x1, s22;
	[sflag:s11] =	ssyncset.done $0x0  }
0x85: {  	p0 =	sne.s32 s22, s8;
	[sflag:s11] =	ssyncadd.s32 $0xFFFFC000  }
.Ltmp1:
0x86: {  	[bflag:$0x0] =	sbarrier.arrive $0xFFFF;
	(pc) =	sbr.rel @p0 .LBB2_1-.Ltmp1, $4  }
0x87: {  	[hbm:s7], [sflag:s6] =	dma.local [spmem:s10], $0x1400  }
0x88: {  	_ =	swait.ge [sflag:s11], $0x1400  }
0x89: {  	[sflag:s11] =	ssyncset.done $0x0  }
0x8a: {  	[sflag:s11] =	ssyncadd.s32 $0xFFFFEC00  }
0x8b: {  	_ =	sfence.sel $0x180000  }
0x8c: {  	[bflag:$0x0] =	sbarrier.arrive $0xFFFF  }
0x8d: {  	p0 =	sne.s32 s0, $0x0;
	_ =	strace $0x9000004A  }
0x8e: {  	s0 =	sadd.s32 @!p0 $0x100000, s1;
	[bflag:$0x2] =	sbarrier.arrive $0xFFFF  }
0x8f: {  	[sflag:s0] =	ssyncadd.tile.s32 @!p0 $0x1;
	_ =	shalt  }
.Lfunc_end2:
_tile_overlayer_lowered:
.L_overlay_start_2:
0x90: {  	(tag) =	ssettag $0x2  }
0x91: {  	s0 =	rddreg [dreg:$0x0];
	s2 =	stileid.u32  }
0x92: {  	s1 =	rddreg [dreg:$0x1];
	p0 =	sne.s32 s2, $0x0  }
0x93: {  	s3 =	rddreg [dreg:$0x2];
	[bflag:$0x3] =	sbarrier.arrive $0xFFFF;
	s2 =	simm.s32 @!p0 $0x1C01  }
0x94: {  	[timem:s3], [sflag:s2] =	dma.local @!p0 [hbm:s0], s1  }
0x95: {  	s0 =	simm.s32 @!p0 $0x1  }
0x96: {  	_ =	swait.ge @!p0 [sflag:s0], s1  }
0x97: {  	s1 =	ssub.s32 @!p0 $0x0, s1;
	[sflag:s0] =	ssyncset.done @!p0 $0x0  }
0x98: {  	[sflag:s0] =	ssyncadd.s32 @!p0 s1  }
0x99: {  	[bflag:$0x3] =	sbarrier.arrive $0xFFFF  }
0x9a: {  	_ =	shalt  }

// kernel: kernel.15.cloned.1.call-start
scs
__scs_entry_jumppad:
0x0: {  	(pc) =	sbr.rel $0x88, $3  }
0x1: {  	(tag) =	ssettag $0x0;
	lr =	simm.s32 $0x1  }
0x2: {  	[smem:$0x3F97] =	sst lr;
	_ =	strace $0xD0000000  }
0x3: {  	_ = 	snop  }
0x4: {  	_ = 	snop  }
0x5: {  	_ = 	snop  }
0x6: {  	_ = 	snop  }
0x7: {  	_ = 	snop  }
__scs_overlays_trampoline_lowered:
0x8: {  	[smem:$0x3FA6] =	sst s0  }
0x9: {  	[smem:$0x3FA7] =	sst s1  }
0xa: {  	[smem:$0x3FA8] =	sst s2  }
0xb: {  	[smem:$0x3FA9] =	sst s3  }
0xc: {  	[smem:$0x3FAA] =	sst s4  }
0xd: {  	[smem:$0x3FAB] =	sst s5  }
0xe: {  	[smem:$0x3FAC] =	sst s6  }
0xf: {  	[smem:$0x3FAD] =	sst s7  }
0x10: {  	[smem:$0x3FAE] =	sst s8  }
0x11: {  	[smem:$0x3FAF] =	sst s9;
	s0 =	simm.s32 @!p0 $0x0  }
0x12: {  	s1 =	sld [smem:$0x3F95];
	s0 =	simm.s32 @p0 $0x1  }
0x13: {  	[smem:$0x3FB0] =	sst s0;
	s0 =	simm.s32 @!p1 $0x0  }
0x14: {  	s2 =	sld [smem:$0x3F94];
	s0 =	simm.s32 @p1 $0x1  }
0x15: {  	[smem:$0x3FB1] =	sst s0;
	s0 =	simm.s32 @!p2 $0x0  }
0x16: {  	s3 =	sld [smem:$0x3FDB];
	s0 =	simm.s32 @p2 $0x1  }
0x17: {  	s4 =	simm.s32 $0x1BF5;
	[smem:$0x3FB3] =	sst s0  }
0x18: {  	s0 =	sld [smem:$0x3F96];
	_ =	swait.ge [sflag:s4], $0x0  }
0x19: {  	s7 =	sld [smem:$0x3F97]  }
0x1a: {  	s8 =	sadd.s32 $0xFFFFE003, lr  }
0x1b: {  	s9 =	sadd.s32 $0xFFFFFEF7, lr;
	s5 =	simm.s32 $0xFFFFFFFF;
	p2 =	slt.u32 s8, $0xFFFFF086  }
0x1c: {  	p1 =	slt.u32 s9, $0xF7A;
	s5 =	simm.s32 @!p2 $0x0  }
0x1d: {  	s5 =	simm.s32 @p1 $0x1;
	p0 =	seq.s32 s7, s2  }
0x1e: {  	s7 =	smul.u32 @!p0 $0xF7A, s2;
	p2 =	seq.s32 @!p0 s5, $0x0  }
0x1f: {  	s9 =	smul.u32 $0xF7A, s1;
	s8 =	simm.s32 @!p0 $0x1BF5;
	p2 =	por !p2, p0  }
0x20: {  	[sflag:s8] =	ssyncset.s32 @!p0 $0xFFFFF086;
	s6 =	sadd.s32 @!p0 s3, s7;
	s7 =	simm.s32 @!p0 $0x108  }
0x21: {  	s3 =	sadd.s32 s3, s9;
	s6 =	sadd.s32 @!p0 $0x88, s6;
	s7 =	simm.s32 @p2 $0x1082  }
0x22: {  	[simem:s7], [sflag:s8] =	dma.local @!p0 [hbm:s6], $0xF7A  }
0x23: {  	s9 =	sor.u32 $0xD0000000, s2;
	s6 =	simm.s32 $0x108;
	_ =	swait.ge @!p0 [sflag:s8], $0x0  }
0x24: {  	s3 =	sadd.s32 $0x88, s3;
	s6 =	simm.s32 @!p1 $0x1082;
	[sflag:s4] =	ssyncset.s32 $0xFFFFF086  }
0x25: {  	[simem:s6], [sflag:s4] =	dma.local [hbm:s3], $0xF7A  }
0x26: {  	[smem:$0x3F97] =	sst s1;
	(tag) =	ssettag s2;
	_ =	strace s9  }
0x27: {  	s1 =	sld [smem:$0x3FA7]  }
0x28: {  	s2 =	sld [smem:$0x3FA8]  }
0x29: {  	s4 =	sld [smem:$0x3FAA]  }
0x2a: {  	p0 =	seq.s32 s5, $0x0;
	s5 =	sld [smem:$0x3FAB]  }
0x2b: {  	s6 =	sld [smem:$0x3FAC]  }
0x2c: {  	s7 =	sld [smem:$0x3FAD]  }
0x2d: {  	s3 =	simm.s32 $0x108;
	s8 =	sld [smem:$0x3FAE]  }
0x2e: {  	s3 =	simm.s32 @!p0 $0x1082;
	s9 =	sld [smem:$0x3FAF]  }
0x2f: {  	lr =	sadd.s32 s0, s3;
	s0 =	sld [smem:$0x3FA6]  }
0x30: {  	s3 =	sld [smem:$0x3FA9]  }
0x31: {  	[smem:$0x3FB2] =	sst s10  }
0x32: {  	s10 =	sld [smem:$0x3FB0];
	_ =	sdelay $0x3  }
0x33: {  	p0 =	seq.s32 s10, $0x1;
	s10 =	sld [smem:$0x3FB2];
	_ =	sdelay $0x3  }
0x34: {  	[smem:$0x3FB2] =	sst s10  }
0x35: {  	s10 =	sld [smem:$0x3FB1];
	_ =	sdelay $0x3  }
0x36: {  	p1 =	seq.s32 s10, $0x1;
	s10 =	sld [smem:$0x3FB2];
	_ =	sdelay $0x3  }
0x37: {  	[smem:$0x3FB2] =	sst s10  }
0x38: {  	s10 =	sld [smem:$0x3FB3]  }
0x39: {  	_ = 	snop;
	(pc) =	sbr.ind lr, $3  }
0x3a: {  	_ = 	snop  }
0x3b: {  	_ = 	snop  }
0x3c: {  	p2 =	seq.s32 s10, $0x1;
	s10 =	sld [smem:$0x3FB2]  }
0x3d: {  	_ =	shalt  }
0x3e: {  	_ =	shalt  }
0x3f: {  	_ =	shalt  }
0x40: {  	_ =	shalt  }
0x41: {  	_ =	shalt  }
0x42: {  	_ =	shalt  }
0x43: {  	_ =	shalt  }
0x44: {  	_ =	shalt  }
0x45: {  	_ =	shalt  }
0x46: {  	_ =	shalt  }
0x47: {  	_ =	shalt  }
0x48: {  	_ =	shalt  }
0x49: {  	_ =	shalt  }
0x4a: {  	_ =	shalt  }
0x4b: {  	_ =	shalt  }
0x4c: {  	_ =	shalt  }
0x4d: {  	_ =	shalt  }
0x4e: {  	_ =	shalt  }
0x4f: {  	_ =	shalt  }
0x50: {  	_ =	shalt  }
0x51: {  	_ =	shalt  }
0x52: {  	_ =	shalt  }
0x53: {  	_ =	shalt  }
0x54: {  	_ =	shalt  }
0x55: {  	_ =	shalt  }
0x56: {  	_ =	shalt  }
0x57: {  	_ =	shalt  }
0x58: {  	_ =	shalt  }
0x59: {  	_ =	shalt  }
0x5a: {  	_ =	shalt  }
0x5b: {  	_ =	shalt  }
0x5c: {  	_ =	shalt  }
0x5d: {  	_ =	shalt  }
0x5e: {  	_ =	shalt  }
0x5f: {  	_ =	shalt  }
0x60: {  	_ =	shalt  }
0x61: {  	_ =	shalt  }
0x62: {  	_ =	shalt  }
0x63: {  	_ =	shalt  }
0x64: {  	_ =	shalt  }
0x65: {  	_ =	shalt  }
0x66: {  	_ =	shalt  }
0x67: {  	_ =	shalt  }
0x68: {  	_ =	shalt  }
0x69: {  	_ =	shalt  }
0x6a: {  	_ =	shalt  }
0x6b: {  	_ =	shalt  }
0x6c: {  	_ =	shalt  }
0x6d: {  	_ =	shalt  }
0x6e: {  	_ =	shalt  }
0x6f: {  	_ =	shalt  }
0x70: {  	_ =	shalt  }
0x71: {  	_ =	shalt  }
0x72: {  	_ =	shalt  }
0x73: {  	_ =	shalt  }
0x74: {  	_ =	shalt  }
0x75: {  	_ =	shalt  }
0x76: {  	_ =	shalt  }
0x77: {  	_ =	shalt  }
0x78: {  	_ =	shalt  }
0x79: {  	_ =	shalt  }
0x7a: {  	_ =	shalt  }
0x7b: {  	_ =	shalt  }
0x7c: {  	_ =	shalt  }
0x7d: {  	_ =	shalt  }
0x7e: {  	_ =	shalt  }
0x7f: {  	_ =	shalt  }
0x80: {  	_ =	shalt  }
0x81: {  	_ =	shalt  }
0x82: {  	_ =	shalt  }
0x83: {  	_ =	shalt  }
0x84: {  	_ =	shalt  }
0x85: {  	_ =	shalt  }
0x86: {  	_ =	shalt  }
0x87: {  	_ =	shalt  }
.Lfunc_end0:
.L_simem_size_0:
called_computation.1_lowered:
.L_overlay_start_0:
0x88: {  	s2 =	sld [smem:$0x3FD9]  }
0x89: {  	s3 =	sld [smem:$0x3FFE];
	_ =	sdelay $0x1  }
0x8a: {  	s1 =	srdreg.scid  }
0x8b: {  	s0 =	sand.u32 $0x1, s1  }
0x8c: {  	s17 =	sshll.u32 s0, $0xA;
	s2 =	sadd.s32 s3, s2  }
0x8d: {  	s2 =	sadd.s32 s2, s17  }
0x8e: {  	[smem:$0x3FBE] =	sst s2  }
0x8f: {  	_ = 	snop  }
0x90: {  	(tm) =	ssettm $0x1  }
0x91: {  	s18 =	sld [smem:$0x3FFB];
	_ =	sdelay $0x3  }
0x92: {  	_ =	strace s18  }
0x93: {  	s2 =	sld [smem:$0x3FFC];
	_ =	sdelay $0x3  }
0x94: {  	_ =	strace s2  }
0x95: {  	s2 =	sld [smem:$0x3FFD];
	_ =	sdelay $0x3  }
0x96: {  	_ =	strace s2  }
0x97: {  	_ =	strace $0x8FFFFFFF  }
0x98: {  	s19 =	sld [smem:$0x3FDB];
	_ =	sdelay $0x1  }
0x99: {  	s20 =	simm.s32 $_scs_section_size  }
0x9a: {  	s4 =	simm.s32 $_size__tile_overlayer_lowered;
	s5 =	simm.s32 $_tile_overlayer_lowered  }
0x9b: {  	s6 =	simm.s32 $0x1BFF;
	s21 =	sshll.u32 s5, $0x1;
	s3 =	sadd.s32 s20, s19  }
0x9c: {  	s22 =	simm.s32 $0x0;
	s4 =	sshll.u32 s4, $0x1;
	s5 =	sadd.s32 s21, s3  }
0x9d: {  	[timem:s22], [sflag:s6] =	dma.local [hbm:s5], s4  }
0x9e: {  	_ =	swait.ge [sflag:s6], s4  }
0x9f: {  	s4 =	ssub.s32 $0x0, s4;
	[sflag:s6] =	ssyncset.done $0x0  }
0xa0: {  	[sflag:s6] =	ssyncadd.s32 s4;
	_ =	sdelay $0x1  }
0xa1: {  	s23 =	simm.s32 $0x1B8B  }
0xa2: {  	_ =	swait.ge [sflag:s23], $0x1  }
0xa3: {  	[sflag:s23] =	ssyncset.done $0x0  }
0xa4: {  	[sflag:s23] =	ssyncadd.s32 $0xFFFFFFFF  }
0xa5: {  	s4 =	sld [smem:$0x0]  }
0xa6: {  	s5 =	sand.u32 $0xFFFFFFFE, s1  }
0xa7: {  	p0 =	sne.s32 s1, s5  }
0xa8: {  	s5 =	sshll.u32 @p0 s5, $0xE  }
0xa9: {  	s5 =	sadd.s32 @p0 $0x11B8D, s5;
	s6 =	sshll.u32 @p0 s4, $0x11  }
0xaa: {  	s5 =	sor.u32 @p0 s6, s5  }
0xab: {  	[sflag:s5] =	ssyncadd.remote.s32 @p0 $0x1;
	_ =	sdelay $0x1  }
0xac: {  	s5 =	simm.s32 @p0 $0x1B8D  }
0xad: {  	_ =	swait.eq @p0 [sflag:s5], $0x1  }
0xae: {  	[sflag:s5] =	ssyncadd.s32 @p0 $0xFFFFFFFF  }
0xaf: {  	s6 =	sshll.u32 @!p0 s1, $0xE  }
0xb0: {  	s6 =	sor.u32 @!p0 $0x4000, s6;
	s5 =	simm.s32 @!p0 $0x1B8D  }
0xb1: {  	s4 =	sshll.u32 @!p0 s4, $0x11;
	s6 =	sadd.s32 @!p0 $0x11B8D, s6;
	_ =	swait.eq @!p0 [sflag:s5], $0x1  }
0xb2: {  	s4 =	sor.u32 @!p0 s4, s6;
	[sflag:s5] =	ssyncadd.s32 @!p0 $0xFFFFFFFF  }
0xb3: {  	s25 =	simm.s32 $0x1B8E;
	s24 =	sld [smem:$0x3FFE];
	[sflag:s4] =	ssyncadd.remote.s32 @!p0 $0x1  }
0xb4: {  	s26 =	simm.s32 $execute0_lowered;
	[smem:$0x3FD2] =	sst s25  }
0xb5: {  	s5 =	sshll.u32 s26, $0x1;
	_ =	strace $0x8000004F;
	[dreg:$0x1] =	wrdreg $0xFFFFFFFF  }
0xb6: {  	s28 =	simm.s32 $_size_execute0_lowered;
	s3 =	sadd.s32 s3, s5;
	[dreg:$0x0] =	wrdreg $0x0  }
0xb7: {  	s5 =	sshll.u32 s28, $0x1;
	[dreg:$0x2] =	wrdreg s3  }
0xb8: {  	[dreg:$0x3] =	wrdreg s5  }
0xb9: {  	[dreg:$0x4] =	wrdreg $0xC0  }
0xba: {  	_ =	task [dreg:s22], $0x5FFFF  }
0xbb: {  	[dreg:$0x1] =	wrdreg $0xFFFFFFFF  }
0xbc: {  	[dreg:$0x0] =	wrdreg $0x60  }
0xbd: {  	[dreg:$0x2] =	wrdreg s24  }
0xbe: {  	[dreg:$0x3] =	wrdreg $0x0  }
0xbf: {  	[dreg:$0x4] =	wrdreg $0x9  }
0xc0: {  	_ =	task.clear_ibuf [dreg:s22], $0x5FFFF;
	_ =	strace $0x9000004F  }
0xc1: {  	s29 =	simm.s32 $0x9;
	_ =	strace $0x80000051  }
0xc2: {  	_ =	swait.ge [sflag:s29], $0x1  }
0xc3: {  	[sflag:s29] =	ssyncadd.s32 $0xFFFFFFFF  }
0xc4: {  	_ =	strace $0x90000051  }
0xc5: {  	_ =	sfence  }
0xc6: {  	s30 =	sld [smem:$0x0];
	_ =	sdelay $0x2  }
0xc7: {  	s31 =	sshll.u32 s1, $0xD;
	s1 =	sshrl.u32 s1, $0x2  }
0xc8: {  	s4 =	sand.u32 $0x4000, s31;
	s1 =	sadd.s32 s1, s30  }
0xc9: {  	s0 =	sor.u32 s4, s0;
	s1 =	sshll.u32 s1, $0x11  }
0xca: {  	s0 =	sor.u32 s1, s0  }
0xcb: {  	s0 =	sadd.s32 $0x8F2B, s0  }
0xcc: {  	[sflag:s0] =	ssyncadd.remote.s32 $0x1  }
0xcd: {  	_ =	sfence.sel $0xFFFF  }
0xce: {  	[dreg:$0x0] =	wrdreg $0xFFFFFFFF;
	(pc) =	sbr.abs _section_cstart, $3  }
0xcf: {  	[dreg:$0x1] =	wrdreg $0xFFFFFFFF  }
0xd0: {  	_ =	task.clear_ibuf [dreg:s22], $0x2FFFF;
	_ =	strace $0x9FFFFFFF  }
0xd1: {  	(tm) =	ssettm $0x7FFFFFFF  }
tec
execute0_lowered:
.L_overlay_start_1:
0x0: {  	(tag) =	ssettag $0x1  }
0x1: {  	s1 =	srdreg.scid;
	s6 =	rddreg [dreg:$0x0]  }
0x2: {  	s0 =	stileid.u32;
	s2 =	rddreg [dreg:$0x1];
	s3 =	simm.s32 $0x0  }
0x3: {  	s12 =	simm.s32 $0x14400;
	s13 =	simm.s32 $0x14000;
	s14 =	simm.s32 $0x80  }
0x4: {  	s15 =	simm.s32 $0x14080;
	s16 =	simm.s32 $0x14100;
	s17 =	simm.s32 $0x14180  }
0x5: {  	s18 =	simm.s32 $0x14200;
	s19 =	simm.s32 $0x14280;
	s4 =	smul.u32 $0x5000, s0  }
0x6: {  	s20 =	simm.s32 $0x14300;
	s21 =	simm.s32 $0x14380;
	s26 =	smul.u32 $0x2800, s0  }
0x7: {  	s5 =	sand.u32 $0x1, s1;
	s1 =	rddreg [dreg:$0x2];
	s10 =	smul.u32 $0x50000, s0  }
0x8: {  	s22 =	simm.s32 $0x0;
	[smem:$0x7FF] =	sst s3;
	s7 =	smul.u32 $0x2800, s5  }
0x9: {  	s31 =	sshll.u32 s0, $0x6;
	s8 =	smul.u32 $0x28000, s5;
	s28 =	ssub.s32 $0x2, s5  }
0xa: {  	_ =	strace $0x80000050;
	s5 =	sadd.s32 $0x36600, s6;
	s29 =	sshrl.u32 s28, $0x1  }
0xb: {  	s30 =	sshrl.u32 s10, $0x2;
	s4 =	sadd.s32 s7, s4;
	s7 =	sadd.s32 s26, s8  }
0xc: {  	s8 =	ssub.s32 s28, s29;
	s11 =	sadd.s32 s30, s2;
	s4 =	sshrl.u32 s4, $0x3  }
0xd: {  	s7 =	sadd.s32 s7, s6;
	s8 =	smax.u32 s8, $0x1;
	s10 =	sshrl.u32 s11, $0x3  }
0xe: {  	s11 =	simm.s32 $0x1;
	s9 =	sadd.s32 s4, s6;
	s4 =	sadd.s32 $0x36E00, s6  }
0xf: {  	s6 =	sor.u32 $0x1C01, s31;
	s7 =	sadd.s32 $0x5F200, s7;
	s9 =	sadd.s32 $0x2B400, s9  }
.LBB2_1:
0x10: {  	[spmem:s10], [sflag:s6] =	dma.local [hbm:s4], $0x2800  }
0x11: {  	_ =	swait.ge [sflag:s11], $0x2800  }
0x12: {  	[sflag:s11] =	ssyncset.done $0x0  }
0x13: {  	[sflag:s11] =	ssyncadd.s32 $0xFFFFD800  }
0x14: {  	[tilespmem:s12], [sflag:$0x1] =	stream.linear.gather [hbm4b:s5+s3], $0x4000, $0x38;
	[tilespmem:$0x18400] =	vst v63  }
0x15: {  	_ =	swait.ge [sflag:s11], $0x4000  }
0x16: {  	[sflag:s11] =	ssyncset.done $0x0  }
0x17: {  	[sflag:s11] =	ssyncadd.s32 $0xFFFFC000  }
0x18: {  	s23 =	sadd.s32 $0x0, s9;
	[bflag:$0x0] =	sbarrier.arrive $0xFFFF  }
0x19: {  	[tilespmem:s13], [sflag:$0x1] =	stream.linear.gather [hbm4b:s23+s3], $0x400, $0x38;
	[tilespmem:$0x18400] =	vst v63  }
0x1a: {  	_ =	swait.ge [sflag:s11], $0x400  }
0x1b: {  	[sflag:s11] =	ssyncset.done $0x0  }
0x1c: {  	[sflag:s11] =	ssyncadd.s32 $0xFFFFFC00  }
0x1d: {  	[spmem:s2] =	stream.indirect.scatter.add.f32 [tilespmem:s12], [sflag:$0x1], $0x80, s13, s14, $0xb8;
	[tilespmem:$0x18400] =	vst v63  }
0x1e: {  	_ =	swait.ge [sflag:s11], $0x4000  }
0x1f: {  	[sflag:s11] =	ssyncset.done $0x0  }
0x20: {  	[sflag:s11] =	ssyncadd.s32 $0xFFFFC000  }
0x21: {  	[spmem:s2] =	stream.indirect.scatter.add.f32 [tilespmem:s12], [sflag:$0x1], $0x80, s15, s14, $0xb8;
	[tilespmem:$0x18400] =	vst v63  }
0x22: {  	_ =	swait.ge [sflag:s11], $0x4000  }
0x23: {  	[sflag:s11] =	ssyncset.done $0x0  }
0x24: {  	[sflag:s11] =	ssyncadd.s32 $0xFFFFC000  }
0x25: {  	[spmem:s2] =	stream.indirect.scatter.add.f32 [tilespmem:s12], [sflag:$0x1], $0x80, s16, s14, $0xb8;
	[tilespmem:$0x18400] =	vst v63  }
0x26: {  	_ =	swait.ge [sflag:s11], $0x4000  }
0x27: {  	[sflag:s11] =	ssyncset.done $0x0  }
0x28: {  	[sflag:s11] =	ssyncadd.s32 $0xFFFFC000  }
0x29: {  	[spmem:s2] =	stream.indirect.scatter.add.f32 [tilespmem:s12], [sflag:$0x1], $0x80, s17, s14, $0xb8;
	[tilespmem:$0x18400] =	vst v63  }
0x2a: {  	_ =	swait.ge [sflag:s11], $0x4000  }
0x2b: {  	[sflag:s11] =	ssyncset.done $0x0  }
0x2c: {  	[sflag:s11] =	ssyncadd.s32 $0xFFFFC000  }
0x2d: {  	[spmem:s2] =	stream.indirect.scatter.add.f32 [tilespmem:s12], [sflag:$0x1], $0x80, s18, s14, $0xb8;
	[tilespmem:$0x18400] =	vst v63  }
0x2e: {  	_ =	swait.ge [sflag:s11], $0x4000  }
0x2f: {  	[sflag:s11] =	ssyncset.done $0x0  }
0x30: {  	[sflag:s11] =	ssyncadd.s32 $0xFFFFC000  }
0x31: {  	[spmem:s2] =	stream.indirect.scatter.add.f32 [tilespmem:s12], [sflag:$0x1], $0x80, s19, s14, $0xb8;
	[tilespmem:$0x18400] =	vst v63  }
0x32: {  	_ =	swait.ge [sflag:s11], $0x4000  }
0x33: {  	[sflag:s11] =	ssyncset.done $0x0  }
0x34: {  	[sflag:s11] =	ssyncadd.s32 $0xFFFFC000  }
0x35: {  	[spmem:s2] =	stream.indirect.scatter.add.f32 [tilespmem:s12], [sflag:$0x1], $0x80, s20, s14, $0xb8;
	[tilespmem:$0x18400] =	vst v63  }
0x36: {  	_ =	swait.ge [sflag:s11], $0x4000  }
0x37: {  	[sflag:s11] =	ssyncset.done $0x0  }
0x38: {  	[sflag:s11] =	ssyncadd.s32 $0xFFFFC000  }
0x39: {  	[spmem:s2] =	stream.indirect.scatter.add.f32 [tilespmem:s12], [sflag:$0x1], $0x80, s21, s14, $0xb8;
	[tilespmem:$0x18400] =	vst v63  }
0x3a: {  	_ =	swait.ge [sflag:s11], $0x4000  }
0x3b: {  	s25 =	simm.s32 $0x100;
	s23 =	simm.s32 $0x80;
	[sflag:s11] =	ssyncset.done $0x0  }
.LBB2_2:
0x3c: {  	s26 =	sadd.s32 s23, s9  }
0x3d: {  	[sflag:s11] =	ssyncadd.s32 $0xFFFFC000;
	s23 =	smov.u32 s25;
	s24 =	sadd.s32 $0x80, s25  }
0x3e: {  	[tilespmem:s13], [sflag:$0x1] =	stream.linear.gather [hbm4b:s26+s3], $0x400, $0x38;
	[tilespmem:$0x18400] =	vst v63  }
0x3f: {  	p0 =	sne.s32 s25, $0x480;
	_ =	swait.ge [sflag:s11], $0x400  }
0x40: {  	[sflag:s11] =	ssyncset.done $0x0  }
0x41: {  	[sflag:s11] =	ssyncadd.s32 $0xFFFFFC00  }
0x42: {  	[spmem:s2] =	stream.indirect.scatter.add.f32 [tilespmem:s12], [sflag:$0x1], $0x80, s13, s14, $0xb8;
	[tilespmem:$0x18400] =	vst v63  }
0x43: {  	_ =	swait.ge [sflag:s11], $0x4000  }
0x44: {  	[sflag:s11] =	ssyncset.done $0x0  }
0x45: {  	[sflag:s11] =	ssyncadd.s32 $0xFFFFC000  }
0x46: {  	[spmem:s2] =	stream.indirect.scatter.add.f32 [tilespmem:s12], [sflag:$0x1], $0x80, s15, s14, $0xb8;
	[tilespmem:$0x18400] =	vst v63  }
0x47: {  	_ =	swait.ge [sflag:s11], $0x4000  }
0x48: {  	[sflag:s11] =	ssyncset.done $0x0  }
0x49: {  	[sflag:s11] =	ssyncadd.s32 $0xFFFFC000  }
0x4a: {  	[spmem:s2] =	stream.indirect.scatter.add.f32 [tilespmem:s12], [sflag:$0x1], $0x80, s16, s14, $0xb8;
	[tilespmem:$0x18400] =	vst v63  }
0x4b: {  	_ =	swait.ge [sflag:s11], $0x4000  }
0x4c: {  	[sflag:s11] =	ssyncset.done $0x0  }
0x4d: {  	[sflag:s11] =	ssyncadd.s32 $0xFFFFC000  }
0x4e: {  	[spmem:s2] =	stream.indirect.scatter.add.f32 [tilespmem:s12], [sflag:$0x1], $0x80, s17, s14, $0xb8;
	[tilespmem:$0x18400] =	vst v63  }
0x4f: {  	_ =	swait.ge [sflag:s11], $0x4000  }
0x50: {  	[sflag:s11] =	ssyncset.done $0x0  }
0x51: {  	[sflag:s11] =	ssyncadd.s32 $0xFFFFC000  }
0x52: {  	[spmem:s2] =	stream.indirect.scatter.add.f32 [tilespmem:s12], [sflag:$0x1], $0x80, s18, s14, $0xb8;
	[tilespmem:$0x18400] =	vst v63  }
0x53: {  	_ =	swait.ge [sflag:s11], $0x4000  }
0x54: {  	[sflag:s11] =	ssyncset.done $0x0  }
0x55: {  	[sflag:s11] =	ssyncadd.s32 $0xFFFFC000  }
0x56: {  	[spmem:s2] =	stream.indirect.scatter.add.f32 [tilespmem:s12], [sflag:$0x1], $0x80, s19, s14, $0xb8;
	[tilespmem:$0x18400] =	vst v63  }
0x57: {  	_ =	swait.ge [sflag:s11], $0x4000  }
0x58: {  	[sflag:s11] =	ssyncset.done $0x0  }
0x59: {  	[sflag:s11] =	ssyncadd.s32 $0xFFFFC000  }
0x5a: {  	[spmem:s2] =	stream.indirect.scatter.add.f32 [tilespmem:s12], [sflag:$0x1], $0x80, s20, s14, $0xb8;
	[tilespmem:$0x18400] =	vst v63  }
0x5b: {  	_ =	swait.ge [sflag:s11], $0x4000  }
.Ltmp0:
0x5c: {  	[sflag:s11] =	ssyncset.done $0x0;
	(pc) =	sbr.rel @p0 .LBB2_2-.Ltmp0, $4  }
0x5d: {  	[sflag:s11] =	ssyncadd.s32 $0xFFFFC000  }
0x5e: {  	[spmem:s2] =	stream.indirect.scatter.add.f32 [tilespmem:s12], [sflag:$0x1], $0x80, s21, s14, $0xb8;
	[tilespmem:$0x18400] =	vst v63  }
0x5f: {  	_ =	swait.ge [sflag:s11], $0x4000  }
0x60: {  	s25 =	smov.u32 s24;
	[sflag:s11] =	ssyncset.done $0x0  }
0x61: {  	s23 =	sadd.s32 s23, s9;
	[sflag:s11] =	ssyncadd.s32 $0xFFFFC000  }
0x62: {  	[tilespmem:s13], [sflag:$0x1] =	stream.linear.gather [hbm4b:s23+s3], $0x400, $0x38;
	[tilespmem:$0x18400] =	vst v63  }
0x63: {  	_ =	swait.ge [sflag:s11], $0x400  }
0x64: {  	[sflag:s11] =	ssyncset.done $0x0  }
0x65: {  	[sflag:s11] =	ssyncadd.s32 $0xFFFFFC00  }
0x66: {  	[spmem:s2] =	stream.indirect.scatter.add.f32 [tilespmem:s12], [sflag:$0x1], $0x80, s13, s14, $0xb8;
	[tilespmem:$0x18400] =	vst v63  }
0x67: {  	_ =	swait.ge [sflag:s11], $0x4000  }
0x68: {  	[sflag:s11] =	ssyncset.done $0x0  }
0x69: {  	[sflag:s11] =	ssyncadd.s32 $0xFFFFC000  }
0x6a: {  	[spmem:s2] =	stream.indirect.scatter.add.f32 [tilespmem:s12], [sflag:$0x1], $0x80, s15, s14, $0xb8;
	[tilespmem:$0x18400] =	vst v63  }
0x6b: {  	_ =	swait.ge [sflag:s11], $0x4000  }
0x6c: {  	[sflag:s11] =	ssyncset.done $0x0  }
0x6d: {  	[sflag:s11] =	ssyncadd.s32 $0xFFFFC000  }
0x6e: {  	[spmem:s2] =	stream.indirect.scatter.add.f32 [tilespmem:s12], [sflag:$0x1], $0x80, s16, s14, $0xb8;
	[tilespmem:$0x18400] =	vst v63  }
0x6f: {  	_ =	swait.ge [sflag:s11], $0x4000  }
0x70: {  	[sflag:s11] =	ssyncset.done $0x0  }
0x71: {  	[sflag:s11] =	ssyncadd.s32 $0xFFFFC000  }
0x72: {  	[spmem:s2] =	stream.indirect.scatter.add.f32 [tilespmem:s12], [sflag:$0x1], $0x80, s17, s14, $0xb8;
	[tilespmem:$0x18400] =	vst v63  }
0x73: {  	_ =	swait.ge [sflag:s11], $0x4000  }
0x74: {  	[sflag:s11] =	ssyncset.done $0x0  }
0x75: {  	[sflag:s11] =	ssyncadd.s32 $0xFFFFC000  }
0x76: {  	[spmem:s2] =	stream.indirect.scatter.add.f32 [tilespmem:s12], [sflag:$0x1], $0x80, s18, s14, $0xb8;
	[tilespmem:$0x18400] =	vst v63  }
0x77: {  	_ =	swait.ge [sflag:s11], $0x4000  }
0x78: {  	[sflag:s11] =	ssyncset.done $0x0  }
0x79: {  	[sflag:s11] =	ssyncadd.s32 $0xFFFFC000  }
0x7a: {  	[spmem:s2] =	stream.indirect.scatter.add.f32 [tilespmem:s12], [sflag:$0x1], $0x80, s19, s14, $0xb8;
	[tilespmem:$0x18400] =	vst v63  }
0x7b: {  	_ =	swait.ge [sflag:s11], $0x4000  }
0x7c: {  	[sflag:s11] =	ssyncset.done $0x0  }
0x7d: {  	[sflag:s11] =	ssyncadd.s32 $0xFFFFC000  }
0x7e: {  	[spmem:s2] =	stream.indirect.scatter.add.f32 [tilespmem:s12], [sflag:$0x1], $0x80, s20, s14, $0xb8;
	[tilespmem:$0x18400] =	vst v63  }
0x7f: {  	_ =	swait.ge [sflag:s11], $0x4000  }
0x80: {  	[sflag:s11] =	ssyncset.done $0x0  }
0x81: {  	[sflag:s11] =	ssyncadd.s32 $0xFFFFC000  }
0x82: {  	[spmem:s2] =	stream.indirect.scatter.add.f32 [tilespmem:s12], [sflag:$0x1], $0x80, s21, s14, $0xb8;
	[tilespmem:$0x18400] =	vst v63  }
0x83: {  	_ =	swait.ge [sflag:s11], $0x4000  }
0x84: {  	s22 =	sadd.s32 $0x1, s22;
	[sflag:s11] =	ssyncset.done $0x0  }
0x85: {  	p0 =	sne.s32 s22, s8;
	[sflag:s11] =	ssyncadd.s32 $0xFFFFC000  }
.Ltmp1:
0x86: {  	[bflag:$0x0] =	sbarrier.arrive $0xFFFF;
	(pc) =	sbr.rel @p0 .LBB2_1-.Ltmp1, $4  }
0x87: {  	[hbm:s7], [sflag:s6] =	dma.local [spmem:s10], $0x2800  }
0x88: {  	_ =	swait.ge [sflag:s11], $0x2800  }
0x89: {  	[sflag:s11] =	ssyncset.done $0x0  }
0x8a: {  	[sflag:s11] =	ssyncadd.s32 $0xFFFFD800  }
0x8b: {  	_ =	sfence.sel $0x180000  }
0x8c: {  	[bflag:$0x0] =	sbarrier.arrive $0xFFFF  }
0x8d: {  	p0 =	sne.s32 s0, $0x0;
	_ =	strace $0x90000050  }
0x8e: {  	s0 =	sadd.s32 @!p0 $0x100000, s1;
	[bflag:$0x2] =	sbarrier.arrive $0xFFFF  }
0x8f: {  	[sflag:s0] =	ssyncadd.tile.s32 @!p0 $0x1;
	_ =	shalt  }
.Lfunc_end2:
_tile_overlayer_lowered:
.L_overlay_start_2:
0x90: {  	(tag) =	ssettag $0x2  }
0x91: {  	s0 =	rddreg [dreg:$0x0];
	s2 =	stileid.u32  }
0x92: {  	s1 =	rddreg [dreg:$0x1];
	p0 =	sne.s32 s2, $0x0  }
0x93: {  	s3 =	rddreg [dreg:$0x2];
	[bflag:$0x3] =	sbarrier.arrive $0xFFFF;
	s2 =	simm.s32 @!p0 $0x1C01  }
0x94: {  	[timem:s3], [sflag:s2] =	dma.local @!p0 [hbm:s0], s1  }
0x95: {  	s0 =	simm.s32 @!p0 $0x1  }
0x96: {  	_ =	swait.ge @!p0 [sflag:s0], s1  }
0x97: {  	s1 =	ssub.s32 @!p0 $0x0, s1;
	[sflag:s0] =	ssyncset.done @!p0 $0x0  }
0x98: {  	[sflag:s0] =	ssyncadd.s32 @!p0 s1  }
0x99: {  	[bflag:$0x3] =	sbarrier.arrive $0xFFFF  }
0x9a: {  	_ =	shalt  }

// kernel: kernel.18.cloned.1.call-start
scs
__scs_entry_jumppad:
0x0: {  	(pc) =	sbr.rel $0x88, $3  }
0x1: {  	(tag) =	ssettag $0x0;
	lr =	simm.s32 $0x1  }
0x2: {  	[smem:$0x3F97] =	sst lr;
	_ =	strace $0xD0000000  }
0x3: {  	_ = 	snop  }
0x4: {  	_ = 	snop  }
0x5: {  	_ = 	snop  }
0x6: {  	_ = 	snop  }
0x7: {  	_ = 	snop  }
__scs_overlays_trampoline_lowered:
0x8: {  	[smem:$0x3FA6] =	sst s0  }
0x9: {  	[smem:$0x3FA7] =	sst s1  }
0xa: {  	[smem:$0x3FA8] =	sst s2  }
0xb: {  	[smem:$0x3FA9] =	sst s3  }
0xc: {  	[smem:$0x3FAA] =	sst s4  }
0xd: {  	[smem:$0x3FAB] =	sst s5  }
0xe: {  	[smem:$0x3FAC] =	sst s6  }
0xf: {  	[smem:$0x3FAD] =	sst s7  }
0x10: {  	[smem:$0x3FAE] =	sst s8  }
0x11: {  	[smem:$0x3FAF] =	sst s9;
	s0 =	simm.s32 @!p0 $0x0  }
0x12: {  	s1 =	sld [smem:$0x3F95];
	s0 =	simm.s32 @p0 $0x1  }
0x13: {  	[smem:$0x3FB0] =	sst s0;
	s0 =	simm.s32 @!p1 $0x0  }
0x14: {  	s2 =	sld [smem:$0x3F94];
	s0 =	simm.s32 @p1 $0x1  }
0x15: {  	[smem:$0x3FB1] =	sst s0;
	s0 =	simm.s32 @!p2 $0x0  }
0x16: {  	s3 =	sld [smem:$0x3FDB];
	s0 =	simm.s32 @p2 $0x1  }
0x17: {  	s4 =	simm.s32 $0x1BF5;
	[smem:$0x3FB3] =	sst s0  }
0x18: {  	s0 =	sld [smem:$0x3F96];
	_ =	swait.ge [sflag:s4], $0x0  }
0x19: {  	s7 =	sld [smem:$0x3F97]  }
0x1a: {  	s8 =	sadd.s32 $0xFFFFE003, lr  }
0x1b: {  	s9 =	sadd.s32 $0xFFFFFEF7, lr;
	s5 =	simm.s32 $0xFFFFFFFF;
	p2 =	slt.u32 s8, $0xFFFFF086  }
0x1c: {  	p1 =	slt.u32 s9, $0xF7A;
	s5 =	simm.s32 @!p2 $0x0  }
0x1d: {  	s5 =	simm.s32 @p1 $0x1;
	p0 =	seq.s32 s7, s2  }
0x1e: {  	s7 =	smul.u32 @!p0 $0xF7A, s2;
	p2 =	seq.s32 @!p0 s5, $0x0  }
0x1f: {  	s9 =	smul.u32 $0xF7A, s1;
	s8 =	simm.s32 @!p0 $0x1BF5;
	p2 =	por !p2, p0  }
0x20: {  	[sflag:s8] =	ssyncset.s32 @!p0 $0xFFFFF086;
	s6 =	sadd.s32 @!p0 s3, s7;
	s7 =	simm.s32 @!p0 $0x108  }
0x21: {  	s3 =	sadd.s32 s3, s9;
	s6 =	sadd.s32 @!p0 $0x88, s6;
	s7 =	simm.s32 @p2 $0x1082  }
0x22: {  	[simem:s7], [sflag:s8] =	dma.local @!p0 [hbm:s6], $0xF7A  }
0x23: {  	s9 =	sor.u32 $0xD0000000, s2;
	s6 =	simm.s32 $0x108;
	_ =	swait.ge @!p0 [sflag:s8], $0x0  }
0x24: {  	s3 =	sadd.s32 $0x88, s3;
	s6 =	simm.s32 @!p1 $0x1082;
	[sflag:s4] =	ssyncset.s32 $0xFFFFF086  }
0x25: {  	[simem:s6], [sflag:s4] =	dma.local [hbm:s3], $0xF7A  }
0x26: {  	[smem:$0x3F97] =	sst s1;
	(tag) =	ssettag s2;
	_ =	strace s9  }
0x27: {  	s1 =	sld [smem:$0x3FA7]  }
0x28: {  	s2 =	sld [smem:$0x3FA8]  }
0x29: {  	s4 =	sld [smem:$0x3FAA]  }
0x2a: {  	p0 =	seq.s32 s5, $0x0;
	s5 =	sld [smem:$0x3FAB]  }
0x2b: {  	s6 =	sld [smem:$0x3FAC]  }
0x2c: {  	s7 =	sld [smem:$0x3FAD]  }
0x2d: {  	s3 =	simm.s32 $0x108;
	s8 =	sld [smem:$0x3FAE]  }
0x2e: {  	s3 =	simm.s32 @!p0 $0x1082;
	s9 =	sld [smem:$0x3FAF]  }
0x2f: {  	lr =	sadd.s32 s0, s3;
	s0 =	sld [smem:$0x3FA6]  }
0x30: {  	s3 =	sld [smem:$0x3FA9]  }
0x31: {  	[smem:$0x3FB2] =	sst s10  }
0x32: {  	s10 =	sld [smem:$0x3FB0];
	_ =	sdelay $0x3  }
0x33: {  	p0 =	seq.s32 s10, $0x1;
	s10 =	sld [smem:$0x3FB2];
	_ =	sdelay $0x3  }
0x34: {  	[smem:$0x3FB2] =	sst s10  }
0x35: {  	s10 =	sld [smem:$0x3FB1];
	_ =	sdelay $0x3  }
0x36: {  	p1 =	seq.s32 s10, $0x1;
	s10 =	sld [smem:$0x3FB2];
	_ =	sdelay $0x3  }
0x37: {  	[smem:$0x3FB2] =	sst s10  }
0x38: {  	s10 =	sld [smem:$0x3FB3]  }
0x39: {  	_ = 	snop;
	(pc) =	sbr.ind lr, $3  }
0x3a: {  	_ = 	snop  }
0x3b: {  	_ = 	snop  }
0x3c: {  	p2 =	seq.s32 s10, $0x1;
	s10 =	sld [smem:$0x3FB2]  }
0x3d: {  	_ =	shalt  }
0x3e: {  	_ =	shalt  }
0x3f: {  	_ =	shalt  }
0x40: {  	_ =	shalt  }
0x41: {  	_ =	shalt  }
0x42: {  	_ =	shalt  }
0x43: {  	_ =	shalt  }
0x44: {  	_ =	shalt  }
0x45: {  	_ =	shalt  }
0x46: {  	_ =	shalt  }
0x47: {  	_ =	shalt  }
0x48: {  	_ =	shalt  }
0x49: {  	_ =	shalt  }
0x4a: {  	_ =	shalt  }
0x4b: {  	_ =	shalt  }
0x4c: {  	_ =	shalt  }
0x4d: {  	_ =	shalt  }
0x4e: {  	_ =	shalt  }
0x4f: {  	_ =	shalt  }
0x50: {  	_ =	shalt  }
0x51: {  	_ =	shalt  }
0x52: {  	_ =	shalt  }
0x53: {  	_ =	shalt  }
0x54: {  	_ =	shalt  }
0x55: {  	_ =	shalt  }
0x56: {  	_ =	shalt  }
0x57: {  	_ =	shalt  }
0x58: {  	_ =	shalt  }
0x59: {  	_ =	shalt  }
0x5a: {  	_ =	shalt  }
0x5b: {  	_ =	shalt  }
0x5c: {  	_ =	shalt  }
0x5d: {  	_ =	shalt  }
0x5e: {  	_ =	shalt  }
0x5f: {  	_ =	shalt  }
0x60: {  	_ =	shalt  }
0x61: {  	_ =	shalt  }
0x62: {  	_ =	shalt  }
0x63: {  	_ =	shalt  }
0x64: {  	_ =	shalt  }
0x65: {  	_ =	shalt  }
0x66: {  	_ =	shalt  }
0x67: {  	_ =	shalt  }
0x68: {  	_ =	shalt  }
0x69: {  	_ =	shalt  }
0x6a: {  	_ =	shalt  }
0x6b: {  	_ =	shalt  }
0x6c: {  	_ =	shalt  }
0x6d: {  	_ =	shalt  }
0x6e: {  	_ =	shalt  }
0x6f: {  	_ =	shalt  }
0x70: {  	_ =	shalt  }
0x71: {  	_ =	shalt  }
0x72: {  	_ =	shalt  }
0x73: {  	_ =	shalt  }
0x74: {  	_ =	shalt  }
0x75: {  	_ =	shalt  }
0x76: {  	_ =	shalt  }
0x77: {  	_ =	shalt  }
0x78: {  	_ =	shalt  }
0x79: {  	_ =	shalt  }
0x7a: {  	_ =	shalt  }
0x7b: {  	_ =	shalt  }
0x7c: {  	_ =	shalt  }
0x7d: {  	_ =	shalt  }
0x7e: {  	_ =	shalt  }
0x7f: {  	_ =	shalt  }
0x80: {  	_ =	shalt  }
0x81: {  	_ =	shalt  }
0x82: {  	_ =	shalt  }
0x83: {  	_ =	shalt  }
0x84: {  	_ =	shalt  }
0x85: {  	_ =	shalt  }
0x86: {  	_ =	shalt  }
0x87: {  	_ =	shalt  }
.Lfunc_end0:
.L_simem_size_0:
called_computation.2_lowered:
.L_overlay_start_0:
0x88: {  	s2 =	sld [smem:$0x3FD9]  }
0x89: {  	s3 =	sld [smem:$0x3FFE];
	_ =	sdelay $0x1  }
0x8a: {  	s1 =	srdreg.scid  }
0x8b: {  	s0 =	sand.u32 $0x1, s1  }
0x8c: {  	s17 =	sshll.u32 s0, $0xA;
	s2 =	sadd.s32 s3, s2  }
0x8d: {  	s2 =	sadd.s32 s2, s17  }
0x8e: {  	[smem:$0x3FBE] =	sst s2  }
0x8f: {  	_ = 	snop  }
0x90: {  	s2 =	sld [smem:$0x3FD0];
	(tm) =	ssettm $0x1  }
0x91: {  	s18 =	sld [smem:$0x3FFB];
	_ =	sdelay $0x3  }
0x92: {  	_ =	strace s18  }
0x93: {  	s3 =	sld [smem:$0x3FFC];
	_ =	sdelay $0x3  }
0x94: {  	_ =	strace s3  }
0x95: {  	s3 =	sld [smem:$0x3FFD];
	_ =	sdelay $0x3  }
0x96: {  	_ =	strace s3  }
0x97: {  	_ =	strace $0x8FFFFFFF  }
0x98: {  	s19 =	sld [smem:$0x3FDB];
	_ =	sdelay $0x1  }
0x99: {  	s4 =	simm.s32 $_scs_section_size  }
0x9a: {  	s5 =	simm.s32 $_size__tile_overlayer_lowered;
	s6 =	simm.s32 $_tile_overlayer_lowered  }
0x9b: {  	s22 =	simm.s32 $0x1BFF;
	s21 =	sshll.u32 s6, $0x1;
	s3 =	sadd.s32 s4, s19  }
0x9c: {  	s7 =	simm.s32 $0x0;
	s20 =	sshll.u32 s5, $0x1;
	s5 =	sadd.s32 s21, s3  }
0x9d: {  	[timem:s7], [sflag:s22] =	dma.local [hbm:s5], s20  }
0x9e: {  	_ =	swait.ge [sflag:s22], s20  }
0x9f: {  	s4 =	ssub.s32 $0x0, s20;
	[sflag:s22] =	ssyncset.done $0x0  }
0xa0: {  	[sflag:s22] =	ssyncadd.s32 s4;
	_ =	sdelay $0x1  }
0xa1: {  	s23 =	simm.s32 $0x1B8B  }
0xa2: {  	_ =	swait.ge [sflag:s23], $0x1  }
0xa3: {  	[sflag:s23] =	ssyncset.done $0x0  }
0xa4: {  	s25 =	simm.s32 $0x1B8E;
	s24 =	sld [smem:$0x3FFE];
	[sflag:s23] =	ssyncadd.s32 $0xFFFFFFFF  }
0xa5: {  	s26 =	simm.s32 $execute0_lowered;
	[smem:$0x3FD2] =	sst s25  }
0xa6: {  	s5 =	sshll.u32 s26, $0x1;
	_ =	strace $0x80000046;
	[dreg:$0x1] =	wrdreg $0xFFFFFFFF  }
0xa7: {  	s28 =	simm.s32 $_size_execute0_lowered;
	s3 =	sadd.s32 s3, s5;
	[dreg:$0x0] =	wrdreg $0x0  }
0xa8: {  	s5 =	sshll.u32 s28, $0x1;
	[dreg:$0x2] =	wrdreg s3  }
0xa9: {  	[dreg:$0x3] =	wrdreg s5  }
0xaa: {  	[dreg:$0x4] =	wrdreg $0xC0  }
0xab: {  	_ =	task [dreg:s7], $0x5FFFF  }
0xac: {  	[dreg:$0x1] =	wrdreg $0xFFFFFFFF  }
0xad: {  	[dreg:$0x0] =	wrdreg $0x60  }
0xae: {  	[dreg:$0x2] =	wrdreg s2  }
0xaf: {  	[dreg:$0x3] =	wrdreg s24  }
0xb0: {  	[dreg:$0x4] =	wrdreg $0x0  }
0xb1: {  	[dreg:$0x5] =	wrdreg $0xA  }
0xb2: {  	_ =	task.clear_ibuf [dreg:s7], $0x6FFFF;
	_ =	strace $0x90000046  }
0xb3: {  	s29 =	simm.s32 $0xA;
	_ =	strace $0x80000048  }
0xb4: {  	_ =	swait.ge [sflag:s29], $0x1  }
0xb5: {  	[sflag:s29] =	ssyncadd.s32 $0xFFFFFFFF  }
0xb6: {  	_ =	strace $0x90000048  }
0xb7: {  	_ =	sfence  }
0xb8: {  	s30 =	sld [smem:$0x0];
	_ =	sdelay $0x2  }
0xb9: {  	s31 =	sshll.u32 s1, $0xD;
	s1 =	sshrl.u32 s1, $0x2  }
0xba: {  	s3 =	sand.u32 $0x4000, s31;
	s1 =	sadd.s32 s1, s30  }
0xbb: {  	s0 =	sor.u32 s3, s0;
	s1 =	sshll.u32 s1, $0x11  }
0xbc: {  	s0 =	sor.u32 s1, s0  }
0xbd: {  	s0 =	sadd.s32 $0x8F2B, s0  }
0xbe: {  	[sflag:s0] =	ssyncadd.remote.s32 $0x1  }
0xbf: {  	_ =	sfence.sel $0xFFFF  }
0xc0: {  	[dreg:$0x0] =	wrdreg $0xFFFFFFFF;
	(pc) =	sbr.abs _section_cstart, $3  }
0xc1: {  	[dreg:$0x1] =	wrdreg $0xFFFFFFFF  }
0xc2: {  	_ =	task.clear_ibuf [dreg:s7], $0x2FFFF;
	_ =	strace $0x9FFFFFFF  }
0xc3: {  	(tm) =	ssettm $0x7FFFFFFF  }
tec
execute0_lowered:
.L_overlay_start_1:
0x0: {  	(tag) =	ssettag $0x1  }
0x1: {  	s1 =	rddreg [dreg:$0x0];
	s0 =	srdreg.scid  }
0x2: {  	s9 =	stileid.u32;
	s2 =	rddreg [dreg:$0x1]  }
0x3: {  	s3 =	rddreg [dreg:$0x2];
	s4 =	simm.s32 $0x0;
	s12 =	simm.s32 $0x2  }
0x4: {  	s13 =	simm.s32 $0xA000;
	s14 =	simm.s32 $0xA400;
	s15 =	simm.s32 $0x80  }
0x5: {  	s16 =	simm.s32 $0xA800;
	s17 =	simm.s32 $0x1;
	s18 =	simm.s32 $0xA080  }
0x6: {  	s19 =	simm.s32 $0xA480;
	s20 =	simm.s32 $0xA100;
	s21 =	simm.s32 $0xA500  }
0x7: {  	s22 =	simm.s32 $0xA180;
	s28 =	simm.s32 $0xA680;
	s5 =	smul.u32 $0x2800, s9  }
0x8: {  	s29 =	simm.s32 $0xA300;
	s30 =	simm.s32 $0xA700;
	s23 =	smul.u32 $0x1400, s9  }
0x9: {  	s31 =	simm.s32 $0xA380;
	s0 =	sand.u32 $0x1, s0;
	s8 =	smul.u32 $0x28000, s9  }
0xa: {  	[smem:$0x7FF] =	sst s4;
	s10 =	sadd.s32 $0xD200, s2;
	s6 =	smul.u32 $0x1400, s0  }
0xb: {  	s26 =	sshll.u32 s9, $0x6;
	s7 =	smul.u32 $0x14000, s0;
	s0 =	ssub.s32 $0x2, s0  }
0xc: {  	_ =	strace $0x80000047;
	[dreg:$0x4] =	wrdreg s10;
	s24 =	sshrl.u32 s0, $0x1  }
0xd: {  	s25 =	sshrl.u32 s8, $0x2;
	s5 =	sadd.s32 s6, s5;
	s6 =	sadd.s32 s23, s7  }
0xe: {  	s0 =	ssub.s32 s0, s24;
	s7 =	sadd.s32 s25, s3;
	s23 =	simm.s32 $0xA580  }
0xf: {  	s24 =	simm.s32 $0xA200;
	s25 =	simm.s32 $0xA600;
	s5 =	sshrl.u32 s5, $0x3  }
0x10: {  	s0 =	smax.u32 s0, $0x1;
	s7 =	sshrl.u32 s7, $0x3;
	s5 =	sadd.s32 s5, s2  }
0x11: {  	s2 =	sadd.s32 s6, s2;
	s6 =	sor.u32 $0x1C02, s26;
	[dreg:$0x7] =	wrdreg s0  }
0x12: {  	s26 =	simm.s32 $0xA280;
	s0 =	simm.s32 $0x0;
	[dreg:$0x8] =	wrdreg s7  }
0x13: {  	s2 =	sadd.s32 $0xE600, s2;
	s9 =	sadd.s32 $0x3200, s5;
	[dreg:$0x5] =	wrdreg s6  }
0x14: {  	s10 =	sadd.s32 $0x8200, s5;
	[dreg:$0x6] =	wrdreg s2;
	s2 =	simm.s32 $0xA780  }
.LBB2_1:
0x15: {  	s5 =	rddreg [dreg:$0x4]  }
0x16: {  	[spmem:s7], [sflag:s6] =	dma.local [hbm:s5], $0x1400  }
0x17: {  	_ =	swait.ge [sflag:s12], $0x1400  }
0x18: {  	[sflag:s12] =	ssyncset.done $0x0  }
0x19: {  	[sflag:s12] =	ssyncadd.s32 $0xFFFFEC00  }
0x1a: {  	s8 =	sadd.s32 $0x0, s10;
	[bflag:$0x0] =	sbarrier.arrive $0xFFFF  }
0x1b: {  	[tilespmem:s13], [sflag:$0x2] =	stream.linear.gather [hbm4b:s8+s4], $0x400, $0x38;
	[tilespmem:$0xE800] =	vst v63  }
0x1c: {  	_ =	swait.ge [sflag:s12], $0x400  }
0x1d: {  	[sflag:s12] =	ssyncset.done $0x0  }
0x1e: {  	s11 =	sadd.s32 $0x0, s9;
	[sflag:s12] =	ssyncadd.s32 $0xFFFFFC00  }
0x1f: {  	[tilespmem:s14], [sflag:$0x2] =	stream.linear.gather [hbm4b:s11+s4], $0x400, $0x38;
	[tilespmem:$0xE800] =	vst v63  }
0x20: {  	_ =	swait.ge [sflag:s12], $0x400  }
0x21: {  	[sflag:s12] =	ssyncset.done $0x0  }
0x22: {  	[sflag:s12] =	ssyncadd.s32 $0xFFFFFC00  }
0x23: {  	[tilespmem:s16], [sflag:$0x1] =	stream.indirect.gather [hbm4b:s1+s15], $0x80, s13, s15, $0xb8;
	[tilespmem:$0xE800] =	vst v63  }
0x24: {  	_ =	swait.ge [sflag:s17], $0x4000  }
0x25: {  	[sflag:s17] =	ssyncset.done $0x0  }
0x26: {  	[sflag:s17] =	ssyncadd.s32 $0xFFFFC000  }
0x27: {  	[spmem:s3] =	stream.indirect.scatter.add.f32 [tilespmem:s16], [sflag:$0x2], $0x80, s14, s15, $0xb8;
	[tilespmem:$0xE800] =	vst v63  }
0x28: {  	_ =	swait.ge [sflag:s12], $0x4000  }
0x29: {  	[sflag:s12] =	ssyncset.done $0x0  }
0x2a: {  	[sflag:s12] =	ssyncadd.s32 $0xFFFFC000  }
0x2b: {  	[tilespmem:s16], [sflag:$0x1] =	stream.indirect.gather [hbm4b:s1+s15], $0x80, s18, s15, $0xb8;
	[tilespmem:$0xE800] =	vst v63  }
0x2c: {  	_ =	swait.ge [sflag:s17], $0x4000  }
0x2d: {  	[sflag:s17] =	ssyncset.done $0x0  }
0x2e: {  	[sflag:s17] =	ssyncadd.s32 $0xFFFFC000  }
0x2f: {  	[spmem:s3] =	stream.indirect.scatter.add.f32 [tilespmem:s16], [sflag:$0x2], $0x80, s19, s15, $0xb8;
	[tilespmem:$0xE800] =	vst v63  }
0x30: {  	_ =	swait.ge [sflag:s12], $0x4000  }
0x31: {  	[sflag:s12] =	ssyncset.done $0x0  }
0x32: {  	[sflag:s12] =	ssyncadd.s32 $0xFFFFC000  }
0x33: {  	[tilespmem:s16], [sflag:$0x1] =	stream.indirect.gather [hbm4b:s1+s15], $0x80, s20, s15, $0xb8;
	[tilespmem:$0xE800] =	vst v63  }
0x34: {  	_ =	swait.ge [sflag:s17], $0x4000  }
0x35: {  	[sflag:s17] =	ssyncset.done $0x0  }
0x36: {  	[sflag:s17] =	ssyncadd.s32 $0xFFFFC000  }
0x37: {  	[spmem:s3] =	stream.indirect.scatter.add.f32 [tilespmem:s16], [sflag:$0x2], $0x80, s21, s15, $0xb8;
	[tilespmem:$0xE800] =	vst v63  }
0x38: {  	_ =	swait.ge [sflag:s12], $0x4000  }
0x39: {  	[sflag:s12] =	ssyncset.done $0x0  }
0x3a: {  	[sflag:s12] =	ssyncadd.s32 $0xFFFFC000  }
0x3b: {  	[tilespmem:s16], [sflag:$0x1] =	stream.indirect.gather [hbm4b:s1+s15], $0x80, s22, s15, $0xb8;
	[tilespmem:$0xE800] =	vst v63  }
0x3c: {  	_ =	swait.ge [sflag:s17], $0x4000  }
0x3d: {  	[sflag:s17] =	ssyncset.done $0x0  }
0x3e: {  	[sflag:s17] =	ssyncadd.s32 $0xFFFFC000  }
0x3f: {  	[spmem:s3] =	stream.indirect.scatter.add.f32 [tilespmem:s16], [sflag:$0x2], $0x80, s23, s15, $0xb8;
	[tilespmem:$0xE800] =	vst v63  }
0x40: {  	_ =	swait.ge [sflag:s12], $0x4000  }
0x41: {  	[sflag:s12] =	ssyncset.done $0x0  }
0x42: {  	[sflag:s12] =	ssyncadd.s32 $0xFFFFC000  }
0x43: {  	[tilespmem:s16], [sflag:$0x1] =	stream.indirect.gather [hbm4b:s1+s15], $0x80, s24, s15, $0xb8;
	[tilespmem:$0xE800] =	vst v63  }
0x44: {  	_ =	swait.ge [sflag:s17], $0x4000  }
0x45: {  	[sflag:s17] =	ssyncset.done $0x0  }
0x46: {  	[sflag:s17] =	ssyncadd.s32 $0xFFFFC000  }
0x47: {  	[spmem:s3] =	stream.indirect.scatter.add.f32 [tilespmem:s16], [sflag:$0x2], $0x80, s25, s15, $0xb8;
	[tilespmem:$0xE800] =	vst v63  }
0x48: {  	_ =	swait.ge [sflag:s12], $0x4000  }
0x49: {  	[sflag:s12] =	ssyncset.done $0x0  }
0x4a: {  	[sflag:s12] =	ssyncadd.s32 $0xFFFFC000  }
0x4b: {  	[tilespmem:s16], [sflag:$0x1] =	stream.indirect.gather [hbm4b:s1+s15], $0x80, s26, s15, $0xb8;
	[tilespmem:$0xE800] =	vst v63  }
0x4c: {  	_ =	swait.ge [sflag:s17], $0x4000  }
0x4d: {  	[sflag:s17] =	ssyncset.done $0x0  }
0x4e: {  	[sflag:s17] =	ssyncadd.s32 $0xFFFFC000  }
0x4f: {  	[spmem:s3] =	stream.indirect.scatter.add.f32 [tilespmem:s16], [sflag:$0x2], $0x80, s28, s15, $0xb8;
	[tilespmem:$0xE800] =	vst v63  }
0x50: {  	_ =	swait.ge [sflag:s12], $0x4000  }
0x51: {  	[sflag:s12] =	ssyncset.done $0x0  }
0x52: {  	[sflag:s12] =	ssyncadd.s32 $0xFFFFC000  }
0x53: {  	[tilespmem:s16], [sflag:$0x1] =	stream.indirect.gather [hbm4b:s1+s15], $0x80, s29, s15, $0xb8;
	[tilespmem:$0xE800] =	vst v63  }
0x54: {  	_ =	swait.ge [sflag:s17], $0x4000  }
0x55: {  	[sflag:s17] =	ssyncset.done $0x0  }
0x56: {  	[sflag:s17] =	ssyncadd.s32 $0xFFFFC000  }
0x57: {  	[spmem:s3] =	stream.indirect.scatter.add.f32 [tilespmem:s16], [sflag:$0x2], $0x80, s30, s15, $0xb8;
	[tilespmem:$0xE800] =	vst v63  }
0x58: {  	_ =	swait.ge [sflag:s12], $0x4000  }
0x59: {  	[sflag:s12] =	ssyncset.done $0x0  }
0x5a: {  	[sflag:s12] =	ssyncadd.s32 $0xFFFFC000  }
0x5b: {  	[tilespmem:s16], [sflag:$0x1] =	stream.indirect.gather [hbm4b:s1+s15], $0x80, s31, s15, $0xb8;
	[tilespmem:$0xE800] =	vst v63  }
0x5c: {  	_ =	swait.ge [sflag:s17], $0x4000  }
0x5d: {  	[sflag:s17] =	ssyncset.done $0x0  }
0x5e: {  	[sflag:s17] =	ssyncadd.s32 $0xFFFFC000  }
0x5f: {  	[spmem:s3] =	stream.indirect.scatter.add.f32 [tilespmem:s16], [sflag:$0x2], $0x80, s2, s15, $0xb8;
	[tilespmem:$0xE800] =	vst v63  }
0x60: {  	_ =	swait.ge [sflag:s12], $0x4000  }
0x61: {  	s5 =	simm.s32 $0x80;
	s7 =	simm.s32 $0x100;
	[sflag:s12] =	ssyncset.done $0x0  }
.LBB2_2:
0x62: {  	s6 =	sadd.s32 s5, s10  }
0x63: {  	[sflag:s12] =	ssyncadd.s32 $0xFFFFC000;
	s11 =	smov.u32 s7;
	s8 =	sadd.s32 $0x80, s7  }
0x64: {  	[tilespmem:s13], [sflag:$0x2] =	stream.linear.gather [hbm4b:s6+s4], $0x400, $0x38;
	[tilespmem:$0xE800] =	vst v63  }
0x65: {  	p0 =	sne.s32 s7, $0x200;
	_ =	swait.ge [sflag:s12], $0x400  }
0x66: {  	[sflag:s12] =	ssyncset.done $0x0  }
0x67: {  	s6 =	sadd.s32 s5, s9;
	s5 =	smov.u32 s11;
	[sflag:s12] =	ssyncadd.s32 $0xFFFFFC00  }
0x68: {  	[tilespmem:s14], [sflag:$0x2] =	stream.linear.gather [hbm4b:s6+s4], $0x400, $0x38;
	[tilespmem:$0xE800] =	vst v63  }
0x69: {  	_ =	swait.ge [sflag:s12], $0x400  }
0x6a: {  	[sflag:s12] =	ssyncset.done $0x0  }
0x6b: {  	[sflag:s12] =	ssyncadd.s32 $0xFFFFFC00  }
0x6c: {  	[tilespmem:s16], [sflag:$0x1] =	stream.indirect.gather [hbm4b:s1+s15], $0x80, s13, s15, $0xb8;
	[tilespmem:$0xE800] =	vst v63  }
0x6d: {  	_ =	swait.ge [sflag:s17], $0x4000  }
0x6e: {  	[sflag:s17] =	ssyncset.done $0x0  }
0x6f: {  	[sflag:s17] =	ssyncadd.s32 $0xFFFFC000  }
0x70: {  	[spmem:s3] =	stream.indirect.scatter.add.f32 [tilespmem:s16], [sflag:$0x2], $0x80, s14, s15, $0xb8;
	[tilespmem:$0xE800] =	vst v63  }
0x71: {  	_ =	swait.ge [sflag:s12], $0x4000  }
0x72: {  	[sflag:s12] =	ssyncset.done $0x0  }
0x73: {  	[sflag:s12] =	ssyncadd.s32 $0xFFFFC000  }
0x74: {  	[tilespmem:s16], [sflag:$0x1] =	stream.indirect.gather [hbm4b:s1+s15], $0x80, s18, s15, $0xb8;
	[tilespmem:$0xE800] =	vst v63  }
0x75: {  	_ =	swait.ge [sflag:s17], $0x4000  }
0x76: {  	[sflag:s17] =	ssyncset.done $0x0  }
0x77: {  	[sflag:s17] =	ssyncadd.s32 $0xFFFFC000  }
0x78: {  	[spmem:s3] =	stream.indirect.scatter.add.f32 [tilespmem:s16], [sflag:$0x2], $0x80, s19, s15, $0xb8;
	[tilespmem:$0xE800] =	vst v63  }
0x79: {  	_ =	swait.ge [sflag:s12], $0x4000  }
0x7a: {  	[sflag:s12] =	ssyncset.done $0x0  }
0x7b: {  	[sflag:s12] =	ssyncadd.s32 $0xFFFFC000  }
0x7c: {  	[tilespmem:s16], [sflag:$0x1] =	stream.indirect.gather [hbm4b:s1+s15], $0x80, s20, s15, $0xb8;
	[tilespmem:$0xE800] =	vst v63  }
0x7d: {  	_ =	swait.ge [sflag:s17], $0x4000  }
0x7e: {  	[sflag:s17] =	ssyncset.done $0x0  }
0x7f: {  	[sflag:s17] =	ssyncadd.s32 $0xFFFFC000  }
0x80: {  	[spmem:s3] =	stream.indirect.scatter.add.f32 [tilespmem:s16], [sflag:$0x2], $0x80, s21, s15, $0xb8;
	[tilespmem:$0xE800] =	vst v63  }
0x81: {  	_ =	swait.ge [sflag:s12], $0x4000  }
0x82: {  	[sflag:s12] =	ssyncset.done $0x0  }
0x83: {  	[sflag:s12] =	ssyncadd.s32 $0xFFFFC000  }
0x84: {  	[tilespmem:s16], [sflag:$0x1] =	stream.indirect.gather [hbm4b:s1+s15], $0x80, s22, s15, $0xb8;
	[tilespmem:$0xE800] =	vst v63  }
0x85: {  	_ =	swait.ge [sflag:s17], $0x4000  }
0x86: {  	[sflag:s17] =	ssyncset.done $0x0  }
0x87: {  	[sflag:s17] =	ssyncadd.s32 $0xFFFFC000  }
0x88: {  	[spmem:s3] =	stream.indirect.scatter.add.f32 [tilespmem:s16], [sflag:$0x2], $0x80, s23, s15, $0xb8;
	[tilespmem:$0xE800] =	vst v63  }
0x89: {  	_ =	swait.ge [sflag:s12], $0x4000  }
0x8a: {  	[sflag:s12] =	ssyncset.done $0x0  }
0x8b: {  	[sflag:s12] =	ssyncadd.s32 $0xFFFFC000  }
0x8c: {  	[tilespmem:s16], [sflag:$0x1] =	stream.indirect.gather [hbm4b:s1+s15], $0x80, s24, s15, $0xb8;
	[tilespmem:$0xE800] =	vst v63  }
0x8d: {  	_ =	swait.ge [sflag:s17], $0x4000  }
0x8e: {  	[sflag:s17] =	ssyncset.done $0x0  }
0x8f: {  	[sflag:s17] =	ssyncadd.s32 $0xFFFFC000  }
0x90: {  	[spmem:s3] =	stream.indirect.scatter.add.f32 [tilespmem:s16], [sflag:$0x2], $0x80, s25, s15, $0xb8;
	[tilespmem:$0xE800] =	vst v63  }
0x91: {  	_ =	swait.ge [sflag:s12], $0x4000  }
0x92: {  	[sflag:s12] =	ssyncset.done $0x0  }
0x93: {  	[sflag:s12] =	ssyncadd.s32 $0xFFFFC000  }
0x94: {  	[tilespmem:s16], [sflag:$0x1] =	stream.indirect.gather [hbm4b:s1+s15], $0x80, s26, s15, $0xb8;
	[tilespmem:$0xE800] =	vst v63  }
0x95: {  	_ =	swait.ge [sflag:s17], $0x4000  }
0x96: {  	[sflag:s17] =	ssyncset.done $0x0  }
0x97: {  	[sflag:s17] =	ssyncadd.s32 $0xFFFFC000  }
0x98: {  	[spmem:s3] =	stream.indirect.scatter.add.f32 [tilespmem:s16], [sflag:$0x2], $0x80, s28, s15, $0xb8;
	[tilespmem:$0xE800] =	vst v63  }
0x99: {  	_ =	swait.ge [sflag:s12], $0x4000  }
0x9a: {  	[sflag:s12] =	ssyncset.done $0x0  }
0x9b: {  	[sflag:s12] =	ssyncadd.s32 $0xFFFFC000  }
0x9c: {  	[tilespmem:s16], [sflag:$0x1] =	stream.indirect.gather [hbm4b:s1+s15], $0x80, s29, s15, $0xb8;
	[tilespmem:$0xE800] =	vst v63  }
0x9d: {  	_ =	swait.ge [sflag:s17], $0x4000  }
0x9e: {  	[sflag:s17] =	ssyncset.done $0x0  }
0x9f: {  	[sflag:s17] =	ssyncadd.s32 $0xFFFFC000  }
0xa0: {  	[spmem:s3] =	stream.indirect.scatter.add.f32 [tilespmem:s16], [sflag:$0x2], $0x80, s30, s15, $0xb8;
	[tilespmem:$0xE800] =	vst v63  }
0xa1: {  	_ =	swait.ge [sflag:s12], $0x4000  }
0xa2: {  	[sflag:s12] =	ssyncset.done $0x0  }
0xa3: {  	[sflag:s12] =	ssyncadd.s32 $0xFFFFC000  }
0xa4: {  	[tilespmem:s16], [sflag:$0x1] =	stream.indirect.gather [hbm4b:s1+s15], $0x80, s31, s15, $0xb8;
	[tilespmem:$0xE800] =	vst v63  }
0xa5: {  	_ =	swait.ge [sflag:s17], $0x4000  }
.Ltmp0:
0xa6: {  	[sflag:s17] =	ssyncset.done $0x0;
	(pc) =	sbr.rel @p0 .LBB2_2-.Ltmp0, $4  }
0xa7: {  	[sflag:s17] =	ssyncadd.s32 $0xFFFFC000  }
0xa8: {  	[spmem:s3] =	stream.indirect.scatter.add.f32 [tilespmem:s16], [sflag:$0x2], $0x80, s2, s15, $0xb8;
	[tilespmem:$0xE800] =	vst v63  }
0xa9: {  	_ =	swait.ge [sflag:s12], $0x4000  }
0xaa: {  	s7 =	smov.u32 s8;
	[sflag:s12] =	ssyncset.done $0x0  }
0xab: {  	s6 =	sadd.s32 s5, s10;
	[sflag:s12] =	ssyncadd.s32 $0xFFFFC000  }
0xac: {  	[tilespmem:s13], [sflag:$0x2] =	stream.linear.gather [hbm4b:s6+s4], $0x400, $0x38;
	[tilespmem:$0xE800] =	vst v63  }
0xad: {  	_ =	swait.ge [sflag:s12], $0x400  }
0xae: {  	[sflag:s12] =	ssyncset.done $0x0  }
0xaf: {  	s7 =	sadd.s32 s5, s9;
	[sflag:s12] =	ssyncadd.s32 $0xFFFFFC00  }
0xb0: {  	[tilespmem:s14], [sflag:$0x2] =	stream.linear.gather [hbm4b:s7+s4], $0x400, $0x38;
	[tilespmem:$0xE800] =	vst v63  }
0xb1: {  	_ =	swait.ge [sflag:s12], $0x400  }
0xb2: {  	[sflag:s12] =	ssyncset.done $0x0  }
0xb3: {  	[sflag:s12] =	ssyncadd.s32 $0xFFFFFC00  }
0xb4: {  	[tilespmem:s16], [sflag:$0x1] =	stream.indirect.gather [hbm4b:s1+s15], $0x80, s13, s15, $0xb8;
	[tilespmem:$0xE800] =	vst v63  }
0xb5: {  	_ =	swait.ge [sflag:s17], $0x4000  }
0xb6: {  	[sflag:s17] =	ssyncset.done $0x0  }
0xb7: {  	[sflag:s17] =	ssyncadd.s32 $0xFFFFC000  }
0xb8: {  	[spmem:s3] =	stream.indirect.scatter.add.f32 [tilespmem:s16], [sflag:$0x2], $0x80, s14, s15, $0xb8;
	[tilespmem:$0xE800] =	vst v63  }
0xb9: {  	_ =	swait.ge [sflag:s12], $0x4000  }
0xba: {  	[sflag:s12] =	ssyncset.done $0x0  }
0xbb: {  	[sflag:s12] =	ssyncadd.s32 $0xFFFFC000  }
0xbc: {  	[tilespmem:s16], [sflag:$0x1] =	stream.indirect.gather [hbm4b:s1+s15], $0x80, s18, s15, $0xb8;
	[tilespmem:$0xE800] =	vst v63  }
0xbd: {  	_ =	swait.ge [sflag:s17], $0x4000  }
0xbe: {  	[sflag:s17] =	ssyncset.done $0x0  }
0xbf: {  	[sflag:s17] =	ssyncadd.s32 $0xFFFFC000  }
0xc0: {  	[spmem:s3] =	stream.indirect.scatter.add.f32 [tilespmem:s16], [sflag:$0x2], $0x80, s19, s15, $0xb8;
	[tilespmem:$0xE800] =	vst v63  }
0xc1: {  	_ =	swait.ge [sflag:s12], $0x4000  }
0xc2: {  	[sflag:s12] =	ssyncset.done $0x0  }
0xc3: {  	[sflag:s12] =	ssyncadd.s32 $0xFFFFC000  }
0xc4: {  	[tilespmem:s16], [sflag:$0x1] =	stream.indirect.gather [hbm4b:s1+s15], $0x80, s20, s15, $0xb8;
	[tilespmem:$0xE800] =	vst v63  }
0xc5: {  	_ =	swait.ge [sflag:s17], $0x4000  }
0xc6: {  	[sflag:s17] =	ssyncset.done $0x0  }
0xc7: {  	[sflag:s17] =	ssyncadd.s32 $0xFFFFC000  }
0xc8: {  	[spmem:s3] =	stream.indirect.scatter.add.f32 [tilespmem:s16], [sflag:$0x2], $0x80, s21, s15, $0xb8;
	[tilespmem:$0xE800] =	vst v63  }
0xc9: {  	_ =	swait.ge [sflag:s12], $0x4000  }
0xca: {  	[sflag:s12] =	ssyncset.done $0x0  }
0xcb: {  	[sflag:s12] =	ssyncadd.s32 $0xFFFFC000  }
0xcc: {  	[tilespmem:s16], [sflag:$0x1] =	stream.indirect.gather [hbm4b:s1+s15], $0x80, s22, s15, $0xb8;
	[tilespmem:$0xE800] =	vst v63  }
0xcd: {  	_ =	swait.ge [sflag:s17], $0x4000  }
0xce: {  	[sflag:s17] =	ssyncset.done $0x0  }
0xcf: {  	[sflag:s17] =	ssyncadd.s32 $0xFFFFC000  }
0xd0: {  	[spmem:s3] =	stream.indirect.scatter.add.f32 [tilespmem:s16], [sflag:$0x2], $0x80, s23, s15, $0xb8;
	[tilespmem:$0xE800] =	vst v63  }
0xd1: {  	_ =	swait.ge [sflag:s12], $0x4000  }
0xd2: {  	[sflag:s12] =	ssyncset.done $0x0  }
0xd3: {  	[sflag:s12] =	ssyncadd.s32 $0xFFFFC000  }
0xd4: {  	[tilespmem:s16], [sflag:$0x1] =	stream.indirect.gather [hbm4b:s1+s15], $0x80, s24, s15, $0xb8;
	[tilespmem:$0xE800] =	vst v63  }
0xd5: {  	_ =	swait.ge [sflag:s17], $0x4000  }
0xd6: {  	[sflag:s17] =	ssyncset.done $0x0  }
0xd7: {  	[sflag:s17] =	ssyncadd.s32 $0xFFFFC000  }
0xd8: {  	[spmem:s3] =	stream.indirect.scatter.add.f32 [tilespmem:s16], [sflag:$0x2], $0x80, s25, s15, $0xb8;
	[tilespmem:$0xE800] =	vst v63  }
0xd9: {  	_ =	swait.ge [sflag:s12], $0x4000  }
0xda: {  	[sflag:s12] =	ssyncset.done $0x0  }
0xdb: {  	[sflag:s12] =	ssyncadd.s32 $0xFFFFC000  }
0xdc: {  	[tilespmem:s16], [sflag:$0x1] =	stream.indirect.gather [hbm4b:s1+s15], $0x80, s26, s15, $0xb8;
	[tilespmem:$0xE800] =	vst v63  }
0xdd: {  	_ =	swait.ge [sflag:s17], $0x4000  }
0xde: {  	[sflag:s17] =	ssyncset.done $0x0  }
0xdf: {  	[sflag:s17] =	ssyncadd.s32 $0xFFFFC000  }
0xe0: {  	[spmem:s3] =	stream.indirect.scatter.add.f32 [tilespmem:s16], [sflag:$0x2], $0x80, s28, s15, $0xb8;
	[tilespmem:$0xE800] =	vst v63  }
0xe1: {  	_ =	swait.ge [sflag:s12], $0x4000  }
0xe2: {  	[sflag:s12] =	ssyncset.done $0x0  }
0xe3: {  	[sflag:s12] =	ssyncadd.s32 $0xFFFFC000  }
0xe4: {  	[tilespmem:s16], [sflag:$0x1] =	stream.indirect.gather [hbm4b:s1+s15], $0x80, s29, s15, $0xb8;
	[tilespmem:$0xE800] =	vst v63  }
0xe5: {  	_ =	swait.ge [sflag:s17], $0x4000  }
0xe6: {  	[sflag:s17] =	ssyncset.done $0x0  }
0xe7: {  	[sflag:s17] =	ssyncadd.s32 $0xFFFFC000  }
0xe8: {  	[spmem:s3] =	stream.indirect.scatter.add.f32 [tilespmem:s16], [sflag:$0x2], $0x80, s30, s15, $0xb8;
	[tilespmem:$0xE800] =	vst v63  }
0xe9: {  	_ =	swait.ge [sflag:s12], $0x4000  }
0xea: {  	[sflag:s12] =	ssyncset.done $0x0  }
0xeb: {  	[sflag:s12] =	ssyncadd.s32 $0xFFFFC000  }
0xec: {  	[tilespmem:s16], [sflag:$0x1] =	stream.indirect.gather [hbm4b:s1+s15], $0x80, s31, s15, $0xb8;
	[tilespmem:$0xE800] =	vst v63  }
0xed: {  	_ =	swait.ge [sflag:s17], $0x4000  }
0xee: {  	[sflag:s17] =	ssyncset.done $0x0  }
0xef: {  	[sflag:s17] =	ssyncadd.s32 $0xFFFFC000  }
0xf0: {  	[spmem:s3] =	stream.indirect.scatter.add.f32 [tilespmem:s16], [sflag:$0x2], $0x80, s2, s15, $0xb8;
	[tilespmem:$0xE800] =	vst v63  }
0xf1: {  	_ =	swait.ge [sflag:s12], $0x4000  }
0xf2: {  	[sflag:s12] =	ssyncset.done $0x0  }
0xf3: {  	[sflag:s12] =	ssyncadd.s32 $0xFFFFC000  }
0xf4: {  	[bflag:$0x0] =	sbarrier.arrive $0xFFFF  }
0xf5: {  	s6 =	rddreg [dreg:$0x5]  }
0xf6: {  	s8 =	rddreg [dreg:$0x6]  }
0xf7: {  	s7 =	rddreg [dreg:$0x8]  }
0xf8: {  	[hbm:s8], [sflag:s6] =	dma.local [spmem:s7], $0x1400  }
0xf9: {  	_ =	swait.ge [sflag:s12], $0x1400  }
0xfa: {  	s0 =	sadd.s32 $0x1, s0;
	s11 =	rddreg [dreg:$0x7]  }
0xfb: {  	p0 =	sne.s32 s0, s11  }
.Ltmp1:
0xfc: {  	_ = 	snop;
	(pc) =	sbr.rel @p0 .LBB2_1-.Ltmp1, $3  }
0xfd: {  	_ =	sdelay $0x1  }
0xfe: {  	[sflag:s12] =	ssyncset.done $0x0  }
0xff: {  	[sflag:s12] =	ssyncadd.s32 $0xFFFFEC00  }
0x100: {  	_ =	sfence.sel $0x180000  }
0x101: {  	[bflag:$0x0] =	sbarrier.arrive $0xFFFF  }
0x102: {  	_ =	strace $0x90000047  }
0x103: {  	s0 =	stileid.u32;
	[bflag:$0x2] =	sbarrier.arrive $0xFFFF  }
0x104: {  	p0 =	sne.s32 s0, $0x0;
	s0 =	rddreg [dreg:$0x3]  }
0x105: {  	s0 =	sadd.s32 @!p0 $0x100000, s0  }
0x106: {  	[sflag:s0] =	ssyncadd.tile.s32 @!p0 $0x1;
	_ =	shalt  }
.Lfunc_end2:
_tile_overlayer_lowered:
.L_overlay_start_2:
0x107: {  	(tag) =	ssettag $0x2  }
0x108: {  	s0 =	rddreg [dreg:$0x0];
	s2 =	stileid.u32  }
0x109: {  	s1 =	rddreg [dreg:$0x1];
	p0 =	sne.s32 s2, $0x0  }
0x10a: {  	s3 =	rddreg [dreg:$0x2];
	[bflag:$0x3] =	sbarrier.arrive $0xFFFF;
	s2 =	simm.s32 @!p0 $0x1C02  }
0x10b: {  	[timem:s3], [sflag:s2] =	dma.local @!p0 [hbm:s0], s1  }
0x10c: {  	s0 =	simm.s32 @!p0 $0x2  }
0x10d: {  	_ =	swait.ge @!p0 [sflag:s0], s1  }
0x10e: {  	s1 =	ssub.s32 @!p0 $0x0, s1;
	[sflag:s0] =	ssyncset.done @!p0 $0x0  }
0x10f: {  	[sflag:s0] =	ssyncadd.s32 @!p0 s1  }
0x110: {  	[bflag:$0x3] =	sbarrier.arrive $0xFFFF  }
0x111: {  	_ =	shalt  }

// kernel: kernel.21.cloned.1.call-start
scs
__scs_entry_jumppad:
0x0: {  	(pc) =	sbr.rel $0x88, $3  }
0x1: {  	(tag) =	ssettag $0x0;
	lr =	simm.s32 $0x1  }
0x2: {  	[smem:$0x3F97] =	sst lr;
	_ =	strace $0xD0000000  }
0x3: {  	_ = 	snop  }
0x4: {  	_ = 	snop  }
0x5: {  	_ = 	snop  }
0x6: {  	_ = 	snop  }
0x7: {  	_ = 	snop  }
__scs_overlays_trampoline_lowered:
0x8: {  	[smem:$0x3FA6] =	sst s0  }
0x9: {  	[smem:$0x3FA7] =	sst s1  }
0xa: {  	[smem:$0x3FA8] =	sst s2  }
0xb: {  	[smem:$0x3FA9] =	sst s3  }
0xc: {  	[smem:$0x3FAA] =	sst s4  }
0xd: {  	[smem:$0x3FAB] =	sst s5  }
0xe: {  	[smem:$0x3FAC] =	sst s6  }
0xf: {  	[smem:$0x3FAD] =	sst s7  }
0x10: {  	[smem:$0x3FAE] =	sst s8  }
0x11: {  	[smem:$0x3FAF] =	sst s9;
	s0 =	simm.s32 @!p0 $0x0  }
0x12: {  	s1 =	sld [smem:$0x3F95];
	s0 =	simm.s32 @p0 $0x1  }
0x13: {  	[smem:$0x3FB0] =	sst s0;
	s0 =	simm.s32 @!p1 $0x0  }
0x14: {  	s2 =	sld [smem:$0x3F94];
	s0 =	simm.s32 @p1 $0x1  }
0x15: {  	[smem:$0x3FB1] =	sst s0;
	s0 =	simm.s32 @!p2 $0x0  }
0x16: {  	s3 =	sld [smem:$0x3FDB];
	s0 =	simm.s32 @p2 $0x1  }
0x17: {  	s4 =	simm.s32 $0x1BF5;
	[smem:$0x3FB3] =	sst s0  }
0x18: {  	s0 =	sld [smem:$0x3F96];
	_ =	swait.ge [sflag:s4], $0x0  }
0x19: {  	s7 =	sld [smem:$0x3F97]  }
0x1a: {  	s8 =	sadd.s32 $0xFFFFE003, lr  }
0x1b: {  	s9 =	sadd.s32 $0xFFFFFEF7, lr;
	s5 =	simm.s32 $0xFFFFFFFF;
	p2 =	slt.u32 s8, $0xFFFFF086  }
0x1c: {  	p1 =	slt.u32 s9, $0xF7A;
	s5 =	simm.s32 @!p2 $0x0  }
0x1d: {  	s5 =	simm.s32 @p1 $0x1;
	p0 =	seq.s32 s7, s2  }
0x1e: {  	s7 =	smul.u32 @!p0 $0xF7A, s2;
	p2 =	seq.s32 @!p0 s5, $0x0  }
0x1f: {  	s9 =	smul.u32 $0xF7A, s1;
	s8 =	simm.s32 @!p0 $0x1BF5;
	p2 =	por !p2, p0  }
0x20: {  	[sflag:s8] =	ssyncset.s32 @!p0 $0xFFFFF086;
	s6 =	sadd.s32 @!p0 s3, s7;
	s7 =	simm.s32 @!p0 $0x108  }
0x21: {  	s3 =	sadd.s32 s3, s9;
	s6 =	sadd.s32 @!p0 $0x88, s6;
	s7 =	simm.s32 @p2 $0x1082  }
0x22: {  	[simem:s7], [sflag:s8] =	dma.local @!p0 [hbm:s6], $0xF7A  }
0x23: {  	s9 =	sor.u32 $0xD0000000, s2;
	s6 =	simm.s32 $0x108;
	_ =	swait.ge @!p0 [sflag:s8], $0x0  }
0x24: {  	s3 =	sadd.s32 $0x88, s3;
	s6 =	simm.s32 @!p1 $0x1082;
	[sflag:s4] =	ssyncset.s32 $0xFFFFF086  }
0x25: {  	[simem:s6], [sflag:s4] =	dma.local [hbm:s3], $0xF7A  }
0x26: {  	[smem:$0x3F97] =	sst s1;
	(tag) =	ssettag s2;
	_ =	strace s9  }
0x27: {  	s1 =	sld [smem:$0x3FA7]  }
0x28: {  	s2 =	sld [smem:$0x3FA8]  }
0x29: {  	s4 =	sld [smem:$0x3FAA]  }
0x2a: {  	p0 =	seq.s32 s5, $0x0;
	s5 =	sld [smem:$0x3FAB]  }
0x2b: {  	s6 =	sld [smem:$0x3FAC]  }
0x2c: {  	s7 =	sld [smem:$0x3FAD]  }
0x2d: {  	s3 =	simm.s32 $0x108;
	s8 =	sld [smem:$0x3FAE]  }
0x2e: {  	s3 =	simm.s32 @!p0 $0x1082;
	s9 =	sld [smem:$0x3FAF]  }
0x2f: {  	lr =	sadd.s32 s0, s3;
	s0 =	sld [smem:$0x3FA6]  }
0x30: {  	s3 =	sld [smem:$0x3FA9]  }
0x31: {  	[smem:$0x3FB2] =	sst s10  }
0x32: {  	s10 =	sld [smem:$0x3FB0];
	_ =	sdelay $0x3  }
0x33: {  	p0 =	seq.s32 s10, $0x1;
	s10 =	sld [smem:$0x3FB2];
	_ =	sdelay $0x3  }
0x34: {  	[smem:$0x3FB2] =	sst s10  }
0x35: {  	s10 =	sld [smem:$0x3FB1];
	_ =	sdelay $0x3  }
0x36: {  	p1 =	seq.s32 s10, $0x1;
	s10 =	sld [smem:$0x3FB2];
	_ =	sdelay $0x3  }
0x37: {  	[smem:$0x3FB2] =	sst s10  }
0x38: {  	s10 =	sld [smem:$0x3FB3]  }
0x39: {  	_ = 	snop;
	(pc) =	sbr.ind lr, $3  }
0x3a: {  	_ = 	snop  }
0x3b: {  	_ = 	snop  }
0x3c: {  	p2 =	seq.s32 s10, $0x1;
	s10 =	sld [smem:$0x3FB2]  }
0x3d: {  	_ =	shalt  }
0x3e: {  	_ =	shalt  }
0x3f: {  	_ =	shalt  }
0x40: {  	_ =	shalt  }
0x41: {  	_ =	shalt  }
0x42: {  	_ =	shalt  }
0x43: {  	_ =	shalt  }
0x44: {  	_ =	shalt  }
0x45: {  	_ =	shalt  }
0x46: {  	_ =	shalt  }
0x47: {  	_ =	shalt  }
0x48: {  	_ =	shalt  }
0x49: {  	_ =	shalt  }
0x4a: {  	_ =	shalt  }
0x4b: {  	_ =	shalt  }
0x4c: {  	_ =	shalt  }
0x4d: {  	_ =	shalt  }
0x4e: {  	_ =	shalt  }
0x4f: {  	_ =	shalt  }
0x50: {  	_ =	shalt  }
0x51: {  	_ =	shalt  }
0x52: {  	_ =	shalt  }
0x53: {  	_ =	shalt  }
0x54: {  	_ =	shalt  }
0x55: {  	_ =	shalt  }
0x56: {  	_ =	shalt  }
0x57: {  	_ =	shalt  }
0x58: {  	_ =	shalt  }
0x59: {  	_ =	shalt  }
0x5a: {  	_ =	shalt  }
0x5b: {  	_ =	shalt  }
0x5c: {  	_ =	shalt  }
0x5d: {  	_ =	shalt  }
0x5e: {  	_ =	shalt  }
0x5f: {  	_ =	shalt  }
0x60: {  	_ =	shalt  }
0x61: {  	_ =	shalt  }
0x62: {  	_ =	shalt  }
0x63: {  	_ =	shalt  }
0x64: {  	_ =	shalt  }
0x65: {  	_ =	shalt  }
0x66: {  	_ =	shalt  }
0x67: {  	_ =	shalt  }
0x68: {  	_ =	shalt  }
0x69: {  	_ =	shalt  }
0x6a: {  	_ =	shalt  }
0x6b: {  	_ =	shalt  }
0x6c: {  	_ =	shalt  }
0x6d: {  	_ =	shalt  }
0x6e: {  	_ =	shalt  }
0x6f: {  	_ =	shalt  }
0x70: {  	_ =	shalt  }
0x71: {  	_ =	shalt  }
0x72: {  	_ =	shalt  }
0x73: {  	_ =	shalt  }
0x74: {  	_ =	shalt  }
0x75: {  	_ =	shalt  }
0x76: {  	_ =	shalt  }
0x77: {  	_ =	shalt  }
0x78: {  	_ =	shalt  }
0x79: {  	_ =	shalt  }
0x7a: {  	_ =	shalt  }
0x7b: {  	_ =	shalt  }
0x7c: {  	_ =	shalt  }
0x7d: {  	_ =	shalt  }
0x7e: {  	_ =	shalt  }
0x7f: {  	_ =	shalt  }
0x80: {  	_ =	shalt  }
0x81: {  	_ =	shalt  }
0x82: {  	_ =	shalt  }
0x83: {  	_ =	shalt  }
0x84: {  	_ =	shalt  }
0x85: {  	_ =	shalt  }
0x86: {  	_ =	shalt  }
0x87: {  	_ =	shalt  }
.Lfunc_end0:
.L_simem_size_0:
called_computation.3_lowered:
.L_overlay_start_0:
0x88: {  	s2 =	sld [smem:$0x3FD9]  }
0x89: {  	s3 =	sld [smem:$0x3FFE];
	_ =	sdelay $0x1  }
0x8a: {  	s1 =	srdreg.scid  }
0x8b: {  	s0 =	sand.u32 $0x1, s1  }
0x8c: {  	s17 =	sshll.u32 s0, $0xA;
	s2 =	sadd.s32 s3, s2  }
0x8d: {  	s2 =	sadd.s32 s2, s17  }
0x8e: {  	[smem:$0x3FBE] =	sst s2  }
0x8f: {  	_ = 	snop  }
0x90: {  	s2 =	sld [smem:$0x3FD0];
	(tm) =	ssettm $0x1  }
0x91: {  	s18 =	sld [smem:$0x3FFB];
	_ =	sdelay $0x3  }
0x92: {  	_ =	strace s18  }
0x93: {  	s3 =	sld [smem:$0x3FFC];
	_ =	sdelay $0x3  }
0x94: {  	_ =	strace s3  }
0x95: {  	s3 =	sld [smem:$0x3FFD];
	_ =	sdelay $0x3  }
0x96: {  	_ =	strace s3  }
0x97: {  	_ =	strace $0x8FFFFFFF  }
0x98: {  	s19 =	sld [smem:$0x3FDB];
	_ =	sdelay $0x1  }
0x99: {  	s4 =	simm.s32 $_scs_section_size  }
0x9a: {  	s5 =	simm.s32 $_size__tile_overlayer_lowered;
	s6 =	simm.s32 $_tile_overlayer_lowered  }
0x9b: {  	s22 =	simm.s32 $0x1BFF;
	s21 =	sshll.u32 s6, $0x1;
	s3 =	sadd.s32 s4, s19  }
0x9c: {  	s7 =	simm.s32 $0x0;
	s20 =	sshll.u32 s5, $0x1;
	s5 =	sadd.s32 s21, s3  }
0x9d: {  	[timem:s7], [sflag:s22] =	dma.local [hbm:s5], s20  }
0x9e: {  	_ =	swait.ge [sflag:s22], s20  }
0x9f: {  	s4 =	ssub.s32 $0x0, s20;
	[sflag:s22] =	ssyncset.done $0x0  }
0xa0: {  	[sflag:s22] =	ssyncadd.s32 s4;
	_ =	sdelay $0x1  }
0xa1: {  	s23 =	simm.s32 $0x1B8B  }
0xa2: {  	_ =	swait.ge [sflag:s23], $0x1  }
0xa3: {  	[sflag:s23] =	ssyncset.done $0x0  }
0xa4: {  	s25 =	simm.s32 $0x1B8E;
	s24 =	sld [smem:$0x3FFE];
	[sflag:s23] =	ssyncadd.s32 $0xFFFFFFFF  }
0xa5: {  	s26 =	simm.s32 $execute0_lowered;
	[smem:$0x3FD2] =	sst s25  }
0xa6: {  	s5 =	sshll.u32 s26, $0x1;
	_ =	strace $0x8000004C;
	[dreg:$0x1] =	wrdreg $0xFFFFFFFF  }
0xa7: {  	s28 =	simm.s32 $_size_execute0_lowered;
	s3 =	sadd.s32 s3, s5;
	[dreg:$0x0] =	wrdreg $0x0  }
0xa8: {  	s5 =	sshll.u32 s28, $0x1;
	[dreg:$0x2] =	wrdreg s3  }
0xa9: {  	[dreg:$0x3] =	wrdreg s5  }
0xaa: {  	[dreg:$0x4] =	wrdreg $0xC0  }
0xab: {  	_ =	task [dreg:s7], $0x5FFFF  }
0xac: {  	[dreg:$0x1] =	wrdreg $0xFFFFFFFF  }
0xad: {  	[dreg:$0x0] =	wrdreg $0x60  }
0xae: {  	[dreg:$0x2] =	wrdreg s2  }
0xaf: {  	[dreg:$0x3] =	wrdreg s24  }
0xb0: {  	[dreg:$0x4] =	wrdreg $0xA  }
0xb1: {  	_ =	task.clear_ibuf [dreg:s7], $0x5FFFF;
	_ =	strace $0x9000004C  }
0xb2: {  	s29 =	simm.s32 $0xA;
	_ =	strace $0x8000004E  }
0xb3: {  	_ =	swait.ge [sflag:s29], $0x1  }
0xb4: {  	[sflag:s29] =	ssyncadd.s32 $0xFFFFFFFF  }
0xb5: {  	_ =	strace $0x9000004E  }
0xb6: {  	_ =	sfence  }
0xb7: {  	s30 =	sld [smem:$0x0];
	_ =	sdelay $0x2  }
0xb8: {  	s31 =	sshll.u32 s1, $0xD;
	s1 =	sshrl.u32 s1, $0x2  }
0xb9: {  	s3 =	sand.u32 $0x4000, s31;
	s1 =	sadd.s32 s1, s30  }
0xba: {  	s0 =	sor.u32 s3, s0;
	s1 =	sshll.u32 s1, $0x11  }
0xbb: {  	s0 =	sor.u32 s1, s0  }
0xbc: {  	s0 =	sadd.s32 $0x8F2B, s0  }
0xbd: {  	[sflag:s0] =	ssyncadd.remote.s32 $0x1  }
0xbe: {  	_ =	sfence.sel $0xFFFF  }
0xbf: {  	[dreg:$0x0] =	wrdreg $0xFFFFFFFF;
	(pc) =	sbr.abs _section_cstart, $3  }
0xc0: {  	[dreg:$0x1] =	wrdreg $0xFFFFFFFF  }
0xc1: {  	_ =	task.clear_ibuf [dreg:s7], $0x2FFFF;
	_ =	strace $0x9FFFFFFF  }
0xc2: {  	(tm) =	ssettm $0x7FFFFFFF  }
0xc3: {  	_ =	shalt  }
tec
execute0_lowered:
.L_overlay_start_1:
0x0: {  	(tag) =	ssettag $0x1  }
0x1: {  	s18 =	rddreg [dreg:$0x0]  }
0x2: {  	s7 =	rddreg [dreg:$0x1]  }
0x3: {  	s0 =	rddreg [dreg:$0x2];
	s1 =	simm.s32 $0x0;
	s2 =	srdreg.scid  }
0x4: {  	[smem:$0x7FF] =	sst s1;
	s1 =	stileid.u32;
	s19 =	sand.u32 $0x1, s2  }
0x5: {  	s2 =	sadd.s32 $0x36E00, s7;
	p0 =	seq.s32 s19, $0x0;
	s4 =	smul.u32 $0x2800, s1  }
0x6: {  	s3 =	sadd.s32 $0x3200, s7;
	_ =	strace $0x8000004D;
	s5 =	sshll.u32 @p0 s1, $0x6  }
0x7: {  	s6 =	simm.s32 @p0 $0x2;
	s4 =	sadd.s32 s3, s4;
	s5 =	sor.u32 @p0 $0x1C02, s5  }
0x8: {  	[hbm:s4], [sflag:s5] =	dma.local @p0 [hbm:s2], $0x2800  }
0x9: {  	_ =	swait.ge @p0 [sflag:s6], $0x2800  }
0xa: {  	s15 =	sadd.s32 $0x5EE00, s7;
	s31 =	sshll.u32 s1, $0x4;
	[sflag:s6] =	ssyncset.done @p0 $0x0  }
0xb: {  	s7 =	sadd.s32 s15, s31;
	[sflag:s6] =	ssyncadd.s32 @p0 $0xFFFFD800  }
0xc: {  	s8 =	simm.s32 @p0 $0x0;
	s9 =	simm.s32 @p0 $0x3;
	[bflag:$0x0] =	sbarrier.arrive @p0 $0xFFFF  }
0xd: {  	[tilespmem:s8], [sflag:$0x3] =	stream.linear.gather @p0 [hbm4b:s7+s8], $0x80, $0x38;
	[tilespmem:$0x4080] =	vst v63  }
0xe: {  	s10 =	sshll.u32 s1, $0xB;
	_ =	swait.ge @p0 [sflag:s9], $0x80  }
0xf: {  	s10 =	sadd.s32 s18, s10;
	[sflag:s9] =	ssyncset.done @p0 $0x0  }
0x10: {  	s11 =	simm.s32 @p0 $0x80;
	s12 =	simm.s32 @p0 $0x1;
	[sflag:s9] =	ssyncadd.s32 @p0 $0xFFFFFF80  }
0x11: {  	[tilespmem:s11], [sflag:$0x1] =	stream.linear.gather @p0 [hbm4b:s10+s8], $0x4000, $0x38;
	[tilespmem:$0x4080] =	vst v63  }
0x12: {  	_ =	swait.ge @p0 [sflag:s12], $0x4000  }
0x13: {  	[sflag:s12] =	ssyncset.done @p0 $0x0  }
0x14: {  	[sflag:s12] =	ssyncadd.s32 @p0 $0xFFFFC000  }
0x15: {  	[hbm4b:s3+s11] =	stream.indirect.scatter @p0 [tilespmem:s11], [sflag:$0x2], $0x80, s8, s11, $0xb8;
	[tilespmem:$0x4080] =	vst v63  }
0x16: {  	s14 =	sor.u32 $0x10, s1;
	_ =	swait.ge @p0 [sflag:s6], $0x4000  }
0x17: {  	s13 =	sshll.u32 s14, $0x4;
	[sflag:s6] =	ssyncset.done @p0 $0x0  }
0x18: {  	s13 =	sadd.s32 s15, s13;
	[sflag:s6] =	ssyncadd.s32 @p0 $0xFFFFC000  }
0x19: {  	[tilespmem:s8], [sflag:$0x3] =	stream.linear.gather @p0 [hbm4b:s13+s8], $0x80, $0x38;
	[tilespmem:$0x4080] =	vst v63  }
0x1a: {  	_ =	swait.ge @p0 [sflag:s9], $0x80  }
0x1b: {  	s14 =	sshll.u32 s14, $0xB;
	[sflag:s9] =	ssyncset.done @p0 $0x0  }
0x1c: {  	s14 =	sadd.s32 s18, s14;
	[sflag:s9] =	ssyncadd.s32 @p0 $0xFFFFFF80  }
0x1d: {  	[tilespmem:s11], [sflag:$0x1] =	stream.linear.gather @p0 [hbm4b:s14+s8], $0x4000, $0x38;
	[tilespmem:$0x4080] =	vst v63  }
0x1e: {  	s20 =	sor.u32 $0x20, s1;
	_ =	swait.ge @p0 [sflag:s12], $0x4000  }
0x1f: {  	s21 =	ssub.s32 $0x2, s19;
	p1 =	slt.u32 s20, $0x28;
	[sflag:s12] =	ssyncset.done @p0 $0x0  }
0x20: {  	s16 =	sshll.u32 s20, $0x4;
	p1 =	por !p0, !p1;
	[sflag:s12] =	ssyncadd.s32 @p0 $0xFFFFC000  }
0x21: {  	[hbm4b:s3+s11] =	stream.indirect.scatter @p0 [tilespmem:s11], [sflag:$0x2], $0x80, s8, s11, $0xb8;
	[tilespmem:$0x4080] =	vst v63  }
0x22: {  	s22 =	sshrl.u32 s21, $0x1;
	p1 =	por !p1, !p1;
	_ =	swait.ge @p0 [sflag:s6], $0x4000  }
0x23: {  	s15 =	sadd.s32 s15, s16;
	p1 =	por !p1, !p0;
	[sflag:s6] =	ssyncset.done @p0 $0x0  }
0x24: {  	s16 =	simm.s32 @!p1 $0x0;
	s17 =	simm.s32 @!p1 $0x3;
	[sflag:s6] =	ssyncadd.s32 @p0 $0xFFFFC000  }
0x25: {  	[tilespmem:s16], [sflag:$0x3] =	stream.linear.gather @!p1 [hbm4b:s15+s16], $0x80, $0x38;
	[tilespmem:$0x4080] =	vst v63  }
0x26: {  	s20 =	sshll.u32 s20, $0xB;
	s21 =	ssub.s32 s21, s22;
	_ =	swait.ge @!p1 [sflag:s17], $0x80  }
0x27: {  	s18 =	sadd.s32 s18, s20;
	s22 =	smax.u32 s21, $0x1;
	[sflag:s17] =	ssyncset.done @!p1 $0x0  }
0x28: {  	s19 =	simm.s32 @!p1 $0x80;
	s20 =	simm.s32 @!p1 $0x1;
	[sflag:s17] =	ssyncadd.s32 @!p1 $0xFFFFFF80  }
0x29: {  	[tilespmem:s19], [sflag:$0x1] =	stream.linear.gather @!p1 [hbm4b:s18+s16], $0x4000, $0x38;
	[tilespmem:$0x4080] =	vst v63  }
0x2a: {  	s22 =	sadd.s32 $0xFFFFFFFF, s22;
	_ =	swait.ge @!p1 [sflag:s20], $0x4000  }
0x2b: {  	p2 =	sne.s32 s22, $0x0;
	[sflag:s20] =	ssyncset.done @!p1 $0x0  }
.Ltmp0:
0x2c: {  	s21 =	simm.s32 @!p1 $0x2;
	[sflag:s20] =	ssyncadd.s32 @!p1 $0xFFFFC000;
	(pc) =	sbr.rel @!p2 .LBB2_2-.Ltmp0, $4  }
0x2d: {  	[hbm4b:s3+s19] =	stream.indirect.scatter @!p1 [tilespmem:s19], [sflag:$0x2], $0x80, s16, s19, $0xb8;
	[tilespmem:$0x4080] =	vst v63  }
0x2e: {  	_ =	swait.ge @!p1 [sflag:s21], $0x4000  }
0x2f: {  	[sflag:s21] =	ssyncset.done @!p1 $0x0  }
0x30: {  	[sflag:s21] =	ssyncadd.s32 @!p1 $0xFFFFC000  }
.LBB2_1:
0x31: {  	s22 =	sadd.s32 $0xFFFFFFFF, s22;
	[bflag:$0x0] =	sbarrier.arrive @!p0 $0xFFFF  }
0x32: {  	[hbm:s4], [sflag:s5] =	dma.local @p0 [hbm:s2], $0x2800  }
0x33: {  	p2 =	sne.s32 s22, $0x0;
	_ =	swait.ge @p0 [sflag:s6], $0x2800  }
0x34: {  	[sflag:s6] =	ssyncset.done @p0 $0x0  }
0x35: {  	[sflag:s6] =	ssyncadd.s32 @p0 $0xFFFFD800  }
0x36: {  	[bflag:$0x0] =	sbarrier.arrive @p0 $0xFFFF  }
0x37: {  	[tilespmem:s8], [sflag:$0x3] =	stream.linear.gather @p0 [hbm4b:s7+s8], $0x80, $0x38;
	[tilespmem:$0x4080] =	vst v63  }
0x38: {  	_ =	swait.ge @p0 [sflag:s9], $0x80  }
0x39: {  	[sflag:s9] =	ssyncset.done @p0 $0x0  }
0x3a: {  	[sflag:s9] =	ssyncadd.s32 @p0 $0xFFFFFF80  }
0x3b: {  	[tilespmem:s11], [sflag:$0x1] =	stream.linear.gather @p0 [hbm4b:s10+s8], $0x4000, $0x38;
	[tilespmem:$0x4080] =	vst v63  }
0x3c: {  	_ =	swait.ge @p0 [sflag:s12], $0x4000  }
0x3d: {  	[sflag:s12] =	ssyncset.done @p0 $0x0  }
0x3e: {  	[sflag:s12] =	ssyncadd.s32 @p0 $0xFFFFC000  }
0x3f: {  	[hbm4b:s3+s11] =	stream.indirect.scatter @p0 [tilespmem:s11], [sflag:$0x2], $0x80, s8, s11, $0xb8;
	[tilespmem:$0x4080] =	vst v63  }
0x40: {  	_ =	swait.ge @p0 [sflag:s6], $0x4000  }
0x41: {  	[sflag:s6] =	ssyncset.done @p0 $0x0  }
0x42: {  	[sflag:s6] =	ssyncadd.s32 @p0 $0xFFFFC000  }
0x43: {  	[tilespmem:s8], [sflag:$0x3] =	stream.linear.gather @p0 [hbm4b:s13+s8], $0x80, $0x38;
	[tilespmem:$0x4080] =	vst v63  }
0x44: {  	_ =	swait.ge @p0 [sflag:s9], $0x80  }
0x45: {  	[sflag:s9] =	ssyncset.done @p0 $0x0  }
0x46: {  	[sflag:s9] =	ssyncadd.s32 @p0 $0xFFFFFF80  }
0x47: {  	[tilespmem:s11], [sflag:$0x1] =	stream.linear.gather @p0 [hbm4b:s14+s8], $0x4000, $0x38;
	[tilespmem:$0x4080] =	vst v63  }
0x48: {  	_ =	swait.ge @p0 [sflag:s12], $0x4000  }
0x49: {  	[sflag:s12] =	ssyncset.done @p0 $0x0  }
0x4a: {  	[sflag:s12] =	ssyncadd.s32 @p0 $0xFFFFC000  }
0x4b: {  	[hbm4b:s3+s11] =	stream.indirect.scatter @p0 [tilespmem:s11], [sflag:$0x2], $0x80, s8, s11, $0xb8;
	[tilespmem:$0x4080] =	vst v63  }
0x4c: {  	_ =	swait.ge @p0 [sflag:s6], $0x4000  }
0x4d: {  	[sflag:s6] =	ssyncset.done @p0 $0x0  }
0x4e: {  	[sflag:s6] =	ssyncadd.s32 @p0 $0xFFFFC000  }
0x4f: {  	[tilespmem:s16], [sflag:$0x3] =	stream.linear.gather @!p1 [hbm4b:s15+s16], $0x80, $0x38;
	[tilespmem:$0x4080] =	vst v63  }
0x50: {  	_ =	swait.ge @!p1 [sflag:s17], $0x80  }
0x51: {  	[sflag:s17] =	ssyncset.done @!p1 $0x0  }
0x52: {  	[sflag:s17] =	ssyncadd.s32 @!p1 $0xFFFFFF80  }
0x53: {  	[tilespmem:s19], [sflag:$0x1] =	stream.linear.gather @!p1 [hbm4b:s18+s16], $0x4000, $0x38;
	[tilespmem:$0x4080] =	vst v63  }
0x54: {  	_ =	swait.ge @!p1 [sflag:s20], $0x4000  }
0x55: {  	[sflag:s20] =	ssyncset.done @!p1 $0x0  }
.Ltmp1:
0x56: {  	[sflag:s20] =	ssyncadd.s32 @!p1 $0xFFFFC000;
	(pc) =	sbr.rel @p2 .LBB2_1-.Ltmp1, $4  }
0x57: {  	[hbm4b:s3+s19] =	stream.indirect.scatter @!p1 [tilespmem:s19], [sflag:$0x2], $0x80, s16, s19, $0xb8;
	[tilespmem:$0x4080] =	vst v63  }
0x58: {  	_ =	swait.ge @!p1 [sflag:s21], $0x4000  }
0x59: {  	[sflag:s21] =	ssyncset.done @!p1 $0x0  }
0x5a: {  	[sflag:s21] =	ssyncadd.s32 @!p1 $0xFFFFC000  }
.LBB2_2:
0x5b: {  	[bflag:$0x0] =	sbarrier.arrive @!p0 $0xFFFF  }
0x5c: {  	_ =	sfence.sel $0x180000  }
0x5d: {  	[bflag:$0x0] =	sbarrier.arrive $0xFFFF  }
0x5e: {  	p0 =	sne.s32 s1, $0x0;
	_ =	strace $0x9000004D  }
0x5f: {  	s0 =	sadd.s32 @!p0 $0x100000, s0;
	[bflag:$0x2] =	sbarrier.arrive $0xFFFF  }
0x60: {  	[sflag:s0] =	ssyncadd.tile.s32 @!p0 $0x1;
	_ =	shalt  }
.Lfunc_end2:
_tile_overlayer_lowered:
.L_overlay_start_2:
0x61: {  	(tag) =	ssettag $0x2  }
0x62: {  	s0 =	rddreg [dreg:$0x0];
	s2 =	stileid.u32  }
0x63: {  	s1 =	rddreg [dreg:$0x1];
	p0 =	sne.s32 s2, $0x0  }
0x64: {  	s3 =	rddreg [dreg:$0x2];
	[bflag:$0x3] =	sbarrier.arrive $0xFFFF;
	s2 =	simm.s32 @!p0 $0x1C02  }
0x65: {  	[timem:s3], [sflag:s2] =	dma.local @!p0 [hbm:s0], s1  }
0x66: {  	s0 =	simm.s32 @!p0 $0x2  }
0x67: {  	_ =	swait.ge @!p0 [sflag:s0], s1  }
0x68: {  	s1 =	ssub.s32 @!p0 $0x0, s1;
	[sflag:s0] =	ssyncset.done @!p0 $0x0  }
0x69: {  	[sflag:s0] =	ssyncadd.s32 @!p0 s1  }
0x6a: {  	[bflag:$0x3] =	sbarrier.arrive $0xFFFF  }
0x6b: {  	_ =	shalt  }

// kernel: kernel.24.cloned.1.call-start
scs
__scs_entry_jumppad:
0x0: {  	(pc) =	sbr.rel $0x88, $3  }
0x1: {  	(tag) =	ssettag $0x0;
	lr =	simm.s32 $0x1  }
0x2: {  	[smem:$0x3F97] =	sst lr;
	_ =	strace $0xD0000000  }
0x3: {  	_ = 	snop  }
0x4: {  	_ = 	snop  }
0x5: {  	_ = 	snop  }
0x6: {  	_ = 	snop  }
0x7: {  	_ = 	snop  }
__scs_overlays_trampoline_lowered:
0x8: {  	[smem:$0x3FA6] =	sst s0  }
0x9: {  	[smem:$0x3FA7] =	sst s1  }
0xa: {  	[smem:$0x3FA8] =	sst s2  }
0xb: {  	[smem:$0x3FA9] =	sst s3  }
0xc: {  	[smem:$0x3FAA] =	sst s4  }
0xd: {  	[smem:$0x3FAB] =	sst s5  }
0xe: {  	[smem:$0x3FAC] =	sst s6  }
0xf: {  	[smem:$0x3FAD] =	sst s7  }
0x10: {  	[smem:$0x3FAE] =	sst s8  }
0x11: {  	[smem:$0x3FAF] =	sst s9;
	s0 =	simm.s32 @!p0 $0x0  }
0x12: {  	s1 =	sld [smem:$0x3F95];
	s0 =	simm.s32 @p0 $0x1  }
0x13: {  	[smem:$0x3FB0] =	sst s0;
	s0 =	simm.s32 @!p1 $0x0  }
0x14: {  	s2 =	sld [smem:$0x3F94];
	s0 =	simm.s32 @p1 $0x1  }
0x15: {  	[smem:$0x3FB1] =	sst s0;
	s0 =	simm.s32 @!p2 $0x0  }
0x16: {  	s3 =	sld [smem:$0x3FDB];
	s0 =	simm.s32 @p2 $0x1  }
0x17: {  	s4 =	simm.s32 $0x1BF5;
	[smem:$0x3FB3] =	sst s0  }
0x18: {  	s0 =	sld [smem:$0x3F96];
	_ =	swait.ge [sflag:s4], $0x0  }
0x19: {  	s7 =	sld [smem:$0x3F97]  }
0x1a: {  	s8 =	sadd.s32 $0xFFFFE003, lr  }
0x1b: {  	s9 =	sadd.s32 $0xFFFFFEF7, lr;
	s5 =	simm.s32 $0xFFFFFFFF;
	p2 =	slt.u32 s8, $0xFFFFF086  }
0x1c: {  	p1 =	slt.u32 s9, $0xF7A;
	s5 =	simm.s32 @!p2 $0x0  }
0x1d: {  	s5 =	simm.s32 @p1 $0x1;
	p0 =	seq.s32 s7, s2  }
0x1e: {  	s7 =	smul.u32 @!p0 $0xF7A, s2;
	p2 =	seq.s32 @!p0 s5, $0x0  }
0x1f: {  	s9 =	smul.u32 $0xF7A, s1;
	s8 =	simm.s32 @!p0 $0x1BF5;
	p2 =	por !p2, p0  }
0x20: {  	[sflag:s8] =	ssyncset.s32 @!p0 $0xFFFFF086;
	s6 =	sadd.s32 @!p0 s3, s7;
	s7 =	simm.s32 @!p0 $0x108  }
0x21: {  	s3 =	sadd.s32 s3, s9;
	s6 =	sadd.s32 @!p0 $0x88, s6;
	s7 =	simm.s32 @p2 $0x1082  }
0x22: {  	[simem:s7], [sflag:s8] =	dma.local @!p0 [hbm:s6], $0xF7A  }
0x23: {  	s9 =	sor.u32 $0xD0000000, s2;
	s6 =	simm.s32 $0x108;
	_ =	swait.ge @!p0 [sflag:s8], $0x0  }
0x24: {  	s3 =	sadd.s32 $0x88, s3;
	s6 =	simm.s32 @!p1 $0x1082;
	[sflag:s4] =	ssyncset.s32 $0xFFFFF086  }
0x25: {  	[simem:s6], [sflag:s4] =	dma.local [hbm:s3], $0xF7A  }
0x26: {  	[smem:$0x3F97] =	sst s1;
	(tag) =	ssettag s2;
	_ =	strace s9  }
0x27: {  	s1 =	sld [smem:$0x3FA7]  }
0x28: {  	s2 =	sld [smem:$0x3FA8]  }
0x29: {  	s4 =	sld [smem:$0x3FAA]  }
0x2a: {  	p0 =	seq.s32 s5, $0x0;
	s5 =	sld [smem:$0x3FAB]  }
0x2b: {  	s6 =	sld [smem:$0x3FAC]  }
0x2c: {  	s7 =	sld [smem:$0x3FAD]  }
0x2d: {  	s3 =	simm.s32 $0x108;
	s8 =	sld [smem:$0x3FAE]  }
0x2e: {  	s3 =	simm.s32 @!p0 $0x1082;
	s9 =	sld [smem:$0x3FAF]  }
0x2f: {  	lr =	sadd.s32 s0, s3;
	s0 =	sld [smem:$0x3FA6]  }
0x30: {  	s3 =	sld [smem:$0x3FA9]  }
0x31: {  	[smem:$0x3FB2] =	sst s10  }
0x32: {  	s10 =	sld [smem:$0x3FB0];
	_ =	sdelay $0x3  }
0x33: {  	p0 =	seq.s32 s10, $0x1;
	s10 =	sld [smem:$0x3FB2];
	_ =	sdelay $0x3  }
0x34: {  	[smem:$0x3FB2] =	sst s10  }
0x35: {  	s10 =	sld [smem:$0x3FB1];
	_ =	sdelay $0x3  }
0x36: {  	p1 =	seq.s32 s10, $0x1;
	s10 =	sld [smem:$0x3FB2];
	_ =	sdelay $0x3  }
0x37: {  	[smem:$0x3FB2] =	sst s10  }
0x38: {  	s10 =	sld [smem:$0x3FB3]  }
0x39: {  	_ = 	snop;
	(pc) =	sbr.ind lr, $3  }
0x3a: {  	_ = 	snop  }
0x3b: {  	_ = 	snop  }
0x3c: {  	p2 =	seq.s32 s10, $0x1;
	s10 =	sld [smem:$0x3FB2]  }
0x3d: {  	_ =	shalt  }
0x3e: {  	_ =	shalt  }
0x3f: {  	_ =	shalt  }
0x40: {  	_ =	shalt  }
0x41: {  	_ =	shalt  }
0x42: {  	_ =	shalt  }
0x43: {  	_ =	shalt  }
0x44: {  	_ =	shalt  }
0x45: {  	_ =	shalt  }
0x46: {  	_ =	shalt  }
0x47: {  	_ =	shalt  }
0x48: {  	_ =	shalt  }
0x49: {  	_ =	shalt  }
0x4a: {  	_ =	shalt  }
0x4b: {  	_ =	shalt  }
0x4c: {  	_ =	shalt  }
0x4d: {  	_ =	shalt  }
0x4e: {  	_ =	shalt  }
0x4f: {  	_ =	shalt  }
0x50: {  	_ =	shalt  }
0x51: {  	_ =	shalt  }
0x52: {  	_ =	shalt  }
0x53: {  	_ =	shalt  }
0x54: {  	_ =	shalt  }
0x55: {  	_ =	shalt  }
0x56: {  	_ =	shalt  }
0x57: {  	_ =	shalt  }
0x58: {  	_ =	shalt  }
0x59: {  	_ =	shalt  }
0x5a: {  	_ =	shalt  }
0x5b: {  	_ =	shalt  }
0x5c: {  	_ =	shalt  }
0x5d: {  	_ =	shalt  }
0x5e: {  	_ =	shalt  }
0x5f: {  	_ =	shalt  }
0x60: {  	_ =	shalt  }
0x61: {  	_ =	shalt  }
0x62: {  	_ =	shalt  }
0x63: {  	_ =	shalt  }
0x64: {  	_ =	shalt  }
0x65: {  	_ =	shalt  }
0x66: {  	_ =	shalt  }
0x67: {  	_ =	shalt  }
0x68: {  	_ =	shalt  }
0x69: {  	_ =	shalt  }
0x6a: {  	_ =	shalt  }
0x6b: {  	_ =	shalt  }
0x6c: {  	_ =	shalt  }
0x6d: {  	_ =	shalt  }
0x6e: {  	_ =	shalt  }
0x6f: {  	_ =	shalt  }
0x70: {  	_ =	shalt  }
0x71: {  	_ =	shalt  }
0x72: {  	_ =	shalt  }
0x73: {  	_ =	shalt  }
0x74: {  	_ =	shalt  }
0x75: {  	_ =	shalt  }
0x76: {  	_ =	shalt  }
0x77: {  	_ =	shalt  }
0x78: {  	_ =	shalt  }
0x79: {  	_ =	shalt  }
0x7a: {  	_ =	shalt  }
0x7b: {  	_ =	shalt  }
0x7c: {  	_ =	shalt  }
0x7d: {  	_ =	shalt  }
0x7e: {  	_ =	shalt  }
0x7f: {  	_ =	shalt  }
0x80: {  	_ =	shalt  }
0x81: {  	_ =	shalt  }
0x82: {  	_ =	shalt  }
0x83: {  	_ =	shalt  }
0x84: {  	_ =	shalt  }
0x85: {  	_ =	shalt  }
0x86: {  	_ =	shalt  }
0x87: {  	_ =	shalt  }
.Lfunc_end0:
.L_simem_size_0:
called_computation.4_lowered:
.L_overlay_start_0:
0x88: {  	s2 =	sld [smem:$0x3FD9]  }
0x89: {  	s3 =	sld [smem:$0x3FFE];
	_ =	sdelay $0x1  }
0x8a: {  	s1 =	srdreg.scid  }
0x8b: {  	s0 =	sand.u32 $0x1, s1  }
0x8c: {  	s17 =	sshll.u32 s0, $0xA;
	s2 =	sadd.s32 s3, s2  }
0x8d: {  	s2 =	sadd.s32 s2, s17  }
0x8e: {  	[smem:$0x3FBE] =	sst s2  }
0x8f: {  	_ = 	snop  }
0x90: {  	(tm) =	ssettm $0x1  }
0x91: {  	s18 =	sld [smem:$0x3FFB];
	_ =	sdelay $0x3  }
0x92: {  	_ =	strace s18  }
0x93: {  	s2 =	sld [smem:$0x3FFC];
	_ =	sdelay $0x3  }
0x94: {  	_ =	strace s2  }
0x95: {  	s2 =	sld [smem:$0x3FFD];
	_ =	sdelay $0x3  }
0x96: {  	_ =	strace s2  }
0x97: {  	_ =	strace $0x8FFFFFFF  }
0x98: {  	s19 =	sld [smem:$0x3FDB];
	_ =	sdelay $0x1  }
0x99: {  	s20 =	simm.s32 $_scs_section_size  }
0x9a: {  	s4 =	simm.s32 $_size__tile_overlayer_lowered;
	s5 =	simm.s32 $_tile_overlayer_lowered  }
0x9b: {  	s6 =	simm.s32 $0x1BFF;
	s21 =	sshll.u32 s5, $0x1;
	s3 =	sadd.s32 s20, s19  }
0x9c: {  	s22 =	simm.s32 $0x0;
	s4 =	sshll.u32 s4, $0x1;
	s5 =	sadd.s32 s21, s3  }
0x9d: {  	[timem:s22], [sflag:s6] =	dma.local [hbm:s5], s4  }
0x9e: {  	_ =	swait.ge [sflag:s6], s4  }
0x9f: {  	s4 =	ssub.s32 $0x0, s4;
	[sflag:s6] =	ssyncset.done $0x0  }
0xa0: {  	[sflag:s6] =	ssyncadd.s32 s4;
	_ =	sdelay $0x1  }
0xa1: {  	s23 =	simm.s32 $0x1B8B  }
0xa2: {  	_ =	swait.ge [sflag:s23], $0x1  }
0xa3: {  	[sflag:s23] =	ssyncset.done $0x0  }
0xa4: {  	[sflag:s23] =	ssyncadd.s32 $0xFFFFFFFF  }
0xa5: {  	s4 =	sld [smem:$0x0]  }
0xa6: {  	s5 =	sand.u32 $0xFFFFFFFE, s1  }
0xa7: {  	p0 =	sne.s32 s1, s5  }
0xa8: {  	s5 =	sshll.u32 @p0 s5, $0xE  }
0xa9: {  	s5 =	sadd.s32 @p0 $0x11B8D, s5;
	s6 =	sshll.u32 @p0 s4, $0x11  }
0xaa: {  	s5 =	sor.u32 @p0 s6, s5  }
0xab: {  	[sflag:s5] =	ssyncadd.remote.s32 @p0 $0x1;
	_ =	sdelay $0x1  }
0xac: {  	s5 =	simm.s32 @p0 $0x1B8D  }
0xad: {  	_ =	swait.eq @p0 [sflag:s5], $0x1  }
0xae: {  	[sflag:s5] =	ssyncadd.s32 @p0 $0xFFFFFFFF  }
0xaf: {  	s6 =	sshll.u32 @!p0 s1, $0xE  }
0xb0: {  	s6 =	sor.u32 @!p0 $0x4000, s6;
	s5 =	simm.s32 @!p0 $0x1B8D  }
0xb1: {  	s4 =	sshll.u32 @!p0 s4, $0x11;
	s6 =	sadd.s32 @!p0 $0x11B8D, s6;
	_ =	swait.eq @!p0 [sflag:s5], $0x1  }
0xb2: {  	s4 =	sor.u32 @!p0 s4, s6;
	[sflag:s5] =	ssyncadd.s32 @!p0 $0xFFFFFFFF  }
0xb3: {  	s25 =	simm.s32 $0x1B8E;
	s24 =	sld [smem:$0x3FFE];
	[sflag:s4] =	ssyncadd.remote.s32 @!p0 $0x1  }
0xb4: {  	s26 =	simm.s32 $execute0_lowered;
	[smem:$0x3FD2] =	sst s25  }
0xb5: {  	s5 =	sshll.u32 s26, $0x1;
	_ =	strace $0x80000052;
	[dreg:$0x1] =	wrdreg $0xFFFFFFFF  }
0xb6: {  	s28 =	simm.s32 $_size_execute0_lowered;
	s3 =	sadd.s32 s3, s5;
	[dreg:$0x0] =	wrdreg $0x0  }
0xb7: {  	s5 =	sshll.u32 s28, $0x1;
	[dreg:$0x2] =	wrdreg s3  }
0xb8: {  	[dreg:$0x3] =	wrdreg s5  }
0xb9: {  	[dreg:$0x4] =	wrdreg $0xC0  }
0xba: {  	_ =	task [dreg:s22], $0x5FFFF  }
0xbb: {  	[dreg:$0x1] =	wrdreg $0xFFFFFFFF  }
0xbc: {  	[dreg:$0x0] =	wrdreg $0x60  }
0xbd: {  	[dreg:$0x2] =	wrdreg s24  }
0xbe: {  	[dreg:$0x3] =	wrdreg $0x0  }
0xbf: {  	[dreg:$0x4] =	wrdreg $0xA  }
0xc0: {  	_ =	task.clear_ibuf [dreg:s22], $0x5FFFF;
	_ =	strace $0x90000052  }
0xc1: {  	s29 =	simm.s32 $0xA;
	_ =	strace $0x80000054  }
0xc2: {  	_ =	swait.ge [sflag:s29], $0x1  }
0xc3: {  	[sflag:s29] =	ssyncadd.s32 $0xFFFFFFFF  }
0xc4: {  	_ =	strace $0x90000054  }
0xc5: {  	_ =	sfence  }
0xc6: {  	s30 =	sld [smem:$0x0];
	_ =	sdelay $0x2  }
0xc7: {  	s31 =	sshll.u32 s1, $0xD;
	s1 =	sshrl.u32 s1, $0x2  }
0xc8: {  	s4 =	sand.u32 $0x4000, s31;
	s1 =	sadd.s32 s1, s30  }
0xc9: {  	s0 =	sor.u32 s4, s0;
	s1 =	sshll.u32 s1, $0x11  }
0xca: {  	s0 =	sor.u32 s1, s0  }
0xcb: {  	s0 =	sadd.s32 $0x8F2B, s0  }
0xcc: {  	[sflag:s0] =	ssyncadd.remote.s32 $0x1  }
0xcd: {  	_ =	sfence.sel $0xFFFF  }
0xce: {  	[dreg:$0x0] =	wrdreg $0xFFFFFFFF;
	(pc) =	sbr.abs _section_cstart, $3  }
0xcf: {  	[dreg:$0x1] =	wrdreg $0xFFFFFFFF  }
0xd0: {  	_ =	task.clear_ibuf [dreg:s22], $0x2FFFF;
	_ =	strace $0x9FFFFFFF  }
0xd1: {  	(tm) =	ssettm $0x7FFFFFFF  }
tec
execute0_lowered:
.L_overlay_start_1:
0x0: {  	(tag) =	ssettag $0x1  }
0x1: {  	s0 =	srdreg.scid;
	s1 =	rddreg [dreg:$0x0]  }
0x2: {  	s9 =	stileid.u32;
	s2 =	rddreg [dreg:$0x1]  }
0x3: {  	s3 =	simm.s32 $0x0;
	s12 =	simm.s32 $0x2;
	s13 =	simm.s32 $0x14000  }
0x4: {  	s14 =	simm.s32 $0x14400;
	s15 =	simm.s32 $0x80;
	s16 =	simm.s32 $0x14800  }
0x5: {  	s17 =	simm.s32 $0x1;
	s18 =	simm.s32 $0x14080;
	s19 =	simm.s32 $0x14480  }
0x6: {  	s20 =	simm.s32 $0x14100;
	s21 =	simm.s32 $0x14500;
	s4 =	smul.u32 $0x5000, s9  }
0x7: {  	s28 =	simm.s32 $0x14680;
	s29 =	simm.s32 $0x14300;
	s22 =	smul.u32 $0x2800, s9  }
0x8: {  	s30 =	simm.s32 $0x14700;
	s0 =	sand.u32 $0x1, s0;
	s23 =	smul.u32 $0x50000, s9  }
0x9: {  	s31 =	simm.s32 $0x14380;
	[smem:$0x7FF] =	sst s3;
	s5 =	smul.u32 $0x2800, s0  }
0xa: {  	s10 =	sadd.s32 $0x36E00, s1;
	s26 =	sshll.u32 s9, $0x6;
	s7 =	smul.u32 $0x28000, s0  }
0xb: {  	_ =	strace $0x80000053;
	[dreg:$0x3] =	wrdreg s10;
	s0 =	ssub.s32 $0x2, s0  }
0xc: {  	s24 =	sshrl.u32 s0, $0x1;
	s4 =	sadd.s32 s5, s4;
	s5 =	sadd.s32 s22, s7  }
0xd: {  	s0 =	ssub.s32 s0, s24;
	s22 =	simm.s32 $0x14180;
	s24 =	simm.s32 $0x14200  }
0xe: {  	s6 =	sshrl.u32 s4, $0x3;
	s4 =	sadd.s32 $0x3200, s1;
	s0 =	smax.u32 s0, $0x1  }
0xf: {  	s8 =	sadd.s32 s6, s1;
	s1 =	sadd.s32 s5, s1;
	s6 =	sshrl.u32 s23, $0x2  }
0x10: {  	[dreg:$0x6] =	wrdreg s0;
	s23 =	simm.s32 $0x14580;
	s0 =	simm.s32 $0x0  }
0x11: {  	s25 =	sadd.s32 s6, s2;
	s6 =	sor.u32 $0x1C02, s26;
	s1 =	sadd.s32 $0xAF200, s1  }
0x12: {  	s9 =	sadd.s32 $0x2B400, s8;
	s10 =	sadd.s32 $0x39600, s8;
	[dreg:$0x5] =	wrdreg s1  }
0x13: {  	s26 =	simm.s32 $0x14280;
	s7 =	sshrl.u32 s25, $0x3;
	[dreg:$0x4] =	wrdreg s6  }
0x14: {  	s25 =	simm.s32 $0x14600;
	s1 =	simm.s32 $0x14780;
	[dreg:$0x7] =	wrdreg s7  }
.LBB2_1:
0x15: {  	s5 =	rddreg [dreg:$0x3]  }
0x16: {  	[spmem:s7], [sflag:s6] =	dma.local [hbm:s5], $0x2800  }
0x17: {  	_ =	swait.ge [sflag:s12], $0x2800  }
0x18: {  	[sflag:s12] =	ssyncset.done $0x0  }
0x19: {  	[sflag:s12] =	ssyncadd.s32 $0xFFFFD800  }
0x1a: {  	s8 =	sadd.s32 $0x0, s10;
	[bflag:$0x0] =	sbarrier.arrive $0xFFFF  }
0x1b: {  	[tilespmem:s13], [sflag:$0x2] =	stream.linear.gather [hbm4b:s8+s3], $0x400, $0x38;
	[tilespmem:$0x18800] =	vst v63  }
0x1c: {  	_ =	swait.ge [sflag:s12], $0x400  }
0x1d: {  	[sflag:s12] =	ssyncset.done $0x0  }
0x1e: {  	s11 =	sadd.s32 $0x0, s9;
	[sflag:s12] =	ssyncadd.s32 $0xFFFFFC00  }
0x1f: {  	[tilespmem:s14], [sflag:$0x2] =	stream.linear.gather [hbm4b:s11+s3], $0x400, $0x38;
	[tilespmem:$0x18800] =	vst v63  }
0x20: {  	_ =	swait.ge [sflag:s12], $0x400  }
0x21: {  	[sflag:s12] =	ssyncset.done $0x0  }
0x22: {  	[sflag:s12] =	ssyncadd.s32 $0xFFFFFC00  }
0x23: {  	[tilespmem:s16], [sflag:$0x1] =	stream.indirect.gather [hbm4b:s4+s15], $0x80, s13, s15, $0xb8;
	[tilespmem:$0x18800] =	vst v63  }
0x24: {  	_ =	swait.ge [sflag:s17], $0x4000  }
0x25: {  	[sflag:s17] =	ssyncset.done $0x0  }
0x26: {  	[sflag:s17] =	ssyncadd.s32 $0xFFFFC000  }
0x27: {  	[spmem:s2] =	stream.indirect.scatter.add.f32 [tilespmem:s16], [sflag:$0x2], $0x80, s14, s15, $0xb8;
	[tilespmem:$0x18800] =	vst v63  }
0x28: {  	_ =	swait.ge [sflag:s12], $0x4000  }
0x29: {  	[sflag:s12] =	ssyncset.done $0x0  }
0x2a: {  	[sflag:s12] =	ssyncadd.s32 $0xFFFFC000  }
0x2b: {  	[tilespmem:s16], [sflag:$0x1] =	stream.indirect.gather [hbm4b:s4+s15], $0x80, s18, s15, $0xb8;
	[tilespmem:$0x18800] =	vst v63  }
0x2c: {  	_ =	swait.ge [sflag:s17], $0x4000  }
0x2d: {  	[sflag:s17] =	ssyncset.done $0x0  }
0x2e: {  	[sflag:s17] =	ssyncadd.s32 $0xFFFFC000  }
0x2f: {  	[spmem:s2] =	stream.indirect.scatter.add.f32 [tilespmem:s16], [sflag:$0x2], $0x80, s19, s15, $0xb8;
	[tilespmem:$0x18800] =	vst v63  }
0x30: {  	_ =	swait.ge [sflag:s12], $0x4000  }
0x31: {  	[sflag:s12] =	ssyncset.done $0x0  }
0x32: {  	[sflag:s12] =	ssyncadd.s32 $0xFFFFC000  }
0x33: {  	[tilespmem:s16], [sflag:$0x1] =	stream.indirect.gather [hbm4b:s4+s15], $0x80, s20, s15, $0xb8;
	[tilespmem:$0x18800] =	vst v63  }
0x34: {  	_ =	swait.ge [sflag:s17], $0x4000  }
0x35: {  	[sflag:s17] =	ssyncset.done $0x0  }
0x36: {  	[sflag:s17] =	ssyncadd.s32 $0xFFFFC000  }
0x37: {  	[spmem:s2] =	stream.indirect.scatter.add.f32 [tilespmem:s16], [sflag:$0x2], $0x80, s21, s15, $0xb8;
	[tilespmem:$0x18800] =	vst v63  }
0x38: {  	_ =	swait.ge [sflag:s12], $0x4000  }
0x39: {  	[sflag:s12] =	ssyncset.done $0x0  }
0x3a: {  	[sflag:s12] =	ssyncadd.s32 $0xFFFFC000  }
0x3b: {  	[tilespmem:s16], [sflag:$0x1] =	stream.indirect.gather [hbm4b:s4+s15], $0x80, s22, s15, $0xb8;
	[tilespmem:$0x18800] =	vst v63  }
0x3c: {  	_ =	swait.ge [sflag:s17], $0x4000  }
0x3d: {  	[sflag:s17] =	ssyncset.done $0x0  }
0x3e: {  	[sflag:s17] =	ssyncadd.s32 $0xFFFFC000  }
0x3f: {  	[spmem:s2] =	stream.indirect.scatter.add.f32 [tilespmem:s16], [sflag:$0x2], $0x80, s23, s15, $0xb8;
	[tilespmem:$0x18800] =	vst v63  }
0x40: {  	_ =	swait.ge [sflag:s12], $0x4000  }
0x41: {  	[sflag:s12] =	ssyncset.done $0x0  }
0x42: {  	[sflag:s12] =	ssyncadd.s32 $0xFFFFC000  }
0x43: {  	[tilespmem:s16], [sflag:$0x1] =	stream.indirect.gather [hbm4b:s4+s15], $0x80, s24, s15, $0xb8;
	[tilespmem:$0x18800] =	vst v63  }
0x44: {  	_ =	swait.ge [sflag:s17], $0x4000  }
0x45: {  	[sflag:s17] =	ssyncset.done $0x0  }
0x46: {  	[sflag:s17] =	ssyncadd.s32 $0xFFFFC000  }
0x47: {  	[spmem:s2] =	stream.indirect.scatter.add.f32 [tilespmem:s16], [sflag:$0x2], $0x80, s25, s15, $0xb8;
	[tilespmem:$0x18800] =	vst v63  }
0x48: {  	_ =	swait.ge [sflag:s12], $0x4000  }
0x49: {  	[sflag:s12] =	ssyncset.done $0x0  }
0x4a: {  	[sflag:s12] =	ssyncadd.s32 $0xFFFFC000  }
0x4b: {  	[tilespmem:s16], [sflag:$0x1] =	stream.indirect.gather [hbm4b:s4+s15], $0x80, s26, s15, $0xb8;
	[tilespmem:$0x18800] =	vst v63  }
0x4c: {  	_ =	swait.ge [sflag:s17], $0x4000  }
0x4d: {  	[sflag:s17] =	ssyncset.done $0x0  }
0x4e: {  	[sflag:s17] =	ssyncadd.s32 $0xFFFFC000  }
0x4f: {  	[spmem:s2] =	stream.indirect.scatter.add.f32 [tilespmem:s16], [sflag:$0x2], $0x80, s28, s15, $0xb8;
	[tilespmem:$0x18800] =	vst v63  }
0x50: {  	_ =	swait.ge [sflag:s12], $0x4000  }
0x51: {  	[sflag:s12] =	ssyncset.done $0x0  }
0x52: {  	[sflag:s12] =	ssyncadd.s32 $0xFFFFC000  }
0x53: {  	[tilespmem:s16], [sflag:$0x1] =	stream.indirect.gather [hbm4b:s4+s15], $0x80, s29, s15, $0xb8;
	[tilespmem:$0x18800] =	vst v63  }
0x54: {  	_ =	swait.ge [sflag:s17], $0x4000  }
0x55: {  	[sflag:s17] =	ssyncset.done $0x0  }
0x56: {  	[sflag:s17] =	ssyncadd.s32 $0xFFFFC000  }
0x57: {  	[spmem:s2] =	stream.indirect.scatter.add.f32 [tilespmem:s16], [sflag:$0x2], $0x80, s30, s15, $0xb8;
	[tilespmem:$0x18800] =	vst v63  }
0x58: {  	_ =	swait.ge [sflag:s12], $0x4000  }
0x59: {  	[sflag:s12] =	ssyncset.done $0x0  }
0x5a: {  	[sflag:s12] =	ssyncadd.s32 $0xFFFFC000  }
0x5b: {  	[tilespmem:s16], [sflag:$0x1] =	stream.indirect.gather [hbm4b:s4+s15], $0x80, s31, s15, $0xb8;
	[tilespmem:$0x18800] =	vst v63  }
0x5c: {  	_ =	swait.ge [sflag:s17], $0x4000  }
0x5d: {  	[sflag:s17] =	ssyncset.done $0x0  }
0x5e: {  	[sflag:s17] =	ssyncadd.s32 $0xFFFFC000  }
0x5f: {  	[spmem:s2] =	stream.indirect.scatter.add.f32 [tilespmem:s16], [sflag:$0x2], $0x80, s1, s15, $0xb8;
	[tilespmem:$0x18800] =	vst v63  }
0x60: {  	_ =	swait.ge [sflag:s12], $0x4000  }
0x61: {  	s5 =	simm.s32 $0x80;
	s7 =	simm.s32 $0x100;
	[sflag:s12] =	ssyncset.done $0x0  }
.LBB2_2:
0x62: {  	s6 =	sadd.s32 s5, s10  }
0x63: {  	[sflag:s12] =	ssyncadd.s32 $0xFFFFC000;
	s11 =	smov.u32 s7;
	s8 =	sadd.s32 $0x80, s7  }
0x64: {  	[tilespmem:s13], [sflag:$0x2] =	stream.linear.gather [hbm4b:s6+s3], $0x400, $0x38;
	[tilespmem:$0x18800] =	vst v63  }
0x65: {  	p0 =	sne.s32 s7, $0x480;
	_ =	swait.ge [sflag:s12], $0x400  }
0x66: {  	[sflag:s12] =	ssyncset.done $0x0  }
0x67: {  	s6 =	sadd.s32 s5, s9;
	s5 =	smov.u32 s11;
	[sflag:s12] =	ssyncadd.s32 $0xFFFFFC00  }
0x68: {  	[tilespmem:s14], [sflag:$0x2] =	stream.linear.gather [hbm4b:s6+s3], $0x400, $0x38;
	[tilespmem:$0x18800] =	vst v63  }
0x69: {  	_ =	swait.ge [sflag:s12], $0x400  }
0x6a: {  	[sflag:s12] =	ssyncset.done $0x0  }
0x6b: {  	[sflag:s12] =	ssyncadd.s32 $0xFFFFFC00  }
0x6c: {  	[tilespmem:s16], [sflag:$0x1] =	stream.indirect.gather [hbm4b:s4+s15], $0x80, s13, s15, $0xb8;
	[tilespmem:$0x18800] =	vst v63  }
0x6d: {  	_ =	swait.ge [sflag:s17], $0x4000  }
0x6e: {  	[sflag:s17] =	ssyncset.done $0x0  }
0x6f: {  	[sflag:s17] =	ssyncadd.s32 $0xFFFFC000  }
0x70: {  	[spmem:s2] =	stream.indirect.scatter.add.f32 [tilespmem:s16], [sflag:$0x2], $0x80, s14, s15, $0xb8;
	[tilespmem:$0x18800] =	vst v63  }
0x71: {  	_ =	swait.ge [sflag:s12], $0x4000  }
0x72: {  	[sflag:s12] =	ssyncset.done $0x0  }
0x73: {  	[sflag:s12] =	ssyncadd.s32 $0xFFFFC000  }
0x74: {  	[tilespmem:s16], [sflag:$0x1] =	stream.indirect.gather [hbm4b:s4+s15], $0x80, s18, s15, $0xb8;
	[tilespmem:$0x18800] =	vst v63  }
0x75: {  	_ =	swait.ge [sflag:s17], $0x4000  }
0x76: {  	[sflag:s17] =	ssyncset.done $0x0  }
0x77: {  	[sflag:s17] =	ssyncadd.s32 $0xFFFFC000  }
0x78: {  	[spmem:s2] =	stream.indirect.scatter.add.f32 [tilespmem:s16], [sflag:$0x2], $0x80, s19, s15, $0xb8;
	[tilespmem:$0x18800] =	vst v63  }
0x79: {  	_ =	swait.ge [sflag:s12], $0x4000  }
0x7a: {  	[sflag:s12] =	ssyncset.done $0x0  }
0x7b: {  	[sflag:s12] =	ssyncadd.s32 $0xFFFFC000  }
0x7c: {  	[tilespmem:s16], [sflag:$0x1] =	stream.indirect.gather [hbm4b:s4+s15], $0x80, s20, s15, $0xb8;
	[tilespmem:$0x18800] =	vst v63  }
0x7d: {  	_ =	swait.ge [sflag:s17], $0x4000  }
0x7e: {  	[sflag:s17] =	ssyncset.done $0x0  }
0x7f: {  	[sflag:s17] =	ssyncadd.s32 $0xFFFFC000  }
0x80: {  	[spmem:s2] =	stream.indirect.scatter.add.f32 [tilespmem:s16], [sflag:$0x2], $0x80, s21, s15, $0xb8;
	[tilespmem:$0x18800] =	vst v63  }
0x81: {  	_ =	swait.ge [sflag:s12], $0x4000  }
0x82: {  	[sflag:s12] =	ssyncset.done $0x0  }
0x83: {  	[sflag:s12] =	ssyncadd.s32 $0xFFFFC000  }
0x84: {  	[tilespmem:s16], [sflag:$0x1] =	stream.indirect.gather [hbm4b:s4+s15], $0x80, s22, s15, $0xb8;
	[tilespmem:$0x18800] =	vst v63  }
0x85: {  	_ =	swait.ge [sflag:s17], $0x4000  }
0x86: {  	[sflag:s17] =	ssyncset.done $0x0  }
0x87: {  	[sflag:s17] =	ssyncadd.s32 $0xFFFFC000  }
0x88: {  	[spmem:s2] =	stream.indirect.scatter.add.f32 [tilespmem:s16], [sflag:$0x2], $0x80, s23, s15, $0xb8;
	[tilespmem:$0x18800] =	vst v63  }
0x89: {  	_ =	swait.ge [sflag:s12], $0x4000  }
0x8a: {  	[sflag:s12] =	ssyncset.done $0x0  }
0x8b: {  	[sflag:s12] =	ssyncadd.s32 $0xFFFFC000  }
0x8c: {  	[tilespmem:s16], [sflag:$0x1] =	stream.indirect.gather [hbm4b:s4+s15], $0x80, s24, s15, $0xb8;
	[tilespmem:$0x18800] =	vst v63  }
0x8d: {  	_ =	swait.ge [sflag:s17], $0x4000  }
0x8e: {  	[sflag:s17] =	ssyncset.done $0x0  }
0x8f: {  	[sflag:s17] =	ssyncadd.s32 $0xFFFFC000  }
0x90: {  	[spmem:s2] =	stream.indirect.scatter.add.f32 [tilespmem:s16], [sflag:$0x2], $0x80, s25, s15, $0xb8;
	[tilespmem:$0x18800] =	vst v63  }
0x91: {  	_ =	swait.ge [sflag:s12], $0x4000  }
0x92: {  	[sflag:s12] =	ssyncset.done $0x0  }
0x93: {  	[sflag:s12] =	ssyncadd.s32 $0xFFFFC000  }
0x94: {  	[tilespmem:s16], [sflag:$0x1] =	stream.indirect.gather [hbm4b:s4+s15], $0x80, s26, s15, $0xb8;
	[tilespmem:$0x18800] =	vst v63  }
0x95: {  	_ =	swait.ge [sflag:s17], $0x4000  }
0x96: {  	[sflag:s17] =	ssyncset.done $0x0  }
0x97: {  	[sflag:s17] =	ssyncadd.s32 $0xFFFFC000  }
0x98: {  	[spmem:s2] =	stream.indirect.scatter.add.f32 [tilespmem:s16], [sflag:$0x2], $0x80, s28, s15, $0xb8;
	[tilespmem:$0x18800] =	vst v63  }
0x99: {  	_ =	swait.ge [sflag:s12], $0x4000  }
0x9a: {  	[sflag:s12] =	ssyncset.done $0x0  }
0x9b: {  	[sflag:s12] =	ssyncadd.s32 $0xFFFFC000  }
0x9c: {  	[tilespmem:s16], [sflag:$0x1] =	stream.indirect.gather [hbm4b:s4+s15], $0x80, s29, s15, $0xb8;
	[tilespmem:$0x18800] =	vst v63  }
0x9d: {  	_ =	swait.ge [sflag:s17], $0x4000  }
0x9e: {  	[sflag:s17] =	ssyncset.done $0x0  }
0x9f: {  	[sflag:s17] =	ssyncadd.s32 $0xFFFFC000  }
0xa0: {  	[spmem:s2] =	stream.indirect.scatter.add.f32 [tilespmem:s16], [sflag:$0x2], $0x80, s30, s15, $0xb8;
	[tilespmem:$0x18800] =	vst v63  }
0xa1: {  	_ =	swait.ge [sflag:s12], $0x4000  }
0xa2: {  	[sflag:s12] =	ssyncset.done $0x0  }
0xa3: {  	[sflag:s12] =	ssyncadd.s32 $0xFFFFC000  }
0xa4: {  	[tilespmem:s16], [sflag:$0x1] =	stream.indirect.gather [hbm4b:s4+s15], $0x80, s31, s15, $0xb8;
	[tilespmem:$0x18800] =	vst v63  }
0xa5: {  	_ =	swait.ge [sflag:s17], $0x4000  }
.Ltmp0:
0xa6: {  	[sflag:s17] =	ssyncset.done $0x0;
	(pc) =	sbr.rel @p0 .LBB2_2-.Ltmp0, $4  }
0xa7: {  	[sflag:s17] =	ssyncadd.s32 $0xFFFFC000  }
0xa8: {  	[spmem:s2] =	stream.indirect.scatter.add.f32 [tilespmem:s16], [sflag:$0x2], $0x80, s1, s15, $0xb8;
	[tilespmem:$0x18800] =	vst v63  }
0xa9: {  	_ =	swait.ge [sflag:s12], $0x4000  }
0xaa: {  	s7 =	smov.u32 s8;
	[sflag:s12] =	ssyncset.done $0x0  }
0xab: {  	s6 =	sadd.s32 s5, s10;
	[sflag:s12] =	ssyncadd.s32 $0xFFFFC000  }
0xac: {  	[tilespmem:s13], [sflag:$0x2] =	stream.linear.gather [hbm4b:s6+s3], $0x400, $0x38;
	[tilespmem:$0x18800] =	vst v63  }
0xad: {  	_ =	swait.ge [sflag:s12], $0x400  }
0xae: {  	[sflag:s12] =	ssyncset.done $0x0  }
0xaf: {  	s7 =	sadd.s32 s5, s9;
	[sflag:s12] =	ssyncadd.s32 $0xFFFFFC00  }
0xb0: {  	[tilespmem:s14], [sflag:$0x2] =	stream.linear.gather [hbm4b:s7+s3], $0x400, $0x38;
	[tilespmem:$0x18800] =	vst v63  }
0xb1: {  	_ =	swait.ge [sflag:s12], $0x400  }
0xb2: {  	[sflag:s12] =	ssyncset.done $0x0  }
0xb3: {  	[sflag:s12] =	ssyncadd.s32 $0xFFFFFC00  }
0xb4: {  	[tilespmem:s16], [sflag:$0x1] =	stream.indirect.gather [hbm4b:s4+s15], $0x80, s13, s15, $0xb8;
	[tilespmem:$0x18800] =	vst v63  }
0xb5: {  	_ =	swait.ge [sflag:s17], $0x4000  }
0xb6: {  	[sflag:s17] =	ssyncset.done $0x0  }
0xb7: {  	[sflag:s17] =	ssyncadd.s32 $0xFFFFC000  }
0xb8: {  	[spmem:s2] =	stream.indirect.scatter.add.f32 [tilespmem:s16], [sflag:$0x2], $0x80, s14, s15, $0xb8;
	[tilespmem:$0x18800] =	vst v63  }
0xb9: {  	_ =	swait.ge [sflag:s12], $0x4000  }
0xba: {  	[sflag:s12] =	ssyncset.done $0x0  }
0xbb: {  	[sflag:s12] =	ssyncadd.s32 $0xFFFFC000  }
0xbc: {  	[tilespmem:s16], [sflag:$0x1] =	stream.indirect.gather [hbm4b:s4+s15], $0x80, s18, s15, $0xb8;
	[tilespmem:$0x18800] =	vst v63  }
0xbd: {  	_ =	swait.ge [sflag:s17], $0x4000  }
0xbe: {  	[sflag:s17] =	ssyncset.done $0x0  }
0xbf: {  	[sflag:s17] =	ssyncadd.s32 $0xFFFFC000  }
0xc0: {  	[spmem:s2] =	stream.indirect.scatter.add.f32 [tilespmem:s16], [sflag:$0x2], $0x80, s19, s15, $0xb8;
	[tilespmem:$0x18800] =	vst v63  }
0xc1: {  	_ =	swait.ge [sflag:s12], $0x4000  }
0xc2: {  	[sflag:s12] =	ssyncset.done $0x0  }
0xc3: {  	[sflag:s12] =	ssyncadd.s32 $0xFFFFC000  }
0xc4: {  	[tilespmem:s16], [sflag:$0x1] =	stream.indirect.gather [hbm4b:s4+s15], $0x80, s20, s15, $0xb8;
	[tilespmem:$0x18800] =	vst v63  }
0xc5: {  	_ =	swait.ge [sflag:s17], $0x4000  }
0xc6: {  	[sflag:s17] =	ssyncset.done $0x0  }
0xc7: {  	[sflag:s17] =	ssyncadd.s32 $0xFFFFC000  }
0xc8: {  	[spmem:s2] =	stream.indirect.scatter.add.f32 [tilespmem:s16], [sflag:$0x2], $0x80, s21, s15, $0xb8;
	[tilespmem:$0x18800] =	vst v63  }
0xc9: {  	_ =	swait.ge [sflag:s12], $0x4000  }
0xca: {  	[sflag:s12] =	ssyncset.done $0x0  }
0xcb: {  	[sflag:s12] =	ssyncadd.s32 $0xFFFFC000  }
0xcc: {  	[tilespmem:s16], [sflag:$0x1] =	stream.indirect.gather [hbm4b:s4+s15], $0x80, s22, s15, $0xb8;
	[tilespmem:$0x18800] =	vst v63  }
0xcd: {  	_ =	swait.ge [sflag:s17], $0x4000  }
0xce: {  	[sflag:s17] =	ssyncset.done $0x0  }
0xcf: {  	[sflag:s17] =	ssyncadd.s32 $0xFFFFC000  }
0xd0: {  	[spmem:s2] =	stream.indirect.scatter.add.f32 [tilespmem:s16], [sflag:$0x2], $0x80, s23, s15, $0xb8;
	[tilespmem:$0x18800] =	vst v63  }
0xd1: {  	_ =	swait.ge [sflag:s12], $0x4000  }
0xd2: {  	[sflag:s12] =	ssyncset.done $0x0  }
0xd3: {  	[sflag:s12] =	ssyncadd.s32 $0xFFFFC000  }
0xd4: {  	[tilespmem:s16], [sflag:$0x1] =	stream.indirect.gather [hbm4b:s4+s15], $0x80, s24, s15, $0xb8;
	[tilespmem:$0x18800] =	vst v63  }
0xd5: {  	_ =	swait.ge [sflag:s17], $0x4000  }
0xd6: {  	[sflag:s17] =	ssyncset.done $0x0  }
0xd7: {  	[sflag:s17] =	ssyncadd.s32 $0xFFFFC000  }
0xd8: {  	[spmem:s2] =	stream.indirect.scatter.add.f32 [tilespmem:s16], [sflag:$0x2], $0x80, s25, s15, $0xb8;
	[tilespmem:$0x18800] =	vst v63  }
0xd9: {  	_ =	swait.ge [sflag:s12], $0x4000  }
0xda: {  	[sflag:s12] =	ssyncset.done $0x0  }
0xdb: {  	[sflag:s12] =	ssyncadd.s32 $0xFFFFC000  }
0xdc: {  	[tilespmem:s16], [sflag:$0x1] =	stream.indirect.gather [hbm4b:s4+s15], $0x80, s26, s15, $0xb8;
	[tilespmem:$0x18800] =	vst v63  }
0xdd: {  	_ =	swait.ge [sflag:s17], $0x4000  }
0xde: {  	[sflag:s17] =	ssyncset.done $0x0  }
0xdf: {  	[sflag:s17] =	ssyncadd.s32 $0xFFFFC000  }
0xe0: {  	[spmem:s2] =	stream.indirect.scatter.add.f32 [tilespmem:s16], [sflag:$0x2], $0x80, s28, s15, $0xb8;
	[tilespmem:$0x18800] =	vst v63  }
0xe1: {  	_ =	swait.ge [sflag:s12], $0x4000  }
0xe2: {  	[sflag:s12] =	ssyncset.done $0x0  }
0xe3: {  	[sflag:s12] =	ssyncadd.s32 $0xFFFFC000  }
0xe4: {  	[tilespmem:s16], [sflag:$0x1] =	stream.indirect.gather [hbm4b:s4+s15], $0x80, s29, s15, $0xb8;
	[tilespmem:$0x18800] =	vst v63  }
0xe5: {  	_ =	swait.ge [sflag:s17], $0x4000  }
0xe6: {  	[sflag:s17] =	ssyncset.done $0x0  }
0xe7: {  	[sflag:s17] =	ssyncadd.s32 $0xFFFFC000  }
0xe8: {  	[spmem:s2] =	stream.indirect.scatter.add.f32 [tilespmem:s16], [sflag:$0x2], $0x80, s30, s15, $0xb8;
	[tilespmem:$0x18800] =	vst v63  }
0xe9: {  	_ =	swait.ge [sflag:s12], $0x4000  }
0xea: {  	[sflag:s12] =	ssyncset.done $0x0  }
0xeb: {  	[sflag:s12] =	ssyncadd.s32 $0xFFFFC000  }
0xec: {  	[tilespmem:s16], [sflag:$0x1] =	stream.indirect.gather [hbm4b:s4+s15], $0x80, s31, s15, $0xb8;
	[tilespmem:$0x18800] =	vst v63  }
0xed: {  	_ =	swait.ge [sflag:s17], $0x4000  }
0xee: {  	[sflag:s17] =	ssyncset.done $0x0  }
0xef: {  	[sflag:s17] =	ssyncadd.s32 $0xFFFFC000  }
0xf0: {  	[spmem:s2] =	stream.indirect.scatter.add.f32 [tilespmem:s16], [sflag:$0x2], $0x80, s1, s15, $0xb8;
	[tilespmem:$0x18800] =	vst v63  }
0xf1: {  	_ =	swait.ge [sflag:s12], $0x4000  }
0xf2: {  	[sflag:s12] =	ssyncset.done $0x0  }
0xf3: {  	[sflag:s12] =	ssyncadd.s32 $0xFFFFC000  }
0xf4: {  	[bflag:$0x0] =	sbarrier.arrive $0xFFFF  }
0xf5: {  	s6 =	rddreg [dreg:$0x4]  }
0xf6: {  	s8 =	rddreg [dreg:$0x5]  }
0xf7: {  	s7 =	rddreg [dreg:$0x7]  }
0xf8: {  	[hbm:s8], [sflag:s6] =	dma.local [spmem:s7], $0x2800  }
0xf9: {  	_ =	swait.ge [sflag:s12], $0x2800  }
0xfa: {  	s0 =	sadd.s32 $0x1, s0;
	s11 =	rddreg [dreg:$0x6]  }
0xfb: {  	p0 =	sne.s32 s0, s11  }
.Ltmp1:
0xfc: {  	_ = 	snop;
	(pc) =	sbr.rel @p0 .LBB2_1-.Ltmp1, $3  }
0xfd: {  	_ =	sdelay $0x1  }
0xfe: {  	[sflag:s12] =	ssyncset.done $0x0  }
0xff: {  	[sflag:s12] =	ssyncadd.s32 $0xFFFFD800  }
0x100: {  	_ =	sfence.sel $0x180000  }
0x101: {  	[bflag:$0x0] =	sbarrier.arrive $0xFFFF  }
0x102: {  	_ =	strace $0x90000053  }
0x103: {  	s0 =	stileid.u32;
	[bflag:$0x2] =	sbarrier.arrive $0xFFFF  }
0x104: {  	p0 =	sne.s32 s0, $0x0;
	s0 =	rddreg [dreg:$0x2]  }
0x105: {  	s0 =	sadd.s32 @!p0 $0x100000, s0  }
0x106: {  	[sflag:s0] =	ssyncadd.tile.s32 @!p0 $0x1;
	_ =	shalt  }
.Lfunc_end2:
_tile_overlayer_lowered:
.L_overlay_start_2:
0x107: {  	(tag) =	ssettag $0x2  }
0x108: {  	s0 =	rddreg [dreg:$0x0];
	s2 =	stileid.u32  }
0x109: {  	s1 =	rddreg [dreg:$0x1];
	p0 =	sne.s32 s2, $0x0  }
0x10a: {  	s3 =	rddreg [dreg:$0x2];
	[bflag:$0x3] =	sbarrier.arrive $0xFFFF;
	s2 =	simm.s32 @!p0 $0x1C02  }
0x10b: {  	[timem:s3], [sflag:s2] =	dma.local @!p0 [hbm:s0], s1  }
0x10c: {  	s0 =	simm.s32 @!p0 $0x2  }
0x10d: {  	_ =	swait.ge @!p0 [sflag:s0], s1  }
0x10e: {  	s1 =	ssub.s32 @!p0 $0x0, s1;
	[sflag:s0] =	ssyncset.done @!p0 $0x0  }
0x10f: {  	[sflag:s0] =	ssyncadd.s32 @!p0 s1  }
0x110: {  	[bflag:$0x3] =	sbarrier.arrive $0xFFFF  }
0x111: {  	_ =	shalt  }

// kernel: kernel.27.cloned.1.call-start
scs
__scs_entry_jumppad:
0x0: {  	(pc) =	sbr.rel $0x88, $3  }
0x1: {  	(tag) =	ssettag $0x0;
	lr =	simm.s32 $0x1  }
0x2: {  	[smem:$0x3F97] =	sst lr;
	_ =	strace $0xD0000000  }
0x3: {  	_ = 	snop  }
0x4: {  	_ = 	snop  }
0x5: {  	_ = 	snop  }
0x6: {  	_ = 	snop  }
0x7: {  	_ = 	snop  }
__scs_overlays_trampoline_lowered:
0x8: {  	[smem:$0x3FA6] =	sst s0  }
0x9: {  	[smem:$0x3FA7] =	sst s1  }
0xa: {  	[smem:$0x3FA8] =	sst s2  }
0xb: {  	[smem:$0x3FA9] =	sst s3  }
0xc: {  	[smem:$0x3FAA] =	sst s4  }
0xd: {  	[smem:$0x3FAB] =	sst s5  }
0xe: {  	[smem:$0x3FAC] =	sst s6  }
0xf: {  	[smem:$0x3FAD] =	sst s7  }
0x10: {  	[smem:$0x3FAE] =	sst s8  }
0x11: {  	[smem:$0x3FAF] =	sst s9;
	s0 =	simm.s32 @!p0 $0x0  }
0x12: {  	s1 =	sld [smem:$0x3F95];
	s0 =	simm.s32 @p0 $0x1  }
0x13: {  	[smem:$0x3FB0] =	sst s0;
	s0 =	simm.s32 @!p1 $0x0  }
0x14: {  	s2 =	sld [smem:$0x3F94];
	s0 =	simm.s32 @p1 $0x1  }
0x15: {  	[smem:$0x3FB1] =	sst s0;
	s0 =	simm.s32 @!p2 $0x0  }
0x16: {  	s3 =	sld [smem:$0x3FDB];
	s0 =	simm.s32 @p2 $0x1  }
0x17: {  	s4 =	simm.s32 $0x1BF5;
	[smem:$0x3FB3] =	sst s0  }
0x18: {  	s0 =	sld [smem:$0x3F96];
	_ =	swait.ge [sflag:s4], $0x0  }
0x19: {  	s7 =	sld [smem:$0x3F97]  }
0x1a: {  	s8 =	sadd.s32 $0xFFFFE003, lr  }
0x1b: {  	s9 =	sadd.s32 $0xFFFFFEF7, lr;
	s5 =	simm.s32 $0xFFFFFFFF;
	p2 =	slt.u32 s8, $0xFFFFF086  }
0x1c: {  	p1 =	slt.u32 s9, $0xF7A;
	s5 =	simm.s32 @!p2 $0x0  }
0x1d: {  	s5 =	simm.s32 @p1 $0x1;
	p0 =	seq.s32 s7, s2  }
0x1e: {  	s7 =	smul.u32 @!p0 $0xF7A, s2;
	p2 =	seq.s32 @!p0 s5, $0x0  }
0x1f: {  	s9 =	smul.u32 $0xF7A, s1;
	s8 =	simm.s32 @!p0 $0x1BF5;
	p2 =	por !p2, p0  }
0x20: {  	[sflag:s8] =	ssyncset.s32 @!p0 $0xFFFFF086;
	s6 =	sadd.s32 @!p0 s3, s7;
	s7 =	simm.s32 @!p0 $0x108  }
0x21: {  	s3 =	sadd.s32 s3, s9;
	s6 =	sadd.s32 @!p0 $0x88, s6;
	s7 =	simm.s32 @p2 $0x1082  }
0x22: {  	[simem:s7], [sflag:s8] =	dma.local @!p0 [hbm:s6], $0xF7A  }
0x23: {  	s9 =	sor.u32 $0xD0000000, s2;
	s6 =	simm.s32 $0x108;
	_ =	swait.ge @!p0 [sflag:s8], $0x0  }
0x24: {  	s3 =	sadd.s32 $0x88, s3;
	s6 =	simm.s32 @!p1 $0x1082;
	[sflag:s4] =	ssyncset.s32 $0xFFFFF086  }
0x25: {  	[simem:s6], [sflag:s4] =	dma.local [hbm:s3], $0xF7A  }
0x26: {  	[smem:$0x3F97] =	sst s1;
	(tag) =	ssettag s2;
	_ =	strace s9  }
0x27: {  	s1 =	sld [smem:$0x3FA7]  }
0x28: {  	s2 =	sld [smem:$0x3FA8]  }
0x29: {  	s4 =	sld [smem:$0x3FAA]  }
0x2a: {  	p0 =	seq.s32 s5, $0x0;
	s5 =	sld [smem:$0x3FAB]  }
0x2b: {  	s6 =	sld [smem:$0x3FAC]  }
0x2c: {  	s7 =	sld [smem:$0x3FAD]  }
0x2d: {  	s3 =	simm.s32 $0x108;
	s8 =	sld [smem:$0x3FAE]  }
0x2e: {  	s3 =	simm.s32 @!p0 $0x1082;
	s9 =	sld [smem:$0x3FAF]  }
0x2f: {  	lr =	sadd.s32 s0, s3;
	s0 =	sld [smem:$0x3FA6]  }
0x30: {  	s3 =	sld [smem:$0x3FA9]  }
0x31: {  	[smem:$0x3FB2] =	sst s10  }
0x32: {  	s10 =	sld [smem:$0x3FB0];
	_ =	sdelay $0x3  }
0x33: {  	p0 =	seq.s32 s10, $0x1;
	s10 =	sld [smem:$0x3FB2];
	_ =	sdelay $0x3  }
0x34: {  	[smem:$0x3FB2] =	sst s10  }
0x35: {  	s10 =	sld [smem:$0x3FB1];
	_ =	sdelay $0x3  }
0x36: {  	p1 =	seq.s32 s10, $0x1;
	s10 =	sld [smem:$0x3FB2];
	_ =	sdelay $0x3  }
0x37: {  	[smem:$0x3FB2] =	sst s10  }
0x38: {  	s10 =	sld [smem:$0x3FB3]  }
0x39: {  	_ = 	snop;
	(pc) =	sbr.ind lr, $3  }
0x3a: {  	_ = 	snop  }
0x3b: {  	_ = 	snop  }
0x3c: {  	p2 =	seq.s32 s10, $0x1;
	s10 =	sld [smem:$0x3FB2]  }
0x3d: {  	_ =	shalt  }
0x3e: {  	_ =	shalt  }
0x3f: {  	_ =	shalt  }
0x40: {  	_ =	shalt  }
0x41: {  	_ =	shalt  }
0x42: {  	_ =	shalt  }
0x43: {  	_ =	shalt  }
0x44: {  	_ =	shalt  }
0x45: {  	_ =	shalt  }
0x46: {  	_ =	shalt  }
0x47: {  	_ =	shalt  }
0x48: {  	_ =	shalt  }
0x49: {  	_ =	shalt  }
0x4a: {  	_ =	shalt  }
0x4b: {  	_ =	shalt  }
0x4c: {  	_ =	shalt  }
0x4d: {  	_ =	shalt  }
0x4e: {  	_ =	shalt  }
0x4f: {  	_ =	shalt  }
0x50: {  	_ =	shalt  }
0x51: {  	_ =	shalt  }
0x52: {  	_ =	shalt  }
0x53: {  	_ =	shalt  }
0x54: {  	_ =	shalt  }
0x55: {  	_ =	shalt  }
0x56: {  	_ =	shalt  }
0x57: {  	_ =	shalt  }
0x58: {  	_ =	shalt  }
0x59: {  	_ =	shalt  }
0x5a: {  	_ =	shalt  }
0x5b: {  	_ =	shalt  }
0x5c: {  	_ =	shalt  }
0x5d: {  	_ =	shalt  }
0x5e: {  	_ =	shalt  }
0x5f: {  	_ =	shalt  }
0x60: {  	_ =	shalt  }
0x61: {  	_ =	shalt  }
0x62: {  	_ =	shalt  }
0x63: {  	_ =	shalt  }
0x64: {  	_ =	shalt  }
0x65: {  	_ =	shalt  }
0x66: {  	_ =	shalt  }
0x67: {  	_ =	shalt  }
0x68: {  	_ =	shalt  }
0x69: {  	_ =	shalt  }
0x6a: {  	_ =	shalt  }
0x6b: {  	_ =	shalt  }
0x6c: {  	_ =	shalt  }
0x6d: {  	_ =	shalt  }
0x6e: {  	_ =	shalt  }
0x6f: {  	_ =	shalt  }
0x70: {  	_ =	shalt  }
0x71: {  	_ =	shalt  }
0x72: {  	_ =	shalt  }
0x73: {  	_ =	shalt  }
0x74: {  	_ =	shalt  }
0x75: {  	_ =	shalt  }
0x76: {  	_ =	shalt  }
0x77: {  	_ =	shalt  }
0x78: {  	_ =	shalt  }
0x79: {  	_ =	shalt  }
0x7a: {  	_ =	shalt  }
0x7b: {  	_ =	shalt  }
0x7c: {  	_ =	shalt  }
0x7d: {  	_ =	shalt  }
0x7e: {  	_ =	shalt  }
0x7f: {  	_ =	shalt  }
0x80: {  	_ =	shalt  }
0x81: {  	_ =	shalt  }
0x82: {  	_ =	shalt  }
0x83: {  	_ =	shalt  }
0x84: {  	_ =	shalt  }
0x85: {  	_ =	shalt  }
0x86: {  	_ =	shalt  }
0x87: {  	_ =	shalt  }
.Lfunc_end0:
.L_simem_size_0:
called_computation.5_lowered:
.L_overlay_start_0:
0x88: {  	s2 =	sld [smem:$0x3FD9]  }
0x89: {  	s3 =	sld [smem:$0x3FFE];
	_ =	sdelay $0x1  }
0x8a: {  	s1 =	srdreg.scid  }
0x8b: {  	s0 =	sand.u32 $0x1, s1  }
0x8c: {  	s16 =	sshll.u32 s0, $0xA;
	s2 =	sadd.s32 s3, s2  }
0x8d: {  	s2 =	sadd.s32 s2, s16  }
0x8e: {  	[smem:$0x3FBE] =	sst s2  }
0x8f: {  	_ = 	snop  }
0x90: {  	(tm) =	ssettm $0x1  }
0x91: {  	s17 =	sld [smem:$0x3FFB];
	_ =	sdelay $0x3  }
0x92: {  	_ =	strace s17  }
0x93: {  	s2 =	sld [smem:$0x3FFC];
	_ =	sdelay $0x3  }
0x94: {  	_ =	strace s2  }
0x95: {  	s2 =	sld [smem:$0x3FFD];
	_ =	sdelay $0x3  }
0x96: {  	_ =	strace s2  }
0x97: {  	_ =	strace $0x8FFFFFFF  }
0x98: {  	s18 =	sld [smem:$0x3FDB];
	_ =	sdelay $0x1  }
0x99: {  	s19 =	simm.s32 $_scs_section_size  }
0x9a: {  	s4 =	simm.s32 $_size__tile_overlayer_lowered;
	s5 =	simm.s32 $_tile_overlayer_lowered  }
0x9b: {  	s22 =	simm.s32 $0x1BFF;
	s21 =	sshll.u32 s5, $0x1;
	s2 =	sadd.s32 s19, s18  }
0x9c: {  	s6 =	simm.s32 $0x0;
	s20 =	sshll.u32 s4, $0x1;
	s4 =	sadd.s32 s21, s2  }
0x9d: {  	[timem:s6], [sflag:s22] =	dma.local [hbm:s4], s20  }
0x9e: {  	_ =	swait.ge [sflag:s22], s20  }
0x9f: {  	s3 =	ssub.s32 $0x0, s20;
	[sflag:s22] =	ssyncset.done $0x0  }
0xa0: {  	[sflag:s22] =	ssyncadd.s32 s3;
	_ =	sdelay $0x1  }
0xa1: {  	s23 =	simm.s32 $0x1B8B  }
0xa2: {  	_ =	swait.ge [sflag:s23], $0x1  }
0xa3: {  	[sflag:s23] =	ssyncset.done $0x0  }
0xa4: {  	s25 =	simm.s32 $0x1B8E;
	s24 =	sld [smem:$0x3FFE];
	[sflag:s23] =	ssyncadd.s32 $0xFFFFFFFF  }
0xa5: {  	s26 =	simm.s32 $execute0_lowered;
	[smem:$0x3FD2] =	sst s25  }
0xa6: {  	s4 =	sshll.u32 s26, $0x1;
	_ =	strace $0x80000055;
	[dreg:$0x1] =	wrdreg $0xFFFFFFFF  }
0xa7: {  	s28 =	simm.s32 $_size_execute0_lowered;
	s2 =	sadd.s32 s2, s4;
	[dreg:$0x0] =	wrdreg $0x0  }
0xa8: {  	s4 =	sshll.u32 s28, $0x1;
	[dreg:$0x2] =	wrdreg s2  }
0xa9: {  	[dreg:$0x3] =	wrdreg s4  }
0xaa: {  	[dreg:$0x4] =	wrdreg $0xC0  }
0xab: {  	_ =	task [dreg:s6], $0x5FFFF  }
0xac: {  	[dreg:$0x1] =	wrdreg $0xFFFFFFFF  }
0xad: {  	[dreg:$0x0] =	wrdreg $0x60  }
0xae: {  	[dreg:$0x2] =	wrdreg s24  }
0xaf: {  	[dreg:$0x3] =	wrdreg $0x0  }
0xb0: {  	[dreg:$0x4] =	wrdreg $0x9  }
0xb1: {  	_ =	task.clear_ibuf [dreg:s6], $0x5FFFF;
	_ =	strace $0x90000055  }
0xb2: {  	s29 =	simm.s32 $0x9;
	_ =	strace $0x80000057  }
0xb3: {  	_ =	swait.ge [sflag:s29], $0x1  }
0xb4: {  	[sflag:s29] =	ssyncadd.s32 $0xFFFFFFFF  }
0xb5: {  	_ =	strace $0x90000057  }
0xb6: {  	_ =	sfence  }
0xb7: {  	s30 =	sld [smem:$0x0];
	_ =	sdelay $0x2  }
0xb8: {  	s31 =	sshll.u32 s1, $0xD;
	s1 =	sshrl.u32 s1, $0x2  }
0xb9: {  	s3 =	sand.u32 $0x4000, s31;
	s1 =	sadd.s32 s1, s30  }
0xba: {  	s0 =	sor.u32 s3, s0;
	s1 =	sshll.u32 s1, $0x11  }
0xbb: {  	s0 =	sor.u32 s1, s0  }
0xbc: {  	s0 =	sadd.s32 $0x8F2B, s0  }
0xbd: {  	[sflag:s0] =	ssyncadd.remote.s32 $0x1  }
0xbe: {  	_ =	sfence.sel $0xFFFF  }
0xbf: {  	[dreg:$0x0] =	wrdreg $0xFFFFFFFF;
	(pc) =	sbr.abs _section_cstart, $3  }
0xc0: {  	[dreg:$0x1] =	wrdreg $0xFFFFFFFF  }
0xc1: {  	_ =	task.clear_ibuf [dreg:s6], $0x2FFFF;
	_ =	strace $0x9FFFFFFF  }
0xc2: {  	(tm) =	ssettm $0x7FFFFFFF  }
0xc3: {  	_ =	shalt  }
tec
execute0_lowered:
.L_overlay_start_1:
0x0: {  	(tag) =	ssettag $0x1  }
0x1: {  	s0 =	srdreg.scid;
	s1 =	rddreg [dreg:$0x0]  }
0x2: {  	s9 =	stileid.u32;
	s2 =	rddreg [dreg:$0x1]  }
0x3: {  	s3 =	simm.s32 $0x0;
	s12 =	simm.s32 $0x2;
	s13 =	simm.s32 $0x14000  }
0x4: {  	s14 =	simm.s32 $0x14400;
	s15 =	simm.s32 $0x80;
	s16 =	simm.s32 $0x14800  }
0x5: {  	s17 =	simm.s32 $0x1;
	s18 =	simm.s32 $0x14080;
	s19 =	simm.s32 $0x14480  }
0x6: {  	s20 =	simm.s32 $0x14100;
	s21 =	simm.s32 $0x14500;
	s4 =	smul.u32 $0x5000, s9  }
0x7: {  	s28 =	simm.s32 $0x14680;
	s29 =	simm.s32 $0x14300;
	s22 =	smul.u32 $0x2800, s9  }
0x8: {  	s30 =	simm.s32 $0x14700;
	s0 =	sand.u32 $0x1, s0;
	s23 =	smul.u32 $0x50000, s9  }
0x9: {  	s31 =	simm.s32 $0x14380;
	[smem:$0x7FF] =	sst s3;
	s5 =	smul.u32 $0x2800, s0  }
0xa: {  	s10 =	sadd.s32 $0x36E00, s1;
	s26 =	sshll.u32 s9, $0x6;
	s7 =	smul.u32 $0x28000, s0  }
0xb: {  	_ =	strace $0x80000056;
	[dreg:$0x3] =	wrdreg s10;
	s0 =	ssub.s32 $0x2, s0  }
0xc: {  	s24 =	sshrl.u32 s0, $0x1;
	s4 =	sadd.s32 s5, s4;
	s5 =	sadd.s32 s22, s7  }
0xd: {  	s0 =	ssub.s32 s0, s24;
	s22 =	simm.s32 $0x14180;
	s24 =	simm.s32 $0x14200  }
0xe: {  	s6 =	sshrl.u32 s4, $0x3;
	s4 =	sadd.s32 $0x3200, s1;
	s0 =	smax.u32 s0, $0x1  }
0xf: {  	s8 =	sadd.s32 s6, s1;
	s1 =	sadd.s32 s5, s1;
	s6 =	sshrl.u32 s23, $0x2  }
0x10: {  	[dreg:$0x6] =	wrdreg s0;
	s23 =	simm.s32 $0x14580;
	s0 =	simm.s32 $0x0  }
0x11: {  	s25 =	sadd.s32 s6, s2;
	s6 =	sor.u32 $0x1C02, s26;
	s1 =	sadd.s32 $0xAF200, s1  }
0x12: {  	s9 =	sadd.s32 $0x2B400, s8;
	s10 =	sadd.s32 $0x39600, s8;
	[dreg:$0x5] =	wrdreg s1  }
0x13: {  	s26 =	simm.s32 $0x14280;
	s7 =	sshrl.u32 s25, $0x3;
	[dreg:$0x4] =	wrdreg s6  }
0x14: {  	s25 =	simm.s32 $0x14600;
	s1 =	simm.s32 $0x14780;
	[dreg:$0x7] =	wrdreg s7  }
.LBB2_1:
0x15: {  	s5 =	rddreg [dreg:$0x3]  }
0x16: {  	[spmem:s7], [sflag:s6] =	dma.local [hbm:s5], $0x2800  }
0x17: {  	_ =	swait.ge [sflag:s12], $0x2800  }
0x18: {  	[sflag:s12] =	ssyncset.done $0x0  }
0x19: {  	[sflag:s12] =	ssyncadd.s32 $0xFFFFD800  }
0x1a: {  	s8 =	sadd.s32 $0x0, s10;
	[bflag:$0x0] =	sbarrier.arrive $0xFFFF  }
0x1b: {  	[tilespmem:s13], [sflag:$0x2] =	stream.linear.gather [hbm4b:s8+s3], $0x400, $0x38;
	[tilespmem:$0x18800] =	vst v63  }
0x1c: {  	_ =	swait.ge [sflag:s12], $0x400  }
0x1d: {  	[sflag:s12] =	ssyncset.done $0x0  }
0x1e: {  	s11 =	sadd.s32 $0x0, s9;
	[sflag:s12] =	ssyncadd.s32 $0xFFFFFC00  }
0x1f: {  	[tilespmem:s14], [sflag:$0x2] =	stream.linear.gather [hbm4b:s11+s3], $0x400, $0x38;
	[tilespmem:$0x18800] =	vst v63  }
0x20: {  	_ =	swait.ge [sflag:s12], $0x400  }
0x21: {  	[sflag:s12] =	ssyncset.done $0x0  }
0x22: {  	[sflag:s12] =	ssyncadd.s32 $0xFFFFFC00  }
0x23: {  	[tilespmem:s16], [sflag:$0x1] =	stream.indirect.gather [hbm4b:s4+s15], $0x80, s13, s15, $0xb8;
	[tilespmem:$0x18800] =	vst v63  }
0x24: {  	_ =	swait.ge [sflag:s17], $0x4000  }
0x25: {  	[sflag:s17] =	ssyncset.done $0x0  }
0x26: {  	[sflag:s17] =	ssyncadd.s32 $0xFFFFC000  }
0x27: {  	[spmem:s2] =	stream.indirect.scatter.add.f32 [tilespmem:s16], [sflag:$0x2], $0x80, s14, s15, $0xb8;
	[tilespmem:$0x18800] =	vst v63  }
0x28: {  	_ =	swait.ge [sflag:s12], $0x4000  }
0x29: {  	[sflag:s12] =	ssyncset.done $0x0  }
0x2a: {  	[sflag:s12] =	ssyncadd.s32 $0xFFFFC000  }
0x2b: {  	[tilespmem:s16], [sflag:$0x1] =	stream.indirect.gather [hbm4b:s4+s15], $0x80, s18, s15, $0xb8;
	[tilespmem:$0x18800] =	vst v63  }
0x2c: {  	_ =	swait.ge [sflag:s17], $0x4000  }
0x2d: {  	[sflag:s17] =	ssyncset.done $0x0  }
0x2e: {  	[sflag:s17] =	ssyncadd.s32 $0xFFFFC000  }
0x2f: {  	[spmem:s2] =	stream.indirect.scatter.add.f32 [tilespmem:s16], [sflag:$0x2], $0x80, s19, s15, $0xb8;
	[tilespmem:$0x18800] =	vst v63  }
0x30: {  	_ =	swait.ge [sflag:s12], $0x4000  }
0x31: {  	[sflag:s12] =	ssyncset.done $0x0  }
0x32: {  	[sflag:s12] =	ssyncadd.s32 $0xFFFFC000  }
0x33: {  	[tilespmem:s16], [sflag:$0x1] =	stream.indirect.gather [hbm4b:s4+s15], $0x80, s20, s15, $0xb8;
	[tilespmem:$0x18800] =	vst v63  }
0x34: {  	_ =	swait.ge [sflag:s17], $0x4000  }
0x35: {  	[sflag:s17] =	ssyncset.done $0x0  }
0x36: {  	[sflag:s17] =	ssyncadd.s32 $0xFFFFC000  }
0x37: {  	[spmem:s2] =	stream.indirect.scatter.add.f32 [tilespmem:s16], [sflag:$0x2], $0x80, s21, s15, $0xb8;
	[tilespmem:$0x18800] =	vst v63  }
0x38: {  	_ =	swait.ge [sflag:s12], $0x4000  }
0x39: {  	[sflag:s12] =	ssyncset.done $0x0  }
0x3a: {  	[sflag:s12] =	ssyncadd.s32 $0xFFFFC000  }
0x3b: {  	[tilespmem:s16], [sflag:$0x1] =	stream.indirect.gather [hbm4b:s4+s15], $0x80, s22, s15, $0xb8;
	[tilespmem:$0x18800] =	vst v63  }
0x3c: {  	_ =	swait.ge [sflag:s17], $0x4000  }
0x3d: {  	[sflag:s17] =	ssyncset.done $0x0  }
0x3e: {  	[sflag:s17] =	ssyncadd.s32 $0xFFFFC000  }
0x3f: {  	[spmem:s2] =	stream.indirect.scatter.add.f32 [tilespmem:s16], [sflag:$0x2], $0x80, s23, s15, $0xb8;
	[tilespmem:$0x18800] =	vst v63  }
0x40: {  	_ =	swait.ge [sflag:s12], $0x4000  }
0x41: {  	[sflag:s12] =	ssyncset.done $0x0  }
0x42: {  	[sflag:s12] =	ssyncadd.s32 $0xFFFFC000  }
0x43: {  	[tilespmem:s16], [sflag:$0x1] =	stream.indirect.gather [hbm4b:s4+s15], $0x80, s24, s15, $0xb8;
	[tilespmem:$0x18800] =	vst v63  }
0x44: {  	_ =	swait.ge [sflag:s17], $0x4000  }
0x45: {  	[sflag:s17] =	ssyncset.done $0x0  }
0x46: {  	[sflag:s17] =	ssyncadd.s32 $0xFFFFC000  }
0x47: {  	[spmem:s2] =	stream.indirect.scatter.add.f32 [tilespmem:s16], [sflag:$0x2], $0x80, s25, s15, $0xb8;
	[tilespmem:$0x18800] =	vst v63  }
0x48: {  	_ =	swait.ge [sflag:s12], $0x4000  }
0x49: {  	[sflag:s12] =	ssyncset.done $0x0  }
0x4a: {  	[sflag:s12] =	ssyncadd.s32 $0xFFFFC000  }
0x4b: {  	[tilespmem:s16], [sflag:$0x1] =	stream.indirect.gather [hbm4b:s4+s15], $0x80, s26, s15, $0xb8;
	[tilespmem:$0x18800] =	vst v63  }
0x4c: {  	_ =	swait.ge [sflag:s17], $0x4000  }
0x4d: {  	[sflag:s17] =	ssyncset.done $0x0  }
0x4e: {  	[sflag:s17] =	ssyncadd.s32 $0xFFFFC000  }
0x4f: {  	[spmem:s2] =	stream.indirect.scatter.add.f32 [tilespmem:s16], [sflag:$0x2], $0x80, s28, s15, $0xb8;
	[tilespmem:$0x18800] =	vst v63  }
0x50: {  	_ =	swait.ge [sflag:s12], $0x4000  }
0x51: {  	[sflag:s12] =	ssyncset.done $0x0  }
0x52: {  	[sflag:s12] =	ssyncadd.s32 $0xFFFFC000  }
0x53: {  	[tilespmem:s16], [sflag:$0x1] =	stream.indirect.gather [hbm4b:s4+s15], $0x80, s29, s15, $0xb8;
	[tilespmem:$0x18800] =	vst v63  }
0x54: {  	_ =	swait.ge [sflag:s17], $0x4000  }
0x55: {  	[sflag:s17] =	ssyncset.done $0x0  }
0x56: {  	[sflag:s17] =	ssyncadd.s32 $0xFFFFC000  }
0x57: {  	[spmem:s2] =	stream.indirect.scatter.add.f32 [tilespmem:s16], [sflag:$0x2], $0x80, s30, s15, $0xb8;
	[tilespmem:$0x18800] =	vst v63  }
0x58: {  	_ =	swait.ge [sflag:s12], $0x4000  }
0x59: {  	[sflag:s12] =	ssyncset.done $0x0  }
0x5a: {  	[sflag:s12] =	ssyncadd.s32 $0xFFFFC000  }
0x5b: {  	[tilespmem:s16], [sflag:$0x1] =	stream.indirect.gather [hbm4b:s4+s15], $0x80, s31, s15, $0xb8;
	[tilespmem:$0x18800] =	vst v63  }
0x5c: {  	_ =	swait.ge [sflag:s17], $0x4000  }
0x5d: {  	[sflag:s17] =	ssyncset.done $0x0  }
0x5e: {  	[sflag:s17] =	ssyncadd.s32 $0xFFFFC000  }
0x5f: {  	[spmem:s2] =	stream.indirect.scatter.add.f32 [tilespmem:s16], [sflag:$0x2], $0x80, s1, s15, $0xb8;
	[tilespmem:$0x18800] =	vst v63  }
0x60: {  	_ =	swait.ge [sflag:s12], $0x4000  }
0x61: {  	s5 =	simm.s32 $0x80;
	s7 =	simm.s32 $0x100;
	[sflag:s12] =	ssyncset.done $0x0  }
.LBB2_2:
0x62: {  	s6 =	sadd.s32 s5, s10  }
0x63: {  	[sflag:s12] =	ssyncadd.s32 $0xFFFFC000;
	s11 =	smov.u32 s7;
	s8 =	sadd.s32 $0x80, s7  }
0x64: {  	[tilespmem:s13], [sflag:$0x2] =	stream.linear.gather [hbm4b:s6+s3], $0x400, $0x38;
	[tilespmem:$0x18800] =	vst v63  }
0x65: {  	p0 =	sne.s32 s7, $0x480;
	_ =	swait.ge [sflag:s12], $0x400  }
0x66: {  	[sflag:s12] =	ssyncset.done $0x0  }
0x67: {  	s6 =	sadd.s32 s5, s9;
	s5 =	smov.u32 s11;
	[sflag:s12] =	ssyncadd.s32 $0xFFFFFC00  }
0x68: {  	[tilespmem:s14], [sflag:$0x2] =	stream.linear.gather [hbm4b:s6+s3], $0x400, $0x38;
	[tilespmem:$0x18800] =	vst v63  }
0x69: {  	_ =	swait.ge [sflag:s12], $0x400  }
0x6a: {  	[sflag:s12] =	ssyncset.done $0x0  }
0x6b: {  	[sflag:s12] =	ssyncadd.s32 $0xFFFFFC00  }
0x6c: {  	[tilespmem:s16], [sflag:$0x1] =	stream.indirect.gather [hbm4b:s4+s15], $0x80, s13, s15, $0xb8;
	[tilespmem:$0x18800] =	vst v63  }
0x6d: {  	_ =	swait.ge [sflag:s17], $0x4000  }
0x6e: {  	[sflag:s17] =	ssyncset.done $0x0  }
0x6f: {  	[sflag:s17] =	ssyncadd.s32 $0xFFFFC000  }
0x70: {  	[spmem:s2] =	stream.indirect.scatter.add.f32 [tilespmem:s16], [sflag:$0x2], $0x80, s14, s15, $0xb8;
	[tilespmem:$0x18800] =	vst v63  }
0x71: {  	_ =	swait.ge [sflag:s12], $0x4000  }
0x72: {  	[sflag:s12] =	ssyncset.done $0x0  }
0x73: {  	[sflag:s12] =	ssyncadd.s32 $0xFFFFC000  }
0x74: {  	[tilespmem:s16], [sflag:$0x1] =	stream.indirect.gather [hbm4b:s4+s15], $0x80, s18, s15, $0xb8;
	[tilespmem:$0x18800] =	vst v63  }
0x75: {  	_ =	swait.ge [sflag:s17], $0x4000  }
0x76: {  	[sflag:s17] =	ssyncset.done $0x0  }
0x77: {  	[sflag:s17] =	ssyncadd.s32 $0xFFFFC000  }
0x78: {  	[spmem:s2] =	stream.indirect.scatter.add.f32 [tilespmem:s16], [sflag:$0x2], $0x80, s19, s15, $0xb8;
	[tilespmem:$0x18800] =	vst v63  }
0x79: {  	_ =	swait.ge [sflag:s12], $0x4000  }
0x7a: {  	[sflag:s12] =	ssyncset.done $0x0  }
0x7b: {  	[sflag:s12] =	ssyncadd.s32 $0xFFFFC000  }
0x7c: {  	[tilespmem:s16], [sflag:$0x1] =	stream.indirect.gather [hbm4b:s4+s15], $0x80, s20, s15, $0xb8;
	[tilespmem:$0x18800] =	vst v63  }
0x7d: {  	_ =	swait.ge [sflag:s17], $0x4000  }
0x7e: {  	[sflag:s17] =	ssyncset.done $0x0  }
0x7f: {  	[sflag:s17] =	ssyncadd.s32 $0xFFFFC000  }
0x80: {  	[spmem:s2] =	stream.indirect.scatter.add.f32 [tilespmem:s16], [sflag:$0x2], $0x80, s21, s15, $0xb8;
	[tilespmem:$0x18800] =	vst v63  }
0x81: {  	_ =	swait.ge [sflag:s12], $0x4000  }
0x82: {  	[sflag:s12] =	ssyncset.done $0x0  }
0x83: {  	[sflag:s12] =	ssyncadd.s32 $0xFFFFC000  }
0x84: {  	[tilespmem:s16], [sflag:$0x1] =	stream.indirect.gather [hbm4b:s4+s15], $0x80, s22, s15, $0xb8;
	[tilespmem:$0x18800] =	vst v63  }
0x85: {  	_ =	swait.ge [sflag:s17], $0x4000  }
0x86: {  	[sflag:s17] =	ssyncset.done $0x0  }
0x87: {  	[sflag:s17] =	ssyncadd.s32 $0xFFFFC000  }
0x88: {  	[spmem:s2] =	stream.indirect.scatter.add.f32 [tilespmem:s16], [sflag:$0x2], $0x80, s23, s15, $0xb8;
	[tilespmem:$0x18800] =	vst v63  }
0x89: {  	_ =	swait.ge [sflag:s12], $0x4000  }
0x8a: {  	[sflag:s12] =	ssyncset.done $0x0  }
0x8b: {  	[sflag:s12] =	ssyncadd.s32 $0xFFFFC000  }
0x8c: {  	[tilespmem:s16], [sflag:$0x1] =	stream.indirect.gather [hbm4b:s4+s15], $0x80, s24, s15, $0xb8;
	[tilespmem:$0x18800] =	vst v63  }
0x8d: {  	_ =	swait.ge [sflag:s17], $0x4000  }
0x8e: {  	[sflag:s17] =	ssyncset.done $0x0  }
0x8f: {  	[sflag:s17] =	ssyncadd.s32 $0xFFFFC000  }
0x90: {  	[spmem:s2] =	stream.indirect.scatter.add.f32 [tilespmem:s16], [sflag:$0x2], $0x80, s25, s15, $0xb8;
	[tilespmem:$0x18800] =	vst v63  }
0x91: {  	_ =	swait.ge [sflag:s12], $0x4000  }
0x92: {  	[sflag:s12] =	ssyncset.done $0x0  }
0x93: {  	[sflag:s12] =	ssyncadd.s32 $0xFFFFC000  }
0x94: {  	[tilespmem:s16], [sflag:$0x1] =	stream.indirect.gather [hbm4b:s4+s15], $0x80, s26, s15, $0xb8;
	[tilespmem:$0x18800] =	vst v63  }
0x95: {  	_ =	swait.ge [sflag:s17], $0x4000  }
0x96: {  	[sflag:s17] =	ssyncset.done $0x0  }
0x97: {  	[sflag:s17] =	ssyncadd.s32 $0xFFFFC000  }
0x98: {  	[spmem:s2] =	stream.indirect.scatter.add.f32 [tilespmem:s16], [sflag:$0x2], $0x80, s28, s15, $0xb8;
	[tilespmem:$0x18800] =	vst v63  }
0x99: {  	_ =	swait.ge [sflag:s12], $0x4000  }
0x9a: {  	[sflag:s12] =	ssyncset.done $0x0  }
0x9b: {  	[sflag:s12] =	ssyncadd.s32 $0xFFFFC000  }
0x9c: {  	[tilespmem:s16], [sflag:$0x1] =	stream.indirect.gather [hbm4b:s4+s15], $0x80, s29, s15, $0xb8;
	[tilespmem:$0x18800] =	vst v63  }
0x9d: {  	_ =	swait.ge [sflag:s17], $0x4000  }
0x9e: {  	[sflag:s17] =	ssyncset.done $0x0  }
0x9f: {  	[sflag:s17] =	ssyncadd.s32 $0xFFFFC000  }
0xa0: {  	[spmem:s2] =	stream.indirect.scatter.add.f32 [tilespmem:s16], [sflag:$0x2], $0x80, s30, s15, $0xb8;
	[tilespmem:$0x18800] =	vst v63  }
0xa1: {  	_ =	swait.ge [sflag:s12], $0x4000  }
0xa2: {  	[sflag:s12] =	ssyncset.done $0x0  }
0xa3: {  	[sflag:s12] =	ssyncadd.s32 $0xFFFFC000  }
0xa4: {  	[tilespmem:s16], [sflag:$0x1] =	stream.indirect.gather [hbm4b:s4+s15], $0x80, s31, s15, $0xb8;
	[tilespmem:$0x18800] =	vst v63  }
0xa5: {  	_ =	swait.ge [sflag:s17], $0x4000  }
.Ltmp0:
0xa6: {  	[sflag:s17] =	ssyncset.done $0x0;
	(pc) =	sbr.rel @p0 .LBB2_2-.Ltmp0, $4  }
0xa7: {  	[sflag:s17] =	ssyncadd.s32 $0xFFFFC000  }
0xa8: {  	[spmem:s2] =	stream.indirect.scatter.add.f32 [tilespmem:s16], [sflag:$0x2], $0x80, s1, s15, $0xb8;
	[tilespmem:$0x18800] =	vst v63  }
0xa9: {  	_ =	swait.ge [sflag:s12], $0x4000  }
0xaa: {  	s7 =	smov.u32 s8;
	[sflag:s12] =	ssyncset.done $0x0  }
0xab: {  	s6 =	sadd.s32 s5, s10;
	[sflag:s12] =	ssyncadd.s32 $0xFFFFC000  }
0xac: {  	[tilespmem:s13], [sflag:$0x2] =	stream.linear.gather [hbm4b:s6+s3], $0x400, $0x38;
	[tilespmem:$0x18800] =	vst v63  }
0xad: {  	_ =	swait.ge [sflag:s12], $0x400  }
0xae: {  	[sflag:s12] =	ssyncset.done $0x0  }
0xaf: {  	s7 =	sadd.s32 s5, s9;
	[sflag:s12] =	ssyncadd.s32 $0xFFFFFC00  }
0xb0: {  	[tilespmem:s14], [sflag:$0x2] =	stream.linear.gather [hbm4b:s7+s3], $0x400, $0x38;
	[tilespmem:$0x18800] =	vst v63  }
0xb1: {  	_ =	swait.ge [sflag:s12], $0x400  }
0xb2: {  	[sflag:s12] =	ssyncset.done $0x0  }
0xb3: {  	[sflag:s12] =	ssyncadd.s32 $0xFFFFFC00  }
0xb4: {  	[tilespmem:s16], [sflag:$0x1] =	stream.indirect.gather [hbm4b:s4+s15], $0x80, s13, s15, $0xb8;
	[tilespmem:$0x18800] =	vst v63  }
0xb5: {  	_ =	swait.ge [sflag:s17], $0x4000  }
0xb6: {  	[sflag:s17] =	ssyncset.done $0x0  }
0xb7: {  	[sflag:s17] =	ssyncadd.s32 $0xFFFFC000  }
0xb8: {  	[spmem:s2] =	stream.indirect.scatter.add.f32 [tilespmem:s16], [sflag:$0x2], $0x80, s14, s15, $0xb8;
	[tilespmem:$0x18800] =	vst v63  }
0xb9: {  	_ =	swait.ge [sflag:s12], $0x4000  }
0xba: {  	[sflag:s12] =	ssyncset.done $0x0  }
0xbb: {  	[sflag:s12] =	ssyncadd.s32 $0xFFFFC000  }
0xbc: {  	[tilespmem:s16], [sflag:$0x1] =	stream.indirect.gather [hbm4b:s4+s15], $0x80, s18, s15, $0xb8;
	[tilespmem:$0x18800] =	vst v63  }
0xbd: {  	_ =	swait.ge [sflag:s17], $0x4000  }
0xbe: {  	[sflag:s17] =	ssyncset.done $0x0  }
0xbf: {  	[sflag:s17] =	ssyncadd.s32 $0xFFFFC000  }
0xc0: {  	[spmem:s2] =	stream.indirect.scatter.add.f32 [tilespmem:s16], [sflag:$0x2], $0x80, s19, s15, $0xb8;
	[tilespmem:$0x18800] =	vst v63  }
0xc1: {  	_ =	swait.ge [sflag:s12], $0x4000  }
0xc2: {  	[sflag:s12] =	ssyncset.done $0x0  }
0xc3: {  	[sflag:s12] =	ssyncadd.s32 $0xFFFFC000  }
0xc4: {  	[tilespmem:s16], [sflag:$0x1] =	stream.indirect.gather [hbm4b:s4+s15], $0x80, s20, s15, $0xb8;
	[tilespmem:$0x18800] =	vst v63  }
0xc5: {  	_ =	swait.ge [sflag:s17], $0x4000  }
0xc6: {  	[sflag:s17] =	ssyncset.done $0x0  }
0xc7: {  	[sflag:s17] =	ssyncadd.s32 $0xFFFFC000  }
0xc8: {  	[spmem:s2] =	stream.indirect.scatter.add.f32 [tilespmem:s16], [sflag:$0x2], $0x80, s21, s15, $0xb8;
	[tilespmem:$0x18800] =	vst v63  }
0xc9: {  	_ =	swait.ge [sflag:s12], $0x4000  }
0xca: {  	[sflag:s12] =	ssyncset.done $0x0  }
0xcb: {  	[sflag:s12] =	ssyncadd.s32 $0xFFFFC000  }
0xcc: {  	[tilespmem:s16], [sflag:$0x1] =	stream.indirect.gather [hbm4b:s4+s15], $0x80, s22, s15, $0xb8;
	[tilespmem:$0x18800] =	vst v63  }
0xcd: {  	_ =	swait.ge [sflag:s17], $0x4000  }
0xce: {  	[sflag:s17] =	ssyncset.done $0x0  }
0xcf: {  	[sflag:s17] =	ssyncadd.s32 $0xFFFFC000  }
0xd0: {  	[spmem:s2] =	stream.indirect.scatter.add.f32 [tilespmem:s16], [sflag:$0x2], $0x80, s23, s15, $0xb8;
	[tilespmem:$0x18800] =	vst v63  }
0xd1: {  	_ =	swait.ge [sflag:s12], $0x4000  }
0xd2: {  	[sflag:s12] =	ssyncset.done $0x0  }
0xd3: {  	[sflag:s12] =	ssyncadd.s32 $0xFFFFC000  }
0xd4: {  	[tilespmem:s16], [sflag:$0x1] =	stream.indirect.gather [hbm4b:s4+s15], $0x80, s24, s15, $0xb8;
	[tilespmem:$0x18800] =	vst v63  }
0xd5: {  	_ =	swait.ge [sflag:s17], $0x4000  }
0xd6: {  	[sflag:s17] =	ssyncset.done $0x0  }
0xd7: {  	[sflag:s17] =	ssyncadd.s32 $0xFFFFC000  }
0xd8: {  	[spmem:s2] =	stream.indirect.scatter.add.f32 [tilespmem:s16], [sflag:$0x2], $0x80, s25, s15, $0xb8;
	[tilespmem:$0x18800] =	vst v63  }
0xd9: {  	_ =	swait.ge [sflag:s12], $0x4000  }
0xda: {  	[sflag:s12] =	ssyncset.done $0x0  }
0xdb: {  	[sflag:s12] =	ssyncadd.s32 $0xFFFFC000  }
0xdc: {  	[tilespmem:s16], [sflag:$0x1] =	stream.indirect.gather [hbm4b:s4+s15], $0x80, s26, s15, $0xb8;
	[tilespmem:$0x18800] =	vst v63  }
0xdd: {  	_ =	swait.ge [sflag:s17], $0x4000  }
0xde: {  	[sflag:s17] =	ssyncset.done $0x0  }
0xdf: {  	[sflag:s17] =	ssyncadd.s32 $0xFFFFC000  }
0xe0: {  	[spmem:s2] =	stream.indirect.scatter.add.f32 [tilespmem:s16], [sflag:$0x2], $0x80, s28, s15, $0xb8;
	[tilespmem:$0x18800] =	vst v63  }
0xe1: {  	_ =	swait.ge [sflag:s12], $0x4000  }
0xe2: {  	[sflag:s12] =	ssyncset.done $0x0  }
0xe3: {  	[sflag:s12] =	ssyncadd.s32 $0xFFFFC000  }
0xe4: {  	[tilespmem:s16], [sflag:$0x1] =	stream.indirect.gather [hbm4b:s4+s15], $0x80, s29, s15, $0xb8;
	[tilespmem:$0x18800] =	vst v63  }
0xe5: {  	_ =	swait.ge [sflag:s17], $0x4000  }
0xe6: {  	[sflag:s17] =	ssyncset.done $0x0  }
0xe7: {  	[sflag:s17] =	ssyncadd.s32 $0xFFFFC000  }
0xe8: {  	[spmem:s2] =	stream.indirect.scatter.add.f32 [tilespmem:s16], [sflag:$0x2], $0x80, s30, s15, $0xb8;
	[tilespmem:$0x18800] =	vst v63  }
0xe9: {  	_ =	swait.ge [sflag:s12], $0x4000  }
0xea: {  	[sflag:s12] =	ssyncset.done $0x0  }
0xeb: {  	[sflag:s12] =	ssyncadd.s32 $0xFFFFC000  }
0xec: {  	[tilespmem:s16], [sflag:$0x1] =	stream.indirect.gather [hbm4b:s4+s15], $0x80, s31, s15, $0xb8;
	[tilespmem:$0x18800] =	vst v63  }
0xed: {  	_ =	swait.ge [sflag:s17], $0x4000  }
0xee: {  	[sflag:s17] =	ssyncset.done $0x0  }
0xef: {  	[sflag:s17] =	ssyncadd.s32 $0xFFFFC000  }
0xf0: {  	[spmem:s2] =	stream.indirect.scatter.add.f32 [tilespmem:s16], [sflag:$0x2], $0x80, s1, s15, $0xb8;
	[tilespmem:$0x18800] =	vst v63  }
0xf1: {  	_ =	swait.ge [sflag:s12], $0x4000  }
0xf2: {  	[sflag:s12] =	ssyncset.done $0x0  }
0xf3: {  	[sflag:s12] =	ssyncadd.s32 $0xFFFFC000  }
0xf4: {  	[bflag:$0x0] =	sbarrier.arrive $0xFFFF  }
0xf5: {  	s6 =	rddreg [dreg:$0x4]  }
0xf6: {  	s8 =	rddreg [dreg:$0x5]  }
0xf7: {  	s7 =	rddreg [dreg:$0x7]  }
0xf8: {  	[hbm:s8], [sflag:s6] =	dma.local [spmem:s7], $0x2800  }
0xf9: {  	_ =	swait.ge [sflag:s12], $0x2800  }
0xfa: {  	s0 =	sadd.s32 $0x1, s0;
	s11 =	rddreg [dreg:$0x6]  }
0xfb: {  	p0 =	sne.s32 s0, s11  }
.Ltmp1:
0xfc: {  	_ = 	snop;
	(pc) =	sbr.rel @p0 .LBB2_1-.Ltmp1, $3  }
0xfd: {  	_ =	sdelay $0x1  }
0xfe: {  	[sflag:s12] =	ssyncset.done $0x0  }
0xff: {  	[sflag:s12] =	ssyncadd.s32 $0xFFFFD800  }
0x100: {  	_ =	sfence.sel $0x180000  }
0x101: {  	[bflag:$0x0] =	sbarrier.arrive $0xFFFF  }
0x102: {  	_ =	strace $0x90000056  }
0x103: {  	s0 =	stileid.u32;
	[bflag:$0x2] =	sbarrier.arrive $0xFFFF  }
0x104: {  	p0 =	sne.s32 s0, $0x0;
	s0 =	rddreg [dreg:$0x2]  }
0x105: {  	s0 =	sadd.s32 @!p0 $0x100000, s0  }
0x106: {  	[sflag:s0] =	ssyncadd.tile.s32 @!p0 $0x1;
	_ =	shalt  }
.Lfunc_end2:
_tile_overlayer_lowered:
.L_overlay_start_2:
0x107: {  	(tag) =	ssettag $0x2  }
0x108: {  	s0 =	rddreg [dreg:$0x0];
	s2 =	stileid.u32  }
0x109: {  	s1 =	rddreg [dreg:$0x1];
	p0 =	sne.s32 s2, $0x0  }
0x10a: {  	s3 =	rddreg [dreg:$0x2];
	[bflag:$0x3] =	sbarrier.arrive $0xFFFF;
	s2 =	simm.s32 @!p0 $0x1C02  }
0x10b: {  	[timem:s3], [sflag:s2] =	dma.local @!p0 [hbm:s0], s1  }
0x10c: {  	s0 =	simm.s32 @!p0 $0x2  }
0x10d: {  	_ =	swait.ge @!p0 [sflag:s0], s1  }
0x10e: {  	s1 =	ssub.s32 @!p0 $0x0, s1;
	[sflag:s0] =	ssyncset.done @!p0 $0x0  }
0x10f: {  	[sflag:s0] =	ssyncadd.s32 @!p0 s1  }
0x110: {  	[bflag:$0x3] =	sbarrier.arrive $0xFFFF  }
0x111: {  	_ =	shalt  }

</sc_bundles>
